<compile_context>
chip_gen: v7x
topology: tpu7x:2x2x1
jax: 0.10.2.dev20260603
libtpu: 0.0.44.dev20260713+nightly
codegen_flags: <defaults>
</compile_context>

<pallas_src>
import functools

import jax
import jax.numpy as jnp
from jax import lax
from jax.experimental import pallas as pl
from jax.experimental.pallas import tpu as pltpu
from jax.experimental.pallas import tpu_sc as plsc

N = 10000
E = 320000
D = 128
H = 64
H2 = 2 * H

NC = 2
NS = 16
EPC = E // NC
EPW = E // (NC * NS)
CHUNK = 80
NCHUNK = EPW // CHUNK
NBUF_CNT = 5
NBUF_PLAIN = 7
N_PAD = 10240
ROWS_PW = N_PAD // NS
CW = 16

_f32 = jnp.float32
_sc_mesh = plsc.VectorSubcoreMesh(core_axis_name="c", subcore_axis_name="s")


def _sc_body(with_cnt, nbuf, *refs):
    if with_cnt:
        (src_hbm, dst_hbm, p_hbm, z64_hbm, z16_hbm, ones_hbm,
         out_s, out_c,
         acc, cntacc, src_v, dst_v, ones_v) = refs[:13]
        rows = refs[13:13 + nbuf]
        sems = refs[13 + nbuf:13 + 2 * nbuf]
    else:
        (src_hbm, dst_hbm, p_hbm, z64_hbm,
         out_s,
         acc, src_v, dst_v) = refs[:8]
        rows = refs[8:8 + nbuf]
        sems = refs[8 + nbuf:8 + 2 * nbuf]
    c = lax.axis_index("c")
    s = lax.axis_index("s")
    rbase = s * ROWS_PW
    pltpu.sync_copy(z64_hbm.at[pl.ds(rbase, ROWS_PW)],
                    acc.at[pl.ds(rbase, ROWS_PW)])
    pltpu.sync_copy(src_hbm.at[c, s], src_v)
    pltpu.sync_copy(dst_hbm.at[c, s], dst_v)
    if with_cnt:
        pltpu.sync_copy(z16_hbm.at[pl.ds(rbase, ROWS_PW)],
                        cntacc.at[pl.ds(rbase, ROWS_PW)])
        pltpu.sync_copy(ones_hbm, ones_v)
    plsc.subcore_barrier()

    for b in range(nbuf):
        pltpu.async_copy(p_hbm.at[src_v.at[b]], rows[b], sems[b])

    def _process(j, b, issue_next):
        pltpu.make_async_copy(p_hbm.at[src_v.at[j]], rows[b], sems[b]).wait()
        pltpu.sync_copy(rows[b], acc.at[dst_v.at[j]], add=True)
        if with_cnt:
            pltpu.sync_copy(ones_v, cntacc.at[dst_v.at[j]], add=True)
        if issue_next:
            pltpu.async_copy(p_hbm.at[src_v.at[j + nbuf]], rows[b], sems[b])

    nfull = (NCHUNK // nbuf - 1) * nbuf
    @pl.loop(0, nfull, step=nbuf)
    def _(g):
        for b in range(nbuf):
            _process(g + b, b, True)

    for j in range(nfull, NCHUNK - nbuf):
        _process(j, j % nbuf, True)
    for j in range(NCHUNK - nbuf, NCHUNK):
        _process(j, j % nbuf, False)

    plsc.subcore_barrier()
    pltpu.sync_copy(acc.at[pl.ds(rbase, ROWS_PW)],
                    out_s.at[c, pl.ds(rbase, ROWS_PW)])
    if with_cnt:
        pltpu.sync_copy(cntacc.at[pl.ds(rbase, ROWS_PW)],
                        out_c.at[c, pl.ds(rbase, ROWS_PW)])


_sc_seg_sum_cnt = pl.kernel(
    functools.partial(_sc_body, True, NBUF_CNT),
    out_type=[jax.ShapeDtypeStruct((NC, N_PAD, H), _f32),
              jax.ShapeDtypeStruct((NC, N_PAD, CW), _f32)],
    mesh=_sc_mesh,
    compiler_params=pltpu.CompilerParams(use_tc_tiling_on_sc=False),
    scratch_types=(
        [pltpu.VMEM_SHARED((N_PAD, H), _f32),
         pltpu.VMEM_SHARED((N_PAD, CW), _f32),
         pltpu.VMEM((NCHUNK, CHUNK), jnp.int32),
         pltpu.VMEM((NCHUNK, CHUNK), jnp.int32),
         pltpu.VMEM((CHUNK, CW), _f32)]
        + [pltpu.VMEM((CHUNK, H), _f32)] * NBUF_CNT
        + [pltpu.SemaphoreType.DMA] * NBUF_CNT
    ),
)

_sc_seg_sum = pl.kernel(
    functools.partial(_sc_body, False, NBUF_PLAIN),
    out_type=jax.ShapeDtypeStruct((NC, N_PAD, H), _f32),
    mesh=_sc_mesh,
    compiler_params=pltpu.CompilerParams(use_tc_tiling_on_sc=False),
    scratch_types=(
        [pltpu.VMEM_SHARED((N_PAD, H), _f32),
         pltpu.VMEM((NCHUNK, CHUNK), jnp.int32),
         pltpu.VMEM((NCHUNK, CHUNK), jnp.int32)]
        + [pltpu.VMEM((CHUNK, H), _f32)] * NBUF_PLAIN
        + [pltpu.SemaphoreType.DMA] * NBUF_PLAIN
    ),
)


_BLK = 2000
_GRID = N // _BLK


def _pre_body(x_ref, wc_ref, wp_ref, pr_ref, res_ref):
    xb = x_ref[...]
    pr_ref[...] = jnp.dot(xb, wc_ref[...], preferred_element_type=_f32)
    res_ref[...] = jnp.dot(xb, wp_ref[...], preferred_element_type=_f32)


_pre = pl.pallas_call(
    _pre_body,
    grid=(_GRID,),
    in_specs=[
        pl.BlockSpec((_BLK, D), lambda i: (i, 0)),
        pl.BlockSpec((D, H2), lambda i: (0, 0)),
        pl.BlockSpec((D, H), lambda i: (0, 0)),
    ],
    out_specs=[
        pl.BlockSpec((_BLK, H2), lambda i: (i, 0)),
        pl.BlockSpec((_BLK, H), lambda i: (i, 0)),
    ],
    out_shape=[jax.ShapeDtypeStruct((N, H2), _f32),
               jax.ShapeDtypeStruct((N, H), _f32)],
)


def _combine(s_ref, c_ref, pr_ref, bl_ref, g_ref, b_ref, res_ref):
    ssum = s_ref[0] + s_ref[1]
    cnt = c_ref[0, :, 0:1] + c_ref[1, :, 0:1]
    agg = ssum / jnp.maximum(cnt, 1.0)
    z = agg + bl_ref[...] + pr_ref[:, H:H2]
    mu = jnp.mean(z, axis=-1, keepdims=True)
    d = z - mu
    var = jnp.mean(d * d, axis=-1, keepdims=True)
    zn = d * lax.rsqrt(var + 1e-5) * g_ref[...] + b_ref[...]
    return jnp.maximum(zn, 0.0) + res_ref[...]


def _post_mid_body(s_ref, c_ref, pr_ref, bl_ref, g_ref, b_ref, res_ref,
                   wc_ref, h_ref, prn_ref):
    h = _combine(s_ref, c_ref, pr_ref, bl_ref, g_ref, b_ref, res_ref)
    h_ref[...] = h
    prn_ref[...] = jnp.dot(h, wc_ref[...], preferred_element_type=_f32)


_post_mid = pl.pallas_call(
    _post_mid_body,
    grid=(_GRID,),
    in_specs=[
        pl.BlockSpec((NC, _BLK, H), lambda i: (0, i, 0)),
        pl.BlockSpec((NC, _BLK, CW), lambda i: (0, i, 0)),
        pl.BlockSpec((_BLK, H2), lambda i: (i, 0)),
        pl.BlockSpec((1, H), lambda i: (0, 0)),
        pl.BlockSpec((1, H), lambda i: (0, 0)),
        pl.BlockSpec((1, H), lambda i: (0, 0)),
        pl.BlockSpec((_BLK, H), lambda i: (i, 0)),
        pl.BlockSpec((H, H2), lambda i: (0, 0)),
    ],
    out_specs=[
        pl.BlockSpec((_BLK, H), lambda i: (i, 0)),
        pl.BlockSpec((_BLK, H2), lambda i: (i, 0)),
    ],
    out_shape=[jax.ShapeDtypeStruct((N, H), _f32),
               jax.ShapeDtypeStruct((N, H2), _f32)],
)


def _post_last_body(s_ref, c_ref, pr_ref, bl_ref, g_ref, b_ref, res_ref,
                    wh_ref, bh_ref, h_ref, y_ref):
    h = _combine(s_ref, c_ref, pr_ref, bl_ref, g_ref, b_ref, res_ref)
    h_ref[...] = h
    y_ref[...] = jnp.dot(h, wh_ref[...], preferred_element_type=_f32) + bh_ref[...]


_post_last = pl.pallas_call(
    _post_last_body,
    grid=(_GRID,),
    in_specs=[
        pl.BlockSpec((NC, _BLK, H), lambda i: (0, i, 0)),
        pl.BlockSpec((NC, _BLK, CW), lambda i: (0, i, 0)),
        pl.BlockSpec((_BLK, H2), lambda i: (i, 0)),
        pl.BlockSpec((1, H), lambda i: (0, 0)),
        pl.BlockSpec((1, H), lambda i: (0, 0)),
        pl.BlockSpec((1, H), lambda i: (0, 0)),
        pl.BlockSpec((_BLK, H), lambda i: (i, 0)),
        pl.BlockSpec((H, 1), lambda i: (0, 0)),
        pl.BlockSpec((1, 1), lambda i: (0, 0)),
    ],
    out_specs=[
        pl.BlockSpec((_BLK, H), lambda i: (i, 0)),
        pl.BlockSpec((_BLK, 1), lambda i: (i, 0)),
    ],
    out_shape=[jax.ShapeDtypeStruct((N, H), _f32),
               jax.ShapeDtypeStruct((N, 1), _f32)],
)


def kernel(x, edge_index, Wl0, bl0, Wr0, ln_g0, ln_b0, Wl1, bl1, Wr1,
           ln_g1, ln_b1, Wl2, bl2, Wr2, ln_g2, ln_b2, Wproj, Whead, bhead):
    src = (edge_index[0] * 2).reshape(NC, NS, NCHUNK, CHUNK)
    dst = edge_index[1].reshape(NC, NS, NCHUNK, CHUNK)
    z64 = jnp.zeros((N_PAD, H), _f32)
    z16 = jnp.zeros((N_PAD, CW), _f32)
    ones = jnp.ones((CHUNK, CW), _f32)

    W0c = jnp.concatenate([Wl0.T, Wr0.T], axis=1)
    W1c = jnp.concatenate([Wl1.T, Wr1.T], axis=1)
    W2c = jnp.concatenate([Wl2.T, Wr2.T], axis=1)
    bl0r, g0r, b0r = bl0.reshape(1, H), ln_g0.reshape(1, H), ln_b0.reshape(1, H)
    bl1r, g1r, b1r = bl1.reshape(1, H), ln_g1.reshape(1, H), ln_b1.reshape(1, H)
    bl2r, g2r, b2r = bl2.reshape(1, H), ln_g2.reshape(1, H), ln_b2.reshape(1, H)

    pr0, res0 = _pre(x, W0c, Wproj.T)
    s0, cpart = _sc_seg_sum_cnt(src, dst, pr0.reshape(2 * N, H), z64, z16, ones)
    h1, pr1 = _post_mid(s0, cpart, pr0, bl0r, g0r, b0r, res0, W1c)
    s1 = _sc_seg_sum(src, dst, pr1.reshape(2 * N, H), z64)
    h2, pr2 = _post_mid(s1, cpart, pr1, bl1r, g1r, b1r, h1, W2c)
    s2 = _sc_seg_sum(src, dst, pr2.reshape(2 * N, H), z64)
    h3, y = _post_last(s2, cpart, pr2, bl2r, g2r, b2r, h2,
                       Whead.T, bhead.reshape(1, 1))
    return (y[:, 0], h3)

# --- scband reference (transcript-rebuilt; emitter-appended) ---
"""Pipeline reference for scband-pure-sagecurvature-14405320311484 (READ-ONLY COPY).

The authoritative reference and input builder live on the scoring server;
editing this copy changes nothing except your own understanding.
"""

import jax, jax.numpy as jnp
import numpy as np

N = 10000
E = 320000
D = 128
H = 64

def _layer_norm(x, g, b):
    mu = jnp.mean(x, axis=-1, keepdims=True)
    var = jnp.var(x, axis=-1, keepdims=True)
    return (x - mu) / jnp.sqrt(var + 1e-5) * g + b

def _scatter_mean(feats, dst, n):
    s = jax.ops.segment_sum(feats, dst, num_segments=n)
    cnt = jax.ops.segment_sum(jnp.ones((feats.shape[0],), feats.dtype), dst, num_segments=n)
    return s / jnp.clip(cnt, 1.0, None)[:, None]

def setup_inputs(seed: int = 0):
    key = jax.random.key(seed)
    ks = jax.random.split(key, 16)
    sD = 1.0 / np.sqrt(D)
    sH = 1.0 / np.sqrt(H)
    inp = {
        'x': jax.random.normal(ks[0], (N, D), dtype=jnp.float32),
        'edge_index': jax.random.randint(ks[1], (2, E), 0, N),
        'Wl0': jax.random.normal(ks[2], (H, D), dtype=jnp.float32) * sD,
        'bl0': jnp.zeros((H,), dtype=jnp.float32),
        'Wr0': jax.random.normal(ks[3], (H, D), dtype=jnp.float32) * sD,
        'ln_g0': jnp.ones((H,), dtype=jnp.float32),
        'ln_b0': jnp.zeros((H,), dtype=jnp.float32),
        'Wl1': jax.random.normal(ks[4], (H, H), dtype=jnp.float32) * sH,
        'bl1': jnp.zeros((H,), dtype=jnp.float32),
        'Wr1': jax.random.normal(ks[5], (H, H), dtype=jnp.float32) * sH,
        'ln_g1': jnp.ones((H,), dtype=jnp.float32),
        'ln_b1': jnp.zeros((H,), dtype=jnp.float32),
        'Wl2': jax.random.normal(ks[6], (H, H), dtype=jnp.float32) * sH,
        'bl2': jnp.zeros((H,), dtype=jnp.float32),
        'Wr2': jax.random.normal(ks[7], (H, H), dtype=jnp.float32) * sH,
        'ln_g2': jnp.ones((H,), dtype=jnp.float32),
        'ln_b2': jnp.zeros((H,), dtype=jnp.float32),
        'Wproj': jax.random.normal(ks[8], (H, D), dtype=jnp.float32) * sD,
        'Whead': jax.random.normal(ks[9], (1, H), dtype=jnp.float32) * sH,
        'bhead': jnp.zeros((1,), dtype=jnp.float32),
    }
    return inp

def reference(x, edge_index, Wl0, bl0, Wr0, ln_g0, ln_b0, Wl1, bl1, Wr1, ln_g1, ln_b1, Wl2, bl2, Wr2, ln_g2, ln_b2, Wproj, Whead, bhead):
    src = edge_index[0]
    dst = edge_index[1]
    n = x.shape[0]
    params = [(Wl0, bl0, Wr0, ln_g0, ln_b0),
              (Wl1, bl1, Wr1, ln_g1, ln_b1),
              (Wl2, bl2, Wr2, ln_g2, ln_b2)]
    h = x
    h_in0 = x
    for i, (Wl, bl, Wr, g, b) in enumerate(params):
        agg = _scatter_mean(h[src], dst, n)
        h_new = agg @ Wl.T + bl + h @ Wr.T
        h_new = _layer_norm(h_new, g, b)
        h_new = jax.nn.relu(h_new)
        if i == 0:
            h_new = h_new + h_in0 @ Wproj.T
        else:
            h_new = h_new + h
        h = h_new
    yhat = (h @ Whead.T + bhead).squeeze(-1)
    return (yhat, h)

if __name__ == "__main__":
    import jax
    _d = setup_inputs()
    print(jax.jit(kernel)(*tuple(_d.values())))

</pallas_src>

<mosaic_0001>
#map = affine_map<(d0, d1) -> (0, 0, 0, 0)>
#map1 = affine_map<(d0, d1) -> (0, 0)>
#map2 = affine_map<(d0, d1) -> (0, 0, 0)>
module attributes {stable_mosaic.version = 14 : i64} {
  func.func @_sc_body(%arg0: i32, %arg1: i32, %arg2: memref<2x16x125x80xi32, #tpu.memory_space<hbm>>, %arg3: memref<2x16x125x80xi32, #tpu.memory_space<hbm>>, %arg4: memref<20000x64xf32, #tpu.memory_space<hbm>>, %arg5: memref<10240x64xf32, #tpu.memory_space<hbm>>, %arg6: memref<2x10240x64xf32, #tpu.memory_space<hbm>>, %arg7: memref<10240x64xf32, #tpu.memory_space<vmem_shared>>, %arg8: memref<125x80xi32, #tpu.memory_space<vmem>>, %arg9: memref<125x80xi32, #tpu.memory_space<vmem>>, %arg10: memref<80x64xf32, #tpu.memory_space<vmem>>, %arg11: memref<80x64xf32, #tpu.memory_space<vmem>>, %arg12: memref<80x64xf32, #tpu.memory_space<vmem>>, %arg13: memref<80x64xf32, #tpu.memory_space<vmem>>, %arg14: memref<80x64xf32, #tpu.memory_space<vmem>>, %arg15: memref<80x64xf32, #tpu.memory_space<vmem>>, %arg16: memref<80x64xf32, #tpu.memory_space<vmem>>, %arg17: memref<!tpu.dma_semaphore, #tpu.memory_space<semaphore_mem>>, %arg18: memref<!tpu.dma_semaphore, #tpu.memory_space<semaphore_mem>>, %arg19: memref<!tpu.dma_semaphore, #tpu.memory_space<semaphore_mem>>, %arg20: memref<!tpu.dma_semaphore, #tpu.memory_space<semaphore_mem>>, %arg21: memref<!tpu.dma_semaphore, #tpu.memory_space<semaphore_mem>>, %arg22: memref<!tpu.dma_semaphore, #tpu.memory_space<semaphore_mem>>, %arg23: memref<!tpu.dma_semaphore, #tpu.memory_space<semaphore_mem>>) attributes {dimension_semantics = [#tpu.dimension_semantics<core_parallel>, #tpu.dimension_semantics<subcore_parallel>], iteration_bounds = array<i64: 2, 16>, scalar_prefetch = 0 : i64, scratch_operands = 17 : i64, tpu.core_type = #tpu.core_type<sc_vector_subcore>, window_params = [{transform_indices = #map}, {transform_indices = #map}, {transform_indices = #map1}, {transform_indices = #map1}, {transform_indices = #map2}]} {
    %mul3A = arith.constant 640 : i32
    %mul3A_0 = arith.muli %arg1, %mul3A : i32
    "tpu.region"() ({
      %run_scoped3A_198 = tpu.sem_alloc : memref<!tpu.dma_semaphore, #tpu.memory_space<semaphore_mem>>
      %dma_start3A_199 = arith.constant 0 : i32
      %dma_start3A_200 = tpu.memref_slice %arg7[%mul3A_0, %dma_start3A_199] : memref<10240x64xf32, #tpu.memory_space<vmem_shared>> -> memref<640x64xf32, #tpu.memory_space<vmem_shared>>
      %dma_start3A_201 = arith.constant 0 : i32
      %dma_start3A_202 = tpu.memref_slice %arg5[%mul3A_0, %dma_start3A_201] : memref<10240x64xf32, #tpu.memory_space<hbm>> -> memref<640x64xf32, #tpu.memory_space<hbm>>
      tpu.enqueue_dma source(%dma_start3A_202 : memref<640x64xf32, #tpu.memory_space<hbm>>) target(%dma_start3A_200 : memref<640x64xf32, #tpu.memory_space<vmem_shared>>) target_semaphore(%run_scoped3A_198 : memref<!tpu.dma_semaphore, #tpu.memory_space<semaphore_mem>>)
      %dma_wait3A_203 = arith.constant 0 : i32
      %dma_wait3A_204 = tpu.memref_slice %arg7[%mul3A_0, %dma_wait3A_203] : memref<10240x64xf32, #tpu.memory_space<vmem_shared>> -> memref<640x64xf32, #tpu.memory_space<vmem_shared>>
      %dma_wait3A_205 = arith.constant 0 : i32
      %dma_wait3A_206 = tpu.memref_slice %arg5[%mul3A_0, %dma_wait3A_205] : memref<10240x64xf32, #tpu.memory_space<hbm>> -> memref<640x64xf32, #tpu.memory_space<hbm>>
      tpu.wait_dma2 semaphore(%run_scoped3A_198 : memref<!tpu.dma_semaphore, #tpu.memory_space<semaphore_mem>>) src(%dma_wait3A_206 : memref<640x64xf32, #tpu.memory_space<hbm>>) dst(%dma_wait3A_204 : memref<640x64xf32, #tpu.memory_space<vmem_shared>>)
      tpu.yield
    }) : () -> ()
    "tpu.region"() ({
      %run_scoped3A_198 = tpu.sem_alloc : memref<!tpu.dma_semaphore, #tpu.memory_space<semaphore_mem>>
      %dma_start3A_199 = arith.constant 0 : i32
      %dma_start3A_200 = arith.constant 0 : i32
      %dma_start3A_201 = tpu.memref_slice %arg2[%arg0, %arg1, %dma_start3A_199, %dma_start3A_200] : memref<2x16x125x80xi32, #tpu.memory_space<hbm>> -> memref<1x1x125x80xi32, #tpu.memory_space<hbm>>
      %dma_start3A_202 = tpu.memref_squeeze %dma_start3A_201 : memref<1x1x125x80xi32, #tpu.memory_space<hbm>> -> memref<125x80xi32, #tpu.memory_space<hbm>>
      %dma_start3A_203 = arith.constant 0 : i32
      %dma_start3A_204 = arith.constant 0 : i32
      %dma_start3A_205 = tpu.memref_slice %arg2[%arg0, %arg1, %dma_start3A_203, %dma_start3A_204] : memref<2x16x125x80xi32, #tpu.memory_space<hbm>> -> memref<1x1x125x80xi32, #tpu.memory_space<hbm>>
      %dma_start3A_206 = tpu.memref_squeeze %dma_start3A_205 : memref<1x1x125x80xi32, #tpu.memory_space<hbm>> -> memref<125x80xi32, #tpu.memory_space<hbm>>
      tpu.enqueue_dma source(%dma_start3A_206 : memref<125x80xi32, #tpu.memory_space<hbm>>) target(%arg8 : memref<125x80xi32, #tpu.memory_space<vmem>>) target_semaphore(%run_scoped3A_198 : memref<!tpu.dma_semaphore, #tpu.memory_space<semaphore_mem>>)
      %dma_wait3A_207 = arith.constant 0 : i32
      %dma_wait3A_208 = arith.constant 0 : i32
      %dma_wait3A_209 = tpu.memref_slice %arg2[%arg0, %arg1, %dma_wait3A_207, %dma_wait3A_208] : memref<2x16x125x80xi32, #tpu.memory_space<hbm>> -> memref<1x1x125x80xi32, #tpu.memory_space<hbm>>
      %dma_wait3A_210 = tpu.memref_squeeze %dma_wait3A_209 : memref<1x1x125x80xi32, #tpu.memory_space<hbm>> -> memref<125x80xi32, #tpu.memory_space<hbm>>
      %dma_wait3A_211 = arith.constant 0 : i32
      %dma_wait3A_212 = arith.constant 0 : i32
      %dma_wait3A_213 = tpu.memref_slice %arg2[%arg0, %arg1, %dma_wait3A_211, %dma_wait3A_212] : memref<2x16x125x80xi32, #tpu.memory_space<hbm>> -> memref<1x1x125x80xi32, #tpu.memory_space<hbm>>
      %dma_wait3A_214 = tpu.memref_squeeze %dma_wait3A_213 : memref<1x1x125x80xi32, #tpu.memory_space<hbm>> -> memref<125x80xi32, #tpu.memory_space<hbm>>
      tpu.wait_dma2 semaphore(%run_scoped3A_198 : memref<!tpu.dma_semaphore, #tpu.memory_space<semaphore_mem>>) src(%dma_wait3A_214 : memref<125x80xi32, #tpu.memory_space<hbm>>) dst(%arg8 : memref<125x80xi32, #tpu.memory_space<vmem>>)
      tpu.yield
    }) : () -> ()
    "tpu.region"() ({
      %run_scoped3A_198 = tpu.sem_alloc : memref<!tpu.dma_semaphore, #tpu.memory_space<semaphore_mem>>
      %dma_start3A_199 = arith.constant 0 : i32
      %dma_start3A_200 = arith.constant 0 : i32
      %dma_start3A_201 = tpu.memref_slice %arg3[%arg0, %arg1, %dma_start3A_199, %dma_start3A_200] : memref<2x16x125x80xi32, #tpu.memory_space<hbm>> -> memref<1x1x125x80xi32, #tpu.memory_space<hbm>>
      %dma_start3A_202 = tpu.memref_squeeze %dma_start3A_201 : memref<1x1x125x80xi32, #tpu.memory_space<hbm>> -> memref<125x80xi32, #tpu.memory_space<hbm>>
      %dma_start3A_203 = arith.constant 0 : i32
      %dma_start3A_204 = arith.constant 0 : i32
      %dma_start3A_205 = tpu.memref_slice %arg3[%arg0, %arg1, %dma_start3A_203, %dma_start3A_204] : memref<2x16x125x80xi32, #tpu.memory_space<hbm>> -> memref<1x1x125x80xi32, #tpu.memory_space<hbm>>
      %dma_start3A_206 = tpu.memref_squeeze %dma_start3A_205 : memref<1x1x125x80xi32, #tpu.memory_space<hbm>> -> memref<125x80xi32, #tpu.memory_space<hbm>>
      tpu.enqueue_dma source(%dma_start3A_206 : memref<125x80xi32, #tpu.memory_space<hbm>>) target(%arg9 : memref<125x80xi32, #tpu.memory_space<vmem>>) target_semaphore(%run_scoped3A_198 : memref<!tpu.dma_semaphore, #tpu.memory_space<semaphore_mem>>)
      %dma_wait3A_207 = arith.constant 0 : i32
      %dma_wait3A_208 = arith.constant 0 : i32
      %dma_wait3A_209 = tpu.memref_slice %arg3[%arg0, %arg1, %dma_wait3A_207, %dma_wait3A_208] : memref<2x16x125x80xi32, #tpu.memory_space<hbm>> -> memref<1x1x125x80xi32, #tpu.memory_space<hbm>>
      %dma_wait3A_210 = tpu.memref_squeeze %dma_wait3A_209 : memref<1x1x125x80xi32, #tpu.memory_space<hbm>> -> memref<125x80xi32, #tpu.memory_space<hbm>>
      %dma_wait3A_211 = arith.constant 0 : i32
      %dma_wait3A_212 = arith.constant 0 : i32
      %dma_wait3A_213 = tpu.memref_slice %arg3[%arg0, %arg1, %dma_wait3A_211, %dma_wait3A_212] : memref<2x16x125x80xi32, #tpu.memory_space<hbm>> -> memref<1x1x125x80xi32, #tpu.memory_space<hbm>>
      %dma_wait3A_214 = tpu.memref_squeeze %dma_wait3A_213 : memref<1x1x125x80xi32, #tpu.memory_space<hbm>> -> memref<125x80xi32, #tpu.memory_space<hbm>>
      tpu.wait_dma2 semaphore(%run_scoped3A_198 : memref<!tpu.dma_semaphore, #tpu.memory_space<semaphore_mem>>) src(%dma_wait3A_214 : memref<125x80xi32, #tpu.memory_space<hbm>>) dst(%arg9 : memref<125x80xi32, #tpu.memory_space<vmem>>)
      tpu.yield
    }) : () -> ()
    %barrier3A = arith.constant 0 : index
    tpu.barrier barrier_id(%barrier3A)
    %dma_start3A = arith.constant 0 : i32
    %dma_start3A_1 = arith.constant 0 : i32
    %dma_start3A_2 = tpu.memref_slice %arg8[%dma_start3A, %dma_start3A_1] : memref<125x80xi32, #tpu.memory_space<vmem>> -> memref<1x80xi32, #tpu.memory_space<vmem>>
    %dma_start3A_3 = tpu.memref_squeeze %dma_start3A_2 : memref<1x80xi32, #tpu.memory_space<vmem>> -> memref<80xi32, #tpu.memory_space<vmem>>
    %dma_start3A_4 = arith.constant 0 : i32
    %dma_start3A_5 = arith.constant 0 : i32
    %dma_start3A_6 = tpu.memref_slice %arg4[%dma_start3A_4, %dma_start3A_5] : memref<20000x64xf32, #tpu.memory_space<hbm>> -> memref<20000x64xf32, #tpu.memory_space<hbm>>
    tpu.enqueue_indirect_dma source(%dma_start3A_6 : memref<20000x64xf32, #tpu.memory_space<hbm>>) target(%arg10 : memref<80x64xf32, #tpu.memory_space<vmem>>) offsets(%dma_start3A_3 : memref<80xi32, #tpu.memory_space<vmem>>) semaphore(%arg17 : memref<!tpu.dma_semaphore, #tpu.memory_space<semaphore_mem>>)
    %dma_start3A_7 = arith.constant 1 : i32
    %dma_start3A_8 = arith.constant 0 : i32
    %dma_start3A_9 = tpu.memref_slice %arg8[%dma_start3A_7, %dma_start3A_8] : memref<125x80xi32, #tpu.memory_space<vmem>> -> memref<1x80xi32, #tpu.memory_space<vmem>>
    %dma_start3A_10 = tpu.memref_squeeze %dma_start3A_9 : memref<1x80xi32, #tpu.memory_space<vmem>> -> memref<80xi32, #tpu.memory_space<vmem>>
    %dma_start3A_11 = arith.constant 0 : i32
    %dma_start3A_12 = arith.constant 0 : i32
    %dma_start3A_13 = tpu.memref_slice %arg4[%dma_start3A_11, %dma_start3A_12] : memref<20000x64xf32, #tpu.memory_space<hbm>> -> memref<20000x64xf32, #tpu.memory_space<hbm>>
    tpu.enqueue_indirect_dma source(%dma_start3A_13 : memref<20000x64xf32, #tpu.memory_space<hbm>>) target(%arg11 : memref<80x64xf32, #tpu.memory_space<vmem>>) offsets(%dma_start3A_10 : memref<80xi32, #tpu.memory_space<vmem>>) semaphore(%arg18 : memref<!tpu.dma_semaphore, #tpu.memory_space<semaphore_mem>>)
    %dma_start3A_14 = arith.constant 2 : i32
    %dma_start3A_15 = arith.constant 0 : i32
    %dma_start3A_16 = tpu.memref_slice %arg8[%dma_start3A_14, %dma_start3A_15] : memref<125x80xi32, #tpu.memory_space<vmem>> -> memref<1x80xi32, #tpu.memory_space<vmem>>
    %dma_start3A_17 = tpu.memref_squeeze %dma_start3A_16 : memref<1x80xi32, #tpu.memory_space<vmem>> -> memref<80xi32, #tpu.memory_space<vmem>>
    %dma_start3A_18 = arith.constant 0 : i32
    %dma_start3A_19 = arith.constant 0 : i32
    %dma_start3A_20 = tpu.memref_slice %arg4[%dma_start3A_18, %dma_start3A_19] : memref<20000x64xf32, #tpu.memory_space<hbm>> -> memref<20000x64xf32, #tpu.memory_space<hbm>>
    tpu.enqueue_indirect_dma source(%dma_start3A_20 : memref<20000x64xf32, #tpu.memory_space<hbm>>) target(%arg12 : memref<80x64xf32, #tpu.memory_space<vmem>>) offsets(%dma_start3A_17 : memref<80xi32, #tpu.memory_space<vmem>>) semaphore(%arg19 : memref<!tpu.dma_semaphore, #tpu.memory_space<semaphore_mem>>)
    %dma_start3A_21 = arith.constant 3 : i32
    %dma_start3A_22 = arith.constant 0 : i32
    %dma_start3A_23 = tpu.memref_slice %arg8[%dma_start3A_21, %dma_start3A_22] : memref<125x80xi32, #tpu.memory_space<vmem>> -> memref<1x80xi32, #tpu.memory_space<vmem>>
    %dma_start3A_24 = tpu.memref_squeeze %dma_start3A_23 : memref<1x80xi32, #tpu.memory_space<vmem>> -> memref<80xi32, #tpu.memory_space<vmem>>
    %dma_start3A_25 = arith.constant 0 : i32
    %dma_start3A_26 = arith.constant 0 : i32
    %dma_start3A_27 = tpu.memref_slice %arg4[%dma_start3A_25, %dma_start3A_26] : memref<20000x64xf32, #tpu.memory_space<hbm>> -> memref<20000x64xf32, #tpu.memory_space<hbm>>
    tpu.enqueue_indirect_dma source(%dma_start3A_27 : memref<20000x64xf32, #tpu.memory_space<hbm>>) target(%arg13 : memref<80x64xf32, #tpu.memory_space<vmem>>) offsets(%dma_start3A_24 : memref<80xi32, #tpu.memory_space<vmem>>) semaphore(%arg20 : memref<!tpu.dma_semaphore, #tpu.memory_space<semaphore_mem>>)
    %dma_start3A_28 = arith.constant 4 : i32
    %dma_start3A_29 = arith.constant 0 : i32
    %dma_start3A_30 = tpu.memref_slice %arg8[%dma_start3A_28, %dma_start3A_29] : memref<125x80xi32, #tpu.memory_space<vmem>> -> memref<1x80xi32, #tpu.memory_space<vmem>>
    %dma_start3A_31 = tpu.memref_squeeze %dma_start3A_30 : memref<1x80xi32, #tpu.memory_space<vmem>> -> memref<80xi32, #tpu.memory_space<vmem>>
    %dma_start3A_32 = arith.constant 0 : i32
    %dma_start3A_33 = arith.constant 0 : i32
    %dma_start3A_34 = tpu.memref_slice %arg4[%dma_start3A_32, %dma_start3A_33] : memref<20000x64xf32, #tpu.memory_space<hbm>> -> memref<20000x64xf32, #tpu.memory_space<hbm>>
    tpu.enqueue_indirect_dma source(%dma_start3A_34 : memref<20000x64xf32, #tpu.memory_space<hbm>>) target(%arg14 : memref<80x64xf32, #tpu.memory_space<vmem>>) offsets(%dma_start3A_31 : memref<80xi32, #tpu.memory_space<vmem>>) semaphore(%arg21 : memref<!tpu.dma_semaphore, #tpu.memory_space<semaphore_mem>>)
    %dma_start3A_35 = arith.constant 5 : i32
    %dma_start3A_36 = arith.constant 0 : i32
    %dma_start3A_37 = tpu.memref_slice %arg8[%dma_start3A_35, %dma_start3A_36] : memref<125x80xi32, #tpu.memory_space<vmem>> -> memref<1x80xi32, #tpu.memory_space<vmem>>
    %dma_start3A_38 = tpu.memref_squeeze %dma_start3A_37 : memref<1x80xi32, #tpu.memory_space<vmem>> -> memref<80xi32, #tpu.memory_space<vmem>>
    %dma_start3A_39 = arith.constant 0 : i32
    %dma_start3A_40 = arith.constant 0 : i32
    %dma_start3A_41 = tpu.memref_slice %arg4[%dma_start3A_39, %dma_start3A_40] : memref<20000x64xf32, #tpu.memory_space<hbm>> -> memref<20000x64xf32, #tpu.memory_space<hbm>>
    tpu.enqueue_indirect_dma source(%dma_start3A_41 : memref<20000x64xf32, #tpu.memory_space<hbm>>) target(%arg15 : memref<80x64xf32, #tpu.memory_space<vmem>>) offsets(%dma_start3A_38 : memref<80xi32, #tpu.memory_space<vmem>>) semaphore(%arg22 : memref<!tpu.dma_semaphore, #tpu.memory_space<semaphore_mem>>)
    %dma_start3A_42 = arith.constant 6 : i32
    %dma_start3A_43 = arith.constant 0 : i32
    %dma_start3A_44 = tpu.memref_slice %arg8[%dma_start3A_42, %dma_start3A_43] : memref<125x80xi32, #tpu.memory_space<vmem>> -> memref<1x80xi32, #tpu.memory_space<vmem>>
    %dma_start3A_45 = tpu.memref_squeeze %dma_start3A_44 : memref<1x80xi32, #tpu.memory_space<vmem>> -> memref<80xi32, #tpu.memory_space<vmem>>
    %dma_start3A_46 = arith.constant 0 : i32
    %dma_start3A_47 = arith.constant 0 : i32
    %dma_start3A_48 = tpu.memref_slice %arg4[%dma_start3A_46, %dma_start3A_47] : memref<20000x64xf32, #tpu.memory_space<hbm>> -> memref<20000x64xf32, #tpu.memory_space<hbm>>
    tpu.enqueue_indirect_dma source(%dma_start3A_48 : memref<20000x64xf32, #tpu.memory_space<hbm>>) target(%arg16 : memref<80x64xf32, #tpu.memory_space<vmem>>) offsets(%dma_start3A_45 : memref<80xi32, #tpu.memory_space<vmem>>) semaphore(%arg23 : memref<!tpu.dma_semaphore, #tpu.memory_space<semaphore_mem>>)
    %scan3A = arith.constant 0 : i32
    %scan3A_49 = arith.constant 16 : i32
    %scan3A_50 = arith.addi %scan3A, %scan3A_49 : i32
    %scan3A_51 = arith.constant 1 : i32
    scf.for %scan3A_198 = %scan3A to %scan3A_50 step %scan3A_51  : i32 {
      %mul3A_199 = arith.constant 7 : i32
      %mul3A_200 = arith.muli %scan3A_198, %mul3A_199 : i32
      %add3A = arith.constant 0 : i32
      %add3A_201 = arith.addi %add3A, %mul3A_200 : i32
      %add3A_202 = arith.constant 0 : i32
      %add3A_203 = arith.addi %add3A_201, %add3A_202 : i32
      %dma_wait3A_204 = arith.constant 0 : i32
      %dma_wait3A_205 = tpu.memref_slice %arg8[%add3A_203, %dma_wait3A_204] : memref<125x80xi32, #tpu.memory_space<vmem>> -> memref<1x80xi32, #tpu.memory_space<vmem>>
      %dma_wait3A_206 = tpu.memref_squeeze %dma_wait3A_205 : memref<1x80xi32, #tpu.memory_space<vmem>> -> memref<80xi32, #tpu.memory_space<vmem>>
      %dma_wait3A_207 = arith.constant 0 : i32
      %dma_wait3A_208 = arith.constant 0 : i32
      %dma_wait3A_209 = tpu.memref_slice %arg4[%dma_wait3A_207, %dma_wait3A_208] : memref<20000x64xf32, #tpu.memory_space<hbm>> -> memref<20000x64xf32, #tpu.memory_space<hbm>>
      tpu.wait_indirect_dma semaphore(%arg17 : memref<!tpu.dma_semaphore, #tpu.memory_space<semaphore_mem>>) src(%dma_wait3A_209 : memref<20000x64xf32, #tpu.memory_space<hbm>>) dst(%arg10 : memref<80x64xf32, #tpu.memory_space<vmem>>)
      "tpu.region"() ({
        %run_scoped3A_314 = tpu.sem_alloc : memref<!tpu.dma_semaphore, #tpu.memory_space<semaphore_mem>>
        %dma_start3A_315 = arith.constant 0 : i32
        %dma_start3A_316 = tpu.memref_slice %arg9[%add3A_203, %dma_start3A_315] : memref<125x80xi32, #tpu.memory_space<vmem>> -> memref<1x80xi32, #tpu.memory_space<vmem>>
        %dma_start3A_317 = tpu.memref_squeeze %dma_start3A_316 : memref<1x80xi32, #tpu.memory_space<vmem>> -> memref<80xi32, #tpu.memory_space<vmem>>
        %dma_start3A_318 = arith.constant 0 : i32
        %dma_start3A_319 = arith.constant 0 : i32
        %dma_start3A_320 = tpu.memref_slice %arg7[%dma_start3A_318, %dma_start3A_319] : memref<10240x64xf32, #tpu.memory_space<vmem_shared>> -> memref<10240x64xf32, #tpu.memory_space<vmem_shared>>
        tpu.enqueue_indirect_dma source(%arg10 : memref<80x64xf32, #tpu.memory_space<vmem>>) target(%dma_start3A_320 : memref<10240x64xf32, #tpu.memory_space<vmem_shared>>) offsets(%dma_start3A_317 : memref<80xi32, #tpu.memory_space<vmem>>) semaphore(%run_scoped3A_314 : memref<!tpu.dma_semaphore, #tpu.memory_space<semaphore_mem>>) {add = true}
        %dma_wait3A_321 = arith.constant 0 : i32
        %dma_wait3A_322 = tpu.memref_slice %arg9[%add3A_203, %dma_wait3A_321] : memref<125x80xi32, #tpu.memory_space<vmem>> -> memref<1x80xi32, #tpu.memory_space<vmem>>
        %dma_wait3A_323 = tpu.memref_squeeze %dma_wait3A_322 : memref<1x80xi32, #tpu.memory_space<vmem>> -> memref<80xi32, #tpu.memory_space<vmem>>
        %dma_wait3A_324 = arith.constant 0 : i32
        %dma_wait3A_325 = arith.constant 0 : i32
        %dma_wait3A_326 = tpu.memref_slice %arg7[%dma_wait3A_324, %dma_wait3A_325] : memref<10240x64xf32, #tpu.memory_space<vmem_shared>> -> memref<10240x64xf32, #tpu.memory_space<vmem_shared>>
        tpu.wait_indirect_dma semaphore(%run_scoped3A_314 : memref<!tpu.dma_semaphore, #tpu.memory_space<semaphore_mem>>) src(%arg10 : memref<80x64xf32, #tpu.memory_space<vmem>>) dst(%dma_wait3A_326 : memref<10240x64xf32, #tpu.memory_space<vmem_shared>>)
        tpu.yield
      }) : () -> ()
      %add3A_210 = arith.constant 7 : i32
      %add3A_211 = arith.addi %add3A_203, %add3A_210 : i32
      %dma_start3A_212 = arith.constant 0 : i32
      %dma_start3A_213 = tpu.memref_slice %arg8[%add3A_211, %dma_start3A_212] : memref<125x80xi32, #tpu.memory_space<vmem>> -> memref<1x80xi32, #tpu.memory_space<vmem>>
      %dma_start3A_214 = tpu.memref_squeeze %dma_start3A_213 : memref<1x80xi32, #tpu.memory_space<vmem>> -> memref<80xi32, #tpu.memory_space<vmem>>
      %dma_start3A_215 = arith.constant 0 : i32
      %dma_start3A_216 = arith.constant 0 : i32
      %dma_start3A_217 = tpu.memref_slice %arg4[%dma_start3A_215, %dma_start3A_216] : memref<20000x64xf32, #tpu.memory_space<hbm>> -> memref<20000x64xf32, #tpu.memory_space<hbm>>
      tpu.enqueue_indirect_dma source(%dma_start3A_217 : memref<20000x64xf32, #tpu.memory_space<hbm>>) target(%arg10 : memref<80x64xf32, #tpu.memory_space<vmem>>) offsets(%dma_start3A_214 : memref<80xi32, #tpu.memory_space<vmem>>) semaphore(%arg17 : memref<!tpu.dma_semaphore, #tpu.memory_space<semaphore_mem>>)
      %add3A_218 = arith.constant 1 : i32
      %add3A_219 = arith.addi %add3A_201, %add3A_218 : i32
      %dma_wait3A_220 = arith.constant 0 : i32
      %dma_wait3A_221 = tpu.memref_slice %arg8[%add3A_219, %dma_wait3A_220] : memref<125x80xi32, #tpu.memory_space<vmem>> -> memref<1x80xi32, #tpu.memory_space<vmem>>
      %dma_wait3A_222 = tpu.memref_squeeze %dma_wait3A_221 : memref<1x80xi32, #tpu.memory_space<vmem>> -> memref<80xi32, #tpu.memory_space<vmem>>
      %dma_wait3A_223 = arith.constant 0 : i32
      %dma_wait3A_224 = arith.constant 0 : i32
      %dma_wait3A_225 = tpu.memref_slice %arg4[%dma_wait3A_223, %dma_wait3A_224] : memref<20000x64xf32, #tpu.memory_space<hbm>> -> memref<20000x64xf32, #tpu.memory_space<hbm>>
      tpu.wait_indirect_dma semaphore(%arg18 : memref<!tpu.dma_semaphore, #tpu.memory_space<semaphore_mem>>) src(%dma_wait3A_225 : memref<20000x64xf32, #tpu.memory_space<hbm>>) dst(%arg11 : memref<80x64xf32, #tpu.memory_space<vmem>>)
      "tpu.region"() ({
        %run_scoped3A_314 = tpu.sem_alloc : memref<!tpu.dma_semaphore, #tpu.memory_space<semaphore_mem>>
        %dma_start3A_315 = arith.constant 0 : i32
        %dma_start3A_316 = tpu.memref_slice %arg9[%add3A_219, %dma_start3A_315] : memref<125x80xi32, #tpu.memory_space<vmem>> -> memref<1x80xi32, #tpu.memory_space<vmem>>
        %dma_start3A_317 = tpu.memref_squeeze %dma_start3A_316 : memref<1x80xi32, #tpu.memory_space<vmem>> -> memref<80xi32, #tpu.memory_space<vmem>>
        %dma_start3A_318 = arith.constant 0 : i32
        %dma_start3A_319 = arith.constant 0 : i32
        %dma_start3A_320 = tpu.memref_slice %arg7[%dma_start3A_318, %dma_start3A_319] : memref<10240x64xf32, #tpu.memory_space<vmem_shared>> -> memref<10240x64xf32, #tpu.memory_space<vmem_shared>>
        tpu.enqueue_indirect_dma source(%arg11 : memref<80x64xf32, #tpu.memory_space<vmem>>) target(%dma_start3A_320 : memref<10240x64xf32, #tpu.memory_space<vmem_shared>>) offsets(%dma_start3A_317 : memref<80xi32, #tpu.memory_space<vmem>>) semaphore(%run_scoped3A_314 : memref<!tpu.dma_semaphore, #tpu.memory_space<semaphore_mem>>) {add = true}
        %dma_wait3A_321 = arith.constant 0 : i32
        %dma_wait3A_322 = tpu.memref_slice %arg9[%add3A_219, %dma_wait3A_321] : memref<125x80xi32, #tpu.memory_space<vmem>> -> memref<1x80xi32, #tpu.memory_space<vmem>>
        %dma_wait3A_323 = tpu.memref_squeeze %dma_wait3A_322 : memref<1x80xi32, #tpu.memory_space<vmem>> -> memref<80xi32, #tpu.memory_space<vmem>>
        %dma_wait3A_324 = arith.constant 0 : i32
        %dma_wait3A_325 = arith.constant 0 : i32
        %dma_wait3A_326 = tpu.memref_slice %arg7[%dma_wait3A_324, %dma_wait3A_325] : memref<10240x64xf32, #tpu.memory_space<vmem_shared>> -> memref<10240x64xf32, #tpu.memory_space<vmem_shared>>
        tpu.wait_indirect_dma semaphore(%run_scoped3A_314 : memref<!tpu.dma_semaphore, #tpu.memory_space<semaphore_mem>>) src(%arg11 : memref<80x64xf32, #tpu.memory_space<vmem>>) dst(%dma_wait3A_326 : memref<10240x64xf32, #tpu.memory_space<vmem_shared>>)
        tpu.yield
      }) : () -> ()
      %add3A_226 = arith.constant 7 : i32
      %add3A_227 = arith.addi %add3A_219, %add3A_226 : i32
      %dma_start3A_228 = arith.constant 0 : i32
      %dma_start3A_229 = tpu.memref_slice %arg8[%add3A_227, %dma_start3A_228] : memref<125x80xi32, #tpu.memory_space<vmem>> -> memref<1x80xi32, #tpu.memory_space<vmem>>
      %dma_start3A_230 = tpu.memref_squeeze %dma_start3A_229 : memref<1x80xi32, #tpu.memory_space<vmem>> -> memref<80xi32, #tpu.memory_space<vmem>>
      %dma_start3A_231 = arith.constant 0 : i32
      %dma_start3A_232 = arith.constant 0 : i32
      %dma_start3A_233 = tpu.memref_slice %arg4[%dma_start3A_231, %dma_start3A_232] : memref<20000x64xf32, #tpu.memory_space<hbm>> -> memref<20000x64xf32, #tpu.memory_space<hbm>>
      tpu.enqueue_indirect_dma source(%dma_start3A_233 : memref<20000x64xf32, #tpu.memory_space<hbm>>) target(%arg11 : memref<80x64xf32, #tpu.memory_space<vmem>>) offsets(%dma_start3A_230 : memref<80xi32, #tpu.memory_space<vmem>>) semaphore(%arg18 : memref<!tpu.dma_semaphore, #tpu.memory_space<semaphore_mem>>)
      %add3A_234 = arith.constant 2 : i32
      %add3A_235 = arith.addi %add3A_201, %add3A_234 : i32
      %dma_wait3A_236 = arith.constant 0 : i32
      %dma_wait3A_237 = tpu.memref_slice %arg8[%add3A_235, %dma_wait3A_236] : memref<125x80xi32, #tpu.memory_space<vmem>> -> memref<1x80xi32, #tpu.memory_space<vmem>>
      %dma_wait3A_238 = tpu.memref_squeeze %dma_wait3A_237 : memref<1x80xi32, #tpu.memory_space<vmem>> -> memref<80xi32, #tpu.memory_space<vmem>>
      %dma_wait3A_239 = arith.constant 0 : i32
      %dma_wait3A_240 = arith.constant 0 : i32
      %dma_wait3A_241 = tpu.memref_slice %arg4[%dma_wait3A_239, %dma_wait3A_240] : memref<20000x64xf32, #tpu.memory_space<hbm>> -> memref<20000x64xf32, #tpu.memory_space<hbm>>
      tpu.wait_indirect_dma semaphore(%arg19 : memref<!tpu.dma_semaphore, #tpu.memory_space<semaphore_mem>>) src(%dma_wait3A_241 : memref<20000x64xf32, #tpu.memory_space<hbm>>) dst(%arg12 : memref<80x64xf32, #tpu.memory_space<vmem>>)
      "tpu.region"() ({
        %run_scoped3A_314 = tpu.sem_alloc : memref<!tpu.dma_semaphore, #tpu.memory_space<semaphore_mem>>
        %dma_start3A_315 = arith.constant 0 : i32
        %dma_start3A_316 = tpu.memref_slice %arg9[%add3A_235, %dma_start3A_315] : memref<125x80xi32, #tpu.memory_space<vmem>> -> memref<1x80xi32, #tpu.memory_space<vmem>>
        %dma_start3A_317 = tpu.memref_squeeze %dma_start3A_316 : memref<1x80xi32, #tpu.memory_space<vmem>> -> memref<80xi32, #tpu.memory_space<vmem>>
        %dma_start3A_318 = arith.constant 0 : i32
        %dma_start3A_319 = arith.constant 0 : i32
        %dma_start3A_320 = tpu.memref_slice %arg7[%dma_start3A_318, %dma_start3A_319] : memref<10240x64xf32, #tpu.memory_space<vmem_shared>> -> memref<10240x64xf32, #tpu.memory_space<vmem_shared>>
        tpu.enqueue_indirect_dma source(%arg12 : memref<80x64xf32, #tpu.memory_space<vmem>>) target(%dma_start3A_320 : memref<10240x64xf32, #tpu.memory_space<vmem_shared>>) offsets(%dma_start3A_317 : memref<80xi32, #tpu.memory_space<vmem>>) semaphore(%run_scoped3A_314 : memref<!tpu.dma_semaphore, #tpu.memory_space<semaphore_mem>>) {add = true}
        %dma_wait3A_321 = arith.constant 0 : i32
        %dma_wait3A_322 = tpu.memref_slice %arg9[%add3A_235, %dma_wait3A_321] : memref<125x80xi32, #tpu.memory_space<vmem>> -> memref<1x80xi32, #tpu.memory_space<vmem>>
        %dma_wait3A_323 = tpu.memref_squeeze %dma_wait3A_322 : memref<1x80xi32, #tpu.memory_space<vmem>> -> memref<80xi32, #tpu.memory_space<vmem>>
        %dma_wait3A_324 = arith.constant 0 : i32
        %dma_wait3A_325 = arith.constant 0 : i32
        %dma_wait3A_326 = tpu.memref_slice %arg7[%dma_wait3A_324, %dma_wait3A_325] : memref<10240x64xf32, #tpu.memory_space<vmem_shared>> -> memref<10240x64xf32, #tpu.memory_space<vmem_shared>>
        tpu.wait_indirect_dma semaphore(%run_scoped3A_314 : memref<!tpu.dma_semaphore, #tpu.memory_space<semaphore_mem>>) src(%arg12 : memref<80x64xf32, #tpu.memory_space<vmem>>) dst(%dma_wait3A_326 : memref<10240x64xf32, #tpu.memory_space<vmem_shared>>)
        tpu.yield
      }) : () -> ()
      %add3A_242 = arith.constant 7 : i32
      %add3A_243 = arith.addi %add3A_235, %add3A_242 : i32
      %dma_start3A_244 = arith.constant 0 : i32
      %dma_start3A_245 = tpu.memref_slice %arg8[%add3A_243, %dma_start3A_244] : memref<125x80xi32, #tpu.memory_space<vmem>> -> memref<1x80xi32, #tpu.memory_space<vmem>>
      %dma_start3A_246 = tpu.memref_squeeze %dma_start3A_245 : memref<1x80xi32, #tpu.memory_space<vmem>> -> memref<80xi32, #tpu.memory_space<vmem>>
      %dma_start3A_247 = arith.constant 0 : i32
      %dma_start3A_248 = arith.constant 0 : i32
      %dma_start3A_249 = tpu.memref_slice %arg4[%dma_start3A_247, %dma_start3A_248] : memref<20000x64xf32, #tpu.memory_space<hbm>> -> memref<20000x64xf32, #tpu.memory_space<hbm>>
      tpu.enqueue_indirect_dma source(%dma_start3A_249 : memref<20000x64xf32, #tpu.memory_space<hbm>>) target(%arg12 : memref<80x64xf32, #tpu.memory_space<vmem>>) offsets(%dma_start3A_246 : memref<80xi32, #tpu.memory_space<vmem>>) semaphore(%arg19 : memref<!tpu.dma_semaphore, #tpu.memory_space<semaphore_mem>>)
      %add3A_250 = arith.constant 3 : i32
      %add3A_251 = arith.addi %add3A_201, %add3A_250 : i32
      %dma_wait3A_252 = arith.constant 0 : i32
      %dma_wait3A_253 = tpu.memref_slice %arg8[%add3A_251, %dma_wait3A_252] : memref<125x80xi32, #tpu.memory_space<vmem>> -> memref<1x80xi32, #tpu.memory_space<vmem>>
      %dma_wait3A_254 = tpu.memref_squeeze %dma_wait3A_253 : memref<1x80xi32, #tpu.memory_space<vmem>> -> memref<80xi32, #tpu.memory_space<vmem>>
      %dma_wait3A_255 = arith.constant 0 : i32
      %dma_wait3A_256 = arith.constant 0 : i32
      %dma_wait3A_257 = tpu.memref_slice %arg4[%dma_wait3A_255, %dma_wait3A_256] : memref<20000x64xf32, #tpu.memory_space<hbm>> -> memref<20000x64xf32, #tpu.memory_space<hbm>>
      tpu.wait_indirect_dma semaphore(%arg20 : memref<!tpu.dma_semaphore, #tpu.memory_space<semaphore_mem>>) src(%dma_wait3A_257 : memref<20000x64xf32, #tpu.memory_space<hbm>>) dst(%arg13 : memref<80x64xf32, #tpu.memory_space<vmem>>)
      "tpu.region"() ({
        %run_scoped3A_314 = tpu.sem_alloc : memref<!tpu.dma_semaphore, #tpu.memory_space<semaphore_mem>>
        %dma_start3A_315 = arith.constant 0 : i32
        %dma_start3A_316 = tpu.memref_slice %arg9[%add3A_251, %dma_start3A_315] : memref<125x80xi32, #tpu.memory_space<vmem>> -> memref<1x80xi32, #tpu.memory_space<vmem>>
        %dma_start3A_317 = tpu.memref_squeeze %dma_start3A_316 : memref<1x80xi32, #tpu.memory_space<vmem>> -> memref<80xi32, #tpu.memory_space<vmem>>
        %dma_start3A_318 = arith.constant 0 : i32
        %dma_start3A_319 = arith.constant 0 : i32
        %dma_start3A_320 = tpu.memref_slice %arg7[%dma_start3A_318, %dma_start3A_319] : memref<10240x64xf32, #tpu.memory_space<vmem_shared>> -> memref<10240x64xf32, #tpu.memory_space<vmem_shared>>
        tpu.enqueue_indirect_dma source(%arg13 : memref<80x64xf32, #tpu.memory_space<vmem>>) target(%dma_start3A_320 : memref<10240x64xf32, #tpu.memory_space<vmem_shared>>) offsets(%dma_start3A_317 : memref<80xi32, #tpu.memory_space<vmem>>) semaphore(%run_scoped3A_314 : memref<!tpu.dma_semaphore, #tpu.memory_space<semaphore_mem>>) {add = true}
        %dma_wait3A_321 = arith.constant 0 : i32
        %dma_wait3A_322 = tpu.memref_slice %arg9[%add3A_251, %dma_wait3A_321] : memref<125x80xi32, #tpu.memory_space<vmem>> -> memref<1x80xi32, #tpu.memory_space<vmem>>
        %dma_wait3A_323 = tpu.memref_squeeze %dma_wait3A_322 : memref<1x80xi32, #tpu.memory_space<vmem>> -> memref<80xi32, #tpu.memory_space<vmem>>
        %dma_wait3A_324 = arith.constant 0 : i32
        %dma_wait3A_325 = arith.constant 0 : i32
        %dma_wait3A_326 = tpu.memref_slice %arg7[%dma_wait3A_324, %dma_wait3A_325] : memref<10240x64xf32, #tpu.memory_space<vmem_shared>> -> memref<10240x64xf32, #tpu.memory_space<vmem_shared>>
        tpu.wait_indirect_dma semaphore(%run_scoped3A_314 : memref<!tpu.dma_semaphore, #tpu.memory_space<semaphore_mem>>) src(%arg13 : memref<80x64xf32, #tpu.memory_space<vmem>>) dst(%dma_wait3A_326 : memref<10240x64xf32, #tpu.memory_space<vmem_shared>>)
        tpu.yield
      }) : () -> ()
      %add3A_258 = arith.constant 7 : i32
      %add3A_259 = arith.addi %add3A_251, %add3A_258 : i32
      %dma_start3A_260 = arith.constant 0 : i32
      %dma_start3A_261 = tpu.memref_slice %arg8[%add3A_259, %dma_start3A_260] : memref<125x80xi32, #tpu.memory_space<vmem>> -> memref<1x80xi32, #tpu.memory_space<vmem>>
      %dma_start3A_262 = tpu.memref_squeeze %dma_start3A_261 : memref<1x80xi32, #tpu.memory_space<vmem>> -> memref<80xi32, #tpu.memory_space<vmem>>
      %dma_start3A_263 = arith.constant 0 : i32
      %dma_start3A_264 = arith.constant 0 : i32
      %dma_start3A_265 = tpu.memref_slice %arg4[%dma_start3A_263, %dma_start3A_264] : memref<20000x64xf32, #tpu.memory_space<hbm>> -> memref<20000x64xf32, #tpu.memory_space<hbm>>
      tpu.enqueue_indirect_dma source(%dma_start3A_265 : memref<20000x64xf32, #tpu.memory_space<hbm>>) target(%arg13 : memref<80x64xf32, #tpu.memory_space<vmem>>) offsets(%dma_start3A_262 : memref<80xi32, #tpu.memory_space<vmem>>) semaphore(%arg20 : memref<!tpu.dma_semaphore, #tpu.memory_space<semaphore_mem>>)
      %add3A_266 = arith.constant 4 : i32
      %add3A_267 = arith.addi %add3A_201, %add3A_266 : i32
      %dma_wait3A_268 = arith.constant 0 : i32
      %dma_wait3A_269 = tpu.memref_slice %arg8[%add3A_267, %dma_wait3A_268] : memref<125x80xi32, #tpu.memory_space<vmem>> -> memref<1x80xi32, #tpu.memory_space<vmem>>
      %dma_wait3A_270 = tpu.memref_squeeze %dma_wait3A_269 : memref<1x80xi32, #tpu.memory_space<vmem>> -> memref<80xi32, #tpu.memory_space<vmem>>
      %dma_wait3A_271 = arith.constant 0 : i32
      %dma_wait3A_272 = arith.constant 0 : i32
      %dma_wait3A_273 = tpu.memref_slice %arg4[%dma_wait3A_271, %dma_wait3A_272] : memref<20000x64xf32, #tpu.memory_space<hbm>> -> memref<20000x64xf32, #tpu.memory_space<hbm>>
      tpu.wait_indirect_dma semaphore(%arg21 : memref<!tpu.dma_semaphore, #tpu.memory_space<semaphore_mem>>) src(%dma_wait3A_273 : memref<20000x64xf32, #tpu.memory_space<hbm>>) dst(%arg14 : memref<80x64xf32, #tpu.memory_space<vmem>>)
      "tpu.region"() ({
        %run_scoped3A_314 = tpu.sem_alloc : memref<!tpu.dma_semaphore, #tpu.memory_space<semaphore_mem>>
        %dma_start3A_315 = arith.constant 0 : i32
        %dma_start3A_316 = tpu.memref_slice %arg9[%add3A_267, %dma_start3A_315] : memref<125x80xi32, #tpu.memory_space<vmem>> -> memref<1x80xi32, #tpu.memory_space<vmem>>
        %dma_start3A_317 = tpu.memref_squeeze %dma_start3A_316 : memref<1x80xi32, #tpu.memory_space<vmem>> -> memref<80xi32, #tpu.memory_space<vmem>>
        %dma_start3A_318 = arith.constant 0 : i32
        %dma_start3A_319 = arith.constant 0 : i32
        %dma_start3A_320 = tpu.memref_slice %arg7[%dma_start3A_318, %dma_start3A_319] : memref<10240x64xf32, #tpu.memory_space<vmem_shared>> -> memref<10240x64xf32, #tpu.memory_space<vmem_shared>>
        tpu.enqueue_indirect_dma source(%arg14 : memref<80x64xf32, #tpu.memory_space<vmem>>) target(%dma_start3A_320 : memref<10240x64xf32, #tpu.memory_space<vmem_shared>>) offsets(%dma_start3A_317 : memref<80xi32, #tpu.memory_space<vmem>>) semaphore(%run_scoped3A_314 : memref<!tpu.dma_semaphore, #tpu.memory_space<semaphore_mem>>) {add = true}
        %dma_wait3A_321 = arith.constant 0 : i32
        %dma_wait3A_322 = tpu.memref_slice %arg9[%add3A_267, %dma_wait3A_321] : memref<125x80xi32, #tpu.memory_space<vmem>> -> memref<1x80xi32, #tpu.memory_space<vmem>>
        %dma_wait3A_323 = tpu.memref_squeeze %dma_wait3A_322 : memref<1x80xi32, #tpu.memory_space<vmem>> -> memref<80xi32, #tpu.memory_space<vmem>>
        %dma_wait3A_324 = arith.constant 0 : i32
        %dma_wait3A_325 = arith.constant 0 : i32
        %dma_wait3A_326 = tpu.memref_slice %arg7[%dma_wait3A_324, %dma_wait3A_325] : memref<10240x64xf32, #tpu.memory_space<vmem_shared>> -> memref<10240x64xf32, #tpu.memory_space<vmem_shared>>
        tpu.wait_indirect_dma semaphore(%run_scoped3A_314 : memref<!tpu.dma_semaphore, #tpu.memory_space<semaphore_mem>>) src(%arg14 : memref<80x64xf32, #tpu.memory_space<vmem>>) dst(%dma_wait3A_326 : memref<10240x64xf32, #tpu.memory_space<vmem_shared>>)
        tpu.yield
      }) : () -> ()
      %add3A_274 = arith.constant 7 : i32
      %add3A_275 = arith.addi %add3A_267, %add3A_274 : i32
      %dma_start3A_276 = arith.constant 0 : i32
      %dma_start3A_277 = tpu.memref_slice %arg8[%add3A_275, %dma_start3A_276] : memref<125x80xi32, #tpu.memory_space<vmem>> -> memref<1x80xi32, #tpu.memory_space<vmem>>
      %dma_start3A_278 = tpu.memref_squeeze %dma_start3A_277 : memref<1x80xi32, #tpu.memory_space<vmem>> -> memref<80xi32, #tpu.memory_space<vmem>>
      %dma_start3A_279 = arith.constant 0 : i32
      %dma_start3A_280 = arith.constant 0 : i32
      %dma_start3A_281 = tpu.memref_slice %arg4[%dma_start3A_279, %dma_start3A_280] : memref<20000x64xf32, #tpu.memory_space<hbm>> -> memref<20000x64xf32, #tpu.memory_space<hbm>>
      tpu.enqueue_indirect_dma source(%dma_start3A_281 : memref<20000x64xf32, #tpu.memory_space<hbm>>) target(%arg14 : memref<80x64xf32, #tpu.memory_space<vmem>>) offsets(%dma_start3A_278 : memref<80xi32, #tpu.memory_space<vmem>>) semaphore(%arg21 : memref<!tpu.dma_semaphore, #tpu.memory_space<semaphore_mem>>)
      %add3A_282 = arith.constant 5 : i32
      %add3A_283 = arith.addi %add3A_201, %add3A_282 : i32
      %dma_wait3A_284 = arith.constant 0 : i32
      %dma_wait3A_285 = tpu.memref_slice %arg8[%add3A_283, %dma_wait3A_284] : memref<125x80xi32, #tpu.memory_space<vmem>> -> memref<1x80xi32, #tpu.memory_space<vmem>>
      %dma_wait3A_286 = tpu.memref_squeeze %dma_wait3A_285 : memref<1x80xi32, #tpu.memory_space<vmem>> -> memref<80xi32, #tpu.memory_space<vmem>>
      %dma_wait3A_287 = arith.constant 0 : i32
      %dma_wait3A_288 = arith.constant 0 : i32
      %dma_wait3A_289 = tpu.memref_slice %arg4[%dma_wait3A_287, %dma_wait3A_288] : memref<20000x64xf32, #tpu.memory_space<hbm>> -> memref<20000x64xf32, #tpu.memory_space<hbm>>
      tpu.wait_indirect_dma semaphore(%arg22 : memref<!tpu.dma_semaphore, #tpu.memory_space<semaphore_mem>>) src(%dma_wait3A_289 : memref<20000x64xf32, #tpu.memory_space<hbm>>) dst(%arg15 : memref<80x64xf32, #tpu.memory_space<vmem>>)
      "tpu.region"() ({
        %run_scoped3A_314 = tpu.sem_alloc : memref<!tpu.dma_semaphore, #tpu.memory_space<semaphore_mem>>
        %dma_start3A_315 = arith.constant 0 : i32
        %dma_start3A_316 = tpu.memref_slice %arg9[%add3A_283, %dma_start3A_315] : memref<125x80xi32, #tpu.memory_space<vmem>> -> memref<1x80xi32, #tpu.memory_space<vmem>>
        %dma_start3A_317 = tpu.memref_squeeze %dma_start3A_316 : memref<1x80xi32, #tpu.memory_space<vmem>> -> memref<80xi32, #tpu.memory_space<vmem>>
        %dma_start3A_318 = arith.constant 0 : i32
        %dma_start3A_319 = arith.constant 0 : i32
        %dma_start3A_320 = tpu.memref_slice %arg7[%dma_start3A_318, %dma_start3A_319] : memref<10240x64xf32, #tpu.memory_space<vmem_shared>> -> memref<10240x64xf32, #tpu.memory_space<vmem_shared>>
        tpu.enqueue_indirect_dma source(%arg15 : memref<80x64xf32, #tpu.memory_space<vmem>>) target(%dma_start3A_320 : memref<10240x64xf32, #tpu.memory_space<vmem_shared>>) offsets(%dma_start3A_317 : memref<80xi32, #tpu.memory_space<vmem>>) semaphore(%run_scoped3A_314 : memref<!tpu.dma_semaphore, #tpu.memory_space<semaphore_mem>>) {add = true}
        %dma_wait3A_321 = arith.constant 0 : i32
        %dma_wait3A_322 = tpu.memref_slice %arg9[%add3A_283, %dma_wait3A_321] : memref<125x80xi32, #tpu.memory_space<vmem>> -> memref<1x80xi32, #tpu.memory_space<vmem>>
        %dma_wait3A_323 = tpu.memref_squeeze %dma_wait3A_322 : memref<1x80xi32, #tpu.memory_space<vmem>> -> memref<80xi32, #tpu.memory_space<vmem>>
        %dma_wait3A_324 = arith.constant 0 : i32
        %dma_wait3A_325 = arith.constant 0 : i32
        %dma_wait3A_326 = tpu.memref_slice %arg7[%dma_wait3A_324, %dma_wait3A_325] : memref<10240x64xf32, #tpu.memory_space<vmem_shared>> -> memref<10240x64xf32, #tpu.memory_space<vmem_shared>>
        tpu.wait_indirect_dma semaphore(%run_scoped3A_314 : memref<!tpu.dma_semaphore, #tpu.memory_space<semaphore_mem>>) src(%arg15 : memref<80x64xf32, #tpu.memory_space<vmem>>) dst(%dma_wait3A_326 : memref<10240x64xf32, #tpu.memory_space<vmem_shared>>)
        tpu.yield
      }) : () -> ()
      %add3A_290 = arith.constant 7 : i32
      %add3A_291 = arith.addi %add3A_283, %add3A_290 : i32
      %dma_start3A_292 = arith.constant 0 : i32
      %dma_start3A_293 = tpu.memref_slice %arg8[%add3A_291, %dma_start3A_292] : memref<125x80xi32, #tpu.memory_space<vmem>> -> memref<1x80xi32, #tpu.memory_space<vmem>>
      %dma_start3A_294 = tpu.memref_squeeze %dma_start3A_293 : memref<1x80xi32, #tpu.memory_space<vmem>> -> memref<80xi32, #tpu.memory_space<vmem>>
      %dma_start3A_295 = arith.constant 0 : i32
      %dma_start3A_296 = arith.constant 0 : i32
      %dma_start3A_297 = tpu.memref_slice %arg4[%dma_start3A_295, %dma_start3A_296] : memref<20000x64xf32, #tpu.memory_space<hbm>> -> memref<20000x64xf32, #tpu.memory_space<hbm>>
      tpu.enqueue_indirect_dma source(%dma_start3A_297 : memref<20000x64xf32, #tpu.memory_space<hbm>>) target(%arg15 : memref<80x64xf32, #tpu.memory_space<vmem>>) offsets(%dma_start3A_294 : memref<80xi32, #tpu.memory_space<vmem>>) semaphore(%arg22 : memref<!tpu.dma_semaphore, #tpu.memory_space<semaphore_mem>>)
      %add3A_298 = arith.constant 6 : i32
      %add3A_299 = arith.addi %add3A_201, %add3A_298 : i32
      %dma_wait3A_300 = arith.constant 0 : i32
      %dma_wait3A_301 = tpu.memref_slice %arg8[%add3A_299, %dma_wait3A_300] : memref<125x80xi32, #tpu.memory_space<vmem>> -> memref<1x80xi32, #tpu.memory_space<vmem>>
      %dma_wait3A_302 = tpu.memref_squeeze %dma_wait3A_301 : memref<1x80xi32, #tpu.memory_space<vmem>> -> memref<80xi32, #tpu.memory_space<vmem>>
      %dma_wait3A_303 = arith.constant 0 : i32
      %dma_wait3A_304 = arith.constant 0 : i32
      %dma_wait3A_305 = tpu.memref_slice %arg4[%dma_wait3A_303, %dma_wait3A_304] : memref<20000x64xf32, #tpu.memory_space<hbm>> -> memref<20000x64xf32, #tpu.memory_space<hbm>>
      tpu.wait_indirect_dma semaphore(%arg23 : memref<!tpu.dma_semaphore, #tpu.memory_space<semaphore_mem>>) src(%dma_wait3A_305 : memref<20000x64xf32, #tpu.memory_space<hbm>>) dst(%arg16 : memref<80x64xf32, #tpu.memory_space<vmem>>)
      "tpu.region"() ({
        %run_scoped3A_314 = tpu.sem_alloc : memref<!tpu.dma_semaphore, #tpu.memory_space<semaphore_mem>>
        %dma_start3A_315 = arith.constant 0 : i32
        %dma_start3A_316 = tpu.memref_slice %arg9[%add3A_299, %dma_start3A_315] : memref<125x80xi32, #tpu.memory_space<vmem>> -> memref<1x80xi32, #tpu.memory_space<vmem>>
        %dma_start3A_317 = tpu.memref_squeeze %dma_start3A_316 : memref<1x80xi32, #tpu.memory_space<vmem>> -> memref<80xi32, #tpu.memory_space<vmem>>
        %dma_start3A_318 = arith.constant 0 : i32
        %dma_start3A_319 = arith.constant 0 : i32
        %dma_start3A_320 = tpu.memref_slice %arg7[%dma_start3A_318, %dma_start3A_319] : memref<10240x64xf32, #tpu.memory_space<vmem_shared>> -> memref<10240x64xf32, #tpu.memory_space<vmem_shared>>
        tpu.enqueue_indirect_dma source(%arg16 : memref<80x64xf32, #tpu.memory_space<vmem>>) target(%dma_start3A_320 : memref<10240x64xf32, #tpu.memory_space<vmem_shared>>) offsets(%dma_start3A_317 : memref<80xi32, #tpu.memory_space<vmem>>) semaphore(%run_scoped3A_314 : memref<!tpu.dma_semaphore, #tpu.memory_space<semaphore_mem>>) {add = true}
        %dma_wait3A_321 = arith.constant 0 : i32
        %dma_wait3A_322 = tpu.memref_slice %arg9[%add3A_299, %dma_wait3A_321] : memref<125x80xi32, #tpu.memory_space<vmem>> -> memref<1x80xi32, #tpu.memory_space<vmem>>
        %dma_wait3A_323 = tpu.memref_squeeze %dma_wait3A_322 : memref<1x80xi32, #tpu.memory_space<vmem>> -> memref<80xi32, #tpu.memory_space<vmem>>
        %dma_wait3A_324 = arith.constant 0 : i32
        %dma_wait3A_325 = arith.constant 0 : i32
        %dma_wait3A_326 = tpu.memref_slice %arg7[%dma_wait3A_324, %dma_wait3A_325] : memref<10240x64xf32, #tpu.memory_space<vmem_shared>> -> memref<10240x64xf32, #tpu.memory_space<vmem_shared>>
        tpu.wait_indirect_dma semaphore(%run_scoped3A_314 : memref<!tpu.dma_semaphore, #tpu.memory_space<semaphore_mem>>) src(%arg16 : memref<80x64xf32, #tpu.memory_space<vmem>>) dst(%dma_wait3A_326 : memref<10240x64xf32, #tpu.memory_space<vmem_shared>>)
        tpu.yield
      }) : () -> ()
      %add3A_306 = arith.constant 7 : i32
      %add3A_307 = arith.addi %add3A_299, %add3A_306 : i32
      %dma_start3A_308 = arith.constant 0 : i32
      %dma_start3A_309 = tpu.memref_slice %arg8[%add3A_307, %dma_start3A_308] : memref<125x80xi32, #tpu.memory_space<vmem>> -> memref<1x80xi32, #tpu.memory_space<vmem>>
      %dma_start3A_310 = tpu.memref_squeeze %dma_start3A_309 : memref<1x80xi32, #tpu.memory_space<vmem>> -> memref<80xi32, #tpu.memory_space<vmem>>
      %dma_start3A_311 = arith.constant 0 : i32
      %dma_start3A_312 = arith.constant 0 : i32
      %dma_start3A_313 = tpu.memref_slice %arg4[%dma_start3A_311, %dma_start3A_312] : memref<20000x64xf32, #tpu.memory_space<hbm>> -> memref<20000x64xf32, #tpu.memory_space<hbm>>
      tpu.enqueue_indirect_dma source(%dma_start3A_313 : memref<20000x64xf32, #tpu.memory_space<hbm>>) target(%arg16 : memref<80x64xf32, #tpu.memory_space<vmem>>) offsets(%dma_start3A_310 : memref<80xi32, #tpu.memory_space<vmem>>) semaphore(%arg23 : memref<!tpu.dma_semaphore, #tpu.memory_space<semaphore_mem>>)
    }
    %scan3A_52 = arith.constant 16 : i32
    %dma_wait3A = arith.constant 112 : i32
    %dma_wait3A_53 = arith.constant 0 : i32
    %dma_wait3A_54 = tpu.memref_slice %arg8[%dma_wait3A, %dma_wait3A_53] : memref<125x80xi32, #tpu.memory_space<vmem>> -> memref<1x80xi32, #tpu.memory_space<vmem>>
    %dma_wait3A_55 = tpu.memref_squeeze %dma_wait3A_54 : memref<1x80xi32, #tpu.memory_space<vmem>> -> memref<80xi32, #tpu.memory_space<vmem>>
    %dma_wait3A_56 = arith.constant 0 : i32
    %dma_wait3A_57 = arith.constant 0 : i32
    %dma_wait3A_58 = tpu.memref_slice %arg4[%dma_wait3A_56, %dma_wait3A_57] : memref<20000x64xf32, #tpu.memory_space<hbm>> -> memref<20000x64xf32, #tpu.memory_space<hbm>>
    tpu.wait_indirect_dma semaphore(%arg17 : memref<!tpu.dma_semaphore, #tpu.memory_space<semaphore_mem>>) src(%dma_wait3A_58 : memref<20000x64xf32, #tpu.memory_space<hbm>>) dst(%arg10 : memref<80x64xf32, #tpu.memory_space<vmem>>)
    %run_scoped3A = arith.constant 112 : i32
    "tpu.region"() ({
      %run_scoped3A_198 = tpu.sem_alloc : memref<!tpu.dma_semaphore, #tpu.memory_space<semaphore_mem>>
      %dma_start3A_199 = arith.constant 0 : i32
      %dma_start3A_200 = tpu.memref_slice %arg9[%run_scoped3A, %dma_start3A_199] : memref<125x80xi32, #tpu.memory_space<vmem>> -> memref<1x80xi32, #tpu.memory_space<vmem>>
      %dma_start3A_201 = tpu.memref_squeeze %dma_start3A_200 : memref<1x80xi32, #tpu.memory_space<vmem>> -> memref<80xi32, #tpu.memory_space<vmem>>
      %dma_start3A_202 = arith.constant 0 : i32
      %dma_start3A_203 = arith.constant 0 : i32
      %dma_start3A_204 = tpu.memref_slice %arg7[%dma_start3A_202, %dma_start3A_203] : memref<10240x64xf32, #tpu.memory_space<vmem_shared>> -> memref<10240x64xf32, #tpu.memory_space<vmem_shared>>
      tpu.enqueue_indirect_dma source(%arg10 : memref<80x64xf32, #tpu.memory_space<vmem>>) target(%dma_start3A_204 : memref<10240x64xf32, #tpu.memory_space<vmem_shared>>) offsets(%dma_start3A_201 : memref<80xi32, #tpu.memory_space<vmem>>) semaphore(%run_scoped3A_198 : memref<!tpu.dma_semaphore, #tpu.memory_space<semaphore_mem>>) {add = true}
      %dma_wait3A_205 = arith.constant 0 : i32
      %dma_wait3A_206 = tpu.memref_slice %arg9[%run_scoped3A, %dma_wait3A_205] : memref<125x80xi32, #tpu.memory_space<vmem>> -> memref<1x80xi32, #tpu.memory_space<vmem>>
      %dma_wait3A_207 = tpu.memref_squeeze %dma_wait3A_206 : memref<1x80xi32, #tpu.memory_space<vmem>> -> memref<80xi32, #tpu.memory_space<vmem>>
      %dma_wait3A_208 = arith.constant 0 : i32
      %dma_wait3A_209 = arith.constant 0 : i32
      %dma_wait3A_210 = tpu.memref_slice %arg7[%dma_wait3A_208, %dma_wait3A_209] : memref<10240x64xf32, #tpu.memory_space<vmem_shared>> -> memref<10240x64xf32, #tpu.memory_space<vmem_shared>>
      tpu.wait_indirect_dma semaphore(%run_scoped3A_198 : memref<!tpu.dma_semaphore, #tpu.memory_space<semaphore_mem>>) src(%arg10 : memref<80x64xf32, #tpu.memory_space<vmem>>) dst(%dma_wait3A_210 : memref<10240x64xf32, #tpu.memory_space<vmem_shared>>)
      tpu.yield
    }) : () -> ()
    %dma_start3A_59 = arith.constant 119 : i32
    %dma_start3A_60 = arith.constant 0 : i32
    %dma_start3A_61 = tpu.memref_slice %arg8[%dma_start3A_59, %dma_start3A_60] : memref<125x80xi32, #tpu.memory_space<vmem>> -> memref<1x80xi32, #tpu.memory_space<vmem>>
    %dma_start3A_62 = tpu.memref_squeeze %dma_start3A_61 : memref<1x80xi32, #tpu.memory_space<vmem>> -> memref<80xi32, #tpu.memory_space<vmem>>
    %dma_start3A_63 = arith.constant 0 : i32
    %dma_start3A_64 = arith.constant 0 : i32
    %dma_start3A_65 = tpu.memref_slice %arg4[%dma_start3A_63, %dma_start3A_64] : memref<20000x64xf32, #tpu.memory_space<hbm>> -> memref<20000x64xf32, #tpu.memory_space<hbm>>
    tpu.enqueue_indirect_dma source(%dma_start3A_65 : memref<20000x64xf32, #tpu.memory_space<hbm>>) target(%arg10 : memref<80x64xf32, #tpu.memory_space<vmem>>) offsets(%dma_start3A_62 : memref<80xi32, #tpu.memory_space<vmem>>) semaphore(%arg17 : memref<!tpu.dma_semaphore, #tpu.memory_space<semaphore_mem>>)
    %dma_wait3A_66 = arith.constant 113 : i32
    %dma_wait3A_67 = arith.constant 0 : i32
    %dma_wait3A_68 = tpu.memref_slice %arg8[%dma_wait3A_66, %dma_wait3A_67] : memref<125x80xi32, #tpu.memory_space<vmem>> -> memref<1x80xi32, #tpu.memory_space<vmem>>
    %dma_wait3A_69 = tpu.memref_squeeze %dma_wait3A_68 : memref<1x80xi32, #tpu.memory_space<vmem>> -> memref<80xi32, #tpu.memory_space<vmem>>
    %dma_wait3A_70 = arith.constant 0 : i32
    %dma_wait3A_71 = arith.constant 0 : i32
    %dma_wait3A_72 = tpu.memref_slice %arg4[%dma_wait3A_70, %dma_wait3A_71] : memref<20000x64xf32, #tpu.memory_space<hbm>> -> memref<20000x64xf32, #tpu.memory_space<hbm>>
    tpu.wait_indirect_dma semaphore(%arg18 : memref<!tpu.dma_semaphore, #tpu.memory_space<semaphore_mem>>) src(%dma_wait3A_72 : memref<20000x64xf32, #tpu.memory_space<hbm>>) dst(%arg11 : memref<80x64xf32, #tpu.memory_space<vmem>>)
    %run_scoped3A_73 = arith.constant 113 : i32
    "tpu.region"() ({
      %run_scoped3A_198 = tpu.sem_alloc : memref<!tpu.dma_semaphore, #tpu.memory_space<semaphore_mem>>
      %dma_start3A_199 = arith.constant 0 : i32
      %dma_start3A_200 = tpu.memref_slice %arg9[%run_scoped3A_73, %dma_start3A_199] : memref<125x80xi32, #tpu.memory_space<vmem>> -> memref<1x80xi32, #tpu.memory_space<vmem>>
      %dma_start3A_201 = tpu.memref_squeeze %dma_start3A_200 : memref<1x80xi32, #tpu.memory_space<vmem>> -> memref<80xi32, #tpu.memory_space<vmem>>
      %dma_start3A_202 = arith.constant 0 : i32
      %dma_start3A_203 = arith.constant 0 : i32
      %dma_start3A_204 = tpu.memref_slice %arg7[%dma_start3A_202, %dma_start3A_203] : memref<10240x64xf32, #tpu.memory_space<vmem_shared>> -> memref<10240x64xf32, #tpu.memory_space<vmem_shared>>
      tpu.enqueue_indirect_dma source(%arg11 : memref<80x64xf32, #tpu.memory_space<vmem>>) target(%dma_start3A_204 : memref<10240x64xf32, #tpu.memory_space<vmem_shared>>) offsets(%dma_start3A_201 : memref<80xi32, #tpu.memory_space<vmem>>) semaphore(%run_scoped3A_198 : memref<!tpu.dma_semaphore, #tpu.memory_space<semaphore_mem>>) {add = true}
      %dma_wait3A_205 = arith.constant 0 : i32
      %dma_wait3A_206 = tpu.memref_slice %arg9[%run_scoped3A_73, %dma_wait3A_205] : memref<125x80xi32, #tpu.memory_space<vmem>> -> memref<1x80xi32, #tpu.memory_space<vmem>>
      %dma_wait3A_207 = tpu.memref_squeeze %dma_wait3A_206 : memref<1x80xi32, #tpu.memory_space<vmem>> -> memref<80xi32, #tpu.memory_space<vmem>>
      %dma_wait3A_208 = arith.constant 0 : i32
      %dma_wait3A_209 = arith.constant 0 : i32
      %dma_wait3A_210 = tpu.memref_slice %arg7[%dma_wait3A_208, %dma_wait3A_209] : memref<10240x64xf32, #tpu.memory_space<vmem_shared>> -> memref<10240x64xf32, #tpu.memory_space<vmem_shared>>
      tpu.wait_indirect_dma semaphore(%run_scoped3A_198 : memref<!tpu.dma_semaphore, #tpu.memory_space<semaphore_mem>>) src(%arg11 : memref<80x64xf32, #tpu.memory_space<vmem>>) dst(%dma_wait3A_210 : memref<10240x64xf32, #tpu.memory_space<vmem_shared>>)
      tpu.yield
    }) : () -> ()
    %dma_start3A_74 = arith.constant 120 : i32
    %dma_start3A_75 = arith.constant 0 : i32
    %dma_start3A_76 = tpu.memref_slice %arg8[%dma_start3A_74, %dma_start3A_75] : memref<125x80xi32, #tpu.memory_space<vmem>> -> memref<1x80xi32, #tpu.memory_space<vmem>>
    %dma_start3A_77 = tpu.memref_squeeze %dma_start3A_76 : memref<1x80xi32, #tpu.memory_space<vmem>> -> memref<80xi32, #tpu.memory_space<vmem>>
    %dma_start3A_78 = arith.constant 0 : i32
    %dma_start3A_79 = arith.constant 0 : i32
    %dma_start3A_80 = tpu.memref_slice %arg4[%dma_start3A_78, %dma_start3A_79] : memref<20000x64xf32, #tpu.memory_space<hbm>> -> memref<20000x64xf32, #tpu.memory_space<hbm>>
    tpu.enqueue_indirect_dma source(%dma_start3A_80 : memref<20000x64xf32, #tpu.memory_space<hbm>>) target(%arg11 : memref<80x64xf32, #tpu.memory_space<vmem>>) offsets(%dma_start3A_77 : memref<80xi32, #tpu.memory_space<vmem>>) semaphore(%arg18 : memref<!tpu.dma_semaphore, #tpu.memory_space<semaphore_mem>>)
    %dma_wait3A_81 = arith.constant 114 : i32
    %dma_wait3A_82 = arith.constant 0 : i32
    %dma_wait3A_83 = tpu.memref_slice %arg8[%dma_wait3A_81, %dma_wait3A_82] : memref<125x80xi32, #tpu.memory_space<vmem>> -> memref<1x80xi32, #tpu.memory_space<vmem>>
    %dma_wait3A_84 = tpu.memref_squeeze %dma_wait3A_83 : memref<1x80xi32, #tpu.memory_space<vmem>> -> memref<80xi32, #tpu.memory_space<vmem>>
    %dma_wait3A_85 = arith.constant 0 : i32
    %dma_wait3A_86 = arith.constant 0 : i32
    %dma_wait3A_87 = tpu.memref_slice %arg4[%dma_wait3A_85, %dma_wait3A_86] : memref<20000x64xf32, #tpu.memory_space<hbm>> -> memref<20000x64xf32, #tpu.memory_space<hbm>>
    tpu.wait_indirect_dma semaphore(%arg19 : memref<!tpu.dma_semaphore, #tpu.memory_space<semaphore_mem>>) src(%dma_wait3A_87 : memref<20000x64xf32, #tpu.memory_space<hbm>>) dst(%arg12 : memref<80x64xf32, #tpu.memory_space<vmem>>)
    %run_scoped3A_88 = arith.constant 114 : i32
    "tpu.region"() ({
      %run_scoped3A_198 = tpu.sem_alloc : memref<!tpu.dma_semaphore, #tpu.memory_space<semaphore_mem>>
      %dma_start3A_199 = arith.constant 0 : i32
      %dma_start3A_200 = tpu.memref_slice %arg9[%run_scoped3A_88, %dma_start3A_199] : memref<125x80xi32, #tpu.memory_space<vmem>> -> memref<1x80xi32, #tpu.memory_space<vmem>>
      %dma_start3A_201 = tpu.memref_squeeze %dma_start3A_200 : memref<1x80xi32, #tpu.memory_space<vmem>> -> memref<80xi32, #tpu.memory_space<vmem>>
      %dma_start3A_202 = arith.constant 0 : i32
      %dma_start3A_203 = arith.constant 0 : i32
      %dma_start3A_204 = tpu.memref_slice %arg7[%dma_start3A_202, %dma_start3A_203] : memref<10240x64xf32, #tpu.memory_space<vmem_shared>> -> memref<10240x64xf32, #tpu.memory_space<vmem_shared>>
      tpu.enqueue_indirect_dma source(%arg12 : memref<80x64xf32, #tpu.memory_space<vmem>>) target(%dma_start3A_204 : memref<10240x64xf32, #tpu.memory_space<vmem_shared>>) offsets(%dma_start3A_201 : memref<80xi32, #tpu.memory_space<vmem>>) semaphore(%run_scoped3A_198 : memref<!tpu.dma_semaphore, #tpu.memory_space<semaphore_mem>>) {add = true}
      %dma_wait3A_205 = arith.constant 0 : i32
      %dma_wait3A_206 = tpu.memref_slice %arg9[%run_scoped3A_88, %dma_wait3A_205] : memref<125x80xi32, #tpu.memory_space<vmem>> -> memref<1x80xi32, #tpu.memory_space<vmem>>
      %dma_wait3A_207 = tpu.memref_squeeze %dma_wait3A_206 : memref<1x80xi32, #tpu.memory_space<vmem>> -> memref<80xi32, #tpu.memory_space<vmem>>
      %dma_wait3A_208 = arith.constant 0 : i32
      %dma_wait3A_209 = arith.constant 0 : i32
      %dma_wait3A_210 = tpu.memref_slice %arg7[%dma_wait3A_208, %dma_wait3A_209] : memref<10240x64xf32, #tpu.memory_space<vmem_shared>> -> memref<10240x64xf32, #tpu.memory_space<vmem_shared>>
      tpu.wait_indirect_dma semaphore(%run_scoped3A_198 : memref<!tpu.dma_semaphore, #tpu.memory_space<semaphore_mem>>) src(%arg12 : memref<80x64xf32, #tpu.memory_space<vmem>>) dst(%dma_wait3A_210 : memref<10240x64xf32, #tpu.memory_space<vmem_shared>>)
      tpu.yield
    }) : () -> ()
    %dma_start3A_89 = arith.constant 121 : i32
    %dma_start3A_90 = arith.constant 0 : i32
    %dma_start3A_91 = tpu.memref_slice %arg8[%dma_start3A_89, %dma_start3A_90] : memref<125x80xi32, #tpu.memory_space<vmem>> -> memref<1x80xi32, #tpu.memory_space<vmem>>
    %dma_start3A_92 = tpu.memref_squeeze %dma_start3A_91 : memref<1x80xi32, #tpu.memory_space<vmem>> -> memref<80xi32, #tpu.memory_space<vmem>>
    %dma_start3A_93 = arith.constant 0 : i32
    %dma_start3A_94 = arith.constant 0 : i32
    %dma_start3A_95 = tpu.memref_slice %arg4[%dma_start3A_93, %dma_start3A_94] : memref<20000x64xf32, #tpu.memory_space<hbm>> -> memref<20000x64xf32, #tpu.memory_space<hbm>>
    tpu.enqueue_indirect_dma source(%dma_start3A_95 : memref<20000x64xf32, #tpu.memory_space<hbm>>) target(%arg12 : memref<80x64xf32, #tpu.memory_space<vmem>>) offsets(%dma_start3A_92 : memref<80xi32, #tpu.memory_space<vmem>>) semaphore(%arg19 : memref<!tpu.dma_semaphore, #tpu.memory_space<semaphore_mem>>)
    %dma_wait3A_96 = arith.constant 115 : i32
    %dma_wait3A_97 = arith.constant 0 : i32
    %dma_wait3A_98 = tpu.memref_slice %arg8[%dma_wait3A_96, %dma_wait3A_97] : memref<125x80xi32, #tpu.memory_space<vmem>> -> memref<1x80xi32, #tpu.memory_space<vmem>>
    %dma_wait3A_99 = tpu.memref_squeeze %dma_wait3A_98 : memref<1x80xi32, #tpu.memory_space<vmem>> -> memref<80xi32, #tpu.memory_space<vmem>>
    %dma_wait3A_100 = arith.constant 0 : i32
    %dma_wait3A_101 = arith.constant 0 : i32
    %dma_wait3A_102 = tpu.memref_slice %arg4[%dma_wait3A_100, %dma_wait3A_101] : memref<20000x64xf32, #tpu.memory_space<hbm>> -> memref<20000x64xf32, #tpu.memory_space<hbm>>
    tpu.wait_indirect_dma semaphore(%arg20 : memref<!tpu.dma_semaphore, #tpu.memory_space<semaphore_mem>>) src(%dma_wait3A_102 : memref<20000x64xf32, #tpu.memory_space<hbm>>) dst(%arg13 : memref<80x64xf32, #tpu.memory_space<vmem>>)
    %run_scoped3A_103 = arith.constant 115 : i32
    "tpu.region"() ({
      %run_scoped3A_198 = tpu.sem_alloc : memref<!tpu.dma_semaphore, #tpu.memory_space<semaphore_mem>>
      %dma_start3A_199 = arith.constant 0 : i32
      %dma_start3A_200 = tpu.memref_slice %arg9[%run_scoped3A_103, %dma_start3A_199] : memref<125x80xi32, #tpu.memory_space<vmem>> -> memref<1x80xi32, #tpu.memory_space<vmem>>
      %dma_start3A_201 = tpu.memref_squeeze %dma_start3A_200 : memref<1x80xi32, #tpu.memory_space<vmem>> -> memref<80xi32, #tpu.memory_space<vmem>>
      %dma_start3A_202 = arith.constant 0 : i32
      %dma_start3A_203 = arith.constant 0 : i32
      %dma_start3A_204 = tpu.memref_slice %arg7[%dma_start3A_202, %dma_start3A_203] : memref<10240x64xf32, #tpu.memory_space<vmem_shared>> -> memref<10240x64xf32, #tpu.memory_space<vmem_shared>>
      tpu.enqueue_indirect_dma source(%arg13 : memref<80x64xf32, #tpu.memory_space<vmem>>) target(%dma_start3A_204 : memref<10240x64xf32, #tpu.memory_space<vmem_shared>>) offsets(%dma_start3A_201 : memref<80xi32, #tpu.memory_space<vmem>>) semaphore(%run_scoped3A_198 : memref<!tpu.dma_semaphore, #tpu.memory_space<semaphore_mem>>) {add = true}
      %dma_wait3A_205 = arith.constant 0 : i32
      %dma_wait3A_206 = tpu.memref_slice %arg9[%run_scoped3A_103, %dma_wait3A_205] : memref<125x80xi32, #tpu.memory_space<vmem>> -> memref<1x80xi32, #tpu.memory_space<vmem>>
      %dma_wait3A_207 = tpu.memref_squeeze %dma_wait3A_206 : memref<1x80xi32, #tpu.memory_space<vmem>> -> memref<80xi32, #tpu.memory_space<vmem>>
      %dma_wait3A_208 = arith.constant 0 : i32
      %dma_wait3A_209 = arith.constant 0 : i32
      %dma_wait3A_210 = tpu.memref_slice %arg7[%dma_wait3A_208, %dma_wait3A_209] : memref<10240x64xf32, #tpu.memory_space<vmem_shared>> -> memref<10240x64xf32, #tpu.memory_space<vmem_shared>>
      tpu.wait_indirect_dma semaphore(%run_scoped3A_198 : memref<!tpu.dma_semaphore, #tpu.memory_space<semaphore_mem>>) src(%arg13 : memref<80x64xf32, #tpu.memory_space<vmem>>) dst(%dma_wait3A_210 : memref<10240x64xf32, #tpu.memory_space<vmem_shared>>)
      tpu.yield
    }) : () -> ()
    %dma_start3A_104 = arith.constant 122 : i32
    %dma_start3A_105 = arith.constant 0 : i32
    %dma_start3A_106 = tpu.memref_slice %arg8[%dma_start3A_104, %dma_start3A_105] : memref<125x80xi32, #tpu.memory_space<vmem>> -> memref<1x80xi32, #tpu.memory_space<vmem>>
    %dma_start3A_107 = tpu.memref_squeeze %dma_start3A_106 : memref<1x80xi32, #tpu.memory_space<vmem>> -> memref<80xi32, #tpu.memory_space<vmem>>
    %dma_start3A_108 = arith.constant 0 : i32
    %dma_start3A_109 = arith.constant 0 : i32
    %dma_start3A_110 = tpu.memref_slice %arg4[%dma_start3A_108, %dma_start3A_109] : memref<20000x64xf32, #tpu.memory_space<hbm>> -> memref<20000x64xf32, #tpu.memory_space<hbm>>
    tpu.enqueue_indirect_dma source(%dma_start3A_110 : memref<20000x64xf32, #tpu.memory_space<hbm>>) target(%arg13 : memref<80x64xf32, #tpu.memory_space<vmem>>) offsets(%dma_start3A_107 : memref<80xi32, #tpu.memory_space<vmem>>) semaphore(%arg20 : memref<!tpu.dma_semaphore, #tpu.memory_space<semaphore_mem>>)
    %dma_wait3A_111 = arith.constant 116 : i32
    %dma_wait3A_112 = arith.constant 0 : i32
    %dma_wait3A_113 = tpu.memref_slice %arg8[%dma_wait3A_111, %dma_wait3A_112] : memref<125x80xi32, #tpu.memory_space<vmem>> -> memref<1x80xi32, #tpu.memory_space<vmem>>
    %dma_wait3A_114 = tpu.memref_squeeze %dma_wait3A_113 : memref<1x80xi32, #tpu.memory_space<vmem>> -> memref<80xi32, #tpu.memory_space<vmem>>
    %dma_wait3A_115 = arith.constant 0 : i32
    %dma_wait3A_116 = arith.constant 0 : i32
    %dma_wait3A_117 = tpu.memref_slice %arg4[%dma_wait3A_115, %dma_wait3A_116] : memref<20000x64xf32, #tpu.memory_space<hbm>> -> memref<20000x64xf32, #tpu.memory_space<hbm>>
    tpu.wait_indirect_dma semaphore(%arg21 : memref<!tpu.dma_semaphore, #tpu.memory_space<semaphore_mem>>) src(%dma_wait3A_117 : memref<20000x64xf32, #tpu.memory_space<hbm>>) dst(%arg14 : memref<80x64xf32, #tpu.memory_space<vmem>>)
    %run_scoped3A_118 = arith.constant 116 : i32
    "tpu.region"() ({
      %run_scoped3A_198 = tpu.sem_alloc : memref<!tpu.dma_semaphore, #tpu.memory_space<semaphore_mem>>
      %dma_start3A_199 = arith.constant 0 : i32
      %dma_start3A_200 = tpu.memref_slice %arg9[%run_scoped3A_118, %dma_start3A_199] : memref<125x80xi32, #tpu.memory_space<vmem>> -> memref<1x80xi32, #tpu.memory_space<vmem>>
      %dma_start3A_201 = tpu.memref_squeeze %dma_start3A_200 : memref<1x80xi32, #tpu.memory_space<vmem>> -> memref<80xi32, #tpu.memory_space<vmem>>
      %dma_start3A_202 = arith.constant 0 : i32
      %dma_start3A_203 = arith.constant 0 : i32
      %dma_start3A_204 = tpu.memref_slice %arg7[%dma_start3A_202, %dma_start3A_203] : memref<10240x64xf32, #tpu.memory_space<vmem_shared>> -> memref<10240x64xf32, #tpu.memory_space<vmem_shared>>
      tpu.enqueue_indirect_dma source(%arg14 : memref<80x64xf32, #tpu.memory_space<vmem>>) target(%dma_start3A_204 : memref<10240x64xf32, #tpu.memory_space<vmem_shared>>) offsets(%dma_start3A_201 : memref<80xi32, #tpu.memory_space<vmem>>) semaphore(%run_scoped3A_198 : memref<!tpu.dma_semaphore, #tpu.memory_space<semaphore_mem>>) {add = true}
      %dma_wait3A_205 = arith.constant 0 : i32
      %dma_wait3A_206 = tpu.memref_slice %arg9[%run_scoped3A_118, %dma_wait3A_205] : memref<125x80xi32, #tpu.memory_space<vmem>> -> memref<1x80xi32, #tpu.memory_space<vmem>>
      %dma_wait3A_207 = tpu.memref_squeeze %dma_wait3A_206 : memref<1x80xi32, #tpu.memory_space<vmem>> -> memref<80xi32, #tpu.memory_space<vmem>>
      %dma_wait3A_208 = arith.constant 0 : i32
      %dma_wait3A_209 = arith.constant 0 : i32
      %dma_wait3A_210 = tpu.memref_slice %arg7[%dma_wait3A_208, %dma_wait3A_209] : memref<10240x64xf32, #tpu.memory_space<vmem_shared>> -> memref<10240x64xf32, #tpu.memory_space<vmem_shared>>
      tpu.wait_indirect_dma semaphore(%run_scoped3A_198 : memref<!tpu.dma_semaphore, #tpu.memory_space<semaphore_mem>>) src(%arg14 : memref<80x64xf32, #tpu.memory_space<vmem>>) dst(%dma_wait3A_210 : memref<10240x64xf32, #tpu.memory_space<vmem_shared>>)
      tpu.yield
    }) : () -> ()
    %dma_start3A_119 = arith.constant 123 : i32
    %dma_start3A_120 = arith.constant 0 : i32
    %dma_start3A_121 = tpu.memref_slice %arg8[%dma_start3A_119, %dma_start3A_120] : memref<125x80xi32, #tpu.memory_space<vmem>> -> memref<1x80xi32, #tpu.memory_space<vmem>>
    %dma_start3A_122 = tpu.memref_squeeze %dma_start3A_121 : memref<1x80xi32, #tpu.memory_space<vmem>> -> memref<80xi32, #tpu.memory_space<vmem>>
    %dma_start3A_123 = arith.constant 0 : i32
    %dma_start3A_124 = arith.constant 0 : i32
    %dma_start3A_125 = tpu.memref_slice %arg4[%dma_start3A_123, %dma_start3A_124] : memref<20000x64xf32, #tpu.memory_space<hbm>> -> memref<20000x64xf32, #tpu.memory_space<hbm>>
    tpu.enqueue_indirect_dma source(%dma_start3A_125 : memref<20000x64xf32, #tpu.memory_space<hbm>>) target(%arg14 : memref<80x64xf32, #tpu.memory_space<vmem>>) offsets(%dma_start3A_122 : memref<80xi32, #tpu.memory_space<vmem>>) semaphore(%arg21 : memref<!tpu.dma_semaphore, #tpu.memory_space<semaphore_mem>>)
    %dma_wait3A_126 = arith.constant 117 : i32
    %dma_wait3A_127 = arith.constant 0 : i32
    %dma_wait3A_128 = tpu.memref_slice %arg8[%dma_wait3A_126, %dma_wait3A_127] : memref<125x80xi32, #tpu.memory_space<vmem>> -> memref<1x80xi32, #tpu.memory_space<vmem>>
    %dma_wait3A_129 = tpu.memref_squeeze %dma_wait3A_128 : memref<1x80xi32, #tpu.memory_space<vmem>> -> memref<80xi32, #tpu.memory_space<vmem>>
    %dma_wait3A_130 = arith.constant 0 : i32
    %dma_wait3A_131 = arith.constant 0 : i32
    %dma_wait3A_132 = tpu.memref_slice %arg4[%dma_wait3A_130, %dma_wait3A_131] : memref<20000x64xf32, #tpu.memory_space<hbm>> -> memref<20000x64xf32, #tpu.memory_space<hbm>>
    tpu.wait_indirect_dma semaphore(%arg22 : memref<!tpu.dma_semaphore, #tpu.memory_space<semaphore_mem>>) src(%dma_wait3A_132 : memref<20000x64xf32, #tpu.memory_space<hbm>>) dst(%arg15 : memref<80x64xf32, #tpu.memory_space<vmem>>)
    %run_scoped3A_133 = arith.constant 117 : i32
    "tpu.region"() ({
      %run_scoped3A_198 = tpu.sem_alloc : memref<!tpu.dma_semaphore, #tpu.memory_space<semaphore_mem>>
      %dma_start3A_199 = arith.constant 0 : i32
      %dma_start3A_200 = tpu.memref_slice %arg9[%run_scoped3A_133, %dma_start3A_199] : memref<125x80xi32, #tpu.memory_space<vmem>> -> memref<1x80xi32, #tpu.memory_space<vmem>>
      %dma_start3A_201 = tpu.memref_squeeze %dma_start3A_200 : memref<1x80xi32, #tpu.memory_space<vmem>> -> memref<80xi32, #tpu.memory_space<vmem>>
      %dma_start3A_202 = arith.constant 0 : i32
      %dma_start3A_203 = arith.constant 0 : i32
      %dma_start3A_204 = tpu.memref_slice %arg7[%dma_start3A_202, %dma_start3A_203] : memref<10240x64xf32, #tpu.memory_space<vmem_shared>> -> memref<10240x64xf32, #tpu.memory_space<vmem_shared>>
      tpu.enqueue_indirect_dma source(%arg15 : memref<80x64xf32, #tpu.memory_space<vmem>>) target(%dma_start3A_204 : memref<10240x64xf32, #tpu.memory_space<vmem_shared>>) offsets(%dma_start3A_201 : memref<80xi32, #tpu.memory_space<vmem>>) semaphore(%run_scoped3A_198 : memref<!tpu.dma_semaphore, #tpu.memory_space<semaphore_mem>>) {add = true}
      %dma_wait3A_205 = arith.constant 0 : i32
      %dma_wait3A_206 = tpu.memref_slice %arg9[%run_scoped3A_133, %dma_wait3A_205] : memref<125x80xi32, #tpu.memory_space<vmem>> -> memref<1x80xi32, #tpu.memory_space<vmem>>
      %dma_wait3A_207 = tpu.memref_squeeze %dma_wait3A_206 : memref<1x80xi32, #tpu.memory_space<vmem>> -> memref<80xi32, #tpu.memory_space<vmem>>
      %dma_wait3A_208 = arith.constant 0 : i32
      %dma_wait3A_209 = arith.constant 0 : i32
      %dma_wait3A_210 = tpu.memref_slice %arg7[%dma_wait3A_208, %dma_wait3A_209] : memref<10240x64xf32, #tpu.memory_space<vmem_shared>> -> memref<10240x64xf32, #tpu.memory_space<vmem_shared>>
      tpu.wait_indirect_dma semaphore(%run_scoped3A_198 : memref<!tpu.dma_semaphore, #tpu.memory_space<semaphore_mem>>) src(%arg15 : memref<80x64xf32, #tpu.memory_space<vmem>>) dst(%dma_wait3A_210 : memref<10240x64xf32, #tpu.memory_space<vmem_shared>>)
      tpu.yield
    }) : () -> ()
    %dma_start3A_134 = arith.constant 124 : i32
    %dma_start3A_135 = arith.constant 0 : i32
    %dma_start3A_136 = tpu.memref_slice %arg8[%dma_start3A_134, %dma_start3A_135] : memref<125x80xi32, #tpu.memory_space<vmem>> -> memref<1x80xi32, #tpu.memory_space<vmem>>
    %dma_start3A_137 = tpu.memref_squeeze %dma_start3A_136 : memref<1x80xi32, #tpu.memory_space<vmem>> -> memref<80xi32, #tpu.memory_space<vmem>>
    %dma_start3A_138 = arith.constant 0 : i32
    %dma_start3A_139 = arith.constant 0 : i32
    %dma_start3A_140 = tpu.memref_slice %arg4[%dma_start3A_138, %dma_start3A_139] : memref<20000x64xf32, #tpu.memory_space<hbm>> -> memref<20000x64xf32, #tpu.memory_space<hbm>>
    tpu.enqueue_indirect_dma source(%dma_start3A_140 : memref<20000x64xf32, #tpu.memory_space<hbm>>) target(%arg15 : memref<80x64xf32, #tpu.memory_space<vmem>>) offsets(%dma_start3A_137 : memref<80xi32, #tpu.memory_space<vmem>>) semaphore(%arg22 : memref<!tpu.dma_semaphore, #tpu.memory_space<semaphore_mem>>)
    %dma_wait3A_141 = arith.constant 118 : i32
    %dma_wait3A_142 = arith.constant 0 : i32
    %dma_wait3A_143 = tpu.memref_slice %arg8[%dma_wait3A_141, %dma_wait3A_142] : memref<125x80xi32, #tpu.memory_space<vmem>> -> memref<1x80xi32, #tpu.memory_space<vmem>>
    %dma_wait3A_144 = tpu.memref_squeeze %dma_wait3A_143 : memref<1x80xi32, #tpu.memory_space<vmem>> -> memref<80xi32, #tpu.memory_space<vmem>>
    %dma_wait3A_145 = arith.constant 0 : i32
    %dma_wait3A_146 = arith.constant 0 : i32
    %dma_wait3A_147 = tpu.memref_slice %arg4[%dma_wait3A_145, %dma_wait3A_146] : memref<20000x64xf32, #tpu.memory_space<hbm>> -> memref<20000x64xf32, #tpu.memory_space<hbm>>
    tpu.wait_indirect_dma semaphore(%arg23 : memref<!tpu.dma_semaphore, #tpu.memory_space<semaphore_mem>>) src(%dma_wait3A_147 : memref<20000x64xf32, #tpu.memory_space<hbm>>) dst(%arg16 : memref<80x64xf32, #tpu.memory_space<vmem>>)
    %run_scoped3A_148 = arith.constant 118 : i32
    "tpu.region"() ({
      %run_scoped3A_198 = tpu.sem_alloc : memref<!tpu.dma_semaphore, #tpu.memory_space<semaphore_mem>>
      %dma_start3A_199 = arith.constant 0 : i32
      %dma_start3A_200 = tpu.memref_slice %arg9[%run_scoped3A_148, %dma_start3A_199] : memref<125x80xi32, #tpu.memory_space<vmem>> -> memref<1x80xi32, #tpu.memory_space<vmem>>
      %dma_start3A_201 = tpu.memref_squeeze %dma_start3A_200 : memref<1x80xi32, #tpu.memory_space<vmem>> -> memref<80xi32, #tpu.memory_space<vmem>>
      %dma_start3A_202 = arith.constant 0 : i32
      %dma_start3A_203 = arith.constant 0 : i32
      %dma_start3A_204 = tpu.memref_slice %arg7[%dma_start3A_202, %dma_start3A_203] : memref<10240x64xf32, #tpu.memory_space<vmem_shared>> -> memref<10240x64xf32, #tpu.memory_space<vmem_shared>>
      tpu.enqueue_indirect_dma source(%arg16 : memref<80x64xf32, #tpu.memory_space<vmem>>) target(%dma_start3A_204 : memref<10240x64xf32, #tpu.memory_space<vmem_shared>>) offsets(%dma_start3A_201 : memref<80xi32, #tpu.memory_space<vmem>>) semaphore(%run_scoped3A_198 : memref<!tpu.dma_semaphore, #tpu.memory_space<semaphore_mem>>) {add = true}
      %dma_wait3A_205 = arith.constant 0 : i32
      %dma_wait3A_206 = tpu.memref_slice %arg9[%run_scoped3A_148, %dma_wait3A_205] : memref<125x80xi32, #tpu.memory_space<vmem>> -> memref<1x80xi32, #tpu.memory_space<vmem>>
      %dma_wait3A_207 = tpu.memref_squeeze %dma_wait3A_206 : memref<1x80xi32, #tpu.memory_space<vmem>> -> memref<80xi32, #tpu.memory_space<vmem>>
      %dma_wait3A_208 = arith.constant 0 : i32
      %dma_wait3A_209 = arith.constant 0 : i32
      %dma_wait3A_210 = tpu.memref_slice %arg7[%dma_wait3A_208, %dma_wait3A_209] : memref<10240x64xf32, #tpu.memory_space<vmem_shared>> -> memref<10240x64xf32, #tpu.memory_space<vmem_shared>>
      tpu.wait_indirect_dma semaphore(%run_scoped3A_198 : memref<!tpu.dma_semaphore, #tpu.memory_space<semaphore_mem>>) src(%arg16 : memref<80x64xf32, #tpu.memory_space<vmem>>) dst(%dma_wait3A_210 : memref<10240x64xf32, #tpu.memory_space<vmem_shared>>)
      tpu.yield
    }) : () -> ()
    %dma_wait3A_149 = arith.constant 119 : i32
    %dma_wait3A_150 = arith.constant 0 : i32
    %dma_wait3A_151 = tpu.memref_slice %arg8[%dma_wait3A_149, %dma_wait3A_150] : memref<125x80xi32, #tpu.memory_space<vmem>> -> memref<1x80xi32, #tpu.memory_space<vmem>>
    %dma_wait3A_152 = tpu.memref_squeeze %dma_wait3A_151 : memref<1x80xi32, #tpu.memory_space<vmem>> -> memref<80xi32, #tpu.memory_space<vmem>>
    %dma_wait3A_153 = arith.constant 0 : i32
    %dma_wait3A_154 = arith.constant 0 : i32
    %dma_wait3A_155 = tpu.memref_slice %arg4[%dma_wait3A_153, %dma_wait3A_154] : memref<20000x64xf32, #tpu.memory_space<hbm>> -> memref<20000x64xf32, #tpu.memory_space<hbm>>
    tpu.wait_indirect_dma semaphore(%arg17 : memref<!tpu.dma_semaphore, #tpu.memory_space<semaphore_mem>>) src(%dma_wait3A_155 : memref<20000x64xf32, #tpu.memory_space<hbm>>) dst(%arg10 : memref<80x64xf32, #tpu.memory_space<vmem>>)
    %run_scoped3A_156 = arith.constant 119 : i32
    "tpu.region"() ({
      %run_scoped3A_198 = tpu.sem_alloc : memref<!tpu.dma_semaphore, #tpu.memory_space<semaphore_mem>>
      %dma_start3A_199 = arith.constant 0 : i32
      %dma_start3A_200 = tpu.memref_slice %arg9[%run_scoped3A_156, %dma_start3A_199] : memref<125x80xi32, #tpu.memory_space<vmem>> -> memref<1x80xi32, #tpu.memory_space<vmem>>
      %dma_start3A_201 = tpu.memref_squeeze %dma_start3A_200 : memref<1x80xi32, #tpu.memory_space<vmem>> -> memref<80xi32, #tpu.memory_space<vmem>>
      %dma_start3A_202 = arith.constant 0 : i32
      %dma_start3A_203 = arith.constant 0 : i32
      %dma_start3A_204 = tpu.memref_slice %arg7[%dma_start3A_202, %dma_start3A_203] : memref<10240x64xf32, #tpu.memory_space<vmem_shared>> -> memref<10240x64xf32, #tpu.memory_space<vmem_shared>>
      tpu.enqueue_indirect_dma source(%arg10 : memref<80x64xf32, #tpu.memory_space<vmem>>) target(%dma_start3A_204 : memref<10240x64xf32, #tpu.memory_space<vmem_shared>>) offsets(%dma_start3A_201 : memref<80xi32, #tpu.memory_space<vmem>>) semaphore(%run_scoped3A_198 : memref<!tpu.dma_semaphore, #tpu.memory_space<semaphore_mem>>) {add = true}
      %dma_wait3A_205 = arith.constant 0 : i32
      %dma_wait3A_206 = tpu.memref_slice %arg9[%run_scoped3A_156, %dma_wait3A_205] : memref<125x80xi32, #tpu.memory_space<vmem>> -> memref<1x80xi32, #tpu.memory_space<vmem>>
      %dma_wait3A_207 = tpu.memref_squeeze %dma_wait3A_206 : memref<1x80xi32, #tpu.memory_space<vmem>> -> memref<80xi32, #tpu.memory_space<vmem>>
      %dma_wait3A_208 = arith.constant 0 : i32
      %dma_wait3A_209 = arith.constant 0 : i32
      %dma_wait3A_210 = tpu.memref_slice %arg7[%dma_wait3A_208, %dma_wait3A_209] : memref<10240x64xf32, #tpu.memory_space<vmem_shared>> -> memref<10240x64xf32, #tpu.memory_space<vmem_shared>>
      tpu.wait_indirect_dma semaphore(%run_scoped3A_198 : memref<!tpu.dma_semaphore, #tpu.memory_space<semaphore_mem>>) src(%arg10 : memref<80x64xf32, #tpu.memory_space<vmem>>) dst(%dma_wait3A_210 : memref<10240x64xf32, #tpu.memory_space<vmem_shared>>)
      tpu.yield
    }) : () -> ()
    %dma_wait3A_157 = arith.constant 120 : i32
    %dma_wait3A_158 = arith.constant 0 : i32
    %dma_wait3A_159 = tpu.memref_slice %arg8[%dma_wait3A_157, %dma_wait3A_158] : memref<125x80xi32, #tpu.memory_space<vmem>> -> memref<1x80xi32, #tpu.memory_space<vmem>>
    %dma_wait3A_160 = tpu.memref_squeeze %dma_wait3A_159 : memref<1x80xi32, #tpu.memory_space<vmem>> -> memref<80xi32, #tpu.memory_space<vmem>>
    %dma_wait3A_161 = arith.constant 0 : i32
    %dma_wait3A_162 = arith.constant 0 : i32
    %dma_wait3A_163 = tpu.memref_slice %arg4[%dma_wait3A_161, %dma_wait3A_162] : memref<20000x64xf32, #tpu.memory_space<hbm>> -> memref<20000x64xf32, #tpu.memory_space<hbm>>
    tpu.wait_indirect_dma semaphore(%arg18 : memref<!tpu.dma_semaphore, #tpu.memory_space<semaphore_mem>>) src(%dma_wait3A_163 : memref<20000x64xf32, #tpu.memory_space<hbm>>) dst(%arg11 : memref<80x64xf32, #tpu.memory_space<vmem>>)
    %run_scoped3A_164 = arith.constant 120 : i32
    "tpu.region"() ({
      %run_scoped3A_198 = tpu.sem_alloc : memref<!tpu.dma_semaphore, #tpu.memory_space<semaphore_mem>>
      %dma_start3A_199 = arith.constant 0 : i32
      %dma_start3A_200 = tpu.memref_slice %arg9[%run_scoped3A_164, %dma_start3A_199] : memref<125x80xi32, #tpu.memory_space<vmem>> -> memref<1x80xi32, #tpu.memory_space<vmem>>
      %dma_start3A_201 = tpu.memref_squeeze %dma_start3A_200 : memref<1x80xi32, #tpu.memory_space<vmem>> -> memref<80xi32, #tpu.memory_space<vmem>>
      %dma_start3A_202 = arith.constant 0 : i32
      %dma_start3A_203 = arith.constant 0 : i32
      %dma_start3A_204 = tpu.memref_slice %arg7[%dma_start3A_202, %dma_start3A_203] : memref<10240x64xf32, #tpu.memory_space<vmem_shared>> -> memref<10240x64xf32, #tpu.memory_space<vmem_shared>>
      tpu.enqueue_indirect_dma source(%arg11 : memref<80x64xf32, #tpu.memory_space<vmem>>) target(%dma_start3A_204 : memref<10240x64xf32, #tpu.memory_space<vmem_shared>>) offsets(%dma_start3A_201 : memref<80xi32, #tpu.memory_space<vmem>>) semaphore(%run_scoped3A_198 : memref<!tpu.dma_semaphore, #tpu.memory_space<semaphore_mem>>) {add = true}
      %dma_wait3A_205 = arith.constant 0 : i32
      %dma_wait3A_206 = tpu.memref_slice %arg9[%run_scoped3A_164, %dma_wait3A_205] : memref<125x80xi32, #tpu.memory_space<vmem>> -> memref<1x80xi32, #tpu.memory_space<vmem>>
      %dma_wait3A_207 = tpu.memref_squeeze %dma_wait3A_206 : memref<1x80xi32, #tpu.memory_space<vmem>> -> memref<80xi32, #tpu.memory_space<vmem>>
      %dma_wait3A_208 = arith.constant 0 : i32
      %dma_wait3A_209 = arith.constant 0 : i32
      %dma_wait3A_210 = tpu.memref_slice %arg7[%dma_wait3A_208, %dma_wait3A_209] : memref<10240x64xf32, #tpu.memory_space<vmem_shared>> -> memref<10240x64xf32, #tpu.memory_space<vmem_shared>>
      tpu.wait_indirect_dma semaphore(%run_scoped3A_198 : memref<!tpu.dma_semaphore, #tpu.memory_space<semaphore_mem>>) src(%arg11 : memref<80x64xf32, #tpu.memory_space<vmem>>) dst(%dma_wait3A_210 : memref<10240x64xf32, #tpu.memory_space<vmem_shared>>)
      tpu.yield
    }) : () -> ()
    %dma_wait3A_165 = arith.constant 121 : i32
    %dma_wait3A_166 = arith.constant 0 : i32
    %dma_wait3A_167 = tpu.memref_slice %arg8[%dma_wait3A_165, %dma_wait3A_166] : memref<125x80xi32, #tpu.memory_space<vmem>> -> memref<1x80xi32, #tpu.memory_space<vmem>>
    %dma_wait3A_168 = tpu.memref_squeeze %dma_wait3A_167 : memref<1x80xi32, #tpu.memory_space<vmem>> -> memref<80xi32, #tpu.memory_space<vmem>>
    %dma_wait3A_169 = arith.constant 0 : i32
    %dma_wait3A_170 = arith.constant 0 : i32
    %dma_wait3A_171 = tpu.memref_slice %arg4[%dma_wait3A_169, %dma_wait3A_170] : memref<20000x64xf32, #tpu.memory_space<hbm>> -> memref<20000x64xf32, #tpu.memory_space<hbm>>
    tpu.wait_indirect_dma semaphore(%arg19 : memref<!tpu.dma_semaphore, #tpu.memory_space<semaphore_mem>>) src(%dma_wait3A_171 : memref<20000x64xf32, #tpu.memory_space<hbm>>) dst(%arg12 : memref<80x64xf32, #tpu.memory_space<vmem>>)
    %run_scoped3A_172 = arith.constant 121 : i32
    "tpu.region"() ({
      %run_scoped3A_198 = tpu.sem_alloc : memref<!tpu.dma_semaphore, #tpu.memory_space<semaphore_mem>>
      %dma_start3A_199 = arith.constant 0 : i32
      %dma_start3A_200 = tpu.memref_slice %arg9[%run_scoped3A_172, %dma_start3A_199] : memref<125x80xi32, #tpu.memory_space<vmem>> -> memref<1x80xi32, #tpu.memory_space<vmem>>
      %dma_start3A_201 = tpu.memref_squeeze %dma_start3A_200 : memref<1x80xi32, #tpu.memory_space<vmem>> -> memref<80xi32, #tpu.memory_space<vmem>>
      %dma_start3A_202 = arith.constant 0 : i32
      %dma_start3A_203 = arith.constant 0 : i32
      %dma_start3A_204 = tpu.memref_slice %arg7[%dma_start3A_202, %dma_start3A_203] : memref<10240x64xf32, #tpu.memory_space<vmem_shared>> -> memref<10240x64xf32, #tpu.memory_space<vmem_shared>>
      tpu.enqueue_indirect_dma source(%arg12 : memref<80x64xf32, #tpu.memory_space<vmem>>) target(%dma_start3A_204 : memref<10240x64xf32, #tpu.memory_space<vmem_shared>>) offsets(%dma_start3A_201 : memref<80xi32, #tpu.memory_space<vmem>>) semaphore(%run_scoped3A_198 : memref<!tpu.dma_semaphore, #tpu.memory_space<semaphore_mem>>) {add = true}
      %dma_wait3A_205 = arith.constant 0 : i32
      %dma_wait3A_206 = tpu.memref_slice %arg9[%run_scoped3A_172, %dma_wait3A_205] : memref<125x80xi32, #tpu.memory_space<vmem>> -> memref<1x80xi32, #tpu.memory_space<vmem>>
      %dma_wait3A_207 = tpu.memref_squeeze %dma_wait3A_206 : memref<1x80xi32, #tpu.memory_space<vmem>> -> memref<80xi32, #tpu.memory_space<vmem>>
      %dma_wait3A_208 = arith.constant 0 : i32
      %dma_wait3A_209 = arith.constant 0 : i32
      %dma_wait3A_210 = tpu.memref_slice %arg7[%dma_wait3A_208, %dma_wait3A_209] : memref<10240x64xf32, #tpu.memory_space<vmem_shared>> -> memref<10240x64xf32, #tpu.memory_space<vmem_shared>>
      tpu.wait_indirect_dma semaphore(%run_scoped3A_198 : memref<!tpu.dma_semaphore, #tpu.memory_space<semaphore_mem>>) src(%arg12 : memref<80x64xf32, #tpu.memory_space<vmem>>) dst(%dma_wait3A_210 : memref<10240x64xf32, #tpu.memory_space<vmem_shared>>)
      tpu.yield
    }) : () -> ()
    %dma_wait3A_173 = arith.constant 122 : i32
    %dma_wait3A_174 = arith.constant 0 : i32
    %dma_wait3A_175 = tpu.memref_slice %arg8[%dma_wait3A_173, %dma_wait3A_174] : memref<125x80xi32, #tpu.memory_space<vmem>> -> memref<1x80xi32, #tpu.memory_space<vmem>>
    %dma_wait3A_176 = tpu.memref_squeeze %dma_wait3A_175 : memref<1x80xi32, #tpu.memory_space<vmem>> -> memref<80xi32, #tpu.memory_space<vmem>>
    %dma_wait3A_177 = arith.constant 0 : i32
    %dma_wait3A_178 = arith.constant 0 : i32
    %dma_wait3A_179 = tpu.memref_slice %arg4[%dma_wait3A_177, %dma_wait3A_178] : memref<20000x64xf32, #tpu.memory_space<hbm>> -> memref<20000x64xf32, #tpu.memory_space<hbm>>
    tpu.wait_indirect_dma semaphore(%arg20 : memref<!tpu.dma_semaphore, #tpu.memory_space<semaphore_mem>>) src(%dma_wait3A_179 : memref<20000x64xf32, #tpu.memory_space<hbm>>) dst(%arg13 : memref<80x64xf32, #tpu.memory_space<vmem>>)
    %run_scoped3A_180 = arith.constant 122 : i32
    "tpu.region"() ({
      %run_scoped3A_198 = tpu.sem_alloc : memref<!tpu.dma_semaphore, #tpu.memory_space<semaphore_mem>>
      %dma_start3A_199 = arith.constant 0 : i32
      %dma_start3A_200 = tpu.memref_slice %arg9[%run_scoped3A_180, %dma_start3A_199] : memref<125x80xi32, #tpu.memory_space<vmem>> -> memref<1x80xi32, #tpu.memory_space<vmem>>
      %dma_start3A_201 = tpu.memref_squeeze %dma_start3A_200 : memref<1x80xi32, #tpu.memory_space<vmem>> -> memref<80xi32, #tpu.memory_space<vmem>>
      %dma_start3A_202 = arith.constant 0 : i32
      %dma_start3A_203 = arith.constant 0 : i32
      %dma_start3A_204 = tpu.memref_slice %arg7[%dma_start3A_202, %dma_start3A_203] : memref<10240x64xf32, #tpu.memory_space<vmem_shared>> -> memref<10240x64xf32, #tpu.memory_space<vmem_shared>>
      tpu.enqueue_indirect_dma source(%arg13 : memref<80x64xf32, #tpu.memory_space<vmem>>) target(%dma_start3A_204 : memref<10240x64xf32, #tpu.memory_space<vmem_shared>>) offsets(%dma_start3A_201 : memref<80xi32, #tpu.memory_space<vmem>>) semaphore(%run_scoped3A_198 : memref<!tpu.dma_semaphore, #tpu.memory_space<semaphore_mem>>) {add = true}
      %dma_wait3A_205 = arith.constant 0 : i32
      %dma_wait3A_206 = tpu.memref_slice %arg9[%run_scoped3A_180, %dma_wait3A_205] : memref<125x80xi32, #tpu.memory_space<vmem>> -> memref<1x80xi32, #tpu.memory_space<vmem>>
      %dma_wait3A_207 = tpu.memref_squeeze %dma_wait3A_206 : memref<1x80xi32, #tpu.memory_space<vmem>> -> memref<80xi32, #tpu.memory_space<vmem>>
      %dma_wait3A_208 = arith.constant 0 : i32
      %dma_wait3A_209 = arith.constant 0 : i32
      %dma_wait3A_210 = tpu.memref_slice %arg7[%dma_wait3A_208, %dma_wait3A_209] : memref<10240x64xf32, #tpu.memory_space<vmem_shared>> -> memref<10240x64xf32, #tpu.memory_space<vmem_shared>>
      tpu.wait_indirect_dma semaphore(%run_scoped3A_198 : memref<!tpu.dma_semaphore, #tpu.memory_space<semaphore_mem>>) src(%arg13 : memref<80x64xf32, #tpu.memory_space<vmem>>) dst(%dma_wait3A_210 : memref<10240x64xf32, #tpu.memory_space<vmem_shared>>)
      tpu.yield
    }) : () -> ()
    %dma_wait3A_181 = arith.constant 123 : i32
    %dma_wait3A_182 = arith.constant 0 : i32
    %dma_wait3A_183 = tpu.memref_slice %arg8[%dma_wait3A_181, %dma_wait3A_182] : memref<125x80xi32, #tpu.memory_space<vmem>> -> memref<1x80xi32, #tpu.memory_space<vmem>>
    %dma_wait3A_184 = tpu.memref_squeeze %dma_wait3A_183 : memref<1x80xi32, #tpu.memory_space<vmem>> -> memref<80xi32, #tpu.memory_space<vmem>>
    %dma_wait3A_185 = arith.constant 0 : i32
    %dma_wait3A_186 = arith.constant 0 : i32
    %dma_wait3A_187 = tpu.memref_slice %arg4[%dma_wait3A_185, %dma_wait3A_186] : memref<20000x64xf32, #tpu.memory_space<hbm>> -> memref<20000x64xf32, #tpu.memory_space<hbm>>
    tpu.wait_indirect_dma semaphore(%arg21 : memref<!tpu.dma_semaphore, #tpu.memory_space<semaphore_mem>>) src(%dma_wait3A_187 : memref<20000x64xf32, #tpu.memory_space<hbm>>) dst(%arg14 : memref<80x64xf32, #tpu.memory_space<vmem>>)
    %run_scoped3A_188 = arith.constant 123 : i32
    "tpu.region"() ({
      %run_scoped3A_198 = tpu.sem_alloc : memref<!tpu.dma_semaphore, #tpu.memory_space<semaphore_mem>>
      %dma_start3A_199 = arith.constant 0 : i32
      %dma_start3A_200 = tpu.memref_slice %arg9[%run_scoped3A_188, %dma_start3A_199] : memref<125x80xi32, #tpu.memory_space<vmem>> -> memref<1x80xi32, #tpu.memory_space<vmem>>
      %dma_start3A_201 = tpu.memref_squeeze %dma_start3A_200 : memref<1x80xi32, #tpu.memory_space<vmem>> -> memref<80xi32, #tpu.memory_space<vmem>>
      %dma_start3A_202 = arith.constant 0 : i32
      %dma_start3A_203 = arith.constant 0 : i32
      %dma_start3A_204 = tpu.memref_slice %arg7[%dma_start3A_202, %dma_start3A_203] : memref<10240x64xf32, #tpu.memory_space<vmem_shared>> -> memref<10240x64xf32, #tpu.memory_space<vmem_shared>>
      tpu.enqueue_indirect_dma source(%arg14 : memref<80x64xf32, #tpu.memory_space<vmem>>) target(%dma_start3A_204 : memref<10240x64xf32, #tpu.memory_space<vmem_shared>>) offsets(%dma_start3A_201 : memref<80xi32, #tpu.memory_space<vmem>>) semaphore(%run_scoped3A_198 : memref<!tpu.dma_semaphore, #tpu.memory_space<semaphore_mem>>) {add = true}
      %dma_wait3A_205 = arith.constant 0 : i32
      %dma_wait3A_206 = tpu.memref_slice %arg9[%run_scoped3A_188, %dma_wait3A_205] : memref<125x80xi32, #tpu.memory_space<vmem>> -> memref<1x80xi32, #tpu.memory_space<vmem>>
      %dma_wait3A_207 = tpu.memref_squeeze %dma_wait3A_206 : memref<1x80xi32, #tpu.memory_space<vmem>> -> memref<80xi32, #tpu.memory_space<vmem>>
      %dma_wait3A_208 = arith.constant 0 : i32
      %dma_wait3A_209 = arith.constant 0 : i32
      %dma_wait3A_210 = tpu.memref_slice %arg7[%dma_wait3A_208, %dma_wait3A_209] : memref<10240x64xf32, #tpu.memory_space<vmem_shared>> -> memref<10240x64xf32, #tpu.memory_space<vmem_shared>>
      tpu.wait_indirect_dma semaphore(%run_scoped3A_198 : memref<!tpu.dma_semaphore, #tpu.memory_space<semaphore_mem>>) src(%arg14 : memref<80x64xf32, #tpu.memory_space<vmem>>) dst(%dma_wait3A_210 : memref<10240x64xf32, #tpu.memory_space<vmem_shared>>)
      tpu.yield
    }) : () -> ()
    %dma_wait3A_189 = arith.constant 124 : i32
    %dma_wait3A_190 = arith.constant 0 : i32
    %dma_wait3A_191 = tpu.memref_slice %arg8[%dma_wait3A_189, %dma_wait3A_190] : memref<125x80xi32, #tpu.memory_space<vmem>> -> memref<1x80xi32, #tpu.memory_space<vmem>>
    %dma_wait3A_192 = tpu.memref_squeeze %dma_wait3A_191 : memref<1x80xi32, #tpu.memory_space<vmem>> -> memref<80xi32, #tpu.memory_space<vmem>>
    %dma_wait3A_193 = arith.constant 0 : i32
    %dma_wait3A_194 = arith.constant 0 : i32
    %dma_wait3A_195 = tpu.memref_slice %arg4[%dma_wait3A_193, %dma_wait3A_194] : memref<20000x64xf32, #tpu.memory_space<hbm>> -> memref<20000x64xf32, #tpu.memory_space<hbm>>
    tpu.wait_indirect_dma semaphore(%arg22 : memref<!tpu.dma_semaphore, #tpu.memory_space<semaphore_mem>>) src(%dma_wait3A_195 : memref<20000x64xf32, #tpu.memory_space<hbm>>) dst(%arg15 : memref<80x64xf32, #tpu.memory_space<vmem>>)
    %run_scoped3A_196 = arith.constant 124 : i32
    "tpu.region"() ({
      %run_scoped3A_198 = tpu.sem_alloc : memref<!tpu.dma_semaphore, #tpu.memory_space<semaphore_mem>>
      %dma_start3A_199 = arith.constant 0 : i32
      %dma_start3A_200 = tpu.memref_slice %arg9[%run_scoped3A_196, %dma_start3A_199] : memref<125x80xi32, #tpu.memory_space<vmem>> -> memref<1x80xi32, #tpu.memory_space<vmem>>
      %dma_start3A_201 = tpu.memref_squeeze %dma_start3A_200 : memref<1x80xi32, #tpu.memory_space<vmem>> -> memref<80xi32, #tpu.memory_space<vmem>>
      %dma_start3A_202 = arith.constant 0 : i32
      %dma_start3A_203 = arith.constant 0 : i32
      %dma_start3A_204 = tpu.memref_slice %arg7[%dma_start3A_202, %dma_start3A_203] : memref<10240x64xf32, #tpu.memory_space<vmem_shared>> -> memref<10240x64xf32, #tpu.memory_space<vmem_shared>>
      tpu.enqueue_indirect_dma source(%arg15 : memref<80x64xf32, #tpu.memory_space<vmem>>) target(%dma_start3A_204 : memref<10240x64xf32, #tpu.memory_space<vmem_shared>>) offsets(%dma_start3A_201 : memref<80xi32, #tpu.memory_space<vmem>>) semaphore(%run_scoped3A_198 : memref<!tpu.dma_semaphore, #tpu.memory_space<semaphore_mem>>) {add = true}
      %dma_wait3A_205 = arith.constant 0 : i32
      %dma_wait3A_206 = tpu.memref_slice %arg9[%run_scoped3A_196, %dma_wait3A_205] : memref<125x80xi32, #tpu.memory_space<vmem>> -> memref<1x80xi32, #tpu.memory_space<vmem>>
      %dma_wait3A_207 = tpu.memref_squeeze %dma_wait3A_206 : memref<1x80xi32, #tpu.memory_space<vmem>> -> memref<80xi32, #tpu.memory_space<vmem>>
      %dma_wait3A_208 = arith.constant 0 : i32
      %dma_wait3A_209 = arith.constant 0 : i32
      %dma_wait3A_210 = tpu.memref_slice %arg7[%dma_wait3A_208, %dma_wait3A_209] : memref<10240x64xf32, #tpu.memory_space<vmem_shared>> -> memref<10240x64xf32, #tpu.memory_space<vmem_shared>>
      tpu.wait_indirect_dma semaphore(%run_scoped3A_198 : memref<!tpu.dma_semaphore, #tpu.memory_space<semaphore_mem>>) src(%arg15 : memref<80x64xf32, #tpu.memory_space<vmem>>) dst(%dma_wait3A_210 : memref<10240x64xf32, #tpu.memory_space<vmem_shared>>)
      tpu.yield
    }) : () -> ()
    %barrier3A_197 = arith.constant 0 : index
    tpu.barrier barrier_id(%barrier3A_197)
    "tpu.region"() ({
      %run_scoped3A_198 = tpu.sem_alloc : memref<!tpu.dma_semaphore, #tpu.memory_space<semaphore_mem>>
      %dma_start3A_199 = arith.constant 0 : i32
      %dma_start3A_200 = tpu.memref_slice %arg6[%arg0, %mul3A_0, %dma_start3A_199] : memref<2x10240x64xf32, #tpu.memory_space<hbm>> -> memref<1x640x64xf32, #tpu.memory_space<hbm>>
      %dma_start3A_201 = tpu.memref_squeeze %dma_start3A_200 : memref<1x640x64xf32, #tpu.memory_space<hbm>> -> memref<640x64xf32, #tpu.memory_space<hbm>>
      %dma_start3A_202 = arith.constant 0 : i32
      %dma_start3A_203 = tpu.memref_slice %arg7[%mul3A_0, %dma_start3A_202] : memref<10240x64xf32, #tpu.memory_space<vmem_shared>> -> memref<640x64xf32, #tpu.memory_space<vmem_shared>>
      tpu.enqueue_dma source(%dma_start3A_203 : memref<640x64xf32, #tpu.memory_space<vmem_shared>>) target(%dma_start3A_201 : memref<640x64xf32, #tpu.memory_space<hbm>>) target_semaphore(%run_scoped3A_198 : memref<!tpu.dma_semaphore, #tpu.memory_space<semaphore_mem>>)
      %dma_wait3A_204 = arith.constant 0 : i32
      %dma_wait3A_205 = tpu.memref_slice %arg6[%arg0, %mul3A_0, %dma_wait3A_204] : memref<2x10240x64xf32, #tpu.memory_space<hbm>> -> memref<1x640x64xf32, #tpu.memory_space<hbm>>
      %dma_wait3A_206 = tpu.memref_squeeze %dma_wait3A_205 : memref<1x640x64xf32, #tpu.memory_space<hbm>> -> memref<640x64xf32, #tpu.memory_space<hbm>>
      %dma_wait3A_207 = arith.constant 0 : i32
      %dma_wait3A_208 = tpu.memref_slice %arg7[%mul3A_0, %dma_wait3A_207] : memref<10240x64xf32, #tpu.memory_space<vmem_shared>> -> memref<640x64xf32, #tpu.memory_space<vmem_shared>>
      tpu.wait_dma2 semaphore(%run_scoped3A_198 : memref<!tpu.dma_semaphore, #tpu.memory_space<semaphore_mem>>) src(%dma_wait3A_208 : memref<640x64xf32, #tpu.memory_space<vmem_shared>>) dst(%dma_wait3A_206 : memref<640x64xf32, #tpu.memory_space<hbm>>)
      tpu.yield
    }) : () -> ()
    return
  }
}

#map = affine_map<(d0, d1) -> (0, 0, 0, 0)>
#map1 = affine_map<(d0, d1) -> (0, 0)>
#map2 = affine_map<(d0, d1) -> (0, 0, 0)>
module attributes {stable_mosaic.version = 14 : i64} {
  func.func @_sc_body(%arg0: i32, %arg1: i32, %arg2: memref<2x16x125x80xi32, #tpu.memory_space<hbm>>, %arg3: memref<2x16x125x80xi32, #tpu.memory_space<hbm>>, %arg4: memref<20000x64xf32, #tpu.memory_space<hbm>>, %arg5: memref<10240x64xf32, #tpu.memory_space<hbm>>, %arg6: memref<2x10240x64xf32, #tpu.memory_space<hbm>>, %arg7: memref<10240x64xf32, #tpu.memory_space<vmem_shared>>, %arg8: memref<125x80xi32, #tpu.memory_space<vmem>>, %arg9: memref<125x80xi32, #tpu.memory_space<vmem>>, %arg10: memref<80x64xf32, #tpu.memory_space<vmem>>, %arg11: memref<80x64xf32, #tpu.memory_space<vmem>>, %arg12: memref<80x64xf32, #tpu.memory_space<vmem>>, %arg13: memref<80x64xf32, #tpu.memory_space<vmem>>, %arg14: memref<80x64xf32, #tpu.memory_space<vmem>>, %arg15: memref<80x64xf32, #tpu.memory_space<vmem>>, %arg16: memref<80x64xf32, #tpu.memory_space<vmem>>, %arg17: memref<!tpu.dma_semaphore, #tpu.memory_space<semaphore_mem>>, %arg18: memref<!tpu.dma_semaphore, #tpu.memory_space<semaphore_mem>>, %arg19: memref<!tpu.dma_semaphore, #tpu.memory_space<semaphore_mem>>, %arg20: memref<!tpu.dma_semaphore, #tpu.memory_space<semaphore_mem>>, %arg21: memref<!tpu.dma_semaphore, #tpu.memory_space<semaphore_mem>>, %arg22: memref<!tpu.dma_semaphore, #tpu.memory_space<semaphore_mem>>, %arg23: memref<!tpu.dma_semaphore, #tpu.memory_space<semaphore_mem>>) attributes {dimension_semantics = [#tpu.dimension_semantics<core_parallel>, #tpu.dimension_semantics<subcore_parallel>], iteration_bounds = array<i64: 2, 16>, scalar_prefetch = 0 : i64, scratch_operands = 17 : i64, tpu.core_type = #tpu.core_type<sc_vector_subcore>, window_params = [{transform_indices = #map}, {transform_indices = #map}, {transform_indices = #map1}, {transform_indices = #map1}, {transform_indices = #map2}]} {
    %mul3A = arith.constant 640 : i32
    %mul3A_0 = arith.muli %arg1, %mul3A : i32
    "tpu.region"() ({
      %run_scoped3A_198 = tpu.sem_alloc : memref<!tpu.dma_semaphore, #tpu.memory_space<semaphore_mem>>
      %dma_start3A_199 = arith.constant 0 : i32
      %dma_start3A_200 = tpu.memref_slice %arg7[%mul3A_0, %dma_start3A_199] : memref<10240x64xf32, #tpu.memory_space<vmem_shared>> -> memref<640x64xf32, #tpu.memory_space<vmem_shared>>
      %dma_start3A_201 = arith.constant 0 : i32
      %dma_start3A_202 = tpu.memref_slice %arg5[%mul3A_0, %dma_start3A_201] : memref<10240x64xf32, #tpu.memory_space<hbm>> -> memref<640x64xf32, #tpu.memory_space<hbm>>
      tpu.enqueue_dma source(%dma_start3A_202 : memref<640x64xf32, #tpu.memory_space<hbm>>) target(%dma_start3A_200 : memref<640x64xf32, #tpu.memory_space<vmem_shared>>) target_semaphore(%run_scoped3A_198 : memref<!tpu.dma_semaphore, #tpu.memory_space<semaphore_mem>>)
      %dma_wait3A_203 = arith.constant 0 : i32
      %dma_wait3A_204 = tpu.memref_slice %arg7[%mul3A_0, %dma_wait3A_203] : memref<10240x64xf32, #tpu.memory_space<vmem_shared>> -> memref<640x64xf32, #tpu.memory_space<vmem_shared>>
      %dma_wait3A_205 = arith.constant 0 : i32
      %dma_wait3A_206 = tpu.memref_slice %arg5[%mul3A_0, %dma_wait3A_205] : memref<10240x64xf32, #tpu.memory_space<hbm>> -> memref<640x64xf32, #tpu.memory_space<hbm>>
      tpu.wait_dma2 semaphore(%run_scoped3A_198 : memref<!tpu.dma_semaphore, #tpu.memory_space<semaphore_mem>>) src(%dma_wait3A_206 : memref<640x64xf32, #tpu.memory_space<hbm>>) dst(%dma_wait3A_204 : memref<640x64xf32, #tpu.memory_space<vmem_shared>>)
      tpu.yield
    }) : () -> ()
    "tpu.region"() ({
      %run_scoped3A_198 = tpu.sem_alloc : memref<!tpu.dma_semaphore, #tpu.memory_space<semaphore_mem>>
      %dma_start3A_199 = arith.constant 0 : i32
      %dma_start3A_200 = arith.constant 0 : i32
      %dma_start3A_201 = tpu.memref_slice %arg2[%arg0, %arg1, %dma_start3A_199, %dma_start3A_200] : memref<2x16x125x80xi32, #tpu.memory_space<hbm>> -> memref<1x1x125x80xi32, #tpu.memory_space<hbm>>
      %dma_start3A_202 = tpu.memref_squeeze %dma_start3A_201 : memref<1x1x125x80xi32, #tpu.memory_space<hbm>> -> memref<125x80xi32, #tpu.memory_space<hbm>>
      %dma_start3A_203 = arith.constant 0 : i32
      %dma_start3A_204 = arith.constant 0 : i32
      %dma_start3A_205 = tpu.memref_slice %arg2[%arg0, %arg1, %dma_start3A_203, %dma_start3A_204] : memref<2x16x125x80xi32, #tpu.memory_space<hbm>> -> memref<1x1x125x80xi32, #tpu.memory_space<hbm>>
      %dma_start3A_206 = tpu.memref_squeeze %dma_start3A_205 : memref<1x1x125x80xi32, #tpu.memory_space<hbm>> -> memref<125x80xi32, #tpu.memory_space<hbm>>
      tpu.enqueue_dma source(%dma_start3A_206 : memref<125x80xi32, #tpu.memory_space<hbm>>) target(%arg8 : memref<125x80xi32, #tpu.memory_space<vmem>>) target_semaphore(%run_scoped3A_198 : memref<!tpu.dma_semaphore, #tpu.memory_space<semaphore_mem>>)
      %dma_wait3A_207 = arith.constant 0 : i32
      %dma_wait3A_208 = arith.constant 0 : i32
      %dma_wait3A_209 = tpu.memref_slice %arg2[%arg0, %arg1, %dma_wait3A_207, %dma_wait3A_208] : memref<2x16x125x80xi32, #tpu.memory_space<hbm>> -> memref<1x1x125x80xi32, #tpu.memory_space<hbm>>
      %dma_wait3A_210 = tpu.memref_squeeze %dma_wait3A_209 : memref<1x1x125x80xi32, #tpu.memory_space<hbm>> -> memref<125x80xi32, #tpu.memory_space<hbm>>
      %dma_wait3A_211 = arith.constant 0 : i32
      %dma_wait3A_212 = arith.constant 0 : i32
      %dma_wait3A_213 = tpu.memref_slice %arg2[%arg0, %arg1, %dma_wait3A_211, %dma_wait3A_212] : memref<2x16x125x80xi32, #tpu.memory_space<hbm>> -> memref<1x1x125x80xi32, #tpu.memory_space<hbm>>
      %dma_wait3A_214 = tpu.memref_squeeze %dma_wait3A_213 : memref<1x1x125x80xi32, #tpu.memory_space<hbm>> -> memref<125x80xi32, #tpu.memory_space<hbm>>
      tpu.wait_dma2 semaphore(%run_scoped3A_198 : memref<!tpu.dma_semaphore, #tpu.memory_space<semaphore_mem>>) src(%dma_wait3A_214 : memref<125x80xi32, #tpu.memory_space<hbm>>) dst(%arg8 : memref<125x80xi32, #tpu.memory_space<vmem>>)
      tpu.yield
    }) : () -> ()
    "tpu.region"() ({
      %run_scoped3A_198 = tpu.sem_alloc : memref<!tpu.dma_semaphore, #tpu.memory_space<semaphore_mem>>
      %dma_start3A_199 = arith.constant 0 : i32
      %dma_start3A_200 = arith.constant 0 : i32
      %dma_start3A_201 = tpu.memref_slice %arg3[%arg0, %arg1, %dma_start3A_199, %dma_start3A_200] : memref<2x16x125x80xi32, #tpu.memory_space<hbm>> -> memref<1x1x125x80xi32, #tpu.memory_space<hbm>>
      %dma_start3A_202 = tpu.memref_squeeze %dma_start3A_201 : memref<1x1x125x80xi32, #tpu.memory_space<hbm>> -> memref<125x80xi32, #tpu.memory_space<hbm>>
      %dma_start3A_203 = arith.constant 0 : i32
      %dma_start3A_204 = arith.constant 0 : i32
      %dma_start3A_205 = tpu.memref_slice %arg3[%arg0, %arg1, %dma_start3A_203, %dma_start3A_204] : memref<2x16x125x80xi32, #tpu.memory_space<hbm>> -> memref<1x1x125x80xi32, #tpu.memory_space<hbm>>
      %dma_start3A_206 = tpu.memref_squeeze %dma_start3A_205 : memref<1x1x125x80xi32, #tpu.memory_space<hbm>> -> memref<125x80xi32, #tpu.memory_space<hbm>>
      tpu.enqueue_dma source(%dma_start3A_206 : memref<125x80xi32, #tpu.memory_space<hbm>>) target(%arg9 : memref<125x80xi32, #tpu.memory_space<vmem>>) target_semaphore(%run_scoped3A_198 : memref<!tpu.dma_semaphore, #tpu.memory_space<semaphore_mem>>)
      %dma_wait3A_207 = arith.constant 0 : i32
      %dma_wait3A_208 = arith.constant 0 : i32
      %dma_wait3A_209 = tpu.memref_slice %arg3[%arg0, %arg1, %dma_wait3A_207, %dma_wait3A_208] : memref<2x16x125x80xi32, #tpu.memory_space<hbm>> -> memref<1x1x125x80xi32, #tpu.memory_space<hbm>>
      %dma_wait3A_210 = tpu.memref_squeeze %dma_wait3A_209 : memref<1x1x125x80xi32, #tpu.memory_space<hbm>> -> memref<125x80xi32, #tpu.memory_space<hbm>>
      %dma_wait3A_211 = arith.constant 0 : i32
      %dma_wait3A_212 = arith.constant 0 : i32
      %dma_wait3A_213 = tpu.memref_slice %arg3[%arg0, %arg1, %dma_wait3A_211, %dma_wait3A_212] : memref<2x16x125x80xi32, #tpu.memory_space<hbm>> -> memref<1x1x125x80xi32, #tpu.memory_space<hbm>>
      %dma_wait3A_214 = tpu.memref_squeeze %dma_wait3A_213 : memref<1x1x125x80xi32, #tpu.memory_space<hbm>> -> memref<125x80xi32, #tpu.memory_space<hbm>>
      tpu.wait_dma2 semaphore(%run_scoped3A_198 : memref<!tpu.dma_semaphore, #tpu.memory_space<semaphore_mem>>) src(%dma_wait3A_214 : memref<125x80xi32, #tpu.memory_space<hbm>>) dst(%arg9 : memref<125x80xi32, #tpu.memory_space<vmem>>)
      tpu.yield
    }) : () -> ()
    %barrier3A = arith.constant 0 : index
    tpu.barrier barrier_id(%barrier3A)
    %dma_start3A = arith.constant 0 : i32
    %dma_start3A_1 = arith.constant 0 : i32
    %dma_start3A_2 = tpu.memref_slice %arg8[%dma_start3A, %dma_start3A_1] : memref<125x80xi32, #tpu.memory_space<vmem>> -> memref<1x80xi32, #tpu.memory_space<vmem>>
    %dma_start3A_3 = tpu.memref_squeeze %dma_start3A_2 : memref<1x80xi32, #tpu.memory_space<vmem>> -> memref<80xi32, #tpu.memory_space<vmem>>
    %dma_start3A_4 = arith.constant 0 : i32
    %dma_start3A_5 = arith.constant 0 : i32
    %dma_start3A_6 = tpu.memref_slice %arg4[%dma_start3A_4, %dma_start3A_5] : memref<20000x64xf32, #tpu.memory_space<hbm>> -> memref<20000x64xf32, #tpu.memory_space<hbm>>
    tpu.enqueue_indirect_dma source(%dma_start3A_6 : memref<20000x64xf32, #tpu.memory_space<hbm>>) target(%arg10 : memref<80x64xf32, #tpu.memory_space<vmem>>) offsets(%dma_start3A_3 : memref<80xi32, #tpu.memory_space<vmem>>) semaphore(%arg17 : memref<!tpu.dma_semaphore, #tpu.memory_space<semaphore_mem>>)
    %dma_start3A_7 = arith.constant 1 : i32
    %dma_start3A_8 = arith.constant 0 : i32
    %dma_start3A_9 = tpu.memref_slice %arg8[%dma_start3A_7, %dma_start3A_8] : memref<125x80xi32, #tpu.memory_space<vmem>> -> memref<1x80xi32, #tpu.memory_space<vmem>>
    %dma_start3A_10 = tpu.memref_squeeze %dma_start3A_9 : memref<1x80xi32, #tpu.memory_space<vmem>> -> memref<80xi32, #tpu.memory_space<vmem>>
    %dma_start3A_11 = arith.constant 0 : i32
    %dma_start3A_12 = arith.constant 0 : i32
    %dma_start3A_13 = tpu.memref_slice %arg4[%dma_start3A_11, %dma_start3A_12] : memref<20000x64xf32, #tpu.memory_space<hbm>> -> memref<20000x64xf32, #tpu.memory_space<hbm>>
    tpu.enqueue_indirect_dma source(%dma_start3A_13 : memref<20000x64xf32, #tpu.memory_space<hbm>>) target(%arg11 : memref<80x64xf32, #tpu.memory_space<vmem>>) offsets(%dma_start3A_10 : memref<80xi32, #tpu.memory_space<vmem>>) semaphore(%arg18 : memref<!tpu.dma_semaphore, #tpu.memory_space<semaphore_mem>>)
    %dma_start3A_14 = arith.constant 2 : i32
    %dma_start3A_15 = arith.constant 0 : i32
    %dma_start3A_16 = tpu.memref_slice %arg8[%dma_start3A_14, %dma_start3A_15] : memref<125x80xi32, #tpu.memory_space<vmem>> -> memref<1x80xi32, #tpu.memory_space<vmem>>
    %dma_start3A_17 = tpu.memref_squeeze %dma_start3A_16 : memref<1x80xi32, #tpu.memory_space<vmem>> -> memref<80xi32, #tpu.memory_space<vmem>>
    %dma_start3A_18 = arith.constant 0 : i32
    %dma_start3A_19 = arith.constant 0 : i32
    %dma_start3A_20 = tpu.memref_slice %arg4[%dma_start3A_18, %dma_start3A_19] : memref<20000x64xf32, #tpu.memory_space<hbm>> -> memref<20000x64xf32, #tpu.memory_space<hbm>>
    tpu.enqueue_indirect_dma source(%dma_start3A_20 : memref<20000x64xf32, #tpu.memory_space<hbm>>) target(%arg12 : memref<80x64xf32, #tpu.memory_space<vmem>>) offsets(%dma_start3A_17 : memref<80xi32, #tpu.memory_space<vmem>>) semaphore(%arg19 : memref<!tpu.dma_semaphore, #tpu.memory_space<semaphore_mem>>)
    %dma_start3A_21 = arith.constant 3 : i32
    %dma_start3A_22 = arith.constant 0 : i32
    %dma_start3A_23 = tpu.memref_slice %arg8[%dma_start3A_21, %dma_start3A_22] : memref<125x80xi32, #tpu.memory_space<vmem>> -> memref<1x80xi32, #tpu.memory_space<vmem>>
    %dma_start3A_24 = tpu.memref_squeeze %dma_start3A_23 : memref<1x80xi32, #tpu.memory_space<vmem>> -> memref<80xi32, #tpu.memory_space<vmem>>
    %dma_start3A_25 = arith.constant 0 : i32
    %dma_start3A_26 = arith.constant 0 : i32
    %dma_start3A_27 = tpu.memref_slice %arg4[%dma_start3A_25, %dma_start3A_26] : memref<20000x64xf32, #tpu.memory_space<hbm>> -> memref<20000x64xf32, #tpu.memory_space<hbm>>
    tpu.enqueue_indirect_dma source(%dma_start3A_27 : memref<20000x64xf32, #tpu.memory_space<hbm>>) target(%arg13 : memref<80x64xf32, #tpu.memory_space<vmem>>) offsets(%dma_start3A_24 : memref<80xi32, #tpu.memory_space<vmem>>) semaphore(%arg20 : memref<!tpu.dma_semaphore, #tpu.memory_space<semaphore_mem>>)
    %dma_start3A_28 = arith.constant 4 : i32
    %dma_start3A_29 = arith.constant 0 : i32
    %dma_start3A_30 = tpu.memref_slice %arg8[%dma_start3A_28, %dma_start3A_29] : memref<125x80xi32, #tpu.memory_space<vmem>> -> memref<1x80xi32, #tpu.memory_space<vmem>>
    %dma_start3A_31 = tpu.memref_squeeze %dma_start3A_30 : memref<1x80xi32, #tpu.memory_space<vmem>> -> memref<80xi32, #tpu.memory_space<vmem>>
    %dma_start3A_32 = arith.constant 0 : i32
    %dma_start3A_33 = arith.constant 0 : i32
    %dma_start3A_34 = tpu.memref_slice %arg4[%dma_start3A_32, %dma_start3A_33] : memref<20000x64xf32, #tpu.memory_space<hbm>> -> memref<20000x64xf32, #tpu.memory_space<hbm>>
    tpu.enqueue_indirect_dma source(%dma_start3A_34 : memref<20000x64xf32, #tpu.memory_space<hbm>>) target(%arg14 : memref<80x64xf32, #tpu.memory_space<vmem>>) offsets(%dma_start3A_31 : memref<80xi32, #tpu.memory_space<vmem>>) semaphore(%arg21 : memref<!tpu.dma_semaphore, #tpu.memory_space<semaphore_mem>>)
    %dma_start3A_35 = arith.constant 5 : i32
    %dma_start3A_36 = arith.constant 0 : i32
    %dma_start3A_37 = tpu.memref_slice %arg8[%dma_start3A_35, %dma_start3A_36] : memref<125x80xi32, #tpu.memory_space<vmem>> -> memref<1x80xi32, #tpu.memory_space<vmem>>
    %dma_start3A_38 = tpu.memref_squeeze %dma_start3A_37 : memref<1x80xi32, #tpu.memory_space<vmem>> -> memref<80xi32, #tpu.memory_space<vmem>>
    %dma_start3A_39 = arith.constant 0 : i32
    %dma_start3A_40 = arith.constant 0 : i32
    %dma_start3A_41 = tpu.memref_slice %arg4[%dma_start3A_39, %dma_start3A_40] : memref<20000x64xf32, #tpu.memory_space<hbm>> -> memref<20000x64xf32, #tpu.memory_space<hbm>>
    tpu.enqueue_indirect_dma source(%dma_start3A_41 : memref<20000x64xf32, #tpu.memory_space<hbm>>) target(%arg15 : memref<80x64xf32, #tpu.memory_space<vmem>>) offsets(%dma_start3A_38 : memref<80xi32, #tpu.memory_space<vmem>>) semaphore(%arg22 : memref<!tpu.dma_semaphore, #tpu.memory_space<semaphore_mem>>)
    %dma_start3A_42 = arith.constant 6 : i32
    %dma_start3A_43 = arith.constant 0 : i32
    %dma_start3A_44 = tpu.memref_slice %arg8[%dma_start3A_42, %dma_start3A_43] : memref<125x80xi32, #tpu.memory_space<vmem>> -> memref<1x80xi32, #tpu.memory_space<vmem>>
    %dma_start3A_45 = tpu.memref_squeeze %dma_start3A_44 : memref<1x80xi32, #tpu.memory_space<vmem>> -> memref<80xi32, #tpu.memory_space<vmem>>
    %dma_start3A_46 = arith.constant 0 : i32
    %dma_start3A_47 = arith.constant 0 : i32
    %dma_start3A_48 = tpu.memref_slice %arg4[%dma_start3A_46, %dma_start3A_47] : memref<20000x64xf32, #tpu.memory_space<hbm>> -> memref<20000x64xf32, #tpu.memory_space<hbm>>
    tpu.enqueue_indirect_dma source(%dma_start3A_48 : memref<20000x64xf32, #tpu.memory_space<hbm>>) target(%arg16 : memref<80x64xf32, #tpu.memory_space<vmem>>) offsets(%dma_start3A_45 : memref<80xi32, #tpu.memory_space<vmem>>) semaphore(%arg23 : memref<!tpu.dma_semaphore, #tpu.memory_space<semaphore_mem>>)
    %scan3A = arith.constant 0 : i32
    %scan3A_49 = arith.constant 16 : i32
    %scan3A_50 = arith.addi %scan3A, %scan3A_49 : i32
    %scan3A_51 = arith.constant 1 : i32
    scf.for %scan3A_198 = %scan3A to %scan3A_50 step %scan3A_51  : i32 {
      %mul3A_199 = arith.constant 7 : i32
      %mul3A_200 = arith.muli %scan3A_198, %mul3A_199 : i32
      %add3A = arith.constant 0 : i32
      %add3A_201 = arith.addi %add3A, %mul3A_200 : i32
      %add3A_202 = arith.constant 0 : i32
      %add3A_203 = arith.addi %add3A_201, %add3A_202 : i32
      %dma_wait3A_204 = arith.constant 0 : i32
      %dma_wait3A_205 = tpu.memref_slice %arg8[%add3A_203, %dma_wait3A_204] : memref<125x80xi32, #tpu.memory_space<vmem>> -> memref<1x80xi32, #tpu.memory_space<vmem>>
      %dma_wait3A_206 = tpu.memref_squeeze %dma_wait3A_205 : memref<1x80xi32, #tpu.memory_space<vmem>> -> memref<80xi32, #tpu.memory_space<vmem>>
      %dma_wait3A_207 = arith.constant 0 : i32
      %dma_wait3A_208 = arith.constant 0 : i32
      %dma_wait3A_209 = tpu.memref_slice %arg4[%dma_wait3A_207, %dma_wait3A_208] : memref<20000x64xf32, #tpu.memory_space<hbm>> -> memref<20000x64xf32, #tpu.memory_space<hbm>>
      tpu.wait_indirect_dma semaphore(%arg17 : memref<!tpu.dma_semaphore, #tpu.memory_space<semaphore_mem>>) src(%dma_wait3A_209 : memref<20000x64xf32, #tpu.memory_space<hbm>>) dst(%arg10 : memref<80x64xf32, #tpu.memory_space<vmem>>)
      "tpu.region"() ({
        %run_scoped3A_314 = tpu.sem_alloc : memref<!tpu.dma_semaphore, #tpu.memory_space<semaphore_mem>>
        %dma_start3A_315 = arith.constant 0 : i32
        %dma_start3A_316 = tpu.memref_slice %arg9[%add3A_203, %dma_start3A_315] : memref<125x80xi32, #tpu.memory_space<vmem>> -> memref<1x80xi32, #tpu.memory_space<vmem>>
        %dma_start3A_317 = tpu.memref_squeeze %dma_start3A_316 : memref<1x80xi32, #tpu.memory_space<vmem>> -> memref<80xi32, #tpu.memory_space<vmem>>
        %dma_start3A_318 = arith.constant 0 : i32
        %dma_start3A_319 = arith.constant 0 : i32
        %dma_start3A_320 = tpu.memref_slice %arg7[%dma_start3A_318, %dma_start3A_319] : memref<10240x64xf32, #tpu.memory_space<vmem_shared>> -> memref<10240x64xf32, #tpu.memory_space<vmem_shared>>
        tpu.enqueue_indirect_dma source(%arg10 : memref<80x64xf32, #tpu.memory_space<vmem>>) target(%dma_start3A_320 : memref<10240x64xf32, #tpu.memory_space<vmem_shared>>) offsets(%dma_start3A_317 : memref<80xi32, #tpu.memory_space<vmem>>) semaphore(%run_scoped3A_314 : memref<!tpu.dma_semaphore, #tpu.memory_space<semaphore_mem>>) {add = true}
        %dma_wait3A_321 = arith.constant 0 : i32
        %dma_wait3A_322 = tpu.memref_slice %arg9[%add3A_203, %dma_wait3A_321] : memref<125x80xi32, #tpu.memory_space<vmem>> -> memref<1x80xi32, #tpu.memory_space<vmem>>
        %dma_wait3A_323 = tpu.memref_squeeze %dma_wait3A_322 : memref<1x80xi32, #tpu.memory_space<vmem>> -> memref<80xi32, #tpu.memory_space<vmem>>
        %dma_wait3A_324 = arith.constant 0 : i32
        %dma_wait3A_325 = arith.constant 0 : i32
        %dma_wait3A_326 = tpu.memref_slice %arg7[%dma_wait3A_324, %dma_wait3A_325] : memref<10240x64xf32, #tpu.memory_space<vmem_shared>> -> memref<10240x64xf32, #tpu.memory_space<vmem_shared>>
        tpu.wait_indirect_dma semaphore(%run_scoped3A_314 : memref<!tpu.dma_semaphore, #tpu.memory_space<semaphore_mem>>) src(%arg10 : memref<80x64xf32, #tpu.memory_space<vmem>>) dst(%dma_wait3A_326 : memref<10240x64xf32, #tpu.memory_space<vmem_shared>>)
        tpu.yield
      }) : () -> ()
      %add3A_210 = arith.constant 7 : i32
      %add3A_211 = arith.addi %add3A_203, %add3A_210 : i32
      %dma_start3A_212 = arith.constant 0 : i32
      %dma_start3A_213 = tpu.memref_slice %arg8[%add3A_211, %dma_start3A_212] : memref<125x80xi32, #tpu.memory_space<vmem>> -> memref<1x80xi32, #tpu.memory_space<vmem>>
      %dma_start3A_214 = tpu.memref_squeeze %dma_start3A_213 : memref<1x80xi32, #tpu.memory_space<vmem>> -> memref<80xi32, #tpu.memory_space<vmem>>
      %dma_start3A_215 = arith.constant 0 : i32
      %dma_start3A_216 = arith.constant 0 : i32
      %dma_start3A_217 = tpu.memref_slice %arg4[%dma_start3A_215, %dma_start3A_216] : memref<20000x64xf32, #tpu.memory_space<hbm>> -> memref<20000x64xf32, #tpu.memory_space<hbm>>
      tpu.enqueue_indirect_dma source(%dma_start3A_217 : memref<20000x64xf32, #tpu.memory_space<hbm>>) target(%arg10 : memref<80x64xf32, #tpu.memory_space<vmem>>) offsets(%dma_start3A_214 : memref<80xi32, #tpu.memory_space<vmem>>) semaphore(%arg17 : memref<!tpu.dma_semaphore, #tpu.memory_space<semaphore_mem>>)
      %add3A_218 = arith.constant 1 : i32
      %add3A_219 = arith.addi %add3A_201, %add3A_218 : i32
      %dma_wait3A_220 = arith.constant 0 : i32
      %dma_wait3A_221 = tpu.memref_slice %arg8[%add3A_219, %dma_wait3A_220] : memref<125x80xi32, #tpu.memory_space<vmem>> -> memref<1x80xi32, #tpu.memory_space<vmem>>
      %dma_wait3A_222 = tpu.memref_squeeze %dma_wait3A_221 : memref<1x80xi32, #tpu.memory_space<vmem>> -> memref<80xi32, #tpu.memory_space<vmem>>
      %dma_wait3A_223 = arith.constant 0 : i32
      %dma_wait3A_224 = arith.constant 0 : i32
      %dma_wait3A_225 = tpu.memref_slice %arg4[%dma_wait3A_223, %dma_wait3A_224] : memref<20000x64xf32, #tpu.memory_space<hbm>> -> memref<20000x64xf32, #tpu.memory_space<hbm>>
      tpu.wait_indirect_dma semaphore(%arg18 : memref<!tpu.dma_semaphore, #tpu.memory_space<semaphore_mem>>) src(%dma_wait3A_225 : memref<20000x64xf32, #tpu.memory_space<hbm>>) dst(%arg11 : memref<80x64xf32, #tpu.memory_space<vmem>>)
      "tpu.region"() ({
        %run_scoped3A_314 = tpu.sem_alloc : memref<!tpu.dma_semaphore, #tpu.memory_space<semaphore_mem>>
        %dma_start3A_315 = arith.constant 0 : i32
        %dma_start3A_316 = tpu.memref_slice %arg9[%add3A_219, %dma_start3A_315] : memref<125x80xi32, #tpu.memory_space<vmem>> -> memref<1x80xi32, #tpu.memory_space<vmem>>
        %dma_start3A_317 = tpu.memref_squeeze %dma_start3A_316 : memref<1x80xi32, #tpu.memory_space<vmem>> -> memref<80xi32, #tpu.memory_space<vmem>>
        %dma_start3A_318 = arith.constant 0 : i32
        %dma_start3A_319 = arith.constant 0 : i32
        %dma_start3A_320 = tpu.memref_slice %arg7[%dma_start3A_318, %dma_start3A_319] : memref<10240x64xf32, #tpu.memory_space<vmem_shared>> -> memref<10240x64xf32, #tpu.memory_space<vmem_shared>>
        tpu.enqueue_indirect_dma source(%arg11 : memref<80x64xf32, #tpu.memory_space<vmem>>) target(%dma_start3A_320 : memref<10240x64xf32, #tpu.memory_space<vmem_shared>>) offsets(%dma_start3A_317 : memref<80xi32, #tpu.memory_space<vmem>>) semaphore(%run_scoped3A_314 : memref<!tpu.dma_semaphore, #tpu.memory_space<semaphore_mem>>) {add = true}
        %dma_wait3A_321 = arith.constant 0 : i32
        %dma_wait3A_322 = tpu.memref_slice %arg9[%add3A_219, %dma_wait3A_321] : memref<125x80xi32, #tpu.memory_space<vmem>> -> memref<1x80xi32, #tpu.memory_space<vmem>>
        %dma_wait3A_323 = tpu.memref_squeeze %dma_wait3A_322 : memref<1x80xi32, #tpu.memory_space<vmem>> -> memref<80xi32, #tpu.memory_space<vmem>>
        %dma_wait3A_324 = arith.constant 0 : i32
        %dma_wait3A_325 = arith.constant 0 : i32
        %dma_wait3A_326 = tpu.memref_slice %arg7[%dma_wait3A_324, %dma_wait3A_325] : memref<10240x64xf32, #tpu.memory_space<vmem_shared>> -> memref<10240x64xf32, #tpu.memory_space<vmem_shared>>
        tpu.wait_indirect_dma semaphore(%run_scoped3A_314 : memref<!tpu.dma_semaphore, #tpu.memory_space<semaphore_mem>>) src(%arg11 : memref<80x64xf32, #tpu.memory_space<vmem>>) dst(%dma_wait3A_326 : memref<10240x64xf32, #tpu.memory_space<vmem_shared>>)
        tpu.yield
      }) : () -> ()
      %add3A_226 = arith.constant 7 : i32
      %add3A_227 = arith.addi %add3A_219, %add3A_226 : i32
      %dma_start3A_228 = arith.constant 0 : i32
      %dma_start3A_229 = tpu.memref_slice %arg8[%add3A_227, %dma_start3A_228] : memref<125x80xi32, #tpu.memory_space<vmem>> -> memref<1x80xi32, #tpu.memory_space<vmem>>
      %dma_start3A_230 = tpu.memref_squeeze %dma_start3A_229 : memref<1x80xi32, #tpu.memory_space<vmem>> -> memref<80xi32, #tpu.memory_space<vmem>>
      %dma_start3A_231 = arith.constant 0 : i32
      %dma_start3A_232 = arith.constant 0 : i32
      %dma_start3A_233 = tpu.memref_slice %arg4[%dma_start3A_231, %dma_start3A_232] : memref<20000x64xf32, #tpu.memory_space<hbm>> -> memref<20000x64xf32, #tpu.memory_space<hbm>>
      tpu.enqueue_indirect_dma source(%dma_start3A_233 : memref<20000x64xf32, #tpu.memory_space<hbm>>) target(%arg11 : memref<80x64xf32, #tpu.memory_space<vmem>>) offsets(%dma_start3A_230 : memref<80xi32, #tpu.memory_space<vmem>>) semaphore(%arg18 : memref<!tpu.dma_semaphore, #tpu.memory_space<semaphore_mem>>)
      %add3A_234 = arith.constant 2 : i32
      %add3A_235 = arith.addi %add3A_201, %add3A_234 : i32
      %dma_wait3A_236 = arith.constant 0 : i32
      %dma_wait3A_237 = tpu.memref_slice %arg8[%add3A_235, %dma_wait3A_236] : memref<125x80xi32, #tpu.memory_space<vmem>> -> memref<1x80xi32, #tpu.memory_space<vmem>>
      %dma_wait3A_238 = tpu.memref_squeeze %dma_wait3A_237 : memref<1x80xi32, #tpu.memory_space<vmem>> -> memref<80xi32, #tpu.memory_space<vmem>>
      %dma_wait3A_239 = arith.constant 0 : i32
      %dma_wait3A_240 = arith.constant 0 : i32
      %dma_wait3A_241 = tpu.memref_slice %arg4[%dma_wait3A_239, %dma_wait3A_240] : memref<20000x64xf32, #tpu.memory_space<hbm>> -> memref<20000x64xf32, #tpu.memory_space<hbm>>
      tpu.wait_indirect_dma semaphore(%arg19 : memref<!tpu.dma_semaphore, #tpu.memory_space<semaphore_mem>>) src(%dma_wait3A_241 : memref<20000x64xf32, #tpu.memory_space<hbm>>) dst(%arg12 : memref<80x64xf32, #tpu.memory_space<vmem>>)
      "tpu.region"() ({
        %run_scoped3A_314 = tpu.sem_alloc : memref<!tpu.dma_semaphore, #tpu.memory_space<semaphore_mem>>
        %dma_start3A_315 = arith.constant 0 : i32
        %dma_start3A_316 = tpu.memref_slice %arg9[%add3A_235, %dma_start3A_315] : memref<125x80xi32, #tpu.memory_space<vmem>> -> memref<1x80xi32, #tpu.memory_space<vmem>>
        %dma_start3A_317 = tpu.memref_squeeze %dma_start3A_316 : memref<1x80xi32, #tpu.memory_space<vmem>> -> memref<80xi32, #tpu.memory_space<vmem>>
        %dma_start3A_318 = arith.constant 0 : i32
        %dma_start3A_319 = arith.constant 0 : i32
        %dma_start3A_320 = tpu.memref_slice %arg7[%dma_start3A_318, %dma_start3A_319] : memref<10240x64xf32, #tpu.memory_space<vmem_shared>> -> memref<10240x64xf32, #tpu.memory_space<vmem_shared>>
        tpu.enqueue_indirect_dma source(%arg12 : memref<80x64xf32, #tpu.memory_space<vmem>>) target(%dma_start3A_320 : memref<10240x64xf32, #tpu.memory_space<vmem_shared>>) offsets(%dma_start3A_317 : memref<80xi32, #tpu.memory_space<vmem>>) semaphore(%run_scoped3A_314 : memref<!tpu.dma_semaphore, #tpu.memory_space<semaphore_mem>>) {add = true}
        %dma_wait3A_321 = arith.constant 0 : i32
        %dma_wait3A_322 = tpu.memref_slice %arg9[%add3A_235, %dma_wait3A_321] : memref<125x80xi32, #tpu.memory_space<vmem>> -> memref<1x80xi32, #tpu.memory_space<vmem>>
        %dma_wait3A_323 = tpu.memref_squeeze %dma_wait3A_322 : memref<1x80xi32, #tpu.memory_space<vmem>> -> memref<80xi32, #tpu.memory_space<vmem>>
        %dma_wait3A_324 = arith.constant 0 : i32
        %dma_wait3A_325 = arith.constant 0 : i32
        %dma_wait3A_326 = tpu.memref_slice %arg7[%dma_wait3A_324, %dma_wait3A_325] : memref<10240x64xf32, #tpu.memory_space<vmem_shared>> -> memref<10240x64xf32, #tpu.memory_space<vmem_shared>>
        tpu.wait_indirect_dma semaphore(%run_scoped3A_314 : memref<!tpu.dma_semaphore, #tpu.memory_space<semaphore_mem>>) src(%arg12 : memref<80x64xf32, #tpu.memory_space<vmem>>) dst(%dma_wait3A_326 : memref<10240x64xf32, #tpu.memory_space<vmem_shared>>)
        tpu.yield
      }) : () -> ()
      %add3A_242 = arith.constant 7 : i32
      %add3A_243 = arith.addi %add3A_235, %add3A_242 : i32
      %dma_start3A_244 = arith.constant 0 : i32
      %dma_start3A_245 = tpu.memref_slice %arg8[%add3A_243, %dma_start3A_244] : memref<125x80xi32, #tpu.memory_space<vmem>> -> memref<1x80xi32, #tpu.memory_space<vmem>>
      %dma_start3A_246 = tpu.memref_squeeze %dma_start3A_245 : memref<1x80xi32, #tpu.memory_space<vmem>> -> memref<80xi32, #tpu.memory_space<vmem>>
      %dma_start3A_247 = arith.constant 0 : i32
      %dma_start3A_248 = arith.constant 0 : i32
      %dma_start3A_249 = tpu.memref_slice %arg4[%dma_start3A_247, %dma_start3A_248] : memref<20000x64xf32, #tpu.memory_space<hbm>> -> memref<20000x64xf32, #tpu.memory_space<hbm>>
      tpu.enqueue_indirect_dma source(%dma_start3A_249 : memref<20000x64xf32, #tpu.memory_space<hbm>>) target(%arg12 : memref<80x64xf32, #tpu.memory_space<vmem>>) offsets(%dma_start3A_246 : memref<80xi32, #tpu.memory_space<vmem>>) semaphore(%arg19 : memref<!tpu.dma_semaphore, #tpu.memory_space<semaphore_mem>>)
      %add3A_250 = arith.constant 3 : i32
      %add3A_251 = arith.addi %add3A_201, %add3A_250 : i32
      %dma_wait3A_252 = arith.constant 0 : i32
      %dma_wait3A_253 = tpu.memref_slice %arg8[%add3A_251, %dma_wait3A_252] : memref<125x80xi32, #tpu.memory_space<vmem>> -> memref<1x80xi32, #tpu.memory_space<vmem>>
      %dma_wait3A_254 = tpu.memref_squeeze %dma_wait3A_253 : memref<1x80xi32, #tpu.memory_space<vmem>> -> memref<80xi32, #tpu.memory_space<vmem>>
      %dma_wait3A_255 = arith.constant 0 : i32
      %dma_wait3A_256 = arith.constant 0 : i32
      %dma_wait3A_257 = tpu.memref_slice %arg4[%dma_wait3A_255, %dma_wait3A_256] : memref<20000x64xf32, #tpu.memory_space<hbm>> -> memref<20000x64xf32, #tpu.memory_space<hbm>>
      tpu.wait_indirect_dma semaphore(%arg20 : memref<!tpu.dma_semaphore, #tpu.memory_space<semaphore_mem>>) src(%dma_wait3A_257 : memref<20000x64xf32, #tpu.memory_space<hbm>>) dst(%arg13 : memref<80x64xf32, #tpu.memory_space<vmem>>)
      "tpu.region"() ({
        %run_scoped3A_314 = tpu.sem_alloc : memref<!tpu.dma_semaphore, #tpu.memory_space<semaphore_mem>>
        %dma_start3A_315 = arith.constant 0 : i32
        %dma_start3A_316 = tpu.memref_slice %arg9[%add3A_251, %dma_start3A_315] : memref<125x80xi32, #tpu.memory_space<vmem>> -> memref<1x80xi32, #tpu.memory_space<vmem>>
        %dma_start3A_317 = tpu.memref_squeeze %dma_start3A_316 : memref<1x80xi32, #tpu.memory_space<vmem>> -> memref<80xi32, #tpu.memory_space<vmem>>
        %dma_start3A_318 = arith.constant 0 : i32
        %dma_start3A_319 = arith.constant 0 : i32
        %dma_start3A_320 = tpu.memref_slice %arg7[%dma_start3A_318, %dma_start3A_319] : memref<10240x64xf32, #tpu.memory_space<vmem_shared>> -> memref<10240x64xf32, #tpu.memory_space<vmem_shared>>
        tpu.enqueue_indirect_dma source(%arg13 : memref<80x64xf32, #tpu.memory_space<vmem>>) target(%dma_start3A_320 : memref<10240x64xf32, #tpu.memory_space<vmem_shared>>) offsets(%dma_start3A_317 : memref<80xi32, #tpu.memory_space<vmem>>) semaphore(%run_scoped3A_314 : memref<!tpu.dma_semaphore, #tpu.memory_space<semaphore_mem>>) {add = true}
        %dma_wait3A_321 = arith.constant 0 : i32
        %dma_wait3A_322 = tpu.memref_slice %arg9[%add3A_251, %dma_wait3A_321] : memref<125x80xi32, #tpu.memory_space<vmem>> -> memref<1x80xi32, #tpu.memory_space<vmem>>
        %dma_wait3A_323 = tpu.memref_squeeze %dma_wait3A_322 : memref<1x80xi32, #tpu.memory_space<vmem>> -> memref<80xi32, #tpu.memory_space<vmem>>
        %dma_wait3A_324 = arith.constant 0 : i32
        %dma_wait3A_325 = arith.constant 0 : i32
        %dma_wait3A_326 = tpu.memref_slice %arg7[%dma_wait3A_324, %dma_wait3A_325] : memref<10240x64xf32, #tpu.memory_space<vmem_shared>> -> memref<10240x64xf32, #tpu.memory_space<vmem_shared>>
        tpu.wait_indirect_dma semaphore(%run_scoped3A_314 : memref<!tpu.dma_semaphore, #tpu.memory_space<semaphore_mem>>) src(%arg13 : memref<80x64xf32, #tpu.memory_space<vmem>>) dst(%dma_wait3A_326 : memref<10240x64xf32, #tpu.memory_space<vmem_shared>>)
        tpu.yield
      }) : () -> ()
      %add3A_258 = arith.constant 7 : i32
      %add3A_259 = arith.addi %add3A_251, %add3A_258 : i32
      %dma_start3A_260 = arith.constant 0 : i32
      %dma_start3A_261 = tpu.memref_slice %arg8[%add3A_259, %dma_start3A_260] : memref<125x80xi32, #tpu.memory_space<vmem>> -> memref<1x80xi32, #tpu.memory_space<vmem>>
      %dma_start3A_262 = tpu.memref_squeeze %dma_start3A_261 : memref<1x80xi32, #tpu.memory_space<vmem>> -> memref<80xi32, #tpu.memory_space<vmem>>
      %dma_start3A_263 = arith.constant 0 : i32
      %dma_start3A_264 = arith.constant 0 : i32
      %dma_start3A_265 = tpu.memref_slice %arg4[%dma_start3A_263, %dma_start3A_264] : memref<20000x64xf32, #tpu.memory_space<hbm>> -> memref<20000x64xf32, #tpu.memory_space<hbm>>
      tpu.enqueue_indirect_dma source(%dma_start3A_265 : memref<20000x64xf32, #tpu.memory_space<hbm>>) target(%arg13 : memref<80x64xf32, #tpu.memory_space<vmem>>) offsets(%dma_start3A_262 : memref<80xi32, #tpu.memory_space<vmem>>) semaphore(%arg20 : memref<!tpu.dma_semaphore, #tpu.memory_space<semaphore_mem>>)
      %add3A_266 = arith.constant 4 : i32
      %add3A_267 = arith.addi %add3A_201, %add3A_266 : i32
      %dma_wait3A_268 = arith.constant 0 : i32
      %dma_wait3A_269 = tpu.memref_slice %arg8[%add3A_267, %dma_wait3A_268] : memref<125x80xi32, #tpu.memory_space<vmem>> -> memref<1x80xi32, #tpu.memory_space<vmem>>
      %dma_wait3A_270 = tpu.memref_squeeze %dma_wait3A_269 : memref<1x80xi32, #tpu.memory_space<vmem>> -> memref<80xi32, #tpu.memory_space<vmem>>
      %dma_wait3A_271 = arith.constant 0 : i32
      %dma_wait3A_272 = arith.constant 0 : i32
      %dma_wait3A_273 = tpu.memref_slice %arg4[%dma_wait3A_271, %dma_wait3A_272] : memref<20000x64xf32, #tpu.memory_space<hbm>> -> memref<20000x64xf32, #tpu.memory_space<hbm>>
      tpu.wait_indirect_dma semaphore(%arg21 : memref<!tpu.dma_semaphore, #tpu.memory_space<semaphore_mem>>) src(%dma_wait3A_273 : memref<20000x64xf32, #tpu.memory_space<hbm>>) dst(%arg14 : memref<80x64xf32, #tpu.memory_space<vmem>>)
      "tpu.region"() ({
        %run_scoped3A_314 = tpu.sem_alloc : memref<!tpu.dma_semaphore, #tpu.memory_space<semaphore_mem>>
        %dma_start3A_315 = arith.constant 0 : i32
        %dma_start3A_316 = tpu.memref_slice %arg9[%add3A_267, %dma_start3A_315] : memref<125x80xi32, #tpu.memory_space<vmem>> -> memref<1x80xi32, #tpu.memory_space<vmem>>
        %dma_start3A_317 = tpu.memref_squeeze %dma_start3A_316 : memref<1x80xi32, #tpu.memory_space<vmem>> -> memref<80xi32, #tpu.memory_space<vmem>>
        %dma_start3A_318 = arith.constant 0 : i32
        %dma_start3A_319 = arith.constant 0 : i32
        %dma_start3A_320 = tpu.memref_slice %arg7[%dma_start3A_318, %dma_start3A_319] : memref<10240x64xf32, #tpu.memory_space<vmem_shared>> -> memref<10240x64xf32, #tpu.memory_space<vmem_shared>>
        tpu.enqueue_indirect_dma source(%arg14 : memref<80x64xf32, #tpu.memory_space<vmem>>) target(%dma_start3A_320 : memref<10240x64xf32, #tpu.memory_space<vmem_shared>>) offsets(%dma_start3A_317 : memref<80xi32, #tpu.memory_space<vmem>>) semaphore(%run_scoped3A_314 : memref<!tpu.dma_semaphore, #tpu.memory_space<semaphore_mem>>) {add = true}
        %dma_wait3A_321 = arith.constant 0 : i32
        %dma_wait3A_322 = tpu.memref_slice %arg9[%add3A_267, %dma_wait3A_321] : memref<125x80xi32, #tpu.memory_space<vmem>> -> memref<1x80xi32, #tpu.memory_space<vmem>>
        %dma_wait3A_323 = tpu.memref_squeeze %dma_wait3A_322 : memref<1x80xi32, #tpu.memory_space<vmem>> -> memref<80xi32, #tpu.memory_space<vmem>>
        %dma_wait3A_324 = arith.constant 0 : i32
        %dma_wait3A_325 = arith.constant 0 : i32
        %dma_wait3A_326 = tpu.memref_slice %arg7[%dma_wait3A_324, %dma_wait3A_325] : memref<10240x64xf32, #tpu.memory_space<vmem_shared>> -> memref<10240x64xf32, #tpu.memory_space<vmem_shared>>
        tpu.wait_indirect_dma semaphore(%run_scoped3A_314 : memref<!tpu.dma_semaphore, #tpu.memory_space<semaphore_mem>>) src(%arg14 : memref<80x64xf32, #tpu.memory_space<vmem>>) dst(%dma_wait3A_326 : memref<10240x64xf32, #tpu.memory_space<vmem_shared>>)
        tpu.yield
      }) : () -> ()
      %add3A_274 = arith.constant 7 : i32
      %add3A_275 = arith.addi %add3A_267, %add3A_274 : i32
      %dma_start3A_276 = arith.constant 0 : i32
      %dma_start3A_277 = tpu.memref_slice %arg8[%add3A_275, %dma_start3A_276] : memref<125x80xi32, #tpu.memory_space<vmem>> -> memref<1x80xi32, #tpu.memory_space<vmem>>
      %dma_start3A_278 = tpu.memref_squeeze %dma_start3A_277 : memref<1x80xi32, #tpu.memory_space<vmem>> -> memref<80xi32, #tpu.memory_space<vmem>>
      %dma_start3A_279 = arith.constant 0 : i32
      %dma_start3A_280 = arith.constant 0 : i32
      %dma_start3A_281 = tpu.memref_slice %arg4[%dma_start3A_279, %dma_start3A_280] : memref<20000x64xf32, #tpu.memory_space<hbm>> -> memref<20000x64xf32, #tpu.memory_space<hbm>>
      tpu.enqueue_indirect_dma source(%dma_start3A_281 : memref<20000x64xf32, #tpu.memory_space<hbm>>) target(%arg14 : memref<80x64xf32, #tpu.memory_space<vmem>>) offsets(%dma_start3A_278 : memref<80xi32, #tpu.memory_space<vmem>>) semaphore(%arg21 : memref<!tpu.dma_semaphore, #tpu.memory_space<semaphore_mem>>)
      %add3A_282 = arith.constant 5 : i32
      %add3A_283 = arith.addi %add3A_201, %add3A_282 : i32
      %dma_wait3A_284 = arith.constant 0 : i32
      %dma_wait3A_285 = tpu.memref_slice %arg8[%add3A_283, %dma_wait3A_284] : memref<125x80xi32, #tpu.memory_space<vmem>> -> memref<1x80xi32, #tpu.memory_space<vmem>>
      %dma_wait3A_286 = tpu.memref_squeeze %dma_wait3A_285 : memref<1x80xi32, #tpu.memory_space<vmem>> -> memref<80xi32, #tpu.memory_space<vmem>>
      %dma_wait3A_287 = arith.constant 0 : i32
      %dma_wait3A_288 = arith.constant 0 : i32
      %dma_wait3A_289 = tpu.memref_slice %arg4[%dma_wait3A_287, %dma_wait3A_288] : memref<20000x64xf32, #tpu.memory_space<hbm>> -> memref<20000x64xf32, #tpu.memory_space<hbm>>
      tpu.wait_indirect_dma semaphore(%arg22 : memref<!tpu.dma_semaphore, #tpu.memory_space<semaphore_mem>>) src(%dma_wait3A_289 : memref<20000x64xf32, #tpu.memory_space<hbm>>) dst(%arg15 : memref<80x64xf32, #tpu.memory_space<vmem>>)
      "tpu.region"() ({
        %run_scoped3A_314 = tpu.sem_alloc : memref<!tpu.dma_semaphore, #tpu.memory_space<semaphore_mem>>
        %dma_start3A_315 = arith.constant 0 : i32
        %dma_start3A_316 = tpu.memref_slice %arg9[%add3A_283, %dma_start3A_315] : memref<125x80xi32, #tpu.memory_space<vmem>> -> memref<1x80xi32, #tpu.memory_space<vmem>>
        %dma_start3A_317 = tpu.memref_squeeze %dma_start3A_316 : memref<1x80xi32, #tpu.memory_space<vmem>> -> memref<80xi32, #tpu.memory_space<vmem>>
        %dma_start3A_318 = arith.constant 0 : i32
        %dma_start3A_319 = arith.constant 0 : i32
        %dma_start3A_320 = tpu.memref_slice %arg7[%dma_start3A_318, %dma_start3A_319] : memref<10240x64xf32, #tpu.memory_space<vmem_shared>> -> memref<10240x64xf32, #tpu.memory_space<vmem_shared>>
        tpu.enqueue_indirect_dma source(%arg15 : memref<80x64xf32, #tpu.memory_space<vmem>>) target(%dma_start3A_320 : memref<10240x64xf32, #tpu.memory_space<vmem_shared>>) offsets(%dma_start3A_317 : memref<80xi32, #tpu.memory_space<vmem>>) semaphore(%run_scoped3A_314 : memref<!tpu.dma_semaphore, #tpu.memory_space<semaphore_mem>>) {add = true}
        %dma_wait3A_321 = arith.constant 0 : i32
        %dma_wait3A_322 = tpu.memref_slice %arg9[%add3A_283, %dma_wait3A_321] : memref<125x80xi32, #tpu.memory_space<vmem>> -> memref<1x80xi32, #tpu.memory_space<vmem>>
        %dma_wait3A_323 = tpu.memref_squeeze %dma_wait3A_322 : memref<1x80xi32, #tpu.memory_space<vmem>> -> memref<80xi32, #tpu.memory_space<vmem>>
        %dma_wait3A_324 = arith.constant 0 : i32
        %dma_wait3A_325 = arith.constant 0 : i32
        %dma_wait3A_326 = tpu.memref_slice %arg7[%dma_wait3A_324, %dma_wait3A_325] : memref<10240x64xf32, #tpu.memory_space<vmem_shared>> -> memref<10240x64xf32, #tpu.memory_space<vmem_shared>>
        tpu.wait_indirect_dma semaphore(%run_scoped3A_314 : memref<!tpu.dma_semaphore, #tpu.memory_space<semaphore_mem>>) src(%arg15 : memref<80x64xf32, #tpu.memory_space<vmem>>) dst(%dma_wait3A_326 : memref<10240x64xf32, #tpu.memory_space<vmem_shared>>)
        tpu.yield
      }) : () -> ()
      %add3A_290 = arith.constant 7 : i32
      %add3A_291 = arith.addi %add3A_283, %add3A_290 : i32
      %dma_start3A_292 = arith.constant 0 : i32
      %dma_start3A_293 = tpu.memref_slice %arg8[%add3A_291, %dma_start3A_292] : memref<125x80xi32, #tpu.memory_space<vmem>> -> memref<1x80xi32, #tpu.memory_space<vmem>>
      %dma_start3A_294 = tpu.memref_squeeze %dma_start3A_293 : memref<1x80xi32, #tpu.memory_space<vmem>> -> memref<80xi32, #tpu.memory_space<vmem>>
      %dma_start3A_295 = arith.constant 0 : i32
      %dma_start3A_296 = arith.constant 0 : i32
      %dma_start3A_297 = tpu.memref_slice %arg4[%dma_start3A_295, %dma_start3A_296] : memref<20000x64xf32, #tpu.memory_space<hbm>> -> memref<20000x64xf32, #tpu.memory_space<hbm>>
      tpu.enqueue_indirect_dma source(%dma_start3A_297 : memref<20000x64xf32, #tpu.memory_space<hbm>>) target(%arg15 : memref<80x64xf32, #tpu.memory_space<vmem>>) offsets(%dma_start3A_294 : memref<80xi32, #tpu.memory_space<vmem>>) semaphore(%arg22 : memref<!tpu.dma_semaphore, #tpu.memory_space<semaphore_mem>>)
      %add3A_298 = arith.constant 6 : i32
      %add3A_299 = arith.addi %add3A_201, %add3A_298 : i32
      %dma_wait3A_300 = arith.constant 0 : i32
      %dma_wait3A_301 = tpu.memref_slice %arg8[%add3A_299, %dma_wait3A_300] : memref<125x80xi32, #tpu.memory_space<vmem>> -> memref<1x80xi32, #tpu.memory_space<vmem>>
      %dma_wait3A_302 = tpu.memref_squeeze %dma_wait3A_301 : memref<1x80xi32, #tpu.memory_space<vmem>> -> memref<80xi32, #tpu.memory_space<vmem>>
      %dma_wait3A_303 = arith.constant 0 : i32
      %dma_wait3A_304 = arith.constant 0 : i32
      %dma_wait3A_305 = tpu.memref_slice %arg4[%dma_wait3A_303, %dma_wait3A_304] : memref<20000x64xf32, #tpu.memory_space<hbm>> -> memref<20000x64xf32, #tpu.memory_space<hbm>>
      tpu.wait_indirect_dma semaphore(%arg23 : memref<!tpu.dma_semaphore, #tpu.memory_space<semaphore_mem>>) src(%dma_wait3A_305 : memref<20000x64xf32, #tpu.memory_space<hbm>>) dst(%arg16 : memref<80x64xf32, #tpu.memory_space<vmem>>)
      "tpu.region"() ({
        %run_scoped3A_314 = tpu.sem_alloc : memref<!tpu.dma_semaphore, #tpu.memory_space<semaphore_mem>>
        %dma_start3A_315 = arith.constant 0 : i32
        %dma_start3A_316 = tpu.memref_slice %arg9[%add3A_299, %dma_start3A_315] : memref<125x80xi32, #tpu.memory_space<vmem>> -> memref<1x80xi32, #tpu.memory_space<vmem>>
        %dma_start3A_317 = tpu.memref_squeeze %dma_start3A_316 : memref<1x80xi32, #tpu.memory_space<vmem>> -> memref<80xi32, #tpu.memory_space<vmem>>
        %dma_start3A_318 = arith.constant 0 : i32
        %dma_start3A_319 = arith.constant 0 : i32
        %dma_start3A_320 = tpu.memref_slice %arg7[%dma_start3A_318, %dma_start3A_319] : memref<10240x64xf32, #tpu.memory_space<vmem_shared>> -> memref<10240x64xf32, #tpu.memory_space<vmem_shared>>
        tpu.enqueue_indirect_dma source(%arg16 : memref<80x64xf32, #tpu.memory_space<vmem>>) target(%dma_start3A_320 : memref<10240x64xf32, #tpu.memory_space<vmem_shared>>) offsets(%dma_start3A_317 : memref<80xi32, #tpu.memory_space<vmem>>) semaphore(%run_scoped3A_314 : memref<!tpu.dma_semaphore, #tpu.memory_space<semaphore_mem>>) {add = true}
        %dma_wait3A_321 = arith.constant 0 : i32
        %dma_wait3A_322 = tpu.memref_slice %arg9[%add3A_299, %dma_wait3A_321] : memref<125x80xi32, #tpu.memory_space<vmem>> -> memref<1x80xi32, #tpu.memory_space<vmem>>
        %dma_wait3A_323 = tpu.memref_squeeze %dma_wait3A_322 : memref<1x80xi32, #tpu.memory_space<vmem>> -> memref<80xi32, #tpu.memory_space<vmem>>
        %dma_wait3A_324 = arith.constant 0 : i32
        %dma_wait3A_325 = arith.constant 0 : i32
        %dma_wait3A_326 = tpu.memref_slice %arg7[%dma_wait3A_324, %dma_wait3A_325] : memref<10240x64xf32, #tpu.memory_space<vmem_shared>> -> memref<10240x64xf32, #tpu.memory_space<vmem_shared>>
        tpu.wait_indirect_dma semaphore(%run_scoped3A_314 : memref<!tpu.dma_semaphore, #tpu.memory_space<semaphore_mem>>) src(%arg16 : memref<80x64xf32, #tpu.memory_space<vmem>>) dst(%dma_wait3A_326 : memref<10240x64xf32, #tpu.memory_space<vmem_shared>>)
        tpu.yield
      }) : () -> ()
      %add3A_306 = arith.constant 7 : i32
      %add3A_307 = arith.addi %add3A_299, %add3A_306 : i32
      %dma_start3A_308 = arith.constant 0 : i32
      %dma_start3A_309 = tpu.memref_slice %arg8[%add3A_307, %dma_start3A_308] : memref<125x80xi32, #tpu.memory_space<vmem>> -> memref<1x80xi32, #tpu.memory_space<vmem>>
      %dma_start3A_310 = tpu.memref_squeeze %dma_start3A_309 : memref<1x80xi32, #tpu.memory_space<vmem>> -> memref<80xi32, #tpu.memory_space<vmem>>
      %dma_start3A_311 = arith.constant 0 : i32
      %dma_start3A_312 = arith.constant 0 : i32
      %dma_start3A_313 = tpu.memref_slice %arg4[%dma_start3A_311, %dma_start3A_312] : memref<20000x64xf32, #tpu.memory_space<hbm>> -> memref<20000x64xf32, #tpu.memory_space<hbm>>
      tpu.enqueue_indirect_dma source(%dma_start3A_313 : memref<20000x64xf32, #tpu.memory_space<hbm>>) target(%arg16 : memref<80x64xf32, #tpu.memory_space<vmem>>) offsets(%dma_start3A_310 : memref<80xi32, #tpu.memory_space<vmem>>) semaphore(%arg23 : memref<!tpu.dma_semaphore, #tpu.memory_space<semaphore_mem>>)
    }
    %scan3A_52 = arith.constant 16 : i32
    %dma_wait3A = arith.constant 112 : i32
    %dma_wait3A_53 = arith.constant 0 : i32
    %dma_wait3A_54 = tpu.memref_slice %arg8[%dma_wait3A, %dma_wait3A_53] : memref<125x80xi32, #tpu.memory_space<vmem>> -> memref<1x80xi32, #tpu.memory_space<vmem>>
    %dma_wait3A_55 = tpu.memref_squeeze %dma_wait3A_54 : memref<1x80xi32, #tpu.memory_space<vmem>> -> memref<80xi32, #tpu.memory_space<vmem>>
    %dma_wait3A_56 = arith.constant 0 : i32
    %dma_wait3A_57 = arith.constant 0 : i32
    %dma_wait3A_58 = tpu.memref_slice %arg4[%dma_wait3A_56, %dma_wait3A_57] : memref<20000x64xf32, #tpu.memory_space<hbm>> -> memref<20000x64xf32, #tpu.memory_space<hbm>>
    tpu.wait_indirect_dma semaphore(%arg17 : memref<!tpu.dma_semaphore, #tpu.memory_space<semaphore_mem>>) src(%dma_wait3A_58 : memref<20000x64xf32, #tpu.memory_space<hbm>>) dst(%arg10 : memref<80x64xf32, #tpu.memory_space<vmem>>)
    %run_scoped3A = arith.constant 112 : i32
    "tpu.region"() ({
      %run_scoped3A_198 = tpu.sem_alloc : memref<!tpu.dma_semaphore, #tpu.memory_space<semaphore_mem>>
      %dma_start3A_199 = arith.constant 0 : i32
      %dma_start3A_200 = tpu.memref_slice %arg9[%run_scoped3A, %dma_start3A_199] : memref<125x80xi32, #tpu.memory_space<vmem>> -> memref<1x80xi32, #tpu.memory_space<vmem>>
      %dma_start3A_201 = tpu.memref_squeeze %dma_start3A_200 : memref<1x80xi32, #tpu.memory_space<vmem>> -> memref<80xi32, #tpu.memory_space<vmem>>
      %dma_start3A_202 = arith.constant 0 : i32
      %dma_start3A_203 = arith.constant 0 : i32
      %dma_start3A_204 = tpu.memref_slice %arg7[%dma_start3A_202, %dma_start3A_203] : memref<10240x64xf32, #tpu.memory_space<vmem_shared>> -> memref<10240x64xf32, #tpu.memory_space<vmem_shared>>
      tpu.enqueue_indirect_dma source(%arg10 : memref<80x64xf32, #tpu.memory_space<vmem>>) target(%dma_start3A_204 : memref<10240x64xf32, #tpu.memory_space<vmem_shared>>) offsets(%dma_start3A_201 : memref<80xi32, #tpu.memory_space<vmem>>) semaphore(%run_scoped3A_198 : memref<!tpu.dma_semaphore, #tpu.memory_space<semaphore_mem>>) {add = true}
      %dma_wait3A_205 = arith.constant 0 : i32
      %dma_wait3A_206 = tpu.memref_slice %arg9[%run_scoped3A, %dma_wait3A_205] : memref<125x80xi32, #tpu.memory_space<vmem>> -> memref<1x80xi32, #tpu.memory_space<vmem>>
      %dma_wait3A_207 = tpu.memref_squeeze %dma_wait3A_206 : memref<1x80xi32, #tpu.memory_space<vmem>> -> memref<80xi32, #tpu.memory_space<vmem>>
      %dma_wait3A_208 = arith.constant 0 : i32
      %dma_wait3A_209 = arith.constant 0 : i32
      %dma_wait3A_210 = tpu.memref_slice %arg7[%dma_wait3A_208, %dma_wait3A_209] : memref<10240x64xf32, #tpu.memory_space<vmem_shared>> -> memref<10240x64xf32, #tpu.memory_space<vmem_shared>>
      tpu.wait_indirect_dma semaphore(%run_scoped3A_198 : memref<!tpu.dma_semaphore, #tpu.memory_space<semaphore_mem>>) src(%arg10 : memref<80x64xf32, #tpu.memory_space<vmem>>) dst(%dma_wait3A_210 : memref<10240x64xf32, #tpu.memory_space<vmem_shared>>)
      tpu.yield
    }) : () -> ()
    %dma_start3A_59 = arith.constant 119 : i32
    %dma_start3A_60 = arith.constant 0 : i32
    %dma_start3A_61 = tpu.memref_slice %arg8[%dma_start3A_59, %dma_start3A_60] : memref<125x80xi32, #tpu.memory_space<vmem>> -> memref<1x80xi32, #tpu.memory_space<vmem>>
    %dma_start3A_62 = tpu.memref_squeeze %dma_start3A_61 : memref<1x80xi32, #tpu.memory_space<vmem>> -> memref<80xi32, #tpu.memory_space<vmem>>
    %dma_start3A_63 = arith.constant 0 : i32
    %dma_start3A_64 = arith.constant 0 : i32
    %dma_start3A_65 = tpu.memref_slice %arg4[%dma_start3A_63, %dma_start3A_64] : memref<20000x64xf32, #tpu.memory_space<hbm>> -> memref<20000x64xf32, #tpu.memory_space<hbm>>
    tpu.enqueue_indirect_dma source(%dma_start3A_65 : memref<20000x64xf32, #tpu.memory_space<hbm>>) target(%arg10 : memref<80x64xf32, #tpu.memory_space<vmem>>) offsets(%dma_start3A_62 : memref<80xi32, #tpu.memory_space<vmem>>) semaphore(%arg17 : memref<!tpu.dma_semaphore, #tpu.memory_space<semaphore_mem>>)
    %dma_wait3A_66 = arith.constant 113 : i32
    %dma_wait3A_67 = arith.constant 0 : i32
    %dma_wait3A_68 = tpu.memref_slice %arg8[%dma_wait3A_66, %dma_wait3A_67] : memref<125x80xi32, #tpu.memory_space<vmem>> -> memref<1x80xi32, #tpu.memory_space<vmem>>
    %dma_wait3A_69 = tpu.memref_squeeze %dma_wait3A_68 : memref<1x80xi32, #tpu.memory_space<vmem>> -> memref<80xi32, #tpu.memory_space<vmem>>
    %dma_wait3A_70 = arith.constant 0 : i32
    %dma_wait3A_71 = arith.constant 0 : i32
    %dma_wait3A_72 = tpu.memref_slice %arg4[%dma_wait3A_70, %dma_wait3A_71] : memref<20000x64xf32, #tpu.memory_space<hbm>> -> memref<20000x64xf32, #tpu.memory_space<hbm>>
    tpu.wait_indirect_dma semaphore(%arg18 : memref<!tpu.dma_semaphore, #tpu.memory_space<semaphore_mem>>) src(%dma_wait3A_72 : memref<20000x64xf32, #tpu.memory_space<hbm>>) dst(%arg11 : memref<80x64xf32, #tpu.memory_space<vmem>>)
    %run_scoped3A_73 = arith.constant 113 : i32
    "tpu.region"() ({
      %run_scoped3A_198 = tpu.sem_alloc : memref<!tpu.dma_semaphore, #tpu.memory_space<semaphore_mem>>
      %dma_start3A_199 = arith.constant 0 : i32
      %dma_start3A_200 = tpu.memref_slice %arg9[%run_scoped3A_73, %dma_start3A_199] : memref<125x80xi32, #tpu.memory_space<vmem>> -> memref<1x80xi32, #tpu.memory_space<vmem>>
      %dma_start3A_201 = tpu.memref_squeeze %dma_start3A_200 : memref<1x80xi32, #tpu.memory_space<vmem>> -> memref<80xi32, #tpu.memory_space<vmem>>
      %dma_start3A_202 = arith.constant 0 : i32
      %dma_start3A_203 = arith.constant 0 : i32
      %dma_start3A_204 = tpu.memref_slice %arg7[%dma_start3A_202, %dma_start3A_203] : memref<10240x64xf32, #tpu.memory_space<vmem_shared>> -> memref<10240x64xf32, #tpu.memory_space<vmem_shared>>
      tpu.enqueue_indirect_dma source(%arg11 : memref<80x64xf32, #tpu.memory_space<vmem>>) target(%dma_start3A_204 : memref<10240x64xf32, #tpu.memory_space<vmem_shared>>) offsets(%dma_start3A_201 : memref<80xi32, #tpu.memory_space<vmem>>) semaphore(%run_scoped3A_198 : memref<!tpu.dma_semaphore, #tpu.memory_space<semaphore_mem>>) {add = true}
      %dma_wait3A_205 = arith.constant 0 : i32
      %dma_wait3A_206 = tpu.memref_slice %arg9[%run_scoped3A_73, %dma_wait3A_205] : memref<125x80xi32, #tpu.memory_space<vmem>> -> memref<1x80xi32, #tpu.memory_space<vmem>>
      %dma_wait3A_207 = tpu.memref_squeeze %dma_wait3A_206 : memref<1x80xi32, #tpu.memory_space<vmem>> -> memref<80xi32, #tpu.memory_space<vmem>>
      %dma_wait3A_208 = arith.constant 0 : i32
      %dma_wait3A_209 = arith.constant 0 : i32
      %dma_wait3A_210 = tpu.memref_slice %arg7[%dma_wait3A_208, %dma_wait3A_209] : memref<10240x64xf32, #tpu.memory_space<vmem_shared>> -> memref<10240x64xf32, #tpu.memory_space<vmem_shared>>
      tpu.wait_indirect_dma semaphore(%run_scoped3A_198 : memref<!tpu.dma_semaphore, #tpu.memory_space<semaphore_mem>>) src(%arg11 : memref<80x64xf32, #tpu.memory_space<vmem>>) dst(%dma_wait3A_210 : memref<10240x64xf32, #tpu.memory_space<vmem_shared>>)
      tpu.yield
    }) : () -> ()
    %dma_start3A_74 = arith.constant 120 : i32
    %dma_start3A_75 = arith.constant 0 : i32
    %dma_start3A_76 = tpu.memref_slice %arg8[%dma_start3A_74, %dma_start3A_75] : memref<125x80xi32, #tpu.memory_space<vmem>> -> memref<1x80xi32, #tpu.memory_space<vmem>>
    %dma_start3A_77 = tpu.memref_squeeze %dma_start3A_76 : memref<1x80xi32, #tpu.memory_space<vmem>> -> memref<80xi32, #tpu.memory_space<vmem>>
    %dma_start3A_78 = arith.constant 0 : i32
    %dma_start3A_79 = arith.constant 0 : i32
    %dma_start3A_80 = tpu.memref_slice %arg4[%dma_start3A_78, %dma_start3A_79] : memref<20000x64xf32, #tpu.memory_space<hbm>> -> memref<20000x64xf32, #tpu.memory_space<hbm>>
    tpu.enqueue_indirect_dma source(%dma_start3A_80 : memref<20000x64xf32, #tpu.memory_space<hbm>>) target(%arg11 : memref<80x64xf32, #tpu.memory_space<vmem>>) offsets(%dma_start3A_77 : memref<80xi32, #tpu.memory_space<vmem>>) semaphore(%arg18 : memref<!tpu.dma_semaphore, #tpu.memory_space<semaphore_mem>>)
    %dma_wait3A_81 = arith.constant 114 : i32
    %dma_wait3A_82 = arith.constant 0 : i32
    %dma_wait3A_83 = tpu.memref_slice %arg8[%dma_wait3A_81, %dma_wait3A_82] : memref<125x80xi32, #tpu.memory_space<vmem>> -> memref<1x80xi32, #tpu.memory_space<vmem>>
    %dma_wait3A_84 = tpu.memref_squeeze %dma_wait3A_83 : memref<1x80xi32, #tpu.memory_space<vmem>> -> memref<80xi32, #tpu.memory_space<vmem>>
    %dma_wait3A_85 = arith.constant 0 : i32
    %dma_wait3A_86 = arith.constant 0 : i32
    %dma_wait3A_87 = tpu.memref_slice %arg4[%dma_wait3A_85, %dma_wait3A_86] : memref<20000x64xf32, #tpu.memory_space<hbm>> -> memref<20000x64xf32, #tpu.memory_space<hbm>>
    tpu.wait_indirect_dma semaphore(%arg19 : memref<!tpu.dma_semaphore, #tpu.memory_space<semaphore_mem>>) src(%dma_wait3A_87 : memref<20000x64xf32, #tpu.memory_space<hbm>>) dst(%arg12 : memref<80x64xf32, #tpu.memory_space<vmem>>)
    %run_scoped3A_88 = arith.constant 114 : i32
    "tpu.region"() ({
      %run_scoped3A_198 = tpu.sem_alloc : memref<!tpu.dma_semaphore, #tpu.memory_space<semaphore_mem>>
      %dma_start3A_199 = arith.constant 0 : i32
      %dma_start3A_200 = tpu.memref_slice %arg9[%run_scoped3A_88, %dma_start3A_199] : memref<125x80xi32, #tpu.memory_space<vmem>> -> memref<1x80xi32, #tpu.memory_space<vmem>>
      %dma_start3A_201 = tpu.memref_squeeze %dma_start3A_200 : memref<1x80xi32, #tpu.memory_space<vmem>> -> memref<80xi32, #tpu.memory_space<vmem>>
      %dma_start3A_202 = arith.constant 0 : i32
      %dma_start3A_203 = arith.constant 0 : i32
      %dma_start3A_204 = tpu.memref_slice %arg7[%dma_start3A_202, %dma_start3A_203] : memref<10240x64xf32, #tpu.memory_space<vmem_shared>> -> memref<10240x64xf32, #tpu.memory_space<vmem_shared>>
      tpu.enqueue_indirect_dma source(%arg12 : memref<80x64xf32, #tpu.memory_space<vmem>>) target(%dma_start3A_204 : memref<10240x64xf32, #tpu.memory_space<vmem_shared>>) offsets(%dma_start3A_201 : memref<80xi32, #tpu.memory_space<vmem>>) semaphore(%run_scoped3A_198 : memref<!tpu.dma_semaphore, #tpu.memory_space<semaphore_mem>>) {add = true}
      %dma_wait3A_205 = arith.constant 0 : i32
      %dma_wait3A_206 = tpu.memref_slice %arg9[%run_scoped3A_88, %dma_wait3A_205] : memref<125x80xi32, #tpu.memory_space<vmem>> -> memref<1x80xi32, #tpu.memory_space<vmem>>
      %dma_wait3A_207 = tpu.memref_squeeze %dma_wait3A_206 : memref<1x80xi32, #tpu.memory_space<vmem>> -> memref<80xi32, #tpu.memory_space<vmem>>
      %dma_wait3A_208 = arith.constant 0 : i32
      %dma_wait3A_209 = arith.constant 0 : i32
      %dma_wait3A_210 = tpu.memref_slice %arg7[%dma_wait3A_208, %dma_wait3A_209] : memref<10240x64xf32, #tpu.memory_space<vmem_shared>> -> memref<10240x64xf32, #tpu.memory_space<vmem_shared>>
      tpu.wait_indirect_dma semaphore(%run_scoped3A_198 : memref<!tpu.dma_semaphore, #tpu.memory_space<semaphore_mem>>) src(%arg12 : memref<80x64xf32, #tpu.memory_space<vmem>>) dst(%dma_wait3A_210 : memref<10240x64xf32, #tpu.memory_space<vmem_shared>>)
      tpu.yield
    }) : () -> ()
    %dma_start3A_89 = arith.constant 121 : i32
    %dma_start3A_90 = arith.constant 0 : i32
    %dma_start3A_91 = tpu.memref_slice %arg8[%dma_start3A_89, %dma_start3A_90] : memref<125x80xi32, #tpu.memory_space<vmem>> -> memref<1x80xi32, #tpu.memory_space<vmem>>
    %dma_start3A_92 = tpu.memref_squeeze %dma_start3A_91 : memref<1x80xi32, #tpu.memory_space<vmem>> -> memref<80xi32, #tpu.memory_space<vmem>>
    %dma_start3A_93 = arith.constant 0 : i32
    %dma_start3A_94 = arith.constant 0 : i32
    %dma_start3A_95 = tpu.memref_slice %arg4[%dma_start3A_93, %dma_start3A_94] : memref<20000x64xf32, #tpu.memory_space<hbm>> -> memref<20000x64xf32, #tpu.memory_space<hbm>>
    tpu.enqueue_indirect_dma source(%dma_start3A_95 : memref<20000x64xf32, #tpu.memory_space<hbm>>) target(%arg12 : memref<80x64xf32, #tpu.memory_space<vmem>>) offsets(%dma_start3A_92 : memref<80xi32, #tpu.memory_space<vmem>>) semaphore(%arg19 : memref<!tpu.dma_semaphore, #tpu.memory_space<semaphore_mem>>)
    %dma_wait3A_96 = arith.constant 115 : i32
    %dma_wait3A_97 = arith.constant 0 : i32
    %dma_wait3A_98 = tpu.memref_slice %arg8[%dma_wait3A_96, %dma_wait3A_97] : memref<125x80xi32, #tpu.memory_space<vmem>> -> memref<1x80xi32, #tpu.memory_space<vmem>>
    %dma_wait3A_99 = tpu.memref_squeeze %dma_wait3A_98 : memref<1x80xi32, #tpu.memory_space<vmem>> -> memref<80xi32, #tpu.memory_space<vmem>>
    %dma_wait3A_100 = arith.constant 0 : i32
    %dma_wait3A_101 = arith.constant 0 : i32
    %dma_wait3A_102 = tpu.memref_slice %arg4[%dma_wait3A_100, %dma_wait3A_101] : memref<20000x64xf32, #tpu.memory_space<hbm>> -> memref<20000x64xf32, #tpu.memory_space<hbm>>
    tpu.wait_indirect_dma semaphore(%arg20 : memref<!tpu.dma_semaphore, #tpu.memory_space<semaphore_mem>>) src(%dma_wait3A_102 : memref<20000x64xf32, #tpu.memory_space<hbm>>) dst(%arg13 : memref<80x64xf32, #tpu.memory_space<vmem>>)
    %run_scoped3A_103 = arith.constant 115 : i32
    "tpu.region"() ({
      %run_scoped3A_198 = tpu.sem_alloc : memref<!tpu.dma_semaphore, #tpu.memory_space<semaphore_mem>>
      %dma_start3A_199 = arith.constant 0 : i32
      %dma_start3A_200 = tpu.memref_slice %arg9[%run_scoped3A_103, %dma_start3A_199] : memref<125x80xi32, #tpu.memory_space<vmem>> -> memref<1x80xi32, #tpu.memory_space<vmem>>
      %dma_start3A_201 = tpu.memref_squeeze %dma_start3A_200 : memref<1x80xi32, #tpu.memory_space<vmem>> -> memref<80xi32, #tpu.memory_space<vmem>>
      %dma_start3A_202 = arith.constant 0 : i32
      %dma_start3A_203 = arith.constant 0 : i32
      %dma_start3A_204 = tpu.memref_slice %arg7[%dma_start3A_202, %dma_start3A_203] : memref<10240x64xf32, #tpu.memory_space<vmem_shared>> -> memref<10240x64xf32, #tpu.memory_space<vmem_shared>>
      tpu.enqueue_indirect_dma source(%arg13 : memref<80x64xf32, #tpu.memory_space<vmem>>) target(%dma_start3A_204 : memref<10240x64xf32, #tpu.memory_space<vmem_shared>>) offsets(%dma_start3A_201 : memref<80xi32, #tpu.memory_space<vmem>>) semaphore(%run_scoped3A_198 : memref<!tpu.dma_semaphore, #tpu.memory_space<semaphore_mem>>) {add = true}
      %dma_wait3A_205 = arith.constant 0 : i32
      %dma_wait3A_206 = tpu.memref_slice %arg9[%run_scoped3A_103, %dma_wait3A_205] : memref<125x80xi32, #tpu.memory_space<vmem>> -> memref<1x80xi32, #tpu.memory_space<vmem>>
      %dma_wait3A_207 = tpu.memref_squeeze %dma_wait3A_206 : memref<1x80xi32, #tpu.memory_space<vmem>> -> memref<80xi32, #tpu.memory_space<vmem>>
      %dma_wait3A_208 = arith.constant 0 : i32
      %dma_wait3A_209 = arith.constant 0 : i32
      %dma_wait3A_210 = tpu.memref_slice %arg7[%dma_wait3A_208, %dma_wait3A_209] : memref<10240x64xf32, #tpu.memory_space<vmem_shared>> -> memref<10240x64xf32, #tpu.memory_space<vmem_shared>>
      tpu.wait_indirect_dma semaphore(%run_scoped3A_198 : memref<!tpu.dma_semaphore, #tpu.memory_space<semaphore_mem>>) src(%arg13 : memref<80x64xf32, #tpu.memory_space<vmem>>) dst(%dma_wait3A_210 : memref<10240x64xf32, #tpu.memory_space<vmem_shared>>)
      tpu.yield
    }) : () -> ()
    %dma_start3A_104 = arith.constant 122 : i32
    %dma_start3A_105 = arith.constant 0 : i32
    %dma_start3A_106 = tpu.memref_slice %arg8[%dma_start3A_104, %dma_start3A_105] : memref<125x80xi32, #tpu.memory_space<vmem>> -> memref<1x80xi32, #tpu.memory_space<vmem>>
    %dma_start3A_107 = tpu.memref_squeeze %dma_start3A_106 : memref<1x80xi32, #tpu.memory_space<vmem>> -> memref<80xi32, #tpu.memory_space<vmem>>
    %dma_start3A_108 = arith.constant 0 : i32
    %dma_start3A_109 = arith.constant 0 : i32
    %dma_start3A_110 = tpu.memref_slice %arg4[%dma_start3A_108, %dma_start3A_109] : memref<20000x64xf32, #tpu.memory_space<hbm>> -> memref<20000x64xf32, #tpu.memory_space<hbm>>
    tpu.enqueue_indirect_dma source(%dma_start3A_110 : memref<20000x64xf32, #tpu.memory_space<hbm>>) target(%arg13 : memref<80x64xf32, #tpu.memory_space<vmem>>) offsets(%dma_start3A_107 : memref<80xi32, #tpu.memory_space<vmem>>) semaphore(%arg20 : memref<!tpu.dma_semaphore, #tpu.memory_space<semaphore_mem>>)
    %dma_wait3A_111 = arith.constant 116 : i32
    %dma_wait3A_112 = arith.constant 0 : i32
    %dma_wait3A_113 = tpu.memref_slice %arg8[%dma_wait3A_111, %dma_wait3A_112] : memref<125x80xi32, #tpu.memory_space<vmem>> -> memref<1x80xi32, #tpu.memory_space<vmem>>
    %dma_wait3A_114 = tpu.memref_squeeze %dma_wait3A_113 : memref<1x80xi32, #tpu.memory_space<vmem>> -> memref<80xi32, #tpu.memory_space<vmem>>
    %dma_wait3A_115 = arith.constant 0 : i32
    %dma_wait3A_116 = arith.constant 0 : i32
    %dma_wait3A_117 = tpu.memref_slice %arg4[%dma_wait3A_115, %dma_wait3A_116] : memref<20000x64xf32, #tpu.memory_space<hbm>> -> memref<20000x64xf32, #tpu.memory_space<hbm>>
    tpu.wait_indirect_dma semaphore(%arg21 : memref<!tpu.dma_semaphore, #tpu.memory_space<semaphore_mem>>) src(%dma_wait3A_117 : memref<20000x64xf32, #tpu.memory_space<hbm>>) dst(%arg14 : memref<80x64xf32, #tpu.memory_space<vmem>>)
    %run_scoped3A_118 = arith.constant 116 : i32
    "tpu.region"() ({
      %run_scoped3A_198 = tpu.sem_alloc : memref<!tpu.dma_semaphore, #tpu.memory_space<semaphore_mem>>
      %dma_start3A_199 = arith.constant 0 : i32
      %dma_start3A_200 = tpu.memref_slice %arg9[%run_scoped3A_118, %dma_start3A_199] : memref<125x80xi32, #tpu.memory_space<vmem>> -> memref<1x80xi32, #tpu.memory_space<vmem>>
      %dma_start3A_201 = tpu.memref_squeeze %dma_start3A_200 : memref<1x80xi32, #tpu.memory_space<vmem>> -> memref<80xi32, #tpu.memory_space<vmem>>
      %dma_start3A_202 = arith.constant 0 : i32
      %dma_start3A_203 = arith.constant 0 : i32
      %dma_start3A_204 = tpu.memref_slice %arg7[%dma_start3A_202, %dma_start3A_203] : memref<10240x64xf32, #tpu.memory_space<vmem_shared>> -> memref<10240x64xf32, #tpu.memory_space<vmem_shared>>
      tpu.enqueue_indirect_dma source(%arg14 : memref<80x64xf32, #tpu.memory_space<vmem>>) target(%dma_start3A_204 : memref<10240x64xf32, #tpu.memory_space<vmem_shared>>) offsets(%dma_start3A_201 : memref<80xi32, #tpu.memory_space<vmem>>) semaphore(%run_scoped3A_198 : memref<!tpu.dma_semaphore, #tpu.memory_space<semaphore_mem>>) {add = true}
      %dma_wait3A_205 = arith.constant 0 : i32
      %dma_wait3A_206 = tpu.memref_slice %arg9[%run_scoped3A_118, %dma_wait3A_205] : memref<125x80xi32, #tpu.memory_space<vmem>> -> memref<1x80xi32, #tpu.memory_space<vmem>>
      %dma_wait3A_207 = tpu.memref_squeeze %dma_wait3A_206 : memref<1x80xi32, #tpu.memory_space<vmem>> -> memref<80xi32, #tpu.memory_space<vmem>>
      %dma_wait3A_208 = arith.constant 0 : i32
      %dma_wait3A_209 = arith.constant 0 : i32
      %dma_wait3A_210 = tpu.memref_slice %arg7[%dma_wait3A_208, %dma_wait3A_209] : memref<10240x64xf32, #tpu.memory_space<vmem_shared>> -> memref<10240x64xf32, #tpu.memory_space<vmem_shared>>
      tpu.wait_indirect_dma semaphore(%run_scoped3A_198 : memref<!tpu.dma_semaphore, #tpu.memory_space<semaphore_mem>>) src(%arg14 : memref<80x64xf32, #tpu.memory_space<vmem>>) dst(%dma_wait3A_210 : memref<10240x64xf32, #tpu.memory_space<vmem_shared>>)
      tpu.yield
    }) : () -> ()
    %dma_start3A_119 = arith.constant 123 : i32
    %dma_start3A_120 = arith.constant 0 : i32
    %dma_start3A_121 = tpu.memref_slice %arg8[%dma_start3A_119, %dma_start3A_120] : memref<125x80xi32, #tpu.memory_space<vmem>> -> memref<1x80xi32, #tpu.memory_space<vmem>>
    %dma_start3A_122 = tpu.memref_squeeze %dma_start3A_121 : memref<1x80xi32, #tpu.memory_space<vmem>> -> memref<80xi32, #tpu.memory_space<vmem>>
    %dma_start3A_123 = arith.constant 0 : i32
    %dma_start3A_124 = arith.constant 0 : i32
    %dma_start3A_125 = tpu.memref_slice %arg4[%dma_start3A_123, %dma_start3A_124] : memref<20000x64xf32, #tpu.memory_space<hbm>> -> memref<20000x64xf32, #tpu.memory_space<hbm>>
    tpu.enqueue_indirect_dma source(%dma_start3A_125 : memref<20000x64xf32, #tpu.memory_space<hbm>>) target(%arg14 : memref<80x64xf32, #tpu.memory_space<vmem>>) offsets(%dma_start3A_122 : memref<80xi32, #tpu.memory_space<vmem>>) semaphore(%arg21 : memref<!tpu.dma_semaphore, #tpu.memory_space<semaphore_mem>>)
    %dma_wait3A_126 = arith.constant 117 : i32
    %dma_wait3A_127 = arith.constant 0 : i32
    %dma_wait3A_128 = tpu.memref_slice %arg8[%dma_wait3A_126, %dma_wait3A_127] : memref<125x80xi32, #tpu.memory_space<vmem>> -> memref<1x80xi32, #tpu.memory_space<vmem>>
    %dma_wait3A_129 = tpu.memref_squeeze %dma_wait3A_128 : memref<1x80xi32, #tpu.memory_space<vmem>> -> memref<80xi32, #tpu.memory_space<vmem>>
    %dma_wait3A_130 = arith.constant 0 : i32
    %dma_wait3A_131 = arith.constant 0 : i32
    %dma_wait3A_132 = tpu.memref_slice %arg4[%dma_wait3A_130, %dma_wait3A_131] : memref<20000x64xf32, #tpu.memory_space<hbm>> -> memref<20000x64xf32, #tpu.memory_space<hbm>>
    tpu.wait_indirect_dma semaphore(%arg22 : memref<!tpu.dma_semaphore, #tpu.memory_space<semaphore_mem>>) src(%dma_wait3A_132 : memref<20000x64xf32, #tpu.memory_space<hbm>>) dst(%arg15 : memref<80x64xf32, #tpu.memory_space<vmem>>)
    %run_scoped3A_133 = arith.constant 117 : i32
    "tpu.region"() ({
      %run_scoped3A_198 = tpu.sem_alloc : memref<!tpu.dma_semaphore, #tpu.memory_space<semaphore_mem>>
      %dma_start3A_199 = arith.constant 0 : i32
      %dma_start3A_200 = tpu.memref_slice %arg9[%run_scoped3A_133, %dma_start3A_199] : memref<125x80xi32, #tpu.memory_space<vmem>> -> memref<1x80xi32, #tpu.memory_space<vmem>>
      %dma_start3A_201 = tpu.memref_squeeze %dma_start3A_200 : memref<1x80xi32, #tpu.memory_space<vmem>> -> memref<80xi32, #tpu.memory_space<vmem>>
      %dma_start3A_202 = arith.constant 0 : i32
      %dma_start3A_203 = arith.constant 0 : i32
      %dma_start3A_204 = tpu.memref_slice %arg7[%dma_start3A_202, %dma_start3A_203] : memref<10240x64xf32, #tpu.memory_space<vmem_shared>> -> memref<10240x64xf32, #tpu.memory_space<vmem_shared>>
      tpu.enqueue_indirect_dma source(%arg15 : memref<80x64xf32, #tpu.memory_space<vmem>>) target(%dma_start3A_204 : memref<10240x64xf32, #tpu.memory_space<vmem_shared>>) offsets(%dma_start3A_201 : memref<80xi32, #tpu.memory_space<vmem>>) semaphore(%run_scoped3A_198 : memref<!tpu.dma_semaphore, #tpu.memory_space<semaphore_mem>>) {add = true}
      %dma_wait3A_205 = arith.constant 0 : i32
      %dma_wait3A_206 = tpu.memref_slice %arg9[%run_scoped3A_133, %dma_wait3A_205] : memref<125x80xi32, #tpu.memory_space<vmem>> -> memref<1x80xi32, #tpu.memory_space<vmem>>
      %dma_wait3A_207 = tpu.memref_squeeze %dma_wait3A_206 : memref<1x80xi32, #tpu.memory_space<vmem>> -> memref<80xi32, #tpu.memory_space<vmem>>
      %dma_wait3A_208 = arith.constant 0 : i32
      %dma_wait3A_209 = arith.constant 0 : i32
      %dma_wait3A_210 = tpu.memref_slice %arg7[%dma_wait3A_208, %dma_wait3A_209] : memref<10240x64xf32, #tpu.memory_space<vmem_shared>> -> memref<10240x64xf32, #tpu.memory_space<vmem_shared>>
      tpu.wait_indirect_dma semaphore(%run_scoped3A_198 : memref<!tpu.dma_semaphore, #tpu.memory_space<semaphore_mem>>) src(%arg15 : memref<80x64xf32, #tpu.memory_space<vmem>>) dst(%dma_wait3A_210 : memref<10240x64xf32, #tpu.memory_space<vmem_shared>>)
      tpu.yield
    }) : () -> ()
    %dma_start3A_134 = arith.constant 124 : i32
    %dma_start3A_135 = arith.constant 0 : i32
    %dma_start3A_136 = tpu.memref_slice %arg8[%dma_start3A_134, %dma_start3A_135] : memref<125x80xi32, #tpu.memory_space<vmem>> -> memref<1x80xi32, #tpu.memory_space<vmem>>
    %dma_start3A_137 = tpu.memref_squeeze %dma_start3A_136 : memref<1x80xi32, #tpu.memory_space<vmem>> -> memref<80xi32, #tpu.memory_space<vmem>>
    %dma_start3A_138 = arith.constant 0 : i32
    %dma_start3A_139 = arith.constant 0 : i32
    %dma_start3A_140 = tpu.memref_slice %arg4[%dma_start3A_138, %dma_start3A_139] : memref<20000x64xf32, #tpu.memory_space<hbm>> -> memref<20000x64xf32, #tpu.memory_space<hbm>>
    tpu.enqueue_indirect_dma source(%dma_start3A_140 : memref<20000x64xf32, #tpu.memory_space<hbm>>) target(%arg15 : memref<80x64xf32, #tpu.memory_space<vmem>>) offsets(%dma_start3A_137 : memref<80xi32, #tpu.memory_space<vmem>>) semaphore(%arg22 : memref<!tpu.dma_semaphore, #tpu.memory_space<semaphore_mem>>)
    %dma_wait3A_141 = arith.constant 118 : i32
    %dma_wait3A_142 = arith.constant 0 : i32
    %dma_wait3A_143 = tpu.memref_slice %arg8[%dma_wait3A_141, %dma_wait3A_142] : memref<125x80xi32, #tpu.memory_space<vmem>> -> memref<1x80xi32, #tpu.memory_space<vmem>>
    %dma_wait3A_144 = tpu.memref_squeeze %dma_wait3A_143 : memref<1x80xi32, #tpu.memory_space<vmem>> -> memref<80xi32, #tpu.memory_space<vmem>>
    %dma_wait3A_145 = arith.constant 0 : i32
    %dma_wait3A_146 = arith.constant 0 : i32
    %dma_wait3A_147 = tpu.memref_slice %arg4[%dma_wait3A_145, %dma_wait3A_146] : memref<20000x64xf32, #tpu.memory_space<hbm>> -> memref<20000x64xf32, #tpu.memory_space<hbm>>
    tpu.wait_indirect_dma semaphore(%arg23 : memref<!tpu.dma_semaphore, #tpu.memory_space<semaphore_mem>>) src(%dma_wait3A_147 : memref<20000x64xf32, #tpu.memory_space<hbm>>) dst(%arg16 : memref<80x64xf32, #tpu.memory_space<vmem>>)
    %run_scoped3A_148 = arith.constant 118 : i32
    "tpu.region"() ({
      %run_scoped3A_198 = tpu.sem_alloc : memref<!tpu.dma_semaphore, #tpu.memory_space<semaphore_mem>>
      %dma_start3A_199 = arith.constant 0 : i32
      %dma_start3A_200 = tpu.memref_slice %arg9[%run_scoped3A_148, %dma_start3A_199] : memref<125x80xi32, #tpu.memory_space<vmem>> -> memref<1x80xi32, #tpu.memory_space<vmem>>
      %dma_start3A_201 = tpu.memref_squeeze %dma_start3A_200 : memref<1x80xi32, #tpu.memory_space<vmem>> -> memref<80xi32, #tpu.memory_space<vmem>>
      %dma_start3A_202 = arith.constant 0 : i32
      %dma_start3A_203 = arith.constant 0 : i32
      %dma_start3A_204 = tpu.memref_slice %arg7[%dma_start3A_202, %dma_start3A_203] : memref<10240x64xf32, #tpu.memory_space<vmem_shared>> -> memref<10240x64xf32, #tpu.memory_space<vmem_shared>>
      tpu.enqueue_indirect_dma source(%arg16 : memref<80x64xf32, #tpu.memory_space<vmem>>) target(%dma_start3A_204 : memref<10240x64xf32, #tpu.memory_space<vmem_shared>>) offsets(%dma_start3A_201 : memref<80xi32, #tpu.memory_space<vmem>>) semaphore(%run_scoped3A_198 : memref<!tpu.dma_semaphore, #tpu.memory_space<semaphore_mem>>) {add = true}
      %dma_wait3A_205 = arith.constant 0 : i32
      %dma_wait3A_206 = tpu.memref_slice %arg9[%run_scoped3A_148, %dma_wait3A_205] : memref<125x80xi32, #tpu.memory_space<vmem>> -> memref<1x80xi32, #tpu.memory_space<vmem>>
      %dma_wait3A_207 = tpu.memref_squeeze %dma_wait3A_206 : memref<1x80xi32, #tpu.memory_space<vmem>> -> memref<80xi32, #tpu.memory_space<vmem>>
      %dma_wait3A_208 = arith.constant 0 : i32
      %dma_wait3A_209 = arith.constant 0 : i32
      %dma_wait3A_210 = tpu.memref_slice %arg7[%dma_wait3A_208, %dma_wait3A_209] : memref<10240x64xf32, #tpu.memory_space<vmem_shared>> -> memref<10240x64xf32, #tpu.memory_space<vmem_shared>>
      tpu.wait_indirect_dma semaphore(%run_scoped3A_198 : memref<!tpu.dma_semaphore, #tpu.memory_space<semaphore_mem>>) src(%arg16 : memref<80x64xf32, #tpu.memory_space<vmem>>) dst(%dma_wait3A_210 : memref<10240x64xf32, #tpu.memory_space<vmem_shared>>)
      tpu.yield
    }) : () -> ()
    %dma_wait3A_149 = arith.constant 119 : i32
    %dma_wait3A_150 = arith.constant 0 : i32
    %dma_wait3A_151 = tpu.memref_slice %arg8[%dma_wait3A_149, %dma_wait3A_150] : memref<125x80xi32, #tpu.memory_space<vmem>> -> memref<1x80xi32, #tpu.memory_space<vmem>>
    %dma_wait3A_152 = tpu.memref_squeeze %dma_wait3A_151 : memref<1x80xi32, #tpu.memory_space<vmem>> -> memref<80xi32, #tpu.memory_space<vmem>>
    %dma_wait3A_153 = arith.constant 0 : i32
    %dma_wait3A_154 = arith.constant 0 : i32
    %dma_wait3A_155 = tpu.memref_slice %arg4[%dma_wait3A_153, %dma_wait3A_154] : memref<20000x64xf32, #tpu.memory_space<hbm>> -> memref<20000x64xf32, #tpu.memory_space<hbm>>
    tpu.wait_indirect_dma semaphore(%arg17 : memref<!tpu.dma_semaphore, #tpu.memory_space<semaphore_mem>>) src(%dma_wait3A_155 : memref<20000x64xf32, #tpu.memory_space<hbm>>) dst(%arg10 : memref<80x64xf32, #tpu.memory_space<vmem>>)
    %run_scoped3A_156 = arith.constant 119 : i32
    "tpu.region"() ({
      %run_scoped3A_198 = tpu.sem_alloc : memref<!tpu.dma_semaphore, #tpu.memory_space<semaphore_mem>>
      %dma_start3A_199 = arith.constant 0 : i32
      %dma_start3A_200 = tpu.memref_slice %arg9[%run_scoped3A_156, %dma_start3A_199] : memref<125x80xi32, #tpu.memory_space<vmem>> -> memref<1x80xi32, #tpu.memory_space<vmem>>
      %dma_start3A_201 = tpu.memref_squeeze %dma_start3A_200 : memref<1x80xi32, #tpu.memory_space<vmem>> -> memref<80xi32, #tpu.memory_space<vmem>>
      %dma_start3A_202 = arith.constant 0 : i32
      %dma_start3A_203 = arith.constant 0 : i32
      %dma_start3A_204 = tpu.memref_slice %arg7[%dma_start3A_202, %dma_start3A_203] : memref<10240x64xf32, #tpu.memory_space<vmem_shared>> -> memref<10240x64xf32, #tpu.memory_space<vmem_shared>>
      tpu.enqueue_indirect_dma source(%arg10 : memref<80x64xf32, #tpu.memory_space<vmem>>) target(%dma_start3A_204 : memref<10240x64xf32, #tpu.memory_space<vmem_shared>>) offsets(%dma_start3A_201 : memref<80xi32, #tpu.memory_space<vmem>>) semaphore(%run_scoped3A_198 : memref<!tpu.dma_semaphore, #tpu.memory_space<semaphore_mem>>) {add = true}
      %dma_wait3A_205 = arith.constant 0 : i32
      %dma_wait3A_206 = tpu.memref_slice %arg9[%run_scoped3A_156, %dma_wait3A_205] : memref<125x80xi32, #tpu.memory_space<vmem>> -> memref<1x80xi32, #tpu.memory_space<vmem>>
      %dma_wait3A_207 = tpu.memref_squeeze %dma_wait3A_206 : memref<1x80xi32, #tpu.memory_space<vmem>> -> memref<80xi32, #tpu.memory_space<vmem>>
      %dma_wait3A_208 = arith.constant 0 : i32
      %dma_wait3A_209 = arith.constant 0 : i32
      %dma_wait3A_210 = tpu.memref_slice %arg7[%dma_wait3A_208, %dma_wait3A_209] : memref<10240x64xf32, #tpu.memory_space<vmem_shared>> -> memref<10240x64xf32, #tpu.memory_space<vmem_shared>>
      tpu.wait_indirect_dma semaphore(%run_scoped3A_198 : memref<!tpu.dma_semaphore, #tpu.memory_space<semaphore_mem>>) src(%arg10 : memref<80x64xf32, #tpu.memory_space<vmem>>) dst(%dma_wait3A_210 : memref<10240x64xf32, #tpu.memory_space<vmem_shared>>)
      tpu.yield
    }) : () -> ()
    %dma_wait3A_157 = arith.constant 120 : i32
    %dma_wait3A_158 = arith.constant 0 : i32
    %dma_wait3A_159 = tpu.memref_slice %arg8[%dma_wait3A_157, %dma_wait3A_158] : memref<125x80xi32, #tpu.memory_space<vmem>> -> memref<1x80xi32, #tpu.memory_space<vmem>>
    %dma_wait3A_160 = tpu.memref_squeeze %dma_wait3A_159 : memref<1x80xi32, #tpu.memory_space<vmem>> -> memref<80xi32, #tpu.memory_space<vmem>>
    %dma_wait3A_161 = arith.constant 0 : i32
    %dma_wait3A_162 = arith.constant 0 : i32
    %dma_wait3A_163 = tpu.memref_slice %arg4[%dma_wait3A_161, %dma_wait3A_162] : memref<20000x64xf32, #tpu.memory_space<hbm>> -> memref<20000x64xf32, #tpu.memory_space<hbm>>
    tpu.wait_indirect_dma semaphore(%arg18 : memref<!tpu.dma_semaphore, #tpu.memory_space<semaphore_mem>>) src(%dma_wait3A_163 : memref<20000x64xf32, #tpu.memory_space<hbm>>) dst(%arg11 : memref<80x64xf32, #tpu.memory_space<vmem>>)
    %run_scoped3A_164 = arith.constant 120 : i32
    "tpu.region"() ({
      %run_scoped3A_198 = tpu.sem_alloc : memref<!tpu.dma_semaphore, #tpu.memory_space<semaphore_mem>>
      %dma_start3A_199 = arith.constant 0 : i32
      %dma_start3A_200 = tpu.memref_slice %arg9[%run_scoped3A_164, %dma_start3A_199] : memref<125x80xi32, #tpu.memory_space<vmem>> -> memref<1x80xi32, #tpu.memory_space<vmem>>
      %dma_start3A_201 = tpu.memref_squeeze %dma_start3A_200 : memref<1x80xi32, #tpu.memory_space<vmem>> -> memref<80xi32, #tpu.memory_space<vmem>>
      %dma_start3A_202 = arith.constant 0 : i32
      %dma_start3A_203 = arith.constant 0 : i32
      %dma_start3A_204 = tpu.memref_slice %arg7[%dma_start3A_202, %dma_start3A_203] : memref<10240x64xf32, #tpu.memory_space<vmem_shared>> -> memref<10240x64xf32, #tpu.memory_space<vmem_shared>>
      tpu.enqueue_indirect_dma source(%arg11 : memref<80x64xf32, #tpu.memory_space<vmem>>) target(%dma_start3A_204 : memref<10240x64xf32, #tpu.memory_space<vmem_shared>>) offsets(%dma_start3A_201 : memref<80xi32, #tpu.memory_space<vmem>>) semaphore(%run_scoped3A_198 : memref<!tpu.dma_semaphore, #tpu.memory_space<semaphore_mem>>) {add = true}
      %dma_wait3A_205 = arith.constant 0 : i32
      %dma_wait3A_206 = tpu.memref_slice %arg9[%run_scoped3A_164, %dma_wait3A_205] : memref<125x80xi32, #tpu.memory_space<vmem>> -> memref<1x80xi32, #tpu.memory_space<vmem>>
      %dma_wait3A_207 = tpu.memref_squeeze %dma_wait3A_206 : memref<1x80xi32, #tpu.memory_space<vmem>> -> memref<80xi32, #tpu.memory_space<vmem>>
      %dma_wait3A_208 = arith.constant 0 : i32
      %dma_wait3A_209 = arith.constant 0 : i32
      %dma_wait3A_210 = tpu.memref_slice %arg7[%dma_wait3A_208, %dma_wait3A_209] : memref<10240x64xf32, #tpu.memory_space<vmem_shared>> -> memref<10240x64xf32, #tpu.memory_space<vmem_shared>>
      tpu.wait_indirect_dma semaphore(%run_scoped3A_198 : memref<!tpu.dma_semaphore, #tpu.memory_space<semaphore_mem>>) src(%arg11 : memref<80x64xf32, #tpu.memory_space<vmem>>) dst(%dma_wait3A_210 : memref<10240x64xf32, #tpu.memory_space<vmem_shared>>)
      tpu.yield
    }) : () -> ()
    %dma_wait3A_165 = arith.constant 121 : i32
    %dma_wait3A_166 = arith.constant 0 : i32
    %dma_wait3A_167 = tpu.memref_slice %arg8[%dma_wait3A_165, %dma_wait3A_166] : memref<125x80xi32, #tpu.memory_space<vmem>> -> memref<1x80xi32, #tpu.memory_space<vmem>>
    %dma_wait3A_168 = tpu.memref_squeeze %dma_wait3A_167 : memref<1x80xi32, #tpu.memory_space<vmem>> -> memref<80xi32, #tpu.memory_space<vmem>>
    %dma_wait3A_169 = arith.constant 0 : i32
    %dma_wait3A_170 = arith.constant 0 : i32
    %dma_wait3A_171 = tpu.memref_slice %arg4[%dma_wait3A_169, %dma_wait3A_170] : memref<20000x64xf32, #tpu.memory_space<hbm>> -> memref<20000x64xf32, #tpu.memory_space<hbm>>
    tpu.wait_indirect_dma semaphore(%arg19 : memref<!tpu.dma_semaphore, #tpu.memory_space<semaphore_mem>>) src(%dma_wait3A_171 : memref<20000x64xf32, #tpu.memory_space<hbm>>) dst(%arg12 : memref<80x64xf32, #tpu.memory_space<vmem>>)
    %run_scoped3A_172 = arith.constant 121 : i32
    "tpu.region"() ({
      %run_scoped3A_198 = tpu.sem_alloc : memref<!tpu.dma_semaphore, #tpu.memory_space<semaphore_mem>>
      %dma_start3A_199 = arith.constant 0 : i32
      %dma_start3A_200 = tpu.memref_slice %arg9[%run_scoped3A_172, %dma_start3A_199] : memref<125x80xi32, #tpu.memory_space<vmem>> -> memref<1x80xi32, #tpu.memory_space<vmem>>
      %dma_start3A_201 = tpu.memref_squeeze %dma_start3A_200 : memref<1x80xi32, #tpu.memory_space<vmem>> -> memref<80xi32, #tpu.memory_space<vmem>>
      %dma_start3A_202 = arith.constant 0 : i32
      %dma_start3A_203 = arith.constant 0 : i32
      %dma_start3A_204 = tpu.memref_slice %arg7[%dma_start3A_202, %dma_start3A_203] : memref<10240x64xf32, #tpu.memory_space<vmem_shared>> -> memref<10240x64xf32, #tpu.memory_space<vmem_shared>>
      tpu.enqueue_indirect_dma source(%arg12 : memref<80x64xf32, #tpu.memory_space<vmem>>) target(%dma_start3A_204 : memref<10240x64xf32, #tpu.memory_space<vmem_shared>>) offsets(%dma_start3A_201 : memref<80xi32, #tpu.memory_space<vmem>>) semaphore(%run_scoped3A_198 : memref<!tpu.dma_semaphore, #tpu.memory_space<semaphore_mem>>) {add = true}
      %dma_wait3A_205 = arith.constant 0 : i32
      %dma_wait3A_206 = tpu.memref_slice %arg9[%run_scoped3A_172, %dma_wait3A_205] : memref<125x80xi32, #tpu.memory_space<vmem>> -> memref<1x80xi32, #tpu.memory_space<vmem>>
      %dma_wait3A_207 = tpu.memref_squeeze %dma_wait3A_206 : memref<1x80xi32, #tpu.memory_space<vmem>> -> memref<80xi32, #tpu.memory_space<vmem>>
      %dma_wait3A_208 = arith.constant 0 : i32
      %dma_wait3A_209 = arith.constant 0 : i32
      %dma_wait3A_210 = tpu.memref_slice %arg7[%dma_wait3A_208, %dma_wait3A_209] : memref<10240x64xf32, #tpu.memory_space<vmem_shared>> -> memref<10240x64xf32, #tpu.memory_space<vmem_shared>>
      tpu.wait_indirect_dma semaphore(%run_scoped3A_198 : memref<!tpu.dma_semaphore, #tpu.memory_space<semaphore_mem>>) src(%arg12 : memref<80x64xf32, #tpu.memory_space<vmem>>) dst(%dma_wait3A_210 : memref<10240x64xf32, #tpu.memory_space<vmem_shared>>)
      tpu.yield
    }) : () -> ()
    %dma_wait3A_173 = arith.constant 122 : i32
    %dma_wait3A_174 = arith.constant 0 : i32
    %dma_wait3A_175 = tpu.memref_slice %arg8[%dma_wait3A_173, %dma_wait3A_174] : memref<125x80xi32, #tpu.memory_space<vmem>> -> memref<1x80xi32, #tpu.memory_space<vmem>>
    %dma_wait3A_176 = tpu.memref_squeeze %dma_wait3A_175 : memref<1x80xi32, #tpu.memory_space<vmem>> -> memref<80xi32, #tpu.memory_space<vmem>>
    %dma_wait3A_177 = arith.constant 0 : i32
    %dma_wait3A_178 = arith.constant 0 : i32
    %dma_wait3A_179 = tpu.memref_slice %arg4[%dma_wait3A_177, %dma_wait3A_178] : memref<20000x64xf32, #tpu.memory_space<hbm>> -> memref<20000x64xf32, #tpu.memory_space<hbm>>
    tpu.wait_indirect_dma semaphore(%arg20 : memref<!tpu.dma_semaphore, #tpu.memory_space<semaphore_mem>>) src(%dma_wait3A_179 : memref<20000x64xf32, #tpu.memory_space<hbm>>) dst(%arg13 : memref<80x64xf32, #tpu.memory_space<vmem>>)
    %run_scoped3A_180 = arith.constant 122 : i32
    "tpu.region"() ({
      %run_scoped3A_198 = tpu.sem_alloc : memref<!tpu.dma_semaphore, #tpu.memory_space<semaphore_mem>>
      %dma_start3A_199 = arith.constant 0 : i32
      %dma_start3A_200 = tpu.memref_slice %arg9[%run_scoped3A_180, %dma_start3A_199] : memref<125x80xi32, #tpu.memory_space<vmem>> -> memref<1x80xi32, #tpu.memory_space<vmem>>
      %dma_start3A_201 = tpu.memref_squeeze %dma_start3A_200 : memref<1x80xi32, #tpu.memory_space<vmem>> -> memref<80xi32, #tpu.memory_space<vmem>>
      %dma_start3A_202 = arith.constant 0 : i32
      %dma_start3A_203 = arith.constant 0 : i32
      %dma_start3A_204 = tpu.memref_slice %arg7[%dma_start3A_202, %dma_start3A_203] : memref<10240x64xf32, #tpu.memory_space<vmem_shared>> -> memref<10240x64xf32, #tpu.memory_space<vmem_shared>>
      tpu.enqueue_indirect_dma source(%arg13 : memref<80x64xf32, #tpu.memory_space<vmem>>) target(%dma_start3A_204 : memref<10240x64xf32, #tpu.memory_space<vmem_shared>>) offsets(%dma_start3A_201 : memref<80xi32, #tpu.memory_space<vmem>>) semaphore(%run_scoped3A_198 : memref<!tpu.dma_semaphore, #tpu.memory_space<semaphore_mem>>) {add = true}
      %dma_wait3A_205 = arith.constant 0 : i32
      %dma_wait3A_206 = tpu.memref_slice %arg9[%run_scoped3A_180, %dma_wait3A_205] : memref<125x80xi32, #tpu.memory_space<vmem>> -> memref<1x80xi32, #tpu.memory_space<vmem>>
      %dma_wait3A_207 = tpu.memref_squeeze %dma_wait3A_206 : memref<1x80xi32, #tpu.memory_space<vmem>> -> memref<80xi32, #tpu.memory_space<vmem>>
      %dma_wait3A_208 = arith.constant 0 : i32
      %dma_wait3A_209 = arith.constant 0 : i32
      %dma_wait3A_210 = tpu.memref_slice %arg7[%dma_wait3A_208, %dma_wait3A_209] : memref<10240x64xf32, #tpu.memory_space<vmem_shared>> -> memref<10240x64xf32, #tpu.memory_space<vmem_shared>>
      tpu.wait_indirect_dma semaphore(%run_scoped3A_198 : memref<!tpu.dma_semaphore, #tpu.memory_space<semaphore_mem>>) src(%arg13 : memref<80x64xf32, #tpu.memory_space<vmem>>) dst(%dma_wait3A_210 : memref<10240x64xf32, #tpu.memory_space<vmem_shared>>)
      tpu.yield
    }) : () -> ()
    %dma_wait3A_181 = arith.constant 123 : i32
    %dma_wait3A_182 = arith.constant 0 : i32
    %dma_wait3A_183 = tpu.memref_slice %arg8[%dma_wait3A_181, %dma_wait3A_182] : memref<125x80xi32, #tpu.memory_space<vmem>> -> memref<1x80xi32, #tpu.memory_space<vmem>>
    %dma_wait3A_184 = tpu.memref_squeeze %dma_wait3A_183 : memref<1x80xi32, #tpu.memory_space<vmem>> -> memref<80xi32, #tpu.memory_space<vmem>>
    %dma_wait3A_185 = arith.constant 0 : i32
    %dma_wait3A_186 = arith.constant 0 : i32
    %dma_wait3A_187 = tpu.memref_slice %arg4[%dma_wait3A_185, %dma_wait3A_186] : memref<20000x64xf32, #tpu.memory_space<hbm>> -> memref<20000x64xf32, #tpu.memory_space<hbm>>
    tpu.wait_indirect_dma semaphore(%arg21 : memref<!tpu.dma_semaphore, #tpu.memory_space<semaphore_mem>>) src(%dma_wait3A_187 : memref<20000x64xf32, #tpu.memory_space<hbm>>) dst(%arg14 : memref<80x64xf32, #tpu.memory_space<vmem>>)
    %run_scoped3A_188 = arith.constant 123 : i32
    "tpu.region"() ({
      %run_scoped3A_198 = tpu.sem_alloc : memref<!tpu.dma_semaphore, #tpu.memory_space<semaphore_mem>>
      %dma_start3A_199 = arith.constant 0 : i32
      %dma_start3A_200 = tpu.memref_slice %arg9[%run_scoped3A_188, %dma_start3A_199] : memref<125x80xi32, #tpu.memory_space<vmem>> -> memref<1x80xi32, #tpu.memory_space<vmem>>
      %dma_start3A_201 = tpu.memref_squeeze %dma_start3A_200 : memref<1x80xi32, #tpu.memory_space<vmem>> -> memref<80xi32, #tpu.memory_space<vmem>>
      %dma_start3A_202 = arith.constant 0 : i32
      %dma_start3A_203 = arith.constant 0 : i32
      %dma_start3A_204 = tpu.memref_slice %arg7[%dma_start3A_202, %dma_start3A_203] : memref<10240x64xf32, #tpu.memory_space<vmem_shared>> -> memref<10240x64xf32, #tpu.memory_space<vmem_shared>>
      tpu.enqueue_indirect_dma source(%arg14 : memref<80x64xf32, #tpu.memory_space<vmem>>) target(%dma_start3A_204 : memref<10240x64xf32, #tpu.memory_space<vmem_shared>>) offsets(%dma_start3A_201 : memref<80xi32, #tpu.memory_space<vmem>>) semaphore(%run_scoped3A_198 : memref<!tpu.dma_semaphore, #tpu.memory_space<semaphore_mem>>) {add = true}
      %dma_wait3A_205 = arith.constant 0 : i32
      %dma_wait3A_206 = tpu.memref_slice %arg9[%run_scoped3A_188, %dma_wait3A_205] : memref<125x80xi32, #tpu.memory_space<vmem>> -> memref<1x80xi32, #tpu.memory_space<vmem>>
      %dma_wait3A_207 = tpu.memref_squeeze %dma_wait3A_206 : memref<1x80xi32, #tpu.memory_space<vmem>> -> memref<80xi32, #tpu.memory_space<vmem>>
      %dma_wait3A_208 = arith.constant 0 : i32
      %dma_wait3A_209 = arith.constant 0 : i32
      %dma_wait3A_210 = tpu.memref_slice %arg7[%dma_wait3A_208, %dma_wait3A_209] : memref<10240x64xf32, #tpu.memory_space<vmem_shared>> -> memref<10240x64xf32, #tpu.memory_space<vmem_shared>>
      tpu.wait_indirect_dma semaphore(%run_scoped3A_198 : memref<!tpu.dma_semaphore, #tpu.memory_space<semaphore_mem>>) src(%arg14 : memref<80x64xf32, #tpu.memory_space<vmem>>) dst(%dma_wait3A_210 : memref<10240x64xf32, #tpu.memory_space<vmem_shared>>)
      tpu.yield
    }) : () -> ()
    %dma_wait3A_189 = arith.constant 124 : i32
    %dma_wait3A_190 = arith.constant 0 : i32
    %dma_wait3A_191 = tpu.memref_slice %arg8[%dma_wait3A_189, %dma_wait3A_190] : memref<125x80xi32, #tpu.memory_space<vmem>> -> memref<1x80xi32, #tpu.memory_space<vmem>>
    %dma_wait3A_192 = tpu.memref_squeeze %dma_wait3A_191 : memref<1x80xi32, #tpu.memory_space<vmem>> -> memref<80xi32, #tpu.memory_space<vmem>>
    %dma_wait3A_193 = arith.constant 0 : i32
    %dma_wait3A_194 = arith.constant 0 : i32
    %dma_wait3A_195 = tpu.memref_slice %arg4[%dma_wait3A_193, %dma_wait3A_194] : memref<20000x64xf32, #tpu.memory_space<hbm>> -> memref<20000x64xf32, #tpu.memory_space<hbm>>
    tpu.wait_indirect_dma semaphore(%arg22 : memref<!tpu.dma_semaphore, #tpu.memory_space<semaphore_mem>>) src(%dma_wait3A_195 : memref<20000x64xf32, #tpu.memory_space<hbm>>) dst(%arg15 : memref<80x64xf32, #tpu.memory_space<vmem>>)
    %run_scoped3A_196 = arith.constant 124 : i32
    "tpu.region"() ({
      %run_scoped3A_198 = tpu.sem_alloc : memref<!tpu.dma_semaphore, #tpu.memory_space<semaphore_mem>>
      %dma_start3A_199 = arith.constant 0 : i32
      %dma_start3A_200 = tpu.memref_slice %arg9[%run_scoped3A_196, %dma_start3A_199] : memref<125x80xi32, #tpu.memory_space<vmem>> -> memref<1x80xi32, #tpu.memory_space<vmem>>
      %dma_start3A_201 = tpu.memref_squeeze %dma_start3A_200 : memref<1x80xi32, #tpu.memory_space<vmem>> -> memref<80xi32, #tpu.memory_space<vmem>>
      %dma_start3A_202 = arith.constant 0 : i32
      %dma_start3A_203 = arith.constant 0 : i32
      %dma_start3A_204 = tpu.memref_slice %arg7[%dma_start3A_202, %dma_start3A_203] : memref<10240x64xf32, #tpu.memory_space<vmem_shared>> -> memref<10240x64xf32, #tpu.memory_space<vmem_shared>>
      tpu.enqueue_indirect_dma source(%arg15 : memref<80x64xf32, #tpu.memory_space<vmem>>) target(%dma_start3A_204 : memref<10240x64xf32, #tpu.memory_space<vmem_shared>>) offsets(%dma_start3A_201 : memref<80xi32, #tpu.memory_space<vmem>>) semaphore(%run_scoped3A_198 : memref<!tpu.dma_semaphore, #tpu.memory_space<semaphore_mem>>) {add = true}
      %dma_wait3A_205 = arith.constant 0 : i32
      %dma_wait3A_206 = tpu.memref_slice %arg9[%run_scoped3A_196, %dma_wait3A_205] : memref<125x80xi32, #tpu.memory_space<vmem>> -> memref<1x80xi32, #tpu.memory_space<vmem>>
      %dma_wait3A_207 = tpu.memref_squeeze %dma_wait3A_206 : memref<1x80xi32, #tpu.memory_space<vmem>> -> memref<80xi32, #tpu.memory_space<vmem>>
      %dma_wait3A_208 = arith.constant 0 : i32
      %dma_wait3A_209 = arith.constant 0 : i32
      %dma_wait3A_210 = tpu.memref_slice %arg7[%dma_wait3A_208, %dma_wait3A_209] : memref<10240x64xf32, #tpu.memory_space<vmem_shared>> -> memref<10240x64xf32, #tpu.memory_space<vmem_shared>>
      tpu.wait_indirect_dma semaphore(%run_scoped3A_198 : memref<!tpu.dma_semaphore, #tpu.memory_space<semaphore_mem>>) src(%arg15 : memref<80x64xf32, #tpu.memory_space<vmem>>) dst(%dma_wait3A_210 : memref<10240x64xf32, #tpu.memory_space<vmem_shared>>)
      tpu.yield
    }) : () -> ()
    %barrier3A_197 = arith.constant 0 : index
    tpu.barrier barrier_id(%barrier3A_197)
    "tpu.region"() ({
      %run_scoped3A_198 = tpu.sem_alloc : memref<!tpu.dma_semaphore, #tpu.memory_space<semaphore_mem>>
      %dma_start3A_199 = arith.constant 0 : i32
      %dma_start3A_200 = tpu.memref_slice %arg6[%arg0, %mul3A_0, %dma_start3A_199] : memref<2x10240x64xf32, #tpu.memory_space<hbm>> -> memref<1x640x64xf32, #tpu.memory_space<hbm>>
      %dma_start3A_201 = tpu.memref_squeeze %dma_start3A_200 : memref<1x640x64xf32, #tpu.memory_space<hbm>> -> memref<640x64xf32, #tpu.memory_space<hbm>>
      %dma_start3A_202 = arith.constant 0 : i32
      %dma_start3A_203 = tpu.memref_slice %arg7[%mul3A_0, %dma_start3A_202] : memref<10240x64xf32, #tpu.memory_space<vmem_shared>> -> memref<640x64xf32, #tpu.memory_space<vmem_shared>>
      tpu.enqueue_dma source(%dma_start3A_203 : memref<640x64xf32, #tpu.memory_space<vmem_shared>>) target(%dma_start3A_201 : memref<640x64xf32, #tpu.memory_space<hbm>>) target_semaphore(%run_scoped3A_198 : memref<!tpu.dma_semaphore, #tpu.memory_space<semaphore_mem>>)
      %dma_wait3A_204 = arith.constant 0 : i32
      %dma_wait3A_205 = tpu.memref_slice %arg6[%arg0, %mul3A_0, %dma_wait3A_204] : memref<2x10240x64xf32, #tpu.memory_space<hbm>> -> memref<1x640x64xf32, #tpu.memory_space<hbm>>
      %dma_wait3A_206 = tpu.memref_squeeze %dma_wait3A_205 : memref<1x640x64xf32, #tpu.memory_space<hbm>> -> memref<640x64xf32, #tpu.memory_space<hbm>>
      %dma_wait3A_207 = arith.constant 0 : i32
      %dma_wait3A_208 = tpu.memref_slice %arg7[%mul3A_0, %dma_wait3A_207] : memref<10240x64xf32, #tpu.memory_space<vmem_shared>> -> memref<640x64xf32, #tpu.memory_space<vmem_shared>>
      tpu.wait_dma2 semaphore(%run_scoped3A_198 : memref<!tpu.dma_semaphore, #tpu.memory_space<semaphore_mem>>) src(%dma_wait3A_208 : memref<640x64xf32, #tpu.memory_space<vmem_shared>>) dst(%dma_wait3A_206 : memref<640x64xf32, #tpu.memory_space<hbm>>)
      tpu.yield
    }) : () -> ()
    return
  }
}

#map = affine_map<(d0, d1) -> (0, 0, 0, 0)>
#map1 = affine_map<(d0, d1) -> (0, 0)>
#map2 = affine_map<(d0, d1) -> (0, 0, 0)>
module attributes {stable_mosaic.version = 14 : i64} {
  func.func @_sc_body(%arg0: i32, %arg1: i32, %arg2: memref<2x16x125x80xi32, #tpu.memory_space<hbm>>, %arg3: memref<2x16x125x80xi32, #tpu.memory_space<hbm>>, %arg4: memref<20000x64xf32, #tpu.memory_space<hbm>>, %arg5: memref<10240x64xf32, #tpu.memory_space<hbm>>, %arg6: memref<10240x16xf32, #tpu.memory_space<hbm>>, %arg7: memref<80x16xf32, #tpu.memory_space<hbm>>, %arg8: memref<2x10240x64xf32, #tpu.memory_space<hbm>>, %arg9: memref<2x10240x16xf32, #tpu.memory_space<hbm>>, %arg10: memref<10240x64xf32, #tpu.memory_space<vmem_shared>>, %arg11: memref<10240x16xf32, #tpu.memory_space<vmem_shared>>, %arg12: memref<125x80xi32, #tpu.memory_space<vmem>>, %arg13: memref<125x80xi32, #tpu.memory_space<vmem>>, %arg14: memref<80x16xf32, #tpu.memory_space<vmem>>, %arg15: memref<80x64xf32, #tpu.memory_space<vmem>>, %arg16: memref<80x64xf32, #tpu.memory_space<vmem>>, %arg17: memref<80x64xf32, #tpu.memory_space<vmem>>, %arg18: memref<80x64xf32, #tpu.memory_space<vmem>>, %arg19: memref<80x64xf32, #tpu.memory_space<vmem>>, %arg20: memref<!tpu.dma_semaphore, #tpu.memory_space<semaphore_mem>>, %arg21: memref<!tpu.dma_semaphore, #tpu.memory_space<semaphore_mem>>, %arg22: memref<!tpu.dma_semaphore, #tpu.memory_space<semaphore_mem>>, %arg23: memref<!tpu.dma_semaphore, #tpu.memory_space<semaphore_mem>>, %arg24: memref<!tpu.dma_semaphore, #tpu.memory_space<semaphore_mem>>) attributes {dimension_semantics = [#tpu.dimension_semantics<core_parallel>, #tpu.dimension_semantics<subcore_parallel>], iteration_bounds = array<i64: 2, 16>, scalar_prefetch = 0 : i64, scratch_operands = 15 : i64, tpu.core_type = #tpu.core_type<sc_vector_subcore>, window_params = [{transform_indices = #map}, {transform_indices = #map}, {transform_indices = #map1}, {transform_indices = #map1}, {transform_indices = #map1}, {transform_indices = #map1}, {transform_indices = #map2}, {transform_indices = #map2}]} {
    %mul3A = arith.constant 640 : i32
    %mul3A_0 = arith.muli %arg1, %mul3A : i32
    "tpu.region"() ({
      %run_scoped3A_83 = tpu.sem_alloc : memref<!tpu.dma_semaphore, #tpu.memory_space<semaphore_mem>>
      %dma_start3A_84 = arith.constant 0 : i32
      %dma_start3A_85 = tpu.memref_slice %arg10[%mul3A_0, %dma_start3A_84] : memref<10240x64xf32, #tpu.memory_space<vmem_shared>> -> memref<640x64xf32, #tpu.memory_space<vmem_shared>>
      %dma_start3A_86 = arith.constant 0 : i32
      %dma_start3A_87 = tpu.memref_slice %arg5[%mul3A_0, %dma_start3A_86] : memref<10240x64xf32, #tpu.memory_space<hbm>> -> memref<640x64xf32, #tpu.memory_space<hbm>>
      tpu.enqueue_dma source(%dma_start3A_87 : memref<640x64xf32, #tpu.memory_space<hbm>>) target(%dma_start3A_85 : memref<640x64xf32, #tpu.memory_space<vmem_shared>>) target_semaphore(%run_scoped3A_83 : memref<!tpu.dma_semaphore, #tpu.memory_space<semaphore_mem>>)
      %dma_wait3A_88 = arith.constant 0 : i32
      %dma_wait3A_89 = tpu.memref_slice %arg10[%mul3A_0, %dma_wait3A_88] : memref<10240x64xf32, #tpu.memory_space<vmem_shared>> -> memref<640x64xf32, #tpu.memory_space<vmem_shared>>
      %dma_wait3A_90 = arith.constant 0 : i32
      %dma_wait3A_91 = tpu.memref_slice %arg5[%mul3A_0, %dma_wait3A_90] : memref<10240x64xf32, #tpu.memory_space<hbm>> -> memref<640x64xf32, #tpu.memory_space<hbm>>
      tpu.wait_dma2 semaphore(%run_scoped3A_83 : memref<!tpu.dma_semaphore, #tpu.memory_space<semaphore_mem>>) src(%dma_wait3A_91 : memref<640x64xf32, #tpu.memory_space<hbm>>) dst(%dma_wait3A_89 : memref<640x64xf32, #tpu.memory_space<vmem_shared>>)
      tpu.yield
    }) : () -> ()
    "tpu.region"() ({
      %run_scoped3A_83 = tpu.sem_alloc : memref<!tpu.dma_semaphore, #tpu.memory_space<semaphore_mem>>
      %dma_start3A_84 = arith.constant 0 : i32
      %dma_start3A_85 = arith.constant 0 : i32
      %dma_start3A_86 = tpu.memref_slice %arg2[%arg0, %arg1, %dma_start3A_84, %dma_start3A_85] : memref<2x16x125x80xi32, #tpu.memory_space<hbm>> -> memref<1x1x125x80xi32, #tpu.memory_space<hbm>>
      %dma_start3A_87 = tpu.memref_squeeze %dma_start3A_86 : memref<1x1x125x80xi32, #tpu.memory_space<hbm>> -> memref<125x80xi32, #tpu.memory_space<hbm>>
      %dma_start3A_88 = arith.constant 0 : i32
      %dma_start3A_89 = arith.constant 0 : i32
      %dma_start3A_90 = tpu.memref_slice %arg2[%arg0, %arg1, %dma_start3A_88, %dma_start3A_89] : memref<2x16x125x80xi32, #tpu.memory_space<hbm>> -> memref<1x1x125x80xi32, #tpu.memory_space<hbm>>
      %dma_start3A_91 = tpu.memref_squeeze %dma_start3A_90 : memref<1x1x125x80xi32, #tpu.memory_space<hbm>> -> memref<125x80xi32, #tpu.memory_space<hbm>>
      tpu.enqueue_dma source(%dma_start3A_91 : memref<125x80xi32, #tpu.memory_space<hbm>>) target(%arg12 : memref<125x80xi32, #tpu.memory_space<vmem>>) target_semaphore(%run_scoped3A_83 : memref<!tpu.dma_semaphore, #tpu.memory_space<semaphore_mem>>)
      %dma_wait3A_92 = arith.constant 0 : i32
      %dma_wait3A_93 = arith.constant 0 : i32
      %dma_wait3A_94 = tpu.memref_slice %arg2[%arg0, %arg1, %dma_wait3A_92, %dma_wait3A_93] : memref<2x16x125x80xi32, #tpu.memory_space<hbm>> -> memref<1x1x125x80xi32, #tpu.memory_space<hbm>>
      %dma_wait3A_95 = tpu.memref_squeeze %dma_wait3A_94 : memref<1x1x125x80xi32, #tpu.memory_space<hbm>> -> memref<125x80xi32, #tpu.memory_space<hbm>>
      %dma_wait3A_96 = arith.constant 0 : i32
      %dma_wait3A_97 = arith.constant 0 : i32
      %dma_wait3A_98 = tpu.memref_slice %arg2[%arg0, %arg1, %dma_wait3A_96, %dma_wait3A_97] : memref<2x16x125x80xi32, #tpu.memory_space<hbm>> -> memref<1x1x125x80xi32, #tpu.memory_space<hbm>>
      %dma_wait3A_99 = tpu.memref_squeeze %dma_wait3A_98 : memref<1x1x125x80xi32, #tpu.memory_space<hbm>> -> memref<125x80xi32, #tpu.memory_space<hbm>>
      tpu.wait_dma2 semaphore(%run_scoped3A_83 : memref<!tpu.dma_semaphore, #tpu.memory_space<semaphore_mem>>) src(%dma_wait3A_99 : memref<125x80xi32, #tpu.memory_space<hbm>>) dst(%arg12 : memref<125x80xi32, #tpu.memory_space<vmem>>)
      tpu.yield
    }) : () -> ()
    "tpu.region"() ({
      %run_scoped3A_83 = tpu.sem_alloc : memref<!tpu.dma_semaphore, #tpu.memory_space<semaphore_mem>>
      %dma_start3A_84 = arith.constant 0 : i32
      %dma_start3A_85 = arith.constant 0 : i32
      %dma_start3A_86 = tpu.memref_slice %arg3[%arg0, %arg1, %dma_start3A_84, %dma_start3A_85] : memref<2x16x125x80xi32, #tpu.memory_space<hbm>> -> memref<1x1x125x80xi32, #tpu.memory_space<hbm>>
      %dma_start3A_87 = tpu.memref_squeeze %dma_start3A_86 : memref<1x1x125x80xi32, #tpu.memory_space<hbm>> -> memref<125x80xi32, #tpu.memory_space<hbm>>
      %dma_start3A_88 = arith.constant 0 : i32
      %dma_start3A_89 = arith.constant 0 : i32
      %dma_start3A_90 = tpu.memref_slice %arg3[%arg0, %arg1, %dma_start3A_88, %dma_start3A_89] : memref<2x16x125x80xi32, #tpu.memory_space<hbm>> -> memref<1x1x125x80xi32, #tpu.memory_space<hbm>>
      %dma_start3A_91 = tpu.memref_squeeze %dma_start3A_90 : memref<1x1x125x80xi32, #tpu.memory_space<hbm>> -> memref<125x80xi32, #tpu.memory_space<hbm>>
      tpu.enqueue_dma source(%dma_start3A_91 : memref<125x80xi32, #tpu.memory_space<hbm>>) target(%arg13 : memref<125x80xi32, #tpu.memory_space<vmem>>) target_semaphore(%run_scoped3A_83 : memref<!tpu.dma_semaphore, #tpu.memory_space<semaphore_mem>>)
      %dma_wait3A_92 = arith.constant 0 : i32
      %dma_wait3A_93 = arith.constant 0 : i32
      %dma_wait3A_94 = tpu.memref_slice %arg3[%arg0, %arg1, %dma_wait3A_92, %dma_wait3A_93] : memref<2x16x125x80xi32, #tpu.memory_space<hbm>> -> memref<1x1x125x80xi32, #tpu.memory_space<hbm>>
      %dma_wait3A_95 = tpu.memref_squeeze %dma_wait3A_94 : memref<1x1x125x80xi32, #tpu.memory_space<hbm>> -> memref<125x80xi32, #tpu.memory_space<hbm>>
      %dma_wait3A_96 = arith.constant 0 : i32
      %dma_wait3A_97 = arith.constant 0 : i32
      %dma_wait3A_98 = tpu.memref_slice %arg3[%arg0, %arg1, %dma_wait3A_96, %dma_wait3A_97] : memref<2x16x125x80xi32, #tpu.memory_space<hbm>> -> memref<1x1x125x80xi32, #tpu.memory_space<hbm>>
      %dma_wait3A_99 = tpu.memref_squeeze %dma_wait3A_98 : memref<1x1x125x80xi32, #tpu.memory_space<hbm>> -> memref<125x80xi32, #tpu.memory_space<hbm>>
      tpu.wait_dma2 semaphore(%run_scoped3A_83 : memref<!tpu.dma_semaphore, #tpu.memory_space<semaphore_mem>>) src(%dma_wait3A_99 : memref<125x80xi32, #tpu.memory_space<hbm>>) dst(%arg13 : memref<125x80xi32, #tpu.memory_space<vmem>>)
      tpu.yield
    }) : () -> ()
    "tpu.region"() ({
      %run_scoped3A_83 = tpu.sem_alloc : memref<!tpu.dma_semaphore, #tpu.memory_space<semaphore_mem>>
      %dma_start3A_84 = arith.constant 0 : i32
      %dma_start3A_85 = tpu.memref_slice %arg11[%mul3A_0, %dma_start3A_84] : memref<10240x16xf32, #tpu.memory_space<vmem_shared>> -> memref<640x16xf32, #tpu.memory_space<vmem_shared>>
      %dma_start3A_86 = arith.constant 0 : i32
      %dma_start3A_87 = tpu.memref_slice %arg6[%mul3A_0, %dma_start3A_86] : memref<10240x16xf32, #tpu.memory_space<hbm>> -> memref<640x16xf32, #tpu.memory_space<hbm>>
      tpu.enqueue_dma source(%dma_start3A_87 : memref<640x16xf32, #tpu.memory_space<hbm>>) target(%dma_start3A_85 : memref<640x16xf32, #tpu.memory_space<vmem_shared>>) target_semaphore(%run_scoped3A_83 : memref<!tpu.dma_semaphore, #tpu.memory_space<semaphore_mem>>)
      %dma_wait3A_88 = arith.constant 0 : i32
      %dma_wait3A_89 = tpu.memref_slice %arg11[%mul3A_0, %dma_wait3A_88] : memref<10240x16xf32, #tpu.memory_space<vmem_shared>> -> memref<640x16xf32, #tpu.memory_space<vmem_shared>>
      %dma_wait3A_90 = arith.constant 0 : i32
      %dma_wait3A_91 = tpu.memref_slice %arg6[%mul3A_0, %dma_wait3A_90] : memref<10240x16xf32, #tpu.memory_space<hbm>> -> memref<640x16xf32, #tpu.memory_space<hbm>>
      tpu.wait_dma2 semaphore(%run_scoped3A_83 : memref<!tpu.dma_semaphore, #tpu.memory_space<semaphore_mem>>) src(%dma_wait3A_91 : memref<640x16xf32, #tpu.memory_space<hbm>>) dst(%dma_wait3A_89 : memref<640x16xf32, #tpu.memory_space<vmem_shared>>)
      tpu.yield
    }) : () -> ()
    "tpu.region"() ({
      %run_scoped3A_83 = tpu.sem_alloc : memref<!tpu.dma_semaphore, #tpu.memory_space<semaphore_mem>>
      tpu.enqueue_dma source(%arg7 : memref<80x16xf32, #tpu.memory_space<hbm>>) target(%arg14 : memref<80x16xf32, #tpu.memory_space<vmem>>) target_semaphore(%run_scoped3A_83 : memref<!tpu.dma_semaphore, #tpu.memory_space<semaphore_mem>>)
      tpu.wait_dma2 semaphore(%run_scoped3A_83 : memref<!tpu.dma_semaphore, #tpu.memory_space<semaphore_mem>>) src(%arg7 : memref<80x16xf32, #tpu.memory_space<hbm>>) dst(%arg14 : memref<80x16xf32, #tpu.memory_space<vmem>>)
      tpu.yield
    }) : () -> ()
    %barrier3A = arith.constant 0 : index
    tpu.barrier barrier_id(%barrier3A)
    %dma_start3A = arith.constant 0 : i32
    %dma_start3A_1 = arith.constant 0 : i32
    %dma_start3A_2 = tpu.memref_slice %arg12[%dma_start3A, %dma_start3A_1] : memref<125x80xi32, #tpu.memory_space<vmem>> -> memref<1x80xi32, #tpu.memory_space<vmem>>
    %dma_start3A_3 = tpu.memref_squeeze %dma_start3A_2 : memref<1x80xi32, #tpu.memory_space<vmem>> -> memref<80xi32, #tpu.memory_space<vmem>>
    %dma_start3A_4 = arith.constant 0 : i32
    %dma_start3A_5 = arith.constant 0 : i32
    %dma_start3A_6 = tpu.memref_slice %arg4[%dma_start3A_4, %dma_start3A_5] : memref<20000x64xf32, #tpu.memory_space<hbm>> -> memref<20000x64xf32, #tpu.memory_space<hbm>>
    tpu.enqueue_indirect_dma source(%dma_start3A_6 : memref<20000x64xf32, #tpu.memory_space<hbm>>) target(%arg15 : memref<80x64xf32, #tpu.memory_space<vmem>>) offsets(%dma_start3A_3 : memref<80xi32, #tpu.memory_space<vmem>>) semaphore(%arg20 : memref<!tpu.dma_semaphore, #tpu.memory_space<semaphore_mem>>)
    %dma_start3A_7 = arith.constant 1 : i32
    %dma_start3A_8 = arith.constant 0 : i32
    %dma_start3A_9 = tpu.memref_slice %arg12[%dma_start3A_7, %dma_start3A_8] : memref<125x80xi32, #tpu.memory_space<vmem>> -> memref<1x80xi32, #tpu.memory_space<vmem>>
    %dma_start3A_10 = tpu.memref_squeeze %dma_start3A_9 : memref<1x80xi32, #tpu.memory_space<vmem>> -> memref<80xi32, #tpu.memory_space<vmem>>
    %dma_start3A_11 = arith.constant 0 : i32
    %dma_start3A_12 = arith.constant 0 : i32
    %dma_start3A_13 = tpu.memref_slice %arg4[%dma_start3A_11, %dma_start3A_12] : memref<20000x64xf32, #tpu.memory_space<hbm>> -> memref<20000x64xf32, #tpu.memory_space<hbm>>
    tpu.enqueue_indirect_dma source(%dma_start3A_13 : memref<20000x64xf32, #tpu.memory_space<hbm>>) target(%arg16 : memref<80x64xf32, #tpu.memory_space<vmem>>) offsets(%dma_start3A_10 : memref<80xi32, #tpu.memory_space<vmem>>) semaphore(%arg21 : memref<!tpu.dma_semaphore, #tpu.memory_space<semaphore_mem>>)
    %dma_start3A_14 = arith.constant 2 : i32
    %dma_start3A_15 = arith.constant 0 : i32
    %dma_start3A_16 = tpu.memref_slice %arg12[%dma_start3A_14, %dma_start3A_15] : memref<125x80xi32, #tpu.memory_space<vmem>> -> memref<1x80xi32, #tpu.memory_space<vmem>>
    %dma_start3A_17 = tpu.memref_squeeze %dma_start3A_16 : memref<1x80xi32, #tpu.memory_space<vmem>> -> memref<80xi32, #tpu.memory_space<vmem>>
    %dma_start3A_18 = arith.constant 0 : i32
    %dma_start3A_19 = arith.constant 0 : i32
    %dma_start3A_20 = tpu.memref_slice %arg4[%dma_start3A_18, %dma_start3A_19] : memref<20000x64xf32, #tpu.memory_space<hbm>> -> memref<20000x64xf32, #tpu.memory_space<hbm>>
    tpu.enqueue_indirect_dma source(%dma_start3A_20 : memref<20000x64xf32, #tpu.memory_space<hbm>>) target(%arg17 : memref<80x64xf32, #tpu.memory_space<vmem>>) offsets(%dma_start3A_17 : memref<80xi32, #tpu.memory_space<vmem>>) semaphore(%arg22 : memref<!tpu.dma_semaphore, #tpu.memory_space<semaphore_mem>>)
    %dma_start3A_21 = arith.constant 3 : i32
    %dma_start3A_22 = arith.constant 0 : i32
    %dma_start3A_23 = tpu.memref_slice %arg12[%dma_start3A_21, %dma_start3A_22] : memref<125x80xi32, #tpu.memory_space<vmem>> -> memref<1x80xi32, #tpu.memory_space<vmem>>
    %dma_start3A_24 = tpu.memref_squeeze %dma_start3A_23 : memref<1x80xi32, #tpu.memory_space<vmem>> -> memref<80xi32, #tpu.memory_space<vmem>>
    %dma_start3A_25 = arith.constant 0 : i32
    %dma_start3A_26 = arith.constant 0 : i32
    %dma_start3A_27 = tpu.memref_slice %arg4[%dma_start3A_25, %dma_start3A_26] : memref<20000x64xf32, #tpu.memory_space<hbm>> -> memref<20000x64xf32, #tpu.memory_space<hbm>>
    tpu.enqueue_indirect_dma source(%dma_start3A_27 : memref<20000x64xf32, #tpu.memory_space<hbm>>) target(%arg18 : memref<80x64xf32, #tpu.memory_space<vmem>>) offsets(%dma_start3A_24 : memref<80xi32, #tpu.memory_space<vmem>>) semaphore(%arg23 : memref<!tpu.dma_semaphore, #tpu.memory_space<semaphore_mem>>)
    %dma_start3A_28 = arith.constant 4 : i32
    %dma_start3A_29 = arith.constant 0 : i32
    %dma_start3A_30 = tpu.memref_slice %arg12[%dma_start3A_28, %dma_start3A_29] : memref<125x80xi32, #tpu.memory_space<vmem>> -> memref<1x80xi32, #tpu.memory_space<vmem>>
    %dma_start3A_31 = tpu.memref_squeeze %dma_start3A_30 : memref<1x80xi32, #tpu.memory_space<vmem>> -> memref<80xi32, #tpu.memory_space<vmem>>
    %dma_start3A_32 = arith.constant 0 : i32
    %dma_start3A_33 = arith.constant 0 : i32
    %dma_start3A_34 = tpu.memref_slice %arg4[%dma_start3A_32, %dma_start3A_33] : memref<20000x64xf32, #tpu.memory_space<hbm>> -> memref<20000x64xf32, #tpu.memory_space<hbm>>
    tpu.enqueue_indirect_dma source(%dma_start3A_34 : memref<20000x64xf32, #tpu.memory_space<hbm>>) target(%arg19 : memref<80x64xf32, #tpu.memory_space<vmem>>) offsets(%dma_start3A_31 : memref<80xi32, #tpu.memory_space<vmem>>) semaphore(%arg24 : memref<!tpu.dma_semaphore, #tpu.memory_space<semaphore_mem>>)
    %scan3A = arith.constant 0 : i32
    %scan3A_35 = arith.constant 24 : i32
    %scan3A_36 = arith.addi %scan3A, %scan3A_35 : i32
    %scan3A_37 = arith.constant 1 : i32
    scf.for %scan3A_83 = %scan3A to %scan3A_36 step %scan3A_37  : i32 {
      %mul3A_84 = arith.constant 5 : i32
      %mul3A_85 = arith.muli %scan3A_83, %mul3A_84 : i32
      %add3A = arith.constant 0 : i32
      %add3A_86 = arith.addi %add3A, %mul3A_85 : i32
      %add3A_87 = arith.constant 0 : i32
      %add3A_88 = arith.addi %add3A_86, %add3A_87 : i32
      %dma_wait3A_89 = arith.constant 0 : i32
      %dma_wait3A_90 = tpu.memref_slice %arg12[%add3A_88, %dma_wait3A_89] : memref<125x80xi32, #tpu.memory_space<vmem>> -> memref<1x80xi32, #tpu.memory_space<vmem>>
      %dma_wait3A_91 = tpu.memref_squeeze %dma_wait3A_90 : memref<1x80xi32, #tpu.memory_space<vmem>> -> memref<80xi32, #tpu.memory_space<vmem>>
      %dma_wait3A_92 = arith.constant 0 : i32
      %dma_wait3A_93 = arith.constant 0 : i32
      %dma_wait3A_94 = tpu.memref_slice %arg4[%dma_wait3A_92, %dma_wait3A_93] : memref<20000x64xf32, #tpu.memory_space<hbm>> -> memref<20000x64xf32, #tpu.memory_space<hbm>>
      tpu.wait_indirect_dma semaphore(%arg20 : memref<!tpu.dma_semaphore, #tpu.memory_space<semaphore_mem>>) src(%dma_wait3A_94 : memref<20000x64xf32, #tpu.memory_space<hbm>>) dst(%arg15 : memref<80x64xf32, #tpu.memory_space<vmem>>)
      "tpu.region"() ({
        %run_scoped3A_167 = tpu.sem_alloc : memref<!tpu.dma_semaphore, #tpu.memory_space<semaphore_mem>>
        %dma_start3A_168 = arith.constant 0 : i32
        %dma_start3A_169 = tpu.memref_slice %arg13[%add3A_88, %dma_start3A_168] : memref<125x80xi32, #tpu.memory_space<vmem>> -> memref<1x80xi32, #tpu.memory_space<vmem>>
        %dma_start3A_170 = tpu.memref_squeeze %dma_start3A_169 : memref<1x80xi32, #tpu.memory_space<vmem>> -> memref<80xi32, #tpu.memory_space<vmem>>
        %dma_start3A_171 = arith.constant 0 : i32
        %dma_start3A_172 = arith.constant 0 : i32
        %dma_start3A_173 = tpu.memref_slice %arg10[%dma_start3A_171, %dma_start3A_172] : memref<10240x64xf32, #tpu.memory_space<vmem_shared>> -> memref<10240x64xf32, #tpu.memory_space<vmem_shared>>
        tpu.enqueue_indirect_dma source(%arg15 : memref<80x64xf32, #tpu.memory_space<vmem>>) target(%dma_start3A_173 : memref<10240x64xf32, #tpu.memory_space<vmem_shared>>) offsets(%dma_start3A_170 : memref<80xi32, #tpu.memory_space<vmem>>) semaphore(%run_scoped3A_167 : memref<!tpu.dma_semaphore, #tpu.memory_space<semaphore_mem>>) {add = true}
        %dma_wait3A_174 = arith.constant 0 : i32
        %dma_wait3A_175 = tpu.memref_slice %arg13[%add3A_88, %dma_wait3A_174] : memref<125x80xi32, #tpu.memory_space<vmem>> -> memref<1x80xi32, #tpu.memory_space<vmem>>
        %dma_wait3A_176 = tpu.memref_squeeze %dma_wait3A_175 : memref<1x80xi32, #tpu.memory_space<vmem>> -> memref<80xi32, #tpu.memory_space<vmem>>
        %dma_wait3A_177 = arith.constant 0 : i32
        %dma_wait3A_178 = arith.constant 0 : i32
        %dma_wait3A_179 = tpu.memref_slice %arg10[%dma_wait3A_177, %dma_wait3A_178] : memref<10240x64xf32, #tpu.memory_space<vmem_shared>> -> memref<10240x64xf32, #tpu.memory_space<vmem_shared>>
        tpu.wait_indirect_dma semaphore(%run_scoped3A_167 : memref<!tpu.dma_semaphore, #tpu.memory_space<semaphore_mem>>) src(%arg15 : memref<80x64xf32, #tpu.memory_space<vmem>>) dst(%dma_wait3A_179 : memref<10240x64xf32, #tpu.memory_space<vmem_shared>>)
        tpu.yield
      }) : () -> ()
      "tpu.region"() ({
        %run_scoped3A_167 = tpu.sem_alloc : memref<!tpu.dma_semaphore, #tpu.memory_space<semaphore_mem>>
        %dma_start3A_168 = arith.constant 0 : i32
        %dma_start3A_169 = tpu.memref_slice %arg13[%add3A_88, %dma_start3A_168] : memref<125x80xi32, #tpu.memory_space<vmem>> -> memref<1x80xi32, #tpu.memory_space<vmem>>
        %dma_start3A_170 = tpu.memref_squeeze %dma_start3A_169 : memref<1x80xi32, #tpu.memory_space<vmem>> -> memref<80xi32, #tpu.memory_space<vmem>>
        %dma_start3A_171 = arith.constant 0 : i32
        %dma_start3A_172 = arith.constant 0 : i32
        %dma_start3A_173 = tpu.memref_slice %arg11[%dma_start3A_171, %dma_start3A_172] : memref<10240x16xf32, #tpu.memory_space<vmem_shared>> -> memref<10240x16xf32, #tpu.memory_space<vmem_shared>>
        tpu.enqueue_indirect_dma source(%arg14 : memref<80x16xf32, #tpu.memory_space<vmem>>) target(%dma_start3A_173 : memref<10240x16xf32, #tpu.memory_space<vmem_shared>>) offsets(%dma_start3A_170 : memref<80xi32, #tpu.memory_space<vmem>>) semaphore(%run_scoped3A_167 : memref<!tpu.dma_semaphore, #tpu.memory_space<semaphore_mem>>) {add = true}
        %dma_wait3A_174 = arith.constant 0 : i32
        %dma_wait3A_175 = tpu.memref_slice %arg13[%add3A_88, %dma_wait3A_174] : memref<125x80xi32, #tpu.memory_space<vmem>> -> memref<1x80xi32, #tpu.memory_space<vmem>>
        %dma_wait3A_176 = tpu.memref_squeeze %dma_wait3A_175 : memref<1x80xi32, #tpu.memory_space<vmem>> -> memref<80xi32, #tpu.memory_space<vmem>>
        %dma_wait3A_177 = arith.constant 0 : i32
        %dma_wait3A_178 = arith.constant 0 : i32
        %dma_wait3A_179 = tpu.memref_slice %arg11[%dma_wait3A_177, %dma_wait3A_178] : memref<10240x16xf32, #tpu.memory_space<vmem_shared>> -> memref<10240x16xf32, #tpu.memory_space<vmem_shared>>
        tpu.wait_indirect_dma semaphore(%run_scoped3A_167 : memref<!tpu.dma_semaphore, #tpu.memory_space<semaphore_mem>>) src(%arg14 : memref<80x16xf32, #tpu.memory_space<vmem>>) dst(%dma_wait3A_179 : memref<10240x16xf32, #tpu.memory_space<vmem_shared>>)
        tpu.yield
      }) : () -> ()
      %add3A_95 = arith.constant 5 : i32
      %add3A_96 = arith.addi %add3A_88, %add3A_95 : i32
      %dma_start3A_97 = arith.constant 0 : i32
      %dma_start3A_98 = tpu.memref_slice %arg12[%add3A_96, %dma_start3A_97] : memref<125x80xi32, #tpu.memory_space<vmem>> -> memref<1x80xi32, #tpu.memory_space<vmem>>
      %dma_start3A_99 = tpu.memref_squeeze %dma_start3A_98 : memref<1x80xi32, #tpu.memory_space<vmem>> -> memref<80xi32, #tpu.memory_space<vmem>>
      %dma_start3A_100 = arith.constant 0 : i32
      %dma_start3A_101 = arith.constant 0 : i32
      %dma_start3A_102 = tpu.memref_slice %arg4[%dma_start3A_100, %dma_start3A_101] : memref<20000x64xf32, #tpu.memory_space<hbm>> -> memref<20000x64xf32, #tpu.memory_space<hbm>>
      tpu.enqueue_indirect_dma source(%dma_start3A_102 : memref<20000x64xf32, #tpu.memory_space<hbm>>) target(%arg15 : memref<80x64xf32, #tpu.memory_space<vmem>>) offsets(%dma_start3A_99 : memref<80xi32, #tpu.memory_space<vmem>>) semaphore(%arg20 : memref<!tpu.dma_semaphore, #tpu.memory_space<semaphore_mem>>)
      %add3A_103 = arith.constant 1 : i32
      %add3A_104 = arith.addi %add3A_86, %add3A_103 : i32
      %dma_wait3A_105 = arith.constant 0 : i32
      %dma_wait3A_106 = tpu.memref_slice %arg12[%add3A_104, %dma_wait3A_105] : memref<125x80xi32, #tpu.memory_space<vmem>> -> memref<1x80xi32, #tpu.memory_space<vmem>>
      %dma_wait3A_107 = tpu.memref_squeeze %dma_wait3A_106 : memref<1x80xi32, #tpu.memory_space<vmem>> -> memref<80xi32, #tpu.memory_space<vmem>>
      %dma_wait3A_108 = arith.constant 0 : i32
      %dma_wait3A_109 = arith.constant 0 : i32
      %dma_wait3A_110 = tpu.memref_slice %arg4[%dma_wait3A_108, %dma_wait3A_109] : memref<20000x64xf32, #tpu.memory_space<hbm>> -> memref<20000x64xf32, #tpu.memory_space<hbm>>
      tpu.wait_indirect_dma semaphore(%arg21 : memref<!tpu.dma_semaphore, #tpu.memory_space<semaphore_mem>>) src(%dma_wait3A_110 : memref<20000x64xf32, #tpu.memory_space<hbm>>) dst(%arg16 : memref<80x64xf32, #tpu.memory_space<vmem>>)
      "tpu.region"() ({
        %run_scoped3A_167 = tpu.sem_alloc : memref<!tpu.dma_semaphore, #tpu.memory_space<semaphore_mem>>
        %dma_start3A_168 = arith.constant 0 : i32
        %dma_start3A_169 = tpu.memref_slice %arg13[%add3A_104, %dma_start3A_168] : memref<125x80xi32, #tpu.memory_space<vmem>> -> memref<1x80xi32, #tpu.memory_space<vmem>>
        %dma_start3A_170 = tpu.memref_squeeze %dma_start3A_169 : memref<1x80xi32, #tpu.memory_space<vmem>> -> memref<80xi32, #tpu.memory_space<vmem>>
        %dma_start3A_171 = arith.constant 0 : i32
        %dma_start3A_172 = arith.constant 0 : i32
        %dma_start3A_173 = tpu.memref_slice %arg10[%dma_start3A_171, %dma_start3A_172] : memref<10240x64xf32, #tpu.memory_space<vmem_shared>> -> memref<10240x64xf32, #tpu.memory_space<vmem_shared>>
        tpu.enqueue_indirect_dma source(%arg16 : memref<80x64xf32, #tpu.memory_space<vmem>>) target(%dma_start3A_173 : memref<10240x64xf32, #tpu.memory_space<vmem_shared>>) offsets(%dma_start3A_170 : memref<80xi32, #tpu.memory_space<vmem>>) semaphore(%run_scoped3A_167 : memref<!tpu.dma_semaphore, #tpu.memory_space<semaphore_mem>>) {add = true}
        %dma_wait3A_174 = arith.constant 0 : i32
        %dma_wait3A_175 = tpu.memref_slice %arg13[%add3A_104, %dma_wait3A_174] : memref<125x80xi32, #tpu.memory_space<vmem>> -> memref<1x80xi32, #tpu.memory_space<vmem>>
        %dma_wait3A_176 = tpu.memref_squeeze %dma_wait3A_175 : memref<1x80xi32, #tpu.memory_space<vmem>> -> memref<80xi32, #tpu.memory_space<vmem>>
        %dma_wait3A_177 = arith.constant 0 : i32
        %dma_wait3A_178 = arith.constant 0 : i32
        %dma_wait3A_179 = tpu.memref_slice %arg10[%dma_wait3A_177, %dma_wait3A_178] : memref<10240x64xf32, #tpu.memory_space<vmem_shared>> -> memref<10240x64xf32, #tpu.memory_space<vmem_shared>>
        tpu.wait_indirect_dma semaphore(%run_scoped3A_167 : memref<!tpu.dma_semaphore, #tpu.memory_space<semaphore_mem>>) src(%arg16 : memref<80x64xf32, #tpu.memory_space<vmem>>) dst(%dma_wait3A_179 : memref<10240x64xf32, #tpu.memory_space<vmem_shared>>)
        tpu.yield
      }) : () -> ()
      "tpu.region"() ({
        %run_scoped3A_167 = tpu.sem_alloc : memref<!tpu.dma_semaphore, #tpu.memory_space<semaphore_mem>>
        %dma_start3A_168 = arith.constant 0 : i32
        %dma_start3A_169 = tpu.memref_slice %arg13[%add3A_104, %dma_start3A_168] : memref<125x80xi32, #tpu.memory_space<vmem>> -> memref<1x80xi32, #tpu.memory_space<vmem>>
        %dma_start3A_170 = tpu.memref_squeeze %dma_start3A_169 : memref<1x80xi32, #tpu.memory_space<vmem>> -> memref<80xi32, #tpu.memory_space<vmem>>
        %dma_start3A_171 = arith.constant 0 : i32
        %dma_start3A_172 = arith.constant 0 : i32
        %dma_start3A_173 = tpu.memref_slice %arg11[%dma_start3A_171, %dma_start3A_172] : memref<10240x16xf32, #tpu.memory_space<vmem_shared>> -> memref<10240x16xf32, #tpu.memory_space<vmem_shared>>
        tpu.enqueue_indirect_dma source(%arg14 : memref<80x16xf32, #tpu.memory_space<vmem>>) target(%dma_start3A_173 : memref<10240x16xf32, #tpu.memory_space<vmem_shared>>) offsets(%dma_start3A_170 : memref<80xi32, #tpu.memory_space<vmem>>) semaphore(%run_scoped3A_167 : memref<!tpu.dma_semaphore, #tpu.memory_space<semaphore_mem>>) {add = true}
        %dma_wait3A_174 = arith.constant 0 : i32
        %dma_wait3A_175 = tpu.memref_slice %arg13[%add3A_104, %dma_wait3A_174] : memref<125x80xi32, #tpu.memory_space<vmem>> -> memref<1x80xi32, #tpu.memory_space<vmem>>
        %dma_wait3A_176 = tpu.memref_squeeze %dma_wait3A_175 : memref<1x80xi32, #tpu.memory_space<vmem>> -> memref<80xi32, #tpu.memory_space<vmem>>
        %dma_wait3A_177 = arith.constant 0 : i32
        %dma_wait3A_178 = arith.constant 0 : i32
        %dma_wait3A_179 = tpu.memref_slice %arg11[%dma_wait3A_177, %dma_wait3A_178] : memref<10240x16xf32, #tpu.memory_space<vmem_shared>> -> memref<10240x16xf32, #tpu.memory_space<vmem_shared>>
        tpu.wait_indirect_dma semaphore(%run_scoped3A_167 : memref<!tpu.dma_semaphore, #tpu.memory_space<semaphore_mem>>) src(%arg14 : memref<80x16xf32, #tpu.memory_space<vmem>>) dst(%dma_wait3A_179 : memref<10240x16xf32, #tpu.memory_space<vmem_shared>>)
        tpu.yield
      }) : () -> ()
      %add3A_111 = arith.constant 5 : i32
      %add3A_112 = arith.addi %add3A_104, %add3A_111 : i32
      %dma_start3A_113 = arith.constant 0 : i32
      %dma_start3A_114 = tpu.memref_slice %arg12[%add3A_112, %dma_start3A_113] : memref<125x80xi32, #tpu.memory_space<vmem>> -> memref<1x80xi32, #tpu.memory_space<vmem>>
      %dma_start3A_115 = tpu.memref_squeeze %dma_start3A_114 : memref<1x80xi32, #tpu.memory_space<vmem>> -> memref<80xi32, #tpu.memory_space<vmem>>
      %dma_start3A_116 = arith.constant 0 : i32
      %dma_start3A_117 = arith.constant 0 : i32
      %dma_start3A_118 = tpu.memref_slice %arg4[%dma_start3A_116, %dma_start3A_117] : memref<20000x64xf32, #tpu.memory_space<hbm>> -> memref<20000x64xf32, #tpu.memory_space<hbm>>
      tpu.enqueue_indirect_dma source(%dma_start3A_118 : memref<20000x64xf32, #tpu.memory_space<hbm>>) target(%arg16 : memref<80x64xf32, #tpu.memory_space<vmem>>) offsets(%dma_start3A_115 : memref<80xi32, #tpu.memory_space<vmem>>) semaphore(%arg21 : memref<!tpu.dma_semaphore, #tpu.memory_space<semaphore_mem>>)
      %add3A_119 = arith.constant 2 : i32
      %add3A_120 = arith.addi %add3A_86, %add3A_119 : i32
      %dma_wait3A_121 = arith.constant 0 : i32
      %dma_wait3A_122 = tpu.memref_slice %arg12[%add3A_120, %dma_wait3A_121] : memref<125x80xi32, #tpu.memory_space<vmem>> -> memref<1x80xi32, #tpu.memory_space<vmem>>
      %dma_wait3A_123 = tpu.memref_squeeze %dma_wait3A_122 : memref<1x80xi32, #tpu.memory_space<vmem>> -> memref<80xi32, #tpu.memory_space<vmem>>
      %dma_wait3A_124 = arith.constant 0 : i32
      %dma_wait3A_125 = arith.constant 0 : i32
      %dma_wait3A_126 = tpu.memref_slice %arg4[%dma_wait3A_124, %dma_wait3A_125] : memref<20000x64xf32, #tpu.memory_space<hbm>> -> memref<20000x64xf32, #tpu.memory_space<hbm>>
      tpu.wait_indirect_dma semaphore(%arg22 : memref<!tpu.dma_semaphore, #tpu.memory_space<semaphore_mem>>) src(%dma_wait3A_126 : memref<20000x64xf32, #tpu.memory_space<hbm>>) dst(%arg17 : memref<80x64xf32, #tpu.memory_space<vmem>>)
      "tpu.region"() ({
        %run_scoped3A_167 = tpu.sem_alloc : memref<!tpu.dma_semaphore, #tpu.memory_space<semaphore_mem>>
        %dma_start3A_168 = arith.constant 0 : i32
        %dma_start3A_169 = tpu.memref_slice %arg13[%add3A_120, %dma_start3A_168] : memref<125x80xi32, #tpu.memory_space<vmem>> -> memref<1x80xi32, #tpu.memory_space<vmem>>
        %dma_start3A_170 = tpu.memref_squeeze %dma_start3A_169 : memref<1x80xi32, #tpu.memory_space<vmem>> -> memref<80xi32, #tpu.memory_space<vmem>>
        %dma_start3A_171 = arith.constant 0 : i32
        %dma_start3A_172 = arith.constant 0 : i32
        %dma_start3A_173 = tpu.memref_slice %arg10[%dma_start3A_171, %dma_start3A_172] : memref<10240x64xf32, #tpu.memory_space<vmem_shared>> -> memref<10240x64xf32, #tpu.memory_space<vmem_shared>>
        tpu.enqueue_indirect_dma source(%arg17 : memref<80x64xf32, #tpu.memory_space<vmem>>) target(%dma_start3A_173 : memref<10240x64xf32, #tpu.memory_space<vmem_shared>>) offsets(%dma_start3A_170 : memref<80xi32, #tpu.memory_space<vmem>>) semaphore(%run_scoped3A_167 : memref<!tpu.dma_semaphore, #tpu.memory_space<semaphore_mem>>) {add = true}
        %dma_wait3A_174 = arith.constant 0 : i32
        %dma_wait3A_175 = tpu.memref_slice %arg13[%add3A_120, %dma_wait3A_174] : memref<125x80xi32, #tpu.memory_space<vmem>> -> memref<1x80xi32, #tpu.memory_space<vmem>>
        %dma_wait3A_176 = tpu.memref_squeeze %dma_wait3A_175 : memref<1x80xi32, #tpu.memory_space<vmem>> -> memref<80xi32, #tpu.memory_space<vmem>>
        %dma_wait3A_177 = arith.constant 0 : i32
        %dma_wait3A_178 = arith.constant 0 : i32
        %dma_wait3A_179 = tpu.memref_slice %arg10[%dma_wait3A_177, %dma_wait3A_178] : memref<10240x64xf32, #tpu.memory_space<vmem_shared>> -> memref<10240x64xf32, #tpu.memory_space<vmem_shared>>
        tpu.wait_indirect_dma semaphore(%run_scoped3A_167 : memref<!tpu.dma_semaphore, #tpu.memory_space<semaphore_mem>>) src(%arg17 : memref<80x64xf32, #tpu.memory_space<vmem>>) dst(%dma_wait3A_179 : memref<10240x64xf32, #tpu.memory_space<vmem_shared>>)
        tpu.yield
      }) : () -> ()
      "tpu.region"() ({
        %run_scoped3A_167 = tpu.sem_alloc : memref<!tpu.dma_semaphore, #tpu.memory_space<semaphore_mem>>
        %dma_start3A_168 = arith.constant 0 : i32
        %dma_start3A_169 = tpu.memref_slice %arg13[%add3A_120, %dma_start3A_168] : memref<125x80xi32, #tpu.memory_space<vmem>> -> memref<1x80xi32, #tpu.memory_space<vmem>>
        %dma_start3A_170 = tpu.memref_squeeze %dma_start3A_169 : memref<1x80xi32, #tpu.memory_space<vmem>> -> memref<80xi32, #tpu.memory_space<vmem>>
        %dma_start3A_171 = arith.constant 0 : i32
        %dma_start3A_172 = arith.constant 0 : i32
        %dma_start3A_173 = tpu.memref_slice %arg11[%dma_start3A_171, %dma_start3A_172] : memref<10240x16xf32, #tpu.memory_space<vmem_shared>> -> memref<10240x16xf32, #tpu.memory_space<vmem_shared>>
        tpu.enqueue_indirect_dma source(%arg14 : memref<80x16xf32, #tpu.memory_space<vmem>>) target(%dma_start3A_173 : memref<10240x16xf32, #tpu.memory_space<vmem_shared>>) offsets(%dma_start3A_170 : memref<80xi32, #tpu.memory_space<vmem>>) semaphore(%run_scoped3A_167 : memref<!tpu.dma_semaphore, #tpu.memory_space<semaphore_mem>>) {add = true}
        %dma_wait3A_174 = arith.constant 0 : i32
        %dma_wait3A_175 = tpu.memref_slice %arg13[%add3A_120, %dma_wait3A_174] : memref<125x80xi32, #tpu.memory_space<vmem>> -> memref<1x80xi32, #tpu.memory_space<vmem>>
        %dma_wait3A_176 = tpu.memref_squeeze %dma_wait3A_175 : memref<1x80xi32, #tpu.memory_space<vmem>> -> memref<80xi32, #tpu.memory_space<vmem>>
        %dma_wait3A_177 = arith.constant 0 : i32
        %dma_wait3A_178 = arith.constant 0 : i32
        %dma_wait3A_179 = tpu.memref_slice %arg11[%dma_wait3A_177, %dma_wait3A_178] : memref<10240x16xf32, #tpu.memory_space<vmem_shared>> -> memref<10240x16xf32, #tpu.memory_space<vmem_shared>>
        tpu.wait_indirect_dma semaphore(%run_scoped3A_167 : memref<!tpu.dma_semaphore, #tpu.memory_space<semaphore_mem>>) src(%arg14 : memref<80x16xf32, #tpu.memory_space<vmem>>) dst(%dma_wait3A_179 : memref<10240x16xf32, #tpu.memory_space<vmem_shared>>)
        tpu.yield
      }) : () -> ()
      %add3A_127 = arith.constant 5 : i32
      %add3A_128 = arith.addi %add3A_120, %add3A_127 : i32
      %dma_start3A_129 = arith.constant 0 : i32
      %dma_start3A_130 = tpu.memref_slice %arg12[%add3A_128, %dma_start3A_129] : memref<125x80xi32, #tpu.memory_space<vmem>> -> memref<1x80xi32, #tpu.memory_space<vmem>>
      %dma_start3A_131 = tpu.memref_squeeze %dma_start3A_130 : memref<1x80xi32, #tpu.memory_space<vmem>> -> memref<80xi32, #tpu.memory_space<vmem>>
      %dma_start3A_132 = arith.constant 0 : i32
      %dma_start3A_133 = arith.constant 0 : i32
      %dma_start3A_134 = tpu.memref_slice %arg4[%dma_start3A_132, %dma_start3A_133] : memref<20000x64xf32, #tpu.memory_space<hbm>> -> memref<20000x64xf32, #tpu.memory_space<hbm>>
      tpu.enqueue_indirect_dma source(%dma_start3A_134 : memref<20000x64xf32, #tpu.memory_space<hbm>>) target(%arg17 : memref<80x64xf32, #tpu.memory_space<vmem>>) offsets(%dma_start3A_131 : memref<80xi32, #tpu.memory_space<vmem>>) semaphore(%arg22 : memref<!tpu.dma_semaphore, #tpu.memory_space<semaphore_mem>>)
      %add3A_135 = arith.constant 3 : i32
      %add3A_136 = arith.addi %add3A_86, %add3A_135 : i32
      %dma_wait3A_137 = arith.constant 0 : i32
      %dma_wait3A_138 = tpu.memref_slice %arg12[%add3A_136, %dma_wait3A_137] : memref<125x80xi32, #tpu.memory_space<vmem>> -> memref<1x80xi32, #tpu.memory_space<vmem>>
      %dma_wait3A_139 = tpu.memref_squeeze %dma_wait3A_138 : memref<1x80xi32, #tpu.memory_space<vmem>> -> memref<80xi32, #tpu.memory_space<vmem>>
      %dma_wait3A_140 = arith.constant 0 : i32
      %dma_wait3A_141 = arith.constant 0 : i32
      %dma_wait3A_142 = tpu.memref_slice %arg4[%dma_wait3A_140, %dma_wait3A_141] : memref<20000x64xf32, #tpu.memory_space<hbm>> -> memref<20000x64xf32, #tpu.memory_space<hbm>>
      tpu.wait_indirect_dma semaphore(%arg23 : memref<!tpu.dma_semaphore, #tpu.memory_space<semaphore_mem>>) src(%dma_wait3A_142 : memref<20000x64xf32, #tpu.memory_space<hbm>>) dst(%arg18 : memref<80x64xf32, #tpu.memory_space<vmem>>)
      "tpu.region"() ({
        %run_scoped3A_167 = tpu.sem_alloc : memref<!tpu.dma_semaphore, #tpu.memory_space<semaphore_mem>>
        %dma_start3A_168 = arith.constant 0 : i32
        %dma_start3A_169 = tpu.memref_slice %arg13[%add3A_136, %dma_start3A_168] : memref<125x80xi32, #tpu.memory_space<vmem>> -> memref<1x80xi32, #tpu.memory_space<vmem>>
        %dma_start3A_170 = tpu.memref_squeeze %dma_start3A_169 : memref<1x80xi32, #tpu.memory_space<vmem>> -> memref<80xi32, #tpu.memory_space<vmem>>
        %dma_start3A_171 = arith.constant 0 : i32
        %dma_start3A_172 = arith.constant 0 : i32
        %dma_start3A_173 = tpu.memref_slice %arg10[%dma_start3A_171, %dma_start3A_172] : memref<10240x64xf32, #tpu.memory_space<vmem_shared>> -> memref<10240x64xf32, #tpu.memory_space<vmem_shared>>
        tpu.enqueue_indirect_dma source(%arg18 : memref<80x64xf32, #tpu.memory_space<vmem>>) target(%dma_start3A_173 : memref<10240x64xf32, #tpu.memory_space<vmem_shared>>) offsets(%dma_start3A_170 : memref<80xi32, #tpu.memory_space<vmem>>) semaphore(%run_scoped3A_167 : memref<!tpu.dma_semaphore, #tpu.memory_space<semaphore_mem>>) {add = true}
        %dma_wait3A_174 = arith.constant 0 : i32
        %dma_wait3A_175 = tpu.memref_slice %arg13[%add3A_136, %dma_wait3A_174] : memref<125x80xi32, #tpu.memory_space<vmem>> -> memref<1x80xi32, #tpu.memory_space<vmem>>
        %dma_wait3A_176 = tpu.memref_squeeze %dma_wait3A_175 : memref<1x80xi32, #tpu.memory_space<vmem>> -> memref<80xi32, #tpu.memory_space<vmem>>
        %dma_wait3A_177 = arith.constant 0 : i32
        %dma_wait3A_178 = arith.constant 0 : i32
        %dma_wait3A_179 = tpu.memref_slice %arg10[%dma_wait3A_177, %dma_wait3A_178] : memref<10240x64xf32, #tpu.memory_space<vmem_shared>> -> memref<10240x64xf32, #tpu.memory_space<vmem_shared>>
        tpu.wait_indirect_dma semaphore(%run_scoped3A_167 : memref<!tpu.dma_semaphore, #tpu.memory_space<semaphore_mem>>) src(%arg18 : memref<80x64xf32, #tpu.memory_space<vmem>>) dst(%dma_wait3A_179 : memref<10240x64xf32, #tpu.memory_space<vmem_shared>>)
        tpu.yield
      }) : () -> ()
      "tpu.region"() ({
        %run_scoped3A_167 = tpu.sem_alloc : memref<!tpu.dma_semaphore, #tpu.memory_space<semaphore_mem>>
        %dma_start3A_168 = arith.constant 0 : i32
        %dma_start3A_169 = tpu.memref_slice %arg13[%add3A_136, %dma_start3A_168] : memref<125x80xi32, #tpu.memory_space<vmem>> -> memref<1x80xi32, #tpu.memory_space<vmem>>
        %dma_start3A_170 = tpu.memref_squeeze %dma_start3A_169 : memref<1x80xi32, #tpu.memory_space<vmem>> -> memref<80xi32, #tpu.memory_space<vmem>>
        %dma_start3A_171 = arith.constant 0 : i32
        %dma_start3A_172 = arith.constant 0 : i32
        %dma_start3A_173 = tpu.memref_slice %arg11[%dma_start3A_171, %dma_start3A_172] : memref<10240x16xf32, #tpu.memory_space<vmem_shared>> -> memref<10240x16xf32, #tpu.memory_space<vmem_shared>>
        tpu.enqueue_indirect_dma source(%arg14 : memref<80x16xf32, #tpu.memory_space<vmem>>) target(%dma_start3A_173 : memref<10240x16xf32, #tpu.memory_space<vmem_shared>>) offsets(%dma_start3A_170 : memref<80xi32, #tpu.memory_space<vmem>>) semaphore(%run_scoped3A_167 : memref<!tpu.dma_semaphore, #tpu.memory_space<semaphore_mem>>) {add = true}
        %dma_wait3A_174 = arith.constant 0 : i32
        %dma_wait3A_175 = tpu.memref_slice %arg13[%add3A_136, %dma_wait3A_174] : memref<125x80xi32, #tpu.memory_space<vmem>> -> memref<1x80xi32, #tpu.memory_space<vmem>>
        %dma_wait3A_176 = tpu.memref_squeeze %dma_wait3A_175 : memref<1x80xi32, #tpu.memory_space<vmem>> -> memref<80xi32, #tpu.memory_space<vmem>>
        %dma_wait3A_177 = arith.constant 0 : i32
        %dma_wait3A_178 = arith.constant 0 : i32
        %dma_wait3A_179 = tpu.memref_slice %arg11[%dma_wait3A_177, %dma_wait3A_178] : memref<10240x16xf32, #tpu.memory_space<vmem_shared>> -> memref<10240x16xf32, #tpu.memory_space<vmem_shared>>
        tpu.wait_indirect_dma semaphore(%run_scoped3A_167 : memref<!tpu.dma_semaphore, #tpu.memory_space<semaphore_mem>>) src(%arg14 : memref<80x16xf32, #tpu.memory_space<vmem>>) dst(%dma_wait3A_179 : memref<10240x16xf32, #tpu.memory_space<vmem_shared>>)
        tpu.yield
      }) : () -> ()
      %add3A_143 = arith.constant 5 : i32
      %add3A_144 = arith.addi %add3A_136, %add3A_143 : i32
      %dma_start3A_145 = arith.constant 0 : i32
      %dma_start3A_146 = tpu.memref_slice %arg12[%add3A_144, %dma_start3A_145] : memref<125x80xi32, #tpu.memory_space<vmem>> -> memref<1x80xi32, #tpu.memory_space<vmem>>
      %dma_start3A_147 = tpu.memref_squeeze %dma_start3A_146 : memref<1x80xi32, #tpu.memory_space<vmem>> -> memref<80xi32, #tpu.memory_space<vmem>>
      %dma_start3A_148 = arith.constant 0 : i32
      %dma_start3A_149 = arith.constant 0 : i32
      %dma_start3A_150 = tpu.memref_slice %arg4[%dma_start3A_148, %dma_start3A_149] : memref<20000x64xf32, #tpu.memory_space<hbm>> -> memref<20000x64xf32, #tpu.memory_space<hbm>>
      tpu.enqueue_indirect_dma source(%dma_start3A_150 : memref<20000x64xf32, #tpu.memory_space<hbm>>) target(%arg18 : memref<80x64xf32, #tpu.memory_space<vmem>>) offsets(%dma_start3A_147 : memref<80xi32, #tpu.memory_space<vmem>>) semaphore(%arg23 : memref<!tpu.dma_semaphore, #tpu.memory_space<semaphore_mem>>)
      %add3A_151 = arith.constant 4 : i32
      %add3A_152 = arith.addi %add3A_86, %add3A_151 : i32
      %dma_wait3A_153 = arith.constant 0 : i32
      %dma_wait3A_154 = tpu.memref_slice %arg12[%add3A_152, %dma_wait3A_153] : memref<125x80xi32, #tpu.memory_space<vmem>> -> memref<1x80xi32, #tpu.memory_space<vmem>>
      %dma_wait3A_155 = tpu.memref_squeeze %dma_wait3A_154 : memref<1x80xi32, #tpu.memory_space<vmem>> -> memref<80xi32, #tpu.memory_space<vmem>>
      %dma_wait3A_156 = arith.constant 0 : i32
      %dma_wait3A_157 = arith.constant 0 : i32
      %dma_wait3A_158 = tpu.memref_slice %arg4[%dma_wait3A_156, %dma_wait3A_157] : memref<20000x64xf32, #tpu.memory_space<hbm>> -> memref<20000x64xf32, #tpu.memory_space<hbm>>
      tpu.wait_indirect_dma semaphore(%arg24 : memref<!tpu.dma_semaphore, #tpu.memory_space<semaphore_mem>>) src(%dma_wait3A_158 : memref<20000x64xf32, #tpu.memory_space<hbm>>) dst(%arg19 : memref<80x64xf32, #tpu.memory_space<vmem>>)
      "tpu.region"() ({
        %run_scoped3A_167 = tpu.sem_alloc : memref<!tpu.dma_semaphore, #tpu.memory_space<semaphore_mem>>
        %dma_start3A_168 = arith.constant 0 : i32
        %dma_start3A_169 = tpu.memref_slice %arg13[%add3A_152, %dma_start3A_168] : memref<125x80xi32, #tpu.memory_space<vmem>> -> memref<1x80xi32, #tpu.memory_space<vmem>>
        %dma_start3A_170 = tpu.memref_squeeze %dma_start3A_169 : memref<1x80xi32, #tpu.memory_space<vmem>> -> memref<80xi32, #tpu.memory_space<vmem>>
        %dma_start3A_171 = arith.constant 0 : i32
        %dma_start3A_172 = arith.constant 0 : i32
        %dma_start3A_173 = tpu.memref_slice %arg10[%dma_start3A_171, %dma_start3A_172] : memref<10240x64xf32, #tpu.memory_space<vmem_shared>> -> memref<10240x64xf32, #tpu.memory_space<vmem_shared>>
        tpu.enqueue_indirect_dma source(%arg19 : memref<80x64xf32, #tpu.memory_space<vmem>>) target(%dma_start3A_173 : memref<10240x64xf32, #tpu.memory_space<vmem_shared>>) offsets(%dma_start3A_170 : memref<80xi32, #tpu.memory_space<vmem>>) semaphore(%run_scoped3A_167 : memref<!tpu.dma_semaphore, #tpu.memory_space<semaphore_mem>>) {add = true}
        %dma_wait3A_174 = arith.constant 0 : i32
        %dma_wait3A_175 = tpu.memref_slice %arg13[%add3A_152, %dma_wait3A_174] : memref<125x80xi32, #tpu.memory_space<vmem>> -> memref<1x80xi32, #tpu.memory_space<vmem>>
        %dma_wait3A_176 = tpu.memref_squeeze %dma_wait3A_175 : memref<1x80xi32, #tpu.memory_space<vmem>> -> memref<80xi32, #tpu.memory_space<vmem>>
        %dma_wait3A_177 = arith.constant 0 : i32
        %dma_wait3A_178 = arith.constant 0 : i32
        %dma_wait3A_179 = tpu.memref_slice %arg10[%dma_wait3A_177, %dma_wait3A_178] : memref<10240x64xf32, #tpu.memory_space<vmem_shared>> -> memref<10240x64xf32, #tpu.memory_space<vmem_shared>>
        tpu.wait_indirect_dma semaphore(%run_scoped3A_167 : memref<!tpu.dma_semaphore, #tpu.memory_space<semaphore_mem>>) src(%arg19 : memref<80x64xf32, #tpu.memory_space<vmem>>) dst(%dma_wait3A_179 : memref<10240x64xf32, #tpu.memory_space<vmem_shared>>)
        tpu.yield
      }) : () -> ()
      "tpu.region"() ({
        %run_scoped3A_167 = tpu.sem_alloc : memref<!tpu.dma_semaphore, #tpu.memory_space<semaphore_mem>>
        %dma_start3A_168 = arith.constant 0 : i32
        %dma_start3A_169 = tpu.memref_slice %arg13[%add3A_152, %dma_start3A_168] : memref<125x80xi32, #tpu.memory_space<vmem>> -> memref<1x80xi32, #tpu.memory_space<vmem>>
        %dma_start3A_170 = tpu.memref_squeeze %dma_start3A_169 : memref<1x80xi32, #tpu.memory_space<vmem>> -> memref<80xi32, #tpu.memory_space<vmem>>
        %dma_start3A_171 = arith.constant 0 : i32
        %dma_start3A_172 = arith.constant 0 : i32
        %dma_start3A_173 = tpu.memref_slice %arg11[%dma_start3A_171, %dma_start3A_172] : memref<10240x16xf32, #tpu.memory_space<vmem_shared>> -> memref<10240x16xf32, #tpu.memory_space<vmem_shared>>
        tpu.enqueue_indirect_dma source(%arg14 : memref<80x16xf32, #tpu.memory_space<vmem>>) target(%dma_start3A_173 : memref<10240x16xf32, #tpu.memory_space<vmem_shared>>) offsets(%dma_start3A_170 : memref<80xi32, #tpu.memory_space<vmem>>) semaphore(%run_scoped3A_167 : memref<!tpu.dma_semaphore, #tpu.memory_space<semaphore_mem>>) {add = true}
        %dma_wait3A_174 = arith.constant 0 : i32
        %dma_wait3A_175 = tpu.memref_slice %arg13[%add3A_152, %dma_wait3A_174] : memref<125x80xi32, #tpu.memory_space<vmem>> -> memref<1x80xi32, #tpu.memory_space<vmem>>
        %dma_wait3A_176 = tpu.memref_squeeze %dma_wait3A_175 : memref<1x80xi32, #tpu.memory_space<vmem>> -> memref<80xi32, #tpu.memory_space<vmem>>
        %dma_wait3A_177 = arith.constant 0 : i32
        %dma_wait3A_178 = arith.constant 0 : i32
        %dma_wait3A_179 = tpu.memref_slice %arg11[%dma_wait3A_177, %dma_wait3A_178] : memref<10240x16xf32, #tpu.memory_space<vmem_shared>> -> memref<10240x16xf32, #tpu.memory_space<vmem_shared>>
        tpu.wait_indirect_dma semaphore(%run_scoped3A_167 : memref<!tpu.dma_semaphore, #tpu.memory_space<semaphore_mem>>) src(%arg14 : memref<80x16xf32, #tpu.memory_space<vmem>>) dst(%dma_wait3A_179 : memref<10240x16xf32, #tpu.memory_space<vmem_shared>>)
        tpu.yield
      }) : () -> ()
      %add3A_159 = arith.constant 5 : i32
      %add3A_160 = arith.addi %add3A_152, %add3A_159 : i32
      %dma_start3A_161 = arith.constant 0 : i32
      %dma_start3A_162 = tpu.memref_slice %arg12[%add3A_160, %dma_start3A_161] : memref<125x80xi32, #tpu.memory_space<vmem>> -> memref<1x80xi32, #tpu.memory_space<vmem>>
      %dma_start3A_163 = tpu.memref_squeeze %dma_start3A_162 : memref<1x80xi32, #tpu.memory_space<vmem>> -> memref<80xi32, #tpu.memory_space<vmem>>
      %dma_start3A_164 = arith.constant 0 : i32
      %dma_start3A_165 = arith.constant 0 : i32
      %dma_start3A_166 = tpu.memref_slice %arg4[%dma_start3A_164, %dma_start3A_165] : memref<20000x64xf32, #tpu.memory_space<hbm>> -> memref<20000x64xf32, #tpu.memory_space<hbm>>
      tpu.enqueue_indirect_dma source(%dma_start3A_166 : memref<20000x64xf32, #tpu.memory_space<hbm>>) target(%arg19 : memref<80x64xf32, #tpu.memory_space<vmem>>) offsets(%dma_start3A_163 : memref<80xi32, #tpu.memory_space<vmem>>) semaphore(%arg24 : memref<!tpu.dma_semaphore, #tpu.memory_space<semaphore_mem>>)
    }
    %scan3A_38 = arith.constant 24 : i32
    %dma_wait3A = arith.constant 120 : i32
    %dma_wait3A_39 = arith.constant 0 : i32
    %dma_wait3A_40 = tpu.memref_slice %arg12[%dma_wait3A, %dma_wait3A_39] : memref<125x80xi32, #tpu.memory_space<vmem>> -> memref<1x80xi32, #tpu.memory_space<vmem>>
    %dma_wait3A_41 = tpu.memref_squeeze %dma_wait3A_40 : memref<1x80xi32, #tpu.memory_space<vmem>> -> memref<80xi32, #tpu.memory_space<vmem>>
    %dma_wait3A_42 = arith.constant 0 : i32
    %dma_wait3A_43 = arith.constant 0 : i32
    %dma_wait3A_44 = tpu.memref_slice %arg4[%dma_wait3A_42, %dma_wait3A_43] : memref<20000x64xf32, #tpu.memory_space<hbm>> -> memref<20000x64xf32, #tpu.memory_space<hbm>>
    tpu.wait_indirect_dma semaphore(%arg20 : memref<!tpu.dma_semaphore, #tpu.memory_space<semaphore_mem>>) src(%dma_wait3A_44 : memref<20000x64xf32, #tpu.memory_space<hbm>>) dst(%arg15 : memref<80x64xf32, #tpu.memory_space<vmem>>)
    %run_scoped3A = arith.constant 120 : i32
    "tpu.region"() ({
      %run_scoped3A_83 = tpu.sem_alloc : memref<!tpu.dma_semaphore, #tpu.memory_space<semaphore_mem>>
      %dma_start3A_84 = arith.constant 0 : i32
      %dma_start3A_85 = tpu.memref_slice %arg13[%run_scoped3A, %dma_start3A_84] : memref<125x80xi32, #tpu.memory_space<vmem>> -> memref<1x80xi32, #tpu.memory_space<vmem>>
      %dma_start3A_86 = tpu.memref_squeeze %dma_start3A_85 : memref<1x80xi32, #tpu.memory_space<vmem>> -> memref<80xi32, #tpu.memory_space<vmem>>
      %dma_start3A_87 = arith.constant 0 : i32
      %dma_start3A_88 = arith.constant 0 : i32
      %dma_start3A_89 = tpu.memref_slice %arg10[%dma_start3A_87, %dma_start3A_88] : memref<10240x64xf32, #tpu.memory_space<vmem_shared>> -> memref<10240x64xf32, #tpu.memory_space<vmem_shared>>
      tpu.enqueue_indirect_dma source(%arg15 : memref<80x64xf32, #tpu.memory_space<vmem>>) target(%dma_start3A_89 : memref<10240x64xf32, #tpu.memory_space<vmem_shared>>) offsets(%dma_start3A_86 : memref<80xi32, #tpu.memory_space<vmem>>) semaphore(%run_scoped3A_83 : memref<!tpu.dma_semaphore, #tpu.memory_space<semaphore_mem>>) {add = true}
      %dma_wait3A_90 = arith.constant 0 : i32
      %dma_wait3A_91 = tpu.memref_slice %arg13[%run_scoped3A, %dma_wait3A_90] : memref<125x80xi32, #tpu.memory_space<vmem>> -> memref<1x80xi32, #tpu.memory_space<vmem>>
      %dma_wait3A_92 = tpu.memref_squeeze %dma_wait3A_91 : memref<1x80xi32, #tpu.memory_space<vmem>> -> memref<80xi32, #tpu.memory_space<vmem>>
      %dma_wait3A_93 = arith.constant 0 : i32
      %dma_wait3A_94 = arith.constant 0 : i32
      %dma_wait3A_95 = tpu.memref_slice %arg10[%dma_wait3A_93, %dma_wait3A_94] : memref<10240x64xf32, #tpu.memory_space<vmem_shared>> -> memref<10240x64xf32, #tpu.memory_space<vmem_shared>>
      tpu.wait_indirect_dma semaphore(%run_scoped3A_83 : memref<!tpu.dma_semaphore, #tpu.memory_space<semaphore_mem>>) src(%arg15 : memref<80x64xf32, #tpu.memory_space<vmem>>) dst(%dma_wait3A_95 : memref<10240x64xf32, #tpu.memory_space<vmem_shared>>)
      tpu.yield
    }) : () -> ()
    %run_scoped3A_45 = arith.constant 120 : i32
    "tpu.region"() ({
      %run_scoped3A_83 = tpu.sem_alloc : memref<!tpu.dma_semaphore, #tpu.memory_space<semaphore_mem>>
      %dma_start3A_84 = arith.constant 0 : i32
      %dma_start3A_85 = tpu.memref_slice %arg13[%run_scoped3A_45, %dma_start3A_84] : memref<125x80xi32, #tpu.memory_space<vmem>> -> memref<1x80xi32, #tpu.memory_space<vmem>>
      %dma_start3A_86 = tpu.memref_squeeze %dma_start3A_85 : memref<1x80xi32, #tpu.memory_space<vmem>> -> memref<80xi32, #tpu.memory_space<vmem>>
      %dma_start3A_87 = arith.constant 0 : i32
      %dma_start3A_88 = arith.constant 0 : i32
      %dma_start3A_89 = tpu.memref_slice %arg11[%dma_start3A_87, %dma_start3A_88] : memref<10240x16xf32, #tpu.memory_space<vmem_shared>> -> memref<10240x16xf32, #tpu.memory_space<vmem_shared>>
      tpu.enqueue_indirect_dma source(%arg14 : memref<80x16xf32, #tpu.memory_space<vmem>>) target(%dma_start3A_89 : memref<10240x16xf32, #tpu.memory_space<vmem_shared>>) offsets(%dma_start3A_86 : memref<80xi32, #tpu.memory_space<vmem>>) semaphore(%run_scoped3A_83 : memref<!tpu.dma_semaphore, #tpu.memory_space<semaphore_mem>>) {add = true}
      %dma_wait3A_90 = arith.constant 0 : i32
      %dma_wait3A_91 = tpu.memref_slice %arg13[%run_scoped3A_45, %dma_wait3A_90] : memref<125x80xi32, #tpu.memory_space<vmem>> -> memref<1x80xi32, #tpu.memory_space<vmem>>
      %dma_wait3A_92 = tpu.memref_squeeze %dma_wait3A_91 : memref<1x80xi32, #tpu.memory_space<vmem>> -> memref<80xi32, #tpu.memory_space<vmem>>
      %dma_wait3A_93 = arith.constant 0 : i32
      %dma_wait3A_94 = arith.constant 0 : i32
      %dma_wait3A_95 = tpu.memref_slice %arg11[%dma_wait3A_93, %dma_wait3A_94] : memref<10240x16xf32, #tpu.memory_space<vmem_shared>> -> memref<10240x16xf32, #tpu.memory_space<vmem_shared>>
      tpu.wait_indirect_dma semaphore(%run_scoped3A_83 : memref<!tpu.dma_semaphore, #tpu.memory_space<semaphore_mem>>) src(%arg14 : memref<80x16xf32, #tpu.memory_space<vmem>>) dst(%dma_wait3A_95 : memref<10240x16xf32, #tpu.memory_space<vmem_shared>>)
      tpu.yield
    }) : () -> ()
    %dma_wait3A_46 = arith.constant 121 : i32
    %dma_wait3A_47 = arith.constant 0 : i32
    %dma_wait3A_48 = tpu.memref_slice %arg12[%dma_wait3A_46, %dma_wait3A_47] : memref<125x80xi32, #tpu.memory_space<vmem>> -> memref<1x80xi32, #tpu.memory_space<vmem>>
    %dma_wait3A_49 = tpu.memref_squeeze %dma_wait3A_48 : memref<1x80xi32, #tpu.memory_space<vmem>> -> memref<80xi32, #tpu.memory_space<vmem>>
    %dma_wait3A_50 = arith.constant 0 : i32
    %dma_wait3A_51 = arith.constant 0 : i32
    %dma_wait3A_52 = tpu.memref_slice %arg4[%dma_wait3A_50, %dma_wait3A_51] : memref<20000x64xf32, #tpu.memory_space<hbm>> -> memref<20000x64xf32, #tpu.memory_space<hbm>>
    tpu.wait_indirect_dma semaphore(%arg21 : memref<!tpu.dma_semaphore, #tpu.memory_space<semaphore_mem>>) src(%dma_wait3A_52 : memref<20000x64xf32, #tpu.memory_space<hbm>>) dst(%arg16 : memref<80x64xf32, #tpu.memory_space<vmem>>)
    %run_scoped3A_53 = arith.constant 121 : i32
    "tpu.region"() ({
      %run_scoped3A_83 = tpu.sem_alloc : memref<!tpu.dma_semaphore, #tpu.memory_space<semaphore_mem>>
      %dma_start3A_84 = arith.constant 0 : i32
      %dma_start3A_85 = tpu.memref_slice %arg13[%run_scoped3A_53, %dma_start3A_84] : memref<125x80xi32, #tpu.memory_space<vmem>> -> memref<1x80xi32, #tpu.memory_space<vmem>>
      %dma_start3A_86 = tpu.memref_squeeze %dma_start3A_85 : memref<1x80xi32, #tpu.memory_space<vmem>> -> memref<80xi32, #tpu.memory_space<vmem>>
      %dma_start3A_87 = arith.constant 0 : i32
      %dma_start3A_88 = arith.constant 0 : i32
      %dma_start3A_89 = tpu.memref_slice %arg10[%dma_start3A_87, %dma_start3A_88] : memref<10240x64xf32, #tpu.memory_space<vmem_shared>> -> memref<10240x64xf32, #tpu.memory_space<vmem_shared>>
      tpu.enqueue_indirect_dma source(%arg16 : memref<80x64xf32, #tpu.memory_space<vmem>>) target(%dma_start3A_89 : memref<10240x64xf32, #tpu.memory_space<vmem_shared>>) offsets(%dma_start3A_86 : memref<80xi32, #tpu.memory_space<vmem>>) semaphore(%run_scoped3A_83 : memref<!tpu.dma_semaphore, #tpu.memory_space<semaphore_mem>>) {add = true}
      %dma_wait3A_90 = arith.constant 0 : i32
      %dma_wait3A_91 = tpu.memref_slice %arg13[%run_scoped3A_53, %dma_wait3A_90] : memref<125x80xi32, #tpu.memory_space<vmem>> -> memref<1x80xi32, #tpu.memory_space<vmem>>
      %dma_wait3A_92 = tpu.memref_squeeze %dma_wait3A_91 : memref<1x80xi32, #tpu.memory_space<vmem>> -> memref<80xi32, #tpu.memory_space<vmem>>
      %dma_wait3A_93 = arith.constant 0 : i32
      %dma_wait3A_94 = arith.constant 0 : i32
      %dma_wait3A_95 = tpu.memref_slice %arg10[%dma_wait3A_93, %dma_wait3A_94] : memref<10240x64xf32, #tpu.memory_space<vmem_shared>> -> memref<10240x64xf32, #tpu.memory_space<vmem_shared>>
      tpu.wait_indirect_dma semaphore(%run_scoped3A_83 : memref<!tpu.dma_semaphore, #tpu.memory_space<semaphore_mem>>) src(%arg16 : memref<80x64xf32, #tpu.memory_space<vmem>>) dst(%dma_wait3A_95 : memref<10240x64xf32, #tpu.memory_space<vmem_shared>>)
      tpu.yield
    }) : () -> ()
    %run_scoped3A_54 = arith.constant 121 : i32
    "tpu.region"() ({
      %run_scoped3A_83 = tpu.sem_alloc : memref<!tpu.dma_semaphore, #tpu.memory_space<semaphore_mem>>
      %dma_start3A_84 = arith.constant 0 : i32
      %dma_start3A_85 = tpu.memref_slice %arg13[%run_scoped3A_54, %dma_start3A_84] : memref<125x80xi32, #tpu.memory_space<vmem>> -> memref<1x80xi32, #tpu.memory_space<vmem>>
      %dma_start3A_86 = tpu.memref_squeeze %dma_start3A_85 : memref<1x80xi32, #tpu.memory_space<vmem>> -> memref<80xi32, #tpu.memory_space<vmem>>
      %dma_start3A_87 = arith.constant 0 : i32
      %dma_start3A_88 = arith.constant 0 : i32
      %dma_start3A_89 = tpu.memref_slice %arg11[%dma_start3A_87, %dma_start3A_88] : memref<10240x16xf32, #tpu.memory_space<vmem_shared>> -> memref<10240x16xf32, #tpu.memory_space<vmem_shared>>
      tpu.enqueue_indirect_dma source(%arg14 : memref<80x16xf32, #tpu.memory_space<vmem>>) target(%dma_start3A_89 : memref<10240x16xf32, #tpu.memory_space<vmem_shared>>) offsets(%dma_start3A_86 : memref<80xi32, #tpu.memory_space<vmem>>) semaphore(%run_scoped3A_83 : memref<!tpu.dma_semaphore, #tpu.memory_space<semaphore_mem>>) {add = true}
      %dma_wait3A_90 = arith.constant 0 : i32
      %dma_wait3A_91 = tpu.memref_slice %arg13[%run_scoped3A_54, %dma_wait3A_90] : memref<125x80xi32, #tpu.memory_space<vmem>> -> memref<1x80xi32, #tpu.memory_space<vmem>>
      %dma_wait3A_92 = tpu.memref_squeeze %dma_wait3A_91 : memref<1x80xi32, #tpu.memory_space<vmem>> -> memref<80xi32, #tpu.memory_space<vmem>>
      %dma_wait3A_93 = arith.constant 0 : i32
      %dma_wait3A_94 = arith.constant 0 : i32
      %dma_wait3A_95 = tpu.memref_slice %arg11[%dma_wait3A_93, %dma_wait3A_94] : memref<10240x16xf32, #tpu.memory_space<vmem_shared>> -> memref<10240x16xf32, #tpu.memory_space<vmem_shared>>
      tpu.wait_indirect_dma semaphore(%run_scoped3A_83 : memref<!tpu.dma_semaphore, #tpu.memory_space<semaphore_mem>>) src(%arg14 : memref<80x16xf32, #tpu.memory_space<vmem>>) dst(%dma_wait3A_95 : memref<10240x16xf32, #tpu.memory_space<vmem_shared>>)
      tpu.yield
    }) : () -> ()
    %dma_wait3A_55 = arith.constant 122 : i32
    %dma_wait3A_56 = arith.constant 0 : i32
    %dma_wait3A_57 = tpu.memref_slice %arg12[%dma_wait3A_55, %dma_wait3A_56] : memref<125x80xi32, #tpu.memory_space<vmem>> -> memref<1x80xi32, #tpu.memory_space<vmem>>
    %dma_wait3A_58 = tpu.memref_squeeze %dma_wait3A_57 : memref<1x80xi32, #tpu.memory_space<vmem>> -> memref<80xi32, #tpu.memory_space<vmem>>
    %dma_wait3A_59 = arith.constant 0 : i32
    %dma_wait3A_60 = arith.constant 0 : i32
    %dma_wait3A_61 = tpu.memref_slice %arg4[%dma_wait3A_59, %dma_wait3A_60] : memref<20000x64xf32, #tpu.memory_space<hbm>> -> memref<20000x64xf32, #tpu.memory_space<hbm>>
    tpu.wait_indirect_dma semaphore(%arg22 : memref<!tpu.dma_semaphore, #tpu.memory_space<semaphore_mem>>) src(%dma_wait3A_61 : memref<20000x64xf32, #tpu.memory_space<hbm>>) dst(%arg17 : memref<80x64xf32, #tpu.memory_space<vmem>>)
    %run_scoped3A_62 = arith.constant 122 : i32
    "tpu.region"() ({
      %run_scoped3A_83 = tpu.sem_alloc : memref<!tpu.dma_semaphore, #tpu.memory_space<semaphore_mem>>
      %dma_start3A_84 = arith.constant 0 : i32
      %dma_start3A_85 = tpu.memref_slice %arg13[%run_scoped3A_62, %dma_start3A_84] : memref<125x80xi32, #tpu.memory_space<vmem>> -> memref<1x80xi32, #tpu.memory_space<vmem>>
      %dma_start3A_86 = tpu.memref_squeeze %dma_start3A_85 : memref<1x80xi32, #tpu.memory_space<vmem>> -> memref<80xi32, #tpu.memory_space<vmem>>
      %dma_start3A_87 = arith.constant 0 : i32
      %dma_start3A_88 = arith.constant 0 : i32
      %dma_start3A_89 = tpu.memref_slice %arg10[%dma_start3A_87, %dma_start3A_88] : memref<10240x64xf32, #tpu.memory_space<vmem_shared>> -> memref<10240x64xf32, #tpu.memory_space<vmem_shared>>
      tpu.enqueue_indirect_dma source(%arg17 : memref<80x64xf32, #tpu.memory_space<vmem>>) target(%dma_start3A_89 : memref<10240x64xf32, #tpu.memory_space<vmem_shared>>) offsets(%dma_start3A_86 : memref<80xi32, #tpu.memory_space<vmem>>) semaphore(%run_scoped3A_83 : memref<!tpu.dma_semaphore, #tpu.memory_space<semaphore_mem>>) {add = true}
      %dma_wait3A_90 = arith.constant 0 : i32
      %dma_wait3A_91 = tpu.memref_slice %arg13[%run_scoped3A_62, %dma_wait3A_90] : memref<125x80xi32, #tpu.memory_space<vmem>> -> memref<1x80xi32, #tpu.memory_space<vmem>>
      %dma_wait3A_92 = tpu.memref_squeeze %dma_wait3A_91 : memref<1x80xi32, #tpu.memory_space<vmem>> -> memref<80xi32, #tpu.memory_space<vmem>>
      %dma_wait3A_93 = arith.constant 0 : i32
      %dma_wait3A_94 = arith.constant 0 : i32
      %dma_wait3A_95 = tpu.memref_slice %arg10[%dma_wait3A_93, %dma_wait3A_94] : memref<10240x64xf32, #tpu.memory_space<vmem_shared>> -> memref<10240x64xf32, #tpu.memory_space<vmem_shared>>
      tpu.wait_indirect_dma semaphore(%run_scoped3A_83 : memref<!tpu.dma_semaphore, #tpu.memory_space<semaphore_mem>>) src(%arg17 : memref<80x64xf32, #tpu.memory_space<vmem>>) dst(%dma_wait3A_95 : memref<10240x64xf32, #tpu.memory_space<vmem_shared>>)
      tpu.yield
    }) : () -> ()
    %run_scoped3A_63 = arith.constant 122 : i32
    "tpu.region"() ({
      %run_scoped3A_83 = tpu.sem_alloc : memref<!tpu.dma_semaphore, #tpu.memory_space<semaphore_mem>>
      %dma_start3A_84 = arith.constant 0 : i32
      %dma_start3A_85 = tpu.memref_slice %arg13[%run_scoped3A_63, %dma_start3A_84] : memref<125x80xi32, #tpu.memory_space<vmem>> -> memref<1x80xi32, #tpu.memory_space<vmem>>
      %dma_start3A_86 = tpu.memref_squeeze %dma_start3A_85 : memref<1x80xi32, #tpu.memory_space<vmem>> -> memref<80xi32, #tpu.memory_space<vmem>>
      %dma_start3A_87 = arith.constant 0 : i32
      %dma_start3A_88 = arith.constant 0 : i32
      %dma_start3A_89 = tpu.memref_slice %arg11[%dma_start3A_87, %dma_start3A_88] : memref<10240x16xf32, #tpu.memory_space<vmem_shared>> -> memref<10240x16xf32, #tpu.memory_space<vmem_shared>>
      tpu.enqueue_indirect_dma source(%arg14 : memref<80x16xf32, #tpu.memory_space<vmem>>) target(%dma_start3A_89 : memref<10240x16xf32, #tpu.memory_space<vmem_shared>>) offsets(%dma_start3A_86 : memref<80xi32, #tpu.memory_space<vmem>>) semaphore(%run_scoped3A_83 : memref<!tpu.dma_semaphore, #tpu.memory_space<semaphore_mem>>) {add = true}
      %dma_wait3A_90 = arith.constant 0 : i32
      %dma_wait3A_91 = tpu.memref_slice %arg13[%run_scoped3A_63, %dma_wait3A_90] : memref<125x80xi32, #tpu.memory_space<vmem>> -> memref<1x80xi32, #tpu.memory_space<vmem>>
      %dma_wait3A_92 = tpu.memref_squeeze %dma_wait3A_91 : memref<1x80xi32, #tpu.memory_space<vmem>> -> memref<80xi32, #tpu.memory_space<vmem>>
      %dma_wait3A_93 = arith.constant 0 : i32
      %dma_wait3A_94 = arith.constant 0 : i32
      %dma_wait3A_95 = tpu.memref_slice %arg11[%dma_wait3A_93, %dma_wait3A_94] : memref<10240x16xf32, #tpu.memory_space<vmem_shared>> -> memref<10240x16xf32, #tpu.memory_space<vmem_shared>>
      tpu.wait_indirect_dma semaphore(%run_scoped3A_83 : memref<!tpu.dma_semaphore, #tpu.memory_space<semaphore_mem>>) src(%arg14 : memref<80x16xf32, #tpu.memory_space<vmem>>) dst(%dma_wait3A_95 : memref<10240x16xf32, #tpu.memory_space<vmem_shared>>)
      tpu.yield
    }) : () -> ()
    %dma_wait3A_64 = arith.constant 123 : i32
    %dma_wait3A_65 = arith.constant 0 : i32
    %dma_wait3A_66 = tpu.memref_slice %arg12[%dma_wait3A_64, %dma_wait3A_65] : memref<125x80xi32, #tpu.memory_space<vmem>> -> memref<1x80xi32, #tpu.memory_space<vmem>>
    %dma_wait3A_67 = tpu.memref_squeeze %dma_wait3A_66 : memref<1x80xi32, #tpu.memory_space<vmem>> -> memref<80xi32, #tpu.memory_space<vmem>>
    %dma_wait3A_68 = arith.constant 0 : i32
    %dma_wait3A_69 = arith.constant 0 : i32
    %dma_wait3A_70 = tpu.memref_slice %arg4[%dma_wait3A_68, %dma_wait3A_69] : memref<20000x64xf32, #tpu.memory_space<hbm>> -> memref<20000x64xf32, #tpu.memory_space<hbm>>
    tpu.wait_indirect_dma semaphore(%arg23 : memref<!tpu.dma_semaphore, #tpu.memory_space<semaphore_mem>>) src(%dma_wait3A_70 : memref<20000x64xf32, #tpu.memory_space<hbm>>) dst(%arg18 : memref<80x64xf32, #tpu.memory_space<vmem>>)
    %run_scoped3A_71 = arith.constant 123 : i32
    "tpu.region"() ({
      %run_scoped3A_83 = tpu.sem_alloc : memref<!tpu.dma_semaphore, #tpu.memory_space<semaphore_mem>>
      %dma_start3A_84 = arith.constant 0 : i32
      %dma_start3A_85 = tpu.memref_slice %arg13[%run_scoped3A_71, %dma_start3A_84] : memref<125x80xi32, #tpu.memory_space<vmem>> -> memref<1x80xi32, #tpu.memory_space<vmem>>
      %dma_start3A_86 = tpu.memref_squeeze %dma_start3A_85 : memref<1x80xi32, #tpu.memory_space<vmem>> -> memref<80xi32, #tpu.memory_space<vmem>>
      %dma_start3A_87 = arith.constant 0 : i32
      %dma_start3A_88 = arith.constant 0 : i32
      %dma_start3A_89 = tpu.memref_slice %arg10[%dma_start3A_87, %dma_start3A_88] : memref<10240x64xf32, #tpu.memory_space<vmem_shared>> -> memref<10240x64xf32, #tpu.memory_space<vmem_shared>>
      tpu.enqueue_indirect_dma source(%arg18 : memref<80x64xf32, #tpu.memory_space<vmem>>) target(%dma_start3A_89 : memref<10240x64xf32, #tpu.memory_space<vmem_shared>>) offsets(%dma_start3A_86 : memref<80xi32, #tpu.memory_space<vmem>>) semaphore(%run_scoped3A_83 : memref<!tpu.dma_semaphore, #tpu.memory_space<semaphore_mem>>) {add = true}
      %dma_wait3A_90 = arith.constant 0 : i32
      %dma_wait3A_91 = tpu.memref_slice %arg13[%run_scoped3A_71, %dma_wait3A_90] : memref<125x80xi32, #tpu.memory_space<vmem>> -> memref<1x80xi32, #tpu.memory_space<vmem>>
      %dma_wait3A_92 = tpu.memref_squeeze %dma_wait3A_91 : memref<1x80xi32, #tpu.memory_space<vmem>> -> memref<80xi32, #tpu.memory_space<vmem>>
      %dma_wait3A_93 = arith.constant 0 : i32
      %dma_wait3A_94 = arith.constant 0 : i32
      %dma_wait3A_95 = tpu.memref_slice %arg10[%dma_wait3A_93, %dma_wait3A_94] : memref<10240x64xf32, #tpu.memory_space<vmem_shared>> -> memref<10240x64xf32, #tpu.memory_space<vmem_shared>>
      tpu.wait_indirect_dma semaphore(%run_scoped3A_83 : memref<!tpu.dma_semaphore, #tpu.memory_space<semaphore_mem>>) src(%arg18 : memref<80x64xf32, #tpu.memory_space<vmem>>) dst(%dma_wait3A_95 : memref<10240x64xf32, #tpu.memory_space<vmem_shared>>)
      tpu.yield
    }) : () -> ()
    %run_scoped3A_72 = arith.constant 123 : i32
    "tpu.region"() ({
      %run_scoped3A_83 = tpu.sem_alloc : memref<!tpu.dma_semaphore, #tpu.memory_space<semaphore_mem>>
      %dma_start3A_84 = arith.constant 0 : i32
      %dma_start3A_85 = tpu.memref_slice %arg13[%run_scoped3A_72, %dma_start3A_84] : memref<125x80xi32, #tpu.memory_space<vmem>> -> memref<1x80xi32, #tpu.memory_space<vmem>>
      %dma_start3A_86 = tpu.memref_squeeze %dma_start3A_85 : memref<1x80xi32, #tpu.memory_space<vmem>> -> memref<80xi32, #tpu.memory_space<vmem>>
      %dma_start3A_87 = arith.constant 0 : i32
      %dma_start3A_88 = arith.constant 0 : i32
      %dma_start3A_89 = tpu.memref_slice %arg11[%dma_start3A_87, %dma_start3A_88] : memref<10240x16xf32, #tpu.memory_space<vmem_shared>> -> memref<10240x16xf32, #tpu.memory_space<vmem_shared>>
      tpu.enqueue_indirect_dma source(%arg14 : memref<80x16xf32, #tpu.memory_space<vmem>>) target(%dma_start3A_89 : memref<10240x16xf32, #tpu.memory_space<vmem_shared>>) offsets(%dma_start3A_86 : memref<80xi32, #tpu.memory_space<vmem>>) semaphore(%run_scoped3A_83 : memref<!tpu.dma_semaphore, #tpu.memory_space<semaphore_mem>>) {add = true}
      %dma_wait3A_90 = arith.constant 0 : i32
      %dma_wait3A_91 = tpu.memref_slice %arg13[%run_scoped3A_72, %dma_wait3A_90] : memref<125x80xi32, #tpu.memory_space<vmem>> -> memref<1x80xi32, #tpu.memory_space<vmem>>
      %dma_wait3A_92 = tpu.memref_squeeze %dma_wait3A_91 : memref<1x80xi32, #tpu.memory_space<vmem>> -> memref<80xi32, #tpu.memory_space<vmem>>
      %dma_wait3A_93 = arith.constant 0 : i32
      %dma_wait3A_94 = arith.constant 0 : i32
      %dma_wait3A_95 = tpu.memref_slice %arg11[%dma_wait3A_93, %dma_wait3A_94] : memref<10240x16xf32, #tpu.memory_space<vmem_shared>> -> memref<10240x16xf32, #tpu.memory_space<vmem_shared>>
      tpu.wait_indirect_dma semaphore(%run_scoped3A_83 : memref<!tpu.dma_semaphore, #tpu.memory_space<semaphore_mem>>) src(%arg14 : memref<80x16xf32, #tpu.memory_space<vmem>>) dst(%dma_wait3A_95 : memref<10240x16xf32, #tpu.memory_space<vmem_shared>>)
      tpu.yield
    }) : () -> ()
    %dma_wait3A_73 = arith.constant 124 : i32
    %dma_wait3A_74 = arith.constant 0 : i32
    %dma_wait3A_75 = tpu.memref_slice %arg12[%dma_wait3A_73, %dma_wait3A_74] : memref<125x80xi32, #tpu.memory_space<vmem>> -> memref<1x80xi32, #tpu.memory_space<vmem>>
    %dma_wait3A_76 = tpu.memref_squeeze %dma_wait3A_75 : memref<1x80xi32, #tpu.memory_space<vmem>> -> memref<80xi32, #tpu.memory_space<vmem>>
    %dma_wait3A_77 = arith.constant 0 : i32
    %dma_wait3A_78 = arith.constant 0 : i32
    %dma_wait3A_79 = tpu.memref_slice %arg4[%dma_wait3A_77, %dma_wait3A_78] : memref<20000x64xf32, #tpu.memory_space<hbm>> -> memref<20000x64xf32, #tpu.memory_space<hbm>>
    tpu.wait_indirect_dma semaphore(%arg24 : memref<!tpu.dma_semaphore, #tpu.memory_space<semaphore_mem>>) src(%dma_wait3A_79 : memref<20000x64xf32, #tpu.memory_space<hbm>>) dst(%arg19 : memref<80x64xf32, #tpu.memory_space<vmem>>)
    %run_scoped3A_80 = arith.constant 124 : i32
    "tpu.region"() ({
      %run_scoped3A_83 = tpu.sem_alloc : memref<!tpu.dma_semaphore, #tpu.memory_space<semaphore_mem>>
      %dma_start3A_84 = arith.constant 0 : i32
      %dma_start3A_85 = tpu.memref_slice %arg13[%run_scoped3A_80, %dma_start3A_84] : memref<125x80xi32, #tpu.memory_space<vmem>> -> memref<1x80xi32, #tpu.memory_space<vmem>>
      %dma_start3A_86 = tpu.memref_squeeze %dma_start3A_85 : memref<1x80xi32, #tpu.memory_space<vmem>> -> memref<80xi32, #tpu.memory_space<vmem>>
      %dma_start3A_87 = arith.constant 0 : i32
      %dma_start3A_88 = arith.constant 0 : i32
      %dma_start3A_89 = tpu.memref_slice %arg10[%dma_start3A_87, %dma_start3A_88] : memref<10240x64xf32, #tpu.memory_space<vmem_shared>> -> memref<10240x64xf32, #tpu.memory_space<vmem_shared>>
      tpu.enqueue_indirect_dma source(%arg19 : memref<80x64xf32, #tpu.memory_space<vmem>>) target(%dma_start3A_89 : memref<10240x64xf32, #tpu.memory_space<vmem_shared>>) offsets(%dma_start3A_86 : memref<80xi32, #tpu.memory_space<vmem>>) semaphore(%run_scoped3A_83 : memref<!tpu.dma_semaphore, #tpu.memory_space<semaphore_mem>>) {add = true}
      %dma_wait3A_90 = arith.constant 0 : i32
      %dma_wait3A_91 = tpu.memref_slice %arg13[%run_scoped3A_80, %dma_wait3A_90] : memref<125x80xi32, #tpu.memory_space<vmem>> -> memref<1x80xi32, #tpu.memory_space<vmem>>
      %dma_wait3A_92 = tpu.memref_squeeze %dma_wait3A_91 : memref<1x80xi32, #tpu.memory_space<vmem>> -> memref<80xi32, #tpu.memory_space<vmem>>
      %dma_wait3A_93 = arith.constant 0 : i32
      %dma_wait3A_94 = arith.constant 0 : i32
      %dma_wait3A_95 = tpu.memref_slice %arg10[%dma_wait3A_93, %dma_wait3A_94] : memref<10240x64xf32, #tpu.memory_space<vmem_shared>> -> memref<10240x64xf32, #tpu.memory_space<vmem_shared>>
      tpu.wait_indirect_dma semaphore(%run_scoped3A_83 : memref<!tpu.dma_semaphore, #tpu.memory_space<semaphore_mem>>) src(%arg19 : memref<80x64xf32, #tpu.memory_space<vmem>>) dst(%dma_wait3A_95 : memref<10240x64xf32, #tpu.memory_space<vmem_shared>>)
      tpu.yield
    }) : () -> ()
    %run_scoped3A_81 = arith.constant 124 : i32
    "tpu.region"() ({
      %run_scoped3A_83 = tpu.sem_alloc : memref<!tpu.dma_semaphore, #tpu.memory_space<semaphore_mem>>
      %dma_start3A_84 = arith.constant 0 : i32
      %dma_start3A_85 = tpu.memref_slice %arg13[%run_scoped3A_81, %dma_start3A_84] : memref<125x80xi32, #tpu.memory_space<vmem>> -> memref<1x80xi32, #tpu.memory_space<vmem>>
      %dma_start3A_86 = tpu.memref_squeeze %dma_start3A_85 : memref<1x80xi32, #tpu.memory_space<vmem>> -> memref<80xi32, #tpu.memory_space<vmem>>
      %dma_start3A_87 = arith.constant 0 : i32
      %dma_start3A_88 = arith.constant 0 : i32
      %dma_start3A_89 = tpu.memref_slice %arg11[%dma_start3A_87, %dma_start3A_88] : memref<10240x16xf32, #tpu.memory_space<vmem_shared>> -> memref<10240x16xf32, #tpu.memory_space<vmem_shared>>
      tpu.enqueue_indirect_dma source(%arg14 : memref<80x16xf32, #tpu.memory_space<vmem>>) target(%dma_start3A_89 : memref<10240x16xf32, #tpu.memory_space<vmem_shared>>) offsets(%dma_start3A_86 : memref<80xi32, #tpu.memory_space<vmem>>) semaphore(%run_scoped3A_83 : memref<!tpu.dma_semaphore, #tpu.memory_space<semaphore_mem>>) {add = true}
      %dma_wait3A_90 = arith.constant 0 : i32
      %dma_wait3A_91 = tpu.memref_slice %arg13[%run_scoped3A_81, %dma_wait3A_90] : memref<125x80xi32, #tpu.memory_space<vmem>> -> memref<1x80xi32, #tpu.memory_space<vmem>>
      %dma_wait3A_92 = tpu.memref_squeeze %dma_wait3A_91 : memref<1x80xi32, #tpu.memory_space<vmem>> -> memref<80xi32, #tpu.memory_space<vmem>>
      %dma_wait3A_93 = arith.constant 0 : i32
      %dma_wait3A_94 = arith.constant 0 : i32
      %dma_wait3A_95 = tpu.memref_slice %arg11[%dma_wait3A_93, %dma_wait3A_94] : memref<10240x16xf32, #tpu.memory_space<vmem_shared>> -> memref<10240x16xf32, #tpu.memory_space<vmem_shared>>
      tpu.wait_indirect_dma semaphore(%run_scoped3A_83 : memref<!tpu.dma_semaphore, #tpu.memory_space<semaphore_mem>>) src(%arg14 : memref<80x16xf32, #tpu.memory_space<vmem>>) dst(%dma_wait3A_95 : memref<10240x16xf32, #tpu.memory_space<vmem_shared>>)
      tpu.yield
    }) : () -> ()
    %barrier3A_82 = arith.constant 0 : index
    tpu.barrier barrier_id(%barrier3A_82)
    "tpu.region"() ({
      %run_scoped3A_83 = tpu.sem_alloc : memref<!tpu.dma_semaphore, #tpu.memory_space<semaphore_mem>>
      %dma_start3A_84 = arith.constant 0 : i32
      %dma_start3A_85 = tpu.memref_slice %arg8[%arg0, %mul3A_0, %dma_start3A_84] : memref<2x10240x64xf32, #tpu.memory_space<hbm>> -> memref<1x640x64xf32, #tpu.memory_space<hbm>>
      %dma_start3A_86 = tpu.memref_squeeze %dma_start3A_85 : memref<1x640x64xf32, #tpu.memory_space<hbm>> -> memref<640x64xf32, #tpu.memory_space<hbm>>
      %dma_start3A_87 = arith.constant 0 : i32
      %dma_start3A_88 = tpu.memref_slice %arg10[%mul3A_0, %dma_start3A_87] : memref<10240x64xf32, #tpu.memory_space<vmem_shared>> -> memref<640x64xf32, #tpu.memory_space<vmem_shared>>
      tpu.enqueue_dma source(%dma_start3A_88 : memref<640x64xf32, #tpu.memory_space<vmem_shared>>) target(%dma_start3A_86 : memref<640x64xf32, #tpu.memory_space<hbm>>) target_semaphore(%run_scoped3A_83 : memref<!tpu.dma_semaphore, #tpu.memory_space<semaphore_mem>>)
      %dma_wait3A_89 = arith.constant 0 : i32
      %dma_wait3A_90 = tpu.memref_slice %arg8[%arg0, %mul3A_0, %dma_wait3A_89] : memref<2x10240x64xf32, #tpu.memory_space<hbm>> -> memref<1x640x64xf32, #tpu.memory_space<hbm>>
      %dma_wait3A_91 = tpu.memref_squeeze %dma_wait3A_90 : memref<1x640x64xf32, #tpu.memory_space<hbm>> -> memref<640x64xf32, #tpu.memory_space<hbm>>
      %dma_wait3A_92 = arith.constant 0 : i32
      %dma_wait3A_93 = tpu.memref_slice %arg10[%mul3A_0, %dma_wait3A_92] : memref<10240x64xf32, #tpu.memory_space<vmem_shared>> -> memref<640x64xf32, #tpu.memory_space<vmem_shared>>
      tpu.wait_dma2 semaphore(%run_scoped3A_83 : memref<!tpu.dma_semaphore, #tpu.memory_space<semaphore_mem>>) src(%dma_wait3A_93 : memref<640x64xf32, #tpu.memory_space<vmem_shared>>) dst(%dma_wait3A_91 : memref<640x64xf32, #tpu.memory_space<hbm>>)
      tpu.yield
    }) : () -> ()
    "tpu.region"() ({
      %run_scoped3A_83 = tpu.sem_alloc : memref<!tpu.dma_semaphore, #tpu.memory_space<semaphore_mem>>
      %dma_start3A_84 = arith.constant 0 : i32
      %dma_start3A_85 = tpu.memref_slice %arg9[%arg0, %mul3A_0, %dma_start3A_84] : memref<2x10240x16xf32, #tpu.memory_space<hbm>> -> memref<1x640x16xf32, #tpu.memory_space<hbm>>
      %dma_start3A_86 = tpu.memref_squeeze %dma_start3A_85 : memref<1x640x16xf32, #tpu.memory_space<hbm>> -> memref<640x16xf32, #tpu.memory_space<hbm>>
      %dma_start3A_87 = arith.constant 0 : i32
      %dma_start3A_88 = tpu.memref_slice %arg11[%mul3A_0, %dma_start3A_87] : memref<10240x16xf32, #tpu.memory_space<vmem_shared>> -> memref<640x16xf32, #tpu.memory_space<vmem_shared>>
      tpu.enqueue_dma source(%dma_start3A_88 : memref<640x16xf32, #tpu.memory_space<vmem_shared>>) target(%dma_start3A_86 : memref<640x16xf32, #tpu.memory_space<hbm>>) target_semaphore(%run_scoped3A_83 : memref<!tpu.dma_semaphore, #tpu.memory_space<semaphore_mem>>)
      %dma_wait3A_89 = arith.constant 0 : i32
      %dma_wait3A_90 = tpu.memref_slice %arg9[%arg0, %mul3A_0, %dma_wait3A_89] : memref<2x10240x16xf32, #tpu.memory_space<hbm>> -> memref<1x640x16xf32, #tpu.memory_space<hbm>>
      %dma_wait3A_91 = tpu.memref_squeeze %dma_wait3A_90 : memref<1x640x16xf32, #tpu.memory_space<hbm>> -> memref<640x16xf32, #tpu.memory_space<hbm>>
      %dma_wait3A_92 = arith.constant 0 : i32
      %dma_wait3A_93 = tpu.memref_slice %arg11[%mul3A_0, %dma_wait3A_92] : memref<10240x16xf32, #tpu.memory_space<vmem_shared>> -> memref<640x16xf32, #tpu.memory_space<vmem_shared>>
      tpu.wait_dma2 semaphore(%run_scoped3A_83 : memref<!tpu.dma_semaphore, #tpu.memory_space<semaphore_mem>>) src(%dma_wait3A_93 : memref<640x16xf32, #tpu.memory_space<vmem_shared>>) dst(%dma_wait3A_91 : memref<640x16xf32, #tpu.memory_space<hbm>>)
      tpu.yield
    }) : () -> ()
    return
  }
}

module attributes {stable_mosaic.version = 14 : i64} {
  func.func @_pre_body(%arg0: i32, %arg1: memref<2000x128xf32, #tpu.memory_space<vmem>>, %arg2: memref<128x128xf32, #tpu.memory_space<vmem>>, %arg3: memref<128x64xf32, #tpu.memory_space<vmem>>, %arg4: memref<2000x128xf32, #tpu.memory_space<vmem>>, %arg5: memref<2000x64xf32, #tpu.memory_space<vmem>>) attributes {dimension_semantics = [#tpu.dimension_semantics<arbitrary>], iteration_bounds = array<i64: 5>, scalar_prefetch = 0 : i64, scratch_operands = 0 : i64, tpu.core_type = #tpu.core_type<tc>, window_params = [{transform_indices = @transform_0, window_bounds = array<i64: 2000, 128>}, {pipeline_mode = #tpu.pipeline_mode<synchronous>, transform_indices = @transform_1, window_bounds = array<i64: 128, 128>}, {pipeline_mode = #tpu.pipeline_mode<synchronous>, transform_indices = @transform_2, window_bounds = array<i64: 128, 64>}, {transform_indices = @transform_3, window_bounds = array<i64: 2000, 128>}, {transform_indices = @transform_4, window_bounds = array<i64: 2000, 64>}]} {
    %get3A = arith.constant 0 : index
    %get3A_0 = arith.constant 0 : index
    %get3A_1 = vector.load %arg1[%get3A, %get3A_0] : memref<2000x128xf32, #tpu.memory_space<vmem>>, vector<2000x128xf32>
    %get3A_2 = arith.constant 0 : index
    %get3A_3 = arith.constant 0 : index
    %get3A_4 = vector.load %arg2[%get3A_2, %get3A_3] : memref<128x128xf32, #tpu.memory_space<vmem>>, vector<128x128xf32>
    %dot_general3A = arith.constant dense<0.000000e+00> : vector<2000x128xf32>
    %dot_general3A_5 = tpu.matmul %get3A_1, %get3A_4, %dot_general3A {dimension_numbers = #tpu.dot_dimension_numbers<[1], [0], [0], [1], [0, 0, 1, 1], [], []>, transpose_lhs_hint = false} : vector<2000x128xf32>, vector<128x128xf32>, vector<2000x128xf32> -> vector<2000x128xf32>
    %swap3A = arith.constant 0 : index
    %swap3A_6 = arith.constant 0 : index
    %swap3A_7 = vector.load %arg4[%swap3A, %swap3A_6] : memref<2000x128xf32, #tpu.memory_space<vmem>>, vector<2000x128xf32>
    tpu.vector_store %arg4[%swap3A, %swap3A_6], %dot_general3A_5 {strides = array<i32>} : memref<2000x128xf32, #tpu.memory_space<vmem>>, vector<2000x128xf32>,
    %get3A_8 = arith.constant 0 : index
    %get3A_9 = arith.constant 0 : index
    %get3A_10 = vector.load %arg3[%get3A_8, %get3A_9] : memref<128x64xf32, #tpu.memory_space<vmem>>, vector<128x64xf32>
    %dot_general3A_11 = arith.constant dense<0.000000e+00> : vector<2000x64xf32>
    %dot_general3A_12 = tpu.matmul %get3A_1, %get3A_10, %dot_general3A_11 {dimension_numbers = #tpu.dot_dimension_numbers<[1], [0], [0], [1], [0, 0, 1, 1], [], []>, transpose_lhs_hint = false} : vector<2000x128xf32>, vector<128x64xf32>, vector<2000x64xf32> -> vector<2000x64xf32>
    %swap3A_13 = arith.constant 0 : index
    %swap3A_14 = arith.constant 0 : index
    %swap3A_15 = vector.load %arg5[%swap3A_13, %swap3A_14] : memref<2000x64xf32, #tpu.memory_space<vmem>>, vector<2000x64xf32>
    tpu.vector_store %arg5[%swap3A_13, %swap3A_14], %dot_general3A_12 {strides = array<i32>} : memref<2000x64xf32, #tpu.memory_space<vmem>>, vector<2000x64xf32>,
    return
  }
  func.func @transform_0(%arg0: i32) -> (i32, i32) {
    %c0_i32 = arith.constant 0 : i32
    %c0_i32_0 = arith.constant 0 : i32
    return %arg0, %c0_i32 : i32, i32
  }
  func.func @transform_1(%arg0: i32) -> (i32, i32) {
    %c0_i32 = arith.constant 0 : i32
    %c0_i32_0 = arith.constant 0 : i32
    %c0_i32_1 = arith.constant 0 : i32
    return %c0_i32, %c0_i32_0 : i32, i32
  }
  func.func @transform_2(%arg0: i32) -> (i32, i32) {
    %c0_i32 = arith.constant 0 : i32
    %c0_i32_0 = arith.constant 0 : i32
    %c0_i32_1 = arith.constant 0 : i32
    return %c0_i32, %c0_i32_0 : i32, i32
  }
  func.func @transform_3(%arg0: i32) -> (i32, i32) {
    %c0_i32 = arith.constant 0 : i32
    %c0_i32_0 = arith.constant 0 : i32
    return %arg0, %c0_i32 : i32, i32
  }
  func.func @transform_4(%arg0: i32) -> (i32, i32) {
    %c0_i32 = arith.constant 0 : i32
    %c0_i32_0 = arith.constant 0 : i32
    return %arg0, %c0_i32 : i32, i32
  }
}

module attributes {stable_mosaic.version = 14 : i64} {
  func.func @_post_mid_body(%arg0: i32, %arg1: memref<2x2000x64xf32, #tpu.memory_space<vmem>>, %arg2: memref<2x2000x16xf32, #tpu.memory_space<vmem>>, %arg3: memref<2000x128xf32, #tpu.memory_space<vmem>>, %arg4: memref<1x64xf32, #tpu.memory_space<vmem>>, %arg5: memref<1x64xf32, #tpu.memory_space<vmem>>, %arg6: memref<1x64xf32, #tpu.memory_space<vmem>>, %arg7: memref<2000x64xf32, #tpu.memory_space<vmem>>, %arg8: memref<64x128xf32, #tpu.memory_space<vmem>>, %arg9: memref<2000x64xf32, #tpu.memory_space<vmem>>, %arg10: memref<2000x128xf32, #tpu.memory_space<vmem>>) attributes {dimension_semantics = [#tpu.dimension_semantics<arbitrary>], iteration_bounds = array<i64: 5>, scalar_prefetch = 0 : i64, scratch_operands = 0 : i64, tpu.core_type = #tpu.core_type<tc>, window_params = [{transform_indices = @transform_0, window_bounds = array<i64: 2, 2000, 64>}, {transform_indices = @transform_1, window_bounds = array<i64: 2, 2000, 16>}, {transform_indices = @transform_2, window_bounds = array<i64: 2000, 128>}, {pipeline_mode = #tpu.pipeline_mode<synchronous>, transform_indices = @transform_3, window_bounds = array<i64: 1, 64>}, {pipeline_mode = #tpu.pipeline_mode<synchronous>, transform_indices = @transform_4, window_bounds = array<i64: 1, 64>}, {pipeline_mode = #tpu.pipeline_mode<synchronous>, transform_indices = @transform_5, window_bounds = array<i64: 1, 64>}, {transform_indices = @transform_6, window_bounds = array<i64: 2000, 64>}, {pipeline_mode = #tpu.pipeline_mode<synchronous>, transform_indices = @transform_7, window_bounds = array<i64: 64, 128>}, {transform_indices = @transform_8, window_bounds = array<i64: 2000, 64>}, {transform_indices = @transform_9, window_bounds = array<i64: 2000, 128>}]} {
    %get3A = arith.constant 0 : index
    %get3A_0 = arith.constant 0 : index
    %get3A_1 = arith.constant 0 : index
    %get3A_2 = vector.load %arg1[%get3A, %get3A_0, %get3A_1] : memref<2x2000x64xf32, #tpu.memory_space<vmem>>, vector<1x2000x64xf32>
    %get3A_3 = vector.shape_cast %get3A_2 : vector<1x2000x64xf32> to vector<2000x64xf32>
    %get3A_4 = arith.constant 1 : index
    %get3A_5 = arith.constant 0 : index
    %get3A_6 = arith.constant 0 : index
    %get3A_7 = vector.load %arg1[%get3A_4, %get3A_5, %get3A_6] : memref<2x2000x64xf32, #tpu.memory_space<vmem>>, vector<1x2000x64xf32>
    %get3A_8 = vector.shape_cast %get3A_7 : vector<1x2000x64xf32> to vector<2000x64xf32>
    %add3A = arith.addf %get3A_3, %get3A_8 : vector<2000x64xf32>
    %get3A_9 = arith.constant 0 : index
    %get3A_10 = arith.constant 0 : index
    %get3A_11 = arith.constant 0 : index
    %get3A_12 = vector.load %arg2[%get3A_9, %get3A_10, %get3A_11] : memref<2x2000x16xf32, #tpu.memory_space<vmem>>, vector<1x2000x1xf32>
    %get3A_13 = vector.shape_cast %get3A_12 : vector<1x2000x1xf32> to vector<2000x1xf32>
    %get3A_14 = arith.constant 1 : index
    %get3A_15 = arith.constant 0 : index
    %get3A_16 = arith.constant 0 : index
    %get3A_17 = vector.load %arg2[%get3A_14, %get3A_15, %get3A_16] : memref<2x2000x16xf32, #tpu.memory_space<vmem>>, vector<1x2000x1xf32>
    %get3A_18 = vector.shape_cast %get3A_17 : vector<1x2000x1xf32> to vector<2000x1xf32>
    %add3A_19 = arith.addf %get3A_13, %get3A_18 : vector<2000x1xf32>
    %max3A = arith.constant 1.000000e+00 : f32
    %max3A_20 = vector.broadcast %max3A : f32 to vector<2000x1xf32>
    %max3A_21 = arith.maximumf %add3A_19, %max3A_20 : vector<2000x1xf32>
    %div3A = vector.broadcast %max3A_21 : vector<2000x1xf32> to vector<2000x64xf32>
    %div3A_22 = arith.divf %add3A, %div3A : vector<2000x64xf32>
    %get3A_23 = arith.constant 0 : index
    %get3A_24 = arith.constant 0 : index
    %get3A_25 = vector.load %arg4[%get3A_23, %get3A_24] : memref<1x64xf32, #tpu.memory_space<vmem>>, vector<1x64xf32>
    %add3A_26 = vector.broadcast %get3A_25 : vector<1x64xf32> to vector<2000x64xf32>
    %add3A_27 = arith.addf %div3A_22, %add3A_26 : vector<2000x64xf32>
    %get3A_28 = arith.constant 0 : index
    %get3A_29 = arith.constant 64 : index
    %get3A_30 = vector.load %arg3[%get3A_28, %get3A_29] : memref<2000x128xf32, #tpu.memory_space<vmem>>, vector<2000x64xf32>
    %add3A_31 = arith.addf %add3A_27, %get3A_30 : vector<2000x64xf32>
    %reduce_sum3A = arith.constant dense<0.000000e+00> : vector<2000xf32>
    %reduce_sum3A_32 = vector.multi_reduction <add>, %add3A_31, %reduce_sum3A [1] : vector<2000x64xf32> to vector<2000xf32>
    %broadcast_in_dim3A = vector.shape_cast %reduce_sum3A_32 : vector<2000xf32> to vector<2000x1xf32>
    %div3A_33 = arith.constant 6.400000e+01 : f32
    %div3A_34 = vector.broadcast %div3A_33 : f32 to vector<2000x1xf32>
    %div3A_35 = arith.divf %broadcast_in_dim3A, %div3A_34 : vector<2000x1xf32>
    %sub3A = vector.broadcast %div3A_35 : vector<2000x1xf32> to vector<2000x64xf32>
    %sub3A_36 = arith.subf %add3A_31, %sub3A : vector<2000x64xf32>
    %mul3A = arith.mulf %sub3A_36, %sub3A_36 : vector<2000x64xf32>
    %reduce_sum3A_37 = arith.constant dense<0.000000e+00> : vector<2000xf32>
    %reduce_sum3A_38 = vector.multi_reduction <add>, %mul3A, %reduce_sum3A_37 [1] : vector<2000x64xf32> to vector<2000xf32>
    %broadcast_in_dim3A_39 = vector.shape_cast %reduce_sum3A_38 : vector<2000xf32> to vector<2000x1xf32>
    %div3A_40 = arith.constant 6.400000e+01 : f32
    %div3A_41 = vector.broadcast %div3A_40 : f32 to vector<2000x1xf32>
    %div3A_42 = arith.divf %broadcast_in_dim3A_39, %div3A_41 : vector<2000x1xf32>
    %add3A_43 = arith.constant 9.99999974E-6 : f32
    %add3A_44 = vector.broadcast %add3A_43 : f32 to vector<2000x1xf32>
    %add3A_45 = arith.addf %div3A_42, %add3A_44 : vector<2000x1xf32>
    %rsqrt3A = math.rsqrt %add3A_45 : vector<2000x1xf32>
    %mul3A_46 = vector.broadcast %rsqrt3A : vector<2000x1xf32> to vector<2000x64xf32>
    %mul3A_47 = arith.mulf %sub3A_36, %mul3A_46 : vector<2000x64xf32>
    %get3A_48 = arith.constant 0 : index
    %get3A_49 = arith.constant 0 : index
    %get3A_50 = vector.load %arg5[%get3A_48, %get3A_49] : memref<1x64xf32, #tpu.memory_space<vmem>>, vector<1x64xf32>
    %mul3A_51 = vector.broadcast %get3A_50 : vector<1x64xf32> to vector<2000x64xf32>
    %mul3A_52 = arith.mulf %mul3A_47, %mul3A_51 : vector<2000x64xf32>
    %get3A_53 = arith.constant 0 : index
    %get3A_54 = arith.constant 0 : index
    %get3A_55 = vector.load %arg6[%get3A_53, %get3A_54] : memref<1x64xf32, #tpu.memory_space<vmem>>, vector<1x64xf32>
    %add3A_56 = vector.broadcast %get3A_55 : vector<1x64xf32> to vector<2000x64xf32>
    %add3A_57 = arith.addf %mul3A_52, %add3A_56 : vector<2000x64xf32>
    %max3A_58 = arith.constant 0.000000e+00 : f32
    %max3A_59 = vector.broadcast %max3A_58 : f32 to vector<2000x64xf32>
    %max3A_60 = arith.maximumf %add3A_57, %max3A_59 : vector<2000x64xf32>
    %get3A_61 = arith.constant 0 : index
    %get3A_62 = arith.constant 0 : index
    %get3A_63 = vector.load %arg7[%get3A_61, %get3A_62] : memref<2000x64xf32, #tpu.memory_space<vmem>>, vector<2000x64xf32>
    %add3A_64 = arith.addf %max3A_60, %get3A_63 : vector<2000x64xf32>
    %swap3A = arith.constant 0 : index
    %swap3A_65 = arith.constant 0 : index
    %swap3A_66 = vector.load %arg9[%swap3A, %swap3A_65] : memref<2000x64xf32, #tpu.memory_space<vmem>>, vector<2000x64xf32>
    tpu.vector_store %arg9[%swap3A, %swap3A_65], %add3A_64 {strides = array<i32>} : memref<2000x64xf32, #tpu.memory_space<vmem>>, vector<2000x64xf32>,
    %get3A_67 = arith.constant 0 : index
    %get3A_68 = arith.constant 0 : index
    %get3A_69 = vector.load %arg8[%get3A_67, %get3A_68] : memref<64x128xf32, #tpu.memory_space<vmem>>, vector<64x128xf32>
    %dot_general3A = arith.constant dense<0.000000e+00> : vector<2000x128xf32>
    %dot_general3A_70 = tpu.matmul %add3A_64, %get3A_69, %dot_general3A {dimension_numbers = #tpu.dot_dimension_numbers<[1], [0], [0], [1], [0, 0, 1, 1], [], []>, transpose_lhs_hint = false} : vector<2000x64xf32>, vector<64x128xf32>, vector<2000x128xf32> -> vector<2000x128xf32>
    %swap3A_71 = arith.constant 0 : index
    %swap3A_72 = arith.constant 0 : index
    %swap3A_73 = vector.load %arg10[%swap3A_71, %swap3A_72] : memref<2000x128xf32, #tpu.memory_space<vmem>>, vector<2000x128xf32>
    tpu.vector_store %arg10[%swap3A_71, %swap3A_72], %dot_general3A_70 {strides = array<i32>} : memref<2000x128xf32, #tpu.memory_space<vmem>>, vector<2000x128xf32>,
    return
  }
  func.func @transform_0(%arg0: i32) -> (i32, i32, i32) {
    %c0_i32 = arith.constant 0 : i32
    %c0_i32_0 = arith.constant 0 : i32
    %c0_i32_1 = arith.constant 0 : i32
    return %c0_i32, %arg0, %c0_i32_0 : i32, i32, i32
  }
  func.func @transform_1(%arg0: i32) -> (i32, i32, i32) {
    %c0_i32 = arith.constant 0 : i32
    %c0_i32_0 = arith.constant 0 : i32
    %c0_i32_1 = arith.constant 0 : i32
    return %c0_i32, %arg0, %c0_i32_0 : i32, i32, i32
  }
  func.func @transform_2(%arg0: i32) -> (i32, i32) {
    %c0_i32 = arith.constant 0 : i32
    %c0_i32_0 = arith.constant 0 : i32
    return %arg0, %c0_i32 : i32, i32
  }
  func.func @transform_3(%arg0: i32) -> (i32, i32) {
    %c0_i32 = arith.constant 0 : i32
    %c0_i32_0 = arith.constant 0 : i32
    %c0_i32_1 = arith.constant 0 : i32
    return %c0_i32, %c0_i32_0 : i32, i32
  }
  func.func @transform_4(%arg0: i32) -> (i32, i32) {
    %c0_i32 = arith.constant 0 : i32
    %c0_i32_0 = arith.constant 0 : i32
    %c0_i32_1 = arith.constant 0 : i32
    return %c0_i32, %c0_i32_0 : i32, i32
  }
  func.func @transform_5(%arg0: i32) -> (i32, i32) {
    %c0_i32 = arith.constant 0 : i32
    %c0_i32_0 = arith.constant 0 : i32
    %c0_i32_1 = arith.constant 0 : i32
    return %c0_i32, %c0_i32_0 : i32, i32
  }
  func.func @transform_6(%arg0: i32) -> (i32, i32) {
    %c0_i32 = arith.constant 0 : i32
    %c0_i32_0 = arith.constant 0 : i32
    return %arg0, %c0_i32 : i32, i32
  }
  func.func @transform_7(%arg0: i32) -> (i32, i32) {
    %c0_i32 = arith.constant 0 : i32
    %c0_i32_0 = arith.constant 0 : i32
    %c0_i32_1 = arith.constant 0 : i32
    return %c0_i32, %c0_i32_0 : i32, i32
  }
  func.func @transform_8(%arg0: i32) -> (i32, i32) {
    %c0_i32 = arith.constant 0 : i32
    %c0_i32_0 = arith.constant 0 : i32
    return %arg0, %c0_i32 : i32, i32
  }
  func.func @transform_9(%arg0: i32) -> (i32, i32) {
    %c0_i32 = arith.constant 0 : i32
    %c0_i32_0 = arith.constant 0 : i32
    return %arg0, %c0_i32 : i32, i32
  }
}

module attributes {stable_mosaic.version = 14 : i64} {
  func.func @_post_last_body(%arg0: i32, %arg1: memref<2x2000x64xf32, #tpu.memory_space<vmem>>, %arg2: memref<2x2000x16xf32, #tpu.memory_space<vmem>>, %arg3: memref<2000x128xf32, #tpu.memory_space<vmem>>, %arg4: memref<1x64xf32, #tpu.memory_space<vmem>>, %arg5: memref<1x64xf32, #tpu.memory_space<vmem>>, %arg6: memref<1x64xf32, #tpu.memory_space<vmem>>, %arg7: memref<2000x64xf32, #tpu.memory_space<vmem>>, %arg8: memref<64x1xf32, #tpu.memory_space<vmem>>, %arg9: memref<1x1xf32, #tpu.memory_space<vmem>>, %arg10: memref<2000x64xf32, #tpu.memory_space<vmem>>, %arg11: memref<2000x1xf32, #tpu.memory_space<vmem>>) attributes {dimension_semantics = [#tpu.dimension_semantics<arbitrary>], iteration_bounds = array<i64: 5>, scalar_prefetch = 0 : i64, scratch_operands = 0 : i64, tpu.core_type = #tpu.core_type<tc>, window_params = [{transform_indices = @transform_0, window_bounds = array<i64: 2, 2000, 64>}, {transform_indices = @transform_1, window_bounds = array<i64: 2, 2000, 16>}, {transform_indices = @transform_2, window_bounds = array<i64: 2000, 128>}, {pipeline_mode = #tpu.pipeline_mode<synchronous>, transform_indices = @transform_3, window_bounds = array<i64: 1, 64>}, {pipeline_mode = #tpu.pipeline_mode<synchronous>, transform_indices = @transform_4, window_bounds = array<i64: 1, 64>}, {pipeline_mode = #tpu.pipeline_mode<synchronous>, transform_indices = @transform_5, window_bounds = array<i64: 1, 64>}, {transform_indices = @transform_6, window_bounds = array<i64: 2000, 64>}, {pipeline_mode = #tpu.pipeline_mode<synchronous>, transform_indices = @transform_7, window_bounds = array<i64: 64, 1>}, {pipeline_mode = #tpu.pipeline_mode<synchronous>, transform_indices = @transform_8, window_bounds = array<i64: 1, 1>}, {transform_indices = @transform_9, window_bounds = array<i64: 2000, 64>}, {transform_indices = @transform_10, window_bounds = array<i64: 2000, 1>}]} {
    %get3A = arith.constant 0 : index
    %get3A_0 = arith.constant 0 : index
    %get3A_1 = arith.constant 0 : index
    %get3A_2 = vector.load %arg1[%get3A, %get3A_0, %get3A_1] : memref<2x2000x64xf32, #tpu.memory_space<vmem>>, vector<1x2000x64xf32>
    %get3A_3 = vector.shape_cast %get3A_2 : vector<1x2000x64xf32> to vector<2000x64xf32>
    %get3A_4 = arith.constant 1 : index
    %get3A_5 = arith.constant 0 : index
    %get3A_6 = arith.constant 0 : index
    %get3A_7 = vector.load %arg1[%get3A_4, %get3A_5, %get3A_6] : memref<2x2000x64xf32, #tpu.memory_space<vmem>>, vector<1x2000x64xf32>
    %get3A_8 = vector.shape_cast %get3A_7 : vector<1x2000x64xf32> to vector<2000x64xf32>
    %add3A = arith.addf %get3A_3, %get3A_8 : vector<2000x64xf32>
    %get3A_9 = arith.constant 0 : index
    %get3A_10 = arith.constant 0 : index
    %get3A_11 = arith.constant 0 : index
    %get3A_12 = vector.load %arg2[%get3A_9, %get3A_10, %get3A_11] : memref<2x2000x16xf32, #tpu.memory_space<vmem>>, vector<1x2000x1xf32>
    %get3A_13 = vector.shape_cast %get3A_12 : vector<1x2000x1xf32> to vector<2000x1xf32>
    %get3A_14 = arith.constant 1 : index
    %get3A_15 = arith.constant 0 : index
    %get3A_16 = arith.constant 0 : index
    %get3A_17 = vector.load %arg2[%get3A_14, %get3A_15, %get3A_16] : memref<2x2000x16xf32, #tpu.memory_space<vmem>>, vector<1x2000x1xf32>
    %get3A_18 = vector.shape_cast %get3A_17 : vector<1x2000x1xf32> to vector<2000x1xf32>
    %add3A_19 = arith.addf %get3A_13, %get3A_18 : vector<2000x1xf32>
    %max3A = arith.constant 1.000000e+00 : f32
    %max3A_20 = vector.broadcast %max3A : f32 to vector<2000x1xf32>
    %max3A_21 = arith.maximumf %add3A_19, %max3A_20 : vector<2000x1xf32>
    %div3A = vector.broadcast %max3A_21 : vector<2000x1xf32> to vector<2000x64xf32>
    %div3A_22 = arith.divf %add3A, %div3A : vector<2000x64xf32>
    %get3A_23 = arith.constant 0 : index
    %get3A_24 = arith.constant 0 : index
    %get3A_25 = vector.load %arg4[%get3A_23, %get3A_24] : memref<1x64xf32, #tpu.memory_space<vmem>>, vector<1x64xf32>
    %add3A_26 = vector.broadcast %get3A_25 : vector<1x64xf32> to vector<2000x64xf32>
    %add3A_27 = arith.addf %div3A_22, %add3A_26 : vector<2000x64xf32>
    %get3A_28 = arith.constant 0 : index
    %get3A_29 = arith.constant 64 : index
    %get3A_30 = vector.load %arg3[%get3A_28, %get3A_29] : memref<2000x128xf32, #tpu.memory_space<vmem>>, vector<2000x64xf32>
    %add3A_31 = arith.addf %add3A_27, %get3A_30 : vector<2000x64xf32>
    %reduce_sum3A = arith.constant dense<0.000000e+00> : vector<2000xf32>
    %reduce_sum3A_32 = vector.multi_reduction <add>, %add3A_31, %reduce_sum3A [1] : vector<2000x64xf32> to vector<2000xf32>
    %broadcast_in_dim3A = vector.shape_cast %reduce_sum3A_32 : vector<2000xf32> to vector<2000x1xf32>
    %div3A_33 = arith.constant 6.400000e+01 : f32
    %div3A_34 = vector.broadcast %div3A_33 : f32 to vector<2000x1xf32>
    %div3A_35 = arith.divf %broadcast_in_dim3A, %div3A_34 : vector<2000x1xf32>
    %sub3A = vector.broadcast %div3A_35 : vector<2000x1xf32> to vector<2000x64xf32>
    %sub3A_36 = arith.subf %add3A_31, %sub3A : vector<2000x64xf32>
    %mul3A = arith.mulf %sub3A_36, %sub3A_36 : vector<2000x64xf32>
    %reduce_sum3A_37 = arith.constant dense<0.000000e+00> : vector<2000xf32>
    %reduce_sum3A_38 = vector.multi_reduction <add>, %mul3A, %reduce_sum3A_37 [1] : vector<2000x64xf32> to vector<2000xf32>
    %broadcast_in_dim3A_39 = vector.shape_cast %reduce_sum3A_38 : vector<2000xf32> to vector<2000x1xf32>
    %div3A_40 = arith.constant 6.400000e+01 : f32
    %div3A_41 = vector.broadcast %div3A_40 : f32 to vector<2000x1xf32>
    %div3A_42 = arith.divf %broadcast_in_dim3A_39, %div3A_41 : vector<2000x1xf32>
    %add3A_43 = arith.constant 9.99999974E-6 : f32
    %add3A_44 = vector.broadcast %add3A_43 : f32 to vector<2000x1xf32>
    %add3A_45 = arith.addf %div3A_42, %add3A_44 : vector<2000x1xf32>
    %rsqrt3A = math.rsqrt %add3A_45 : vector<2000x1xf32>
    %mul3A_46 = vector.broadcast %rsqrt3A : vector<2000x1xf32> to vector<2000x64xf32>
    %mul3A_47 = arith.mulf %sub3A_36, %mul3A_46 : vector<2000x64xf32>
    %get3A_48 = arith.constant 0 : index
    %get3A_49 = arith.constant 0 : index
    %get3A_50 = vector.load %arg5[%get3A_48, %get3A_49] : memref<1x64xf32, #tpu.memory_space<vmem>>, vector<1x64xf32>
    %mul3A_51 = vector.broadcast %get3A_50 : vector<1x64xf32> to vector<2000x64xf32>
    %mul3A_52 = arith.mulf %mul3A_47, %mul3A_51 : vector<2000x64xf32>
    %get3A_53 = arith.constant 0 : index
    %get3A_54 = arith.constant 0 : index
    %get3A_55 = vector.load %arg6[%get3A_53, %get3A_54] : memref<1x64xf32, #tpu.memory_space<vmem>>, vector<1x64xf32>
    %add3A_56 = vector.broadcast %get3A_55 : vector<1x64xf32> to vector<2000x64xf32>
    %add3A_57 = arith.addf %mul3A_52, %add3A_56 : vector<2000x64xf32>
    %max3A_58 = arith.constant 0.000000e+00 : f32
    %max3A_59 = vector.broadcast %max3A_58 : f32 to vector<2000x64xf32>
    %max3A_60 = arith.maximumf %add3A_57, %max3A_59 : vector<2000x64xf32>
    %get3A_61 = arith.constant 0 : index
    %get3A_62 = arith.constant 0 : index
    %get3A_63 = vector.load %arg7[%get3A_61, %get3A_62] : memref<2000x64xf32, #tpu.memory_space<vmem>>, vector<2000x64xf32>
    %add3A_64 = arith.addf %max3A_60, %get3A_63 : vector<2000x64xf32>
    %swap3A = arith.constant 0 : index
    %swap3A_65 = arith.constant 0 : index
    %swap3A_66 = vector.load %arg10[%swap3A, %swap3A_65] : memref<2000x64xf32, #tpu.memory_space<vmem>>, vector<2000x64xf32>
    tpu.vector_store %arg10[%swap3A, %swap3A_65], %add3A_64 {strides = array<i32>} : memref<2000x64xf32, #tpu.memory_space<vmem>>, vector<2000x64xf32>,
    %get3A_67 = arith.constant 0 : index
    %get3A_68 = arith.constant 0 : index
    %get3A_69 = vector.load %arg8[%get3A_67, %get3A_68] : memref<64x1xf32, #tpu.memory_space<vmem>>, vector<64x1xf32>
    %dot_general3A = arith.constant dense<0.000000e+00> : vector<2000x1xf32>
    %dot_general3A_70 = tpu.matmul %add3A_64, %get3A_69, %dot_general3A {dimension_numbers = #tpu.dot_dimension_numbers<[1], [0], [0], [1], [0, 0, 1, 1], [], []>, transpose_lhs_hint = false} : vector<2000x64xf32>, vector<64x1xf32>, vector<2000x1xf32> -> vector<2000x1xf32>
    %get3A_71 = arith.constant 0 : index
    %get3A_72 = arith.constant 0 : index
    %get3A_73 = vector.load %arg9[%get3A_71, %get3A_72] : memref<1x1xf32, #tpu.memory_space<vmem>>, vector<1x1xf32>
    %add3A_74 = vector.broadcast %get3A_73 : vector<1x1xf32> to vector<2000x1xf32>
    %add3A_75 = arith.addf %dot_general3A_70, %add3A_74 : vector<2000x1xf32>
    %swap3A_76 = arith.constant 0 : index
    %swap3A_77 = arith.constant 0 : index
    %swap3A_78 = vector.load %arg11[%swap3A_76, %swap3A_77] : memref<2000x1xf32, #tpu.memory_space<vmem>>, vector<2000x1xf32>
    tpu.vector_store %arg11[%swap3A_76, %swap3A_77], %add3A_75 {strides = array<i32>} : memref<2000x1xf32, #tpu.memory_space<vmem>>, vector<2000x1xf32>,
    return
  }
  func.func @transform_0(%arg0: i32) -> (i32, i32, i32) {
    %c0_i32 = arith.constant 0 : i32
    %c0_i32_0 = arith.constant 0 : i32
    %c0_i32_1 = arith.constant 0 : i32
    return %c0_i32, %arg0, %c0_i32_0 : i32, i32, i32
  }
  func.func @transform_1(%arg0: i32) -> (i32, i32, i32) {
    %c0_i32 = arith.constant 0 : i32
    %c0_i32_0 = arith.constant 0 : i32
    %c0_i32_1 = arith.constant 0 : i32
    return %c0_i32, %arg0, %c0_i32_0 : i32, i32, i32
  }
  func.func @transform_2(%arg0: i32) -> (i32, i32) {
    %c0_i32 = arith.constant 0 : i32
    %c0_i32_0 = arith.constant 0 : i32
    return %arg0, %c0_i32 : i32, i32
  }
  func.func @transform_3(%arg0: i32) -> (i32, i32) {
    %c0_i32 = arith.constant 0 : i32
    %c0_i32_0 = arith.constant 0 : i32
    %c0_i32_1 = arith.constant 0 : i32
    return %c0_i32, %c0_i32_0 : i32, i32
  }
  func.func @transform_4(%arg0: i32) -> (i32, i32) {
    %c0_i32 = arith.constant 0 : i32
    %c0_i32_0 = arith.constant 0 : i32
    %c0_i32_1 = arith.constant 0 : i32
    return %c0_i32, %c0_i32_0 : i32, i32
  }
  func.func @transform_5(%arg0: i32) -> (i32, i32) {
    %c0_i32 = arith.constant 0 : i32
    %c0_i32_0 = arith.constant 0 : i32
    %c0_i32_1 = arith.constant 0 : i32
    return %c0_i32, %c0_i32_0 : i32, i32
  }
  func.func @transform_6(%arg0: i32) -> (i32, i32) {
    %c0_i32 = arith.constant 0 : i32
    %c0_i32_0 = arith.constant 0 : i32
    return %arg0, %c0_i32 : i32, i32
  }
  func.func @transform_7(%arg0: i32) -> (i32, i32) {
    %c0_i32 = arith.constant 0 : i32
    %c0_i32_0 = arith.constant 0 : i32
    %c0_i32_1 = arith.constant 0 : i32
    return %c0_i32, %c0_i32_0 : i32, i32
  }
  func.func @transform_8(%arg0: i32) -> (i32, i32) {
    %c0_i32 = arith.constant 0 : i32
    %c0_i32_0 = arith.constant 0 : i32
    %c0_i32_1 = arith.constant 0 : i32
    return %c0_i32, %c0_i32_0 : i32, i32
  }
  func.func @transform_9(%arg0: i32) -> (i32, i32) {
    %c0_i32 = arith.constant 0 : i32
    %c0_i32_0 = arith.constant 0 : i32
    return %arg0, %c0_i32 : i32, i32
  }
  func.func @transform_10(%arg0: i32) -> (i32, i32) {
    %c0_i32 = arith.constant 0 : i32
    %c0_i32_0 = arith.constant 0 : i32
    return %arg0, %c0_i32 : i32, i32
  }
}

</mosaic_0001>

<sc_bundles>
// kernel: kernel.12.cloned.1.call-start
scs
__scs_entry_jumppad:
0x0: {  	(pc) =	sbr.rel $0x88, $3  }
0x1: {  	(tag) =	ssettag $0x0;
	lr =	simm.s32 $0x1  }
0x2: {  	[smem:$0x3F8D] =	sst lr;
	_ =	strace $0xD0000000  }
0x3: {  	_ = 	snop  }
0x4: {  	_ = 	snop  }
0x5: {  	_ = 	snop  }
0x6: {  	_ = 	snop  }
0x7: {  	_ = 	snop  }
__scs_overlays_trampoline_lowered:
0x8: {  	[smem:$0x3F9C] =	sst s0  }
0x9: {  	[smem:$0x3F9D] =	sst s1  }
0xa: {  	[smem:$0x3F9E] =	sst s2  }
0xb: {  	[smem:$0x3F9F] =	sst s3  }
0xc: {  	[smem:$0x3FA0] =	sst s4  }
0xd: {  	[smem:$0x3FA1] =	sst s5  }
0xe: {  	[smem:$0x3FA2] =	sst s6  }
0xf: {  	[smem:$0x3FA3] =	sst s7  }
0x10: {  	[smem:$0x3FA4] =	sst s8  }
0x11: {  	[smem:$0x3FA5] =	sst s9;
	s0 =	simm.s32 @!p0 $0x0  }
0x12: {  	s1 =	sld [smem:$0x3F8B];
	s0 =	simm.s32 @p0 $0x1  }
0x13: {  	[smem:$0x3FA6] =	sst s0;
	s0 =	simm.s32 @!p1 $0x0  }
0x14: {  	s2 =	sld [smem:$0x3F8A];
	s0 =	simm.s32 @p1 $0x1  }
0x15: {  	[smem:$0x3FA7] =	sst s0;
	s0 =	simm.s32 @!p2 $0x0  }
0x16: {  	s3 =	sld [smem:$0x3FDB];
	s0 =	simm.s32 @p2 $0x1  }
0x17: {  	s4 =	simm.s32 $0x1BF5;
	[smem:$0x3FA9] =	sst s0  }
0x18: {  	s0 =	sld [smem:$0x3F8C];
	_ =	swait.ge [sflag:s4], $0x0  }
0x19: {  	s7 =	sld [smem:$0x3F8D]  }
0x1a: {  	s8 =	sadd.s32 $0xFFFFE003, lr  }
0x1b: {  	s9 =	sadd.s32 $0xFFFFFEF7, lr;
	s5 =	simm.s32 $0xFFFFFFFF;
	p2 =	slt.u32 s8, $0xFFFFF086  }
0x1c: {  	p1 =	slt.u32 s9, $0xF7A;
	s5 =	simm.s32 @!p2 $0x0  }
0x1d: {  	s5 =	simm.s32 @p1 $0x1;
	p0 =	seq.s32 s7, s2  }
0x1e: {  	s7 =	smul.u32 @!p0 $0xF7A, s2;
	p2 =	seq.s32 @!p0 s5, $0x0  }
0x1f: {  	s9 =	smul.u32 $0xF7A, s1;
	s8 =	simm.s32 @!p0 $0x1BF5;
	p2 =	por !p2, p0  }
0x20: {  	[sflag:s8] =	ssyncset.s32 @!p0 $0xFFFFF086;
	s6 =	sadd.s32 @!p0 s3, s7;
	s7 =	simm.s32 @!p0 $0x108  }
0x21: {  	s3 =	sadd.s32 s3, s9;
	s6 =	sadd.s32 @!p0 $0x88, s6;
	s7 =	simm.s32 @p2 $0x1082  }
0x22: {  	[simem:s7], [sflag:s8] =	dma.local @!p0 [hbm:s6], $0xF7A  }
0x23: {  	s9 =	sor.u32 $0xD0000000, s2;
	s6 =	simm.s32 $0x108;
	_ =	swait.ge @!p0 [sflag:s8], $0x0  }
0x24: {  	s3 =	sadd.s32 $0x88, s3;
	s6 =	simm.s32 @!p1 $0x1082;
	[sflag:s4] =	ssyncset.s32 $0xFFFFF086  }
0x25: {  	[simem:s6], [sflag:s4] =	dma.local [hbm:s3], $0xF7A  }
0x26: {  	[smem:$0x3F8D] =	sst s1;
	(tag) =	ssettag s2;
	_ =	strace s9  }
0x27: {  	s1 =	sld [smem:$0x3F9D]  }
0x28: {  	s2 =	sld [smem:$0x3F9E]  }
0x29: {  	s4 =	sld [smem:$0x3FA0]  }
0x2a: {  	p0 =	seq.s32 s5, $0x0;
	s5 =	sld [smem:$0x3FA1]  }
0x2b: {  	s6 =	sld [smem:$0x3FA2]  }
0x2c: {  	s7 =	sld [smem:$0x3FA3]  }
0x2d: {  	s3 =	simm.s32 $0x108;
	s8 =	sld [smem:$0x3FA4]  }
0x2e: {  	s3 =	simm.s32 @!p0 $0x1082;
	s9 =	sld [smem:$0x3FA5]  }
0x2f: {  	lr =	sadd.s32 s0, s3;
	s0 =	sld [smem:$0x3F9C]  }
0x30: {  	s3 =	sld [smem:$0x3F9F]  }
0x31: {  	[smem:$0x3FA8] =	sst s10  }
0x32: {  	s10 =	sld [smem:$0x3FA6];
	_ =	sdelay $0x3  }
0x33: {  	p0 =	seq.s32 s10, $0x1;
	s10 =	sld [smem:$0x3FA8];
	_ =	sdelay $0x3  }
0x34: {  	[smem:$0x3FA8] =	sst s10  }
0x35: {  	s10 =	sld [smem:$0x3FA7];
	_ =	sdelay $0x3  }
0x36: {  	p1 =	seq.s32 s10, $0x1;
	s10 =	sld [smem:$0x3FA8];
	_ =	sdelay $0x3  }
0x37: {  	[smem:$0x3FA8] =	sst s10  }
0x38: {  	s10 =	sld [smem:$0x3FA9]  }
0x39: {  	_ = 	snop;
	(pc) =	sbr.ind lr, $3  }
0x3a: {  	_ = 	snop  }
0x3b: {  	_ = 	snop  }
0x3c: {  	p2 =	seq.s32 s10, $0x1;
	s10 =	sld [smem:$0x3FA8]  }
0x3d: {  	_ =	shalt  }
0x3e: {  	_ =	shalt  }
0x3f: {  	_ =	shalt  }
0x40: {  	_ =	shalt  }
0x41: {  	_ =	shalt  }
0x42: {  	_ =	shalt  }
0x43: {  	_ =	shalt  }
0x44: {  	_ =	shalt  }
0x45: {  	_ =	shalt  }
0x46: {  	_ =	shalt  }
0x47: {  	_ =	shalt  }
0x48: {  	_ =	shalt  }
0x49: {  	_ =	shalt  }
0x4a: {  	_ =	shalt  }
0x4b: {  	_ =	shalt  }
0x4c: {  	_ =	shalt  }
0x4d: {  	_ =	shalt  }
0x4e: {  	_ =	shalt  }
0x4f: {  	_ =	shalt  }
0x50: {  	_ =	shalt  }
0x51: {  	_ =	shalt  }
0x52: {  	_ =	shalt  }
0x53: {  	_ =	shalt  }
0x54: {  	_ =	shalt  }
0x55: {  	_ =	shalt  }
0x56: {  	_ =	shalt  }
0x57: {  	_ =	shalt  }
0x58: {  	_ =	shalt  }
0x59: {  	_ =	shalt  }
0x5a: {  	_ =	shalt  }
0x5b: {  	_ =	shalt  }
0x5c: {  	_ =	shalt  }
0x5d: {  	_ =	shalt  }
0x5e: {  	_ =	shalt  }
0x5f: {  	_ =	shalt  }
0x60: {  	_ =	shalt  }
0x61: {  	_ =	shalt  }
0x62: {  	_ =	shalt  }
0x63: {  	_ =	shalt  }
0x64: {  	_ =	shalt  }
0x65: {  	_ =	shalt  }
0x66: {  	_ =	shalt  }
0x67: {  	_ =	shalt  }
0x68: {  	_ =	shalt  }
0x69: {  	_ =	shalt  }
0x6a: {  	_ =	shalt  }
0x6b: {  	_ =	shalt  }
0x6c: {  	_ =	shalt  }
0x6d: {  	_ =	shalt  }
0x6e: {  	_ =	shalt  }
0x6f: {  	_ =	shalt  }
0x70: {  	_ =	shalt  }
0x71: {  	_ =	shalt  }
0x72: {  	_ =	shalt  }
0x73: {  	_ =	shalt  }
0x74: {  	_ =	shalt  }
0x75: {  	_ =	shalt  }
0x76: {  	_ =	shalt  }
0x77: {  	_ =	shalt  }
0x78: {  	_ =	shalt  }
0x79: {  	_ =	shalt  }
0x7a: {  	_ =	shalt  }
0x7b: {  	_ =	shalt  }
0x7c: {  	_ =	shalt  }
0x7d: {  	_ =	shalt  }
0x7e: {  	_ =	shalt  }
0x7f: {  	_ =	shalt  }
0x80: {  	_ =	shalt  }
0x81: {  	_ =	shalt  }
0x82: {  	_ =	shalt  }
0x83: {  	_ =	shalt  }
0x84: {  	_ =	shalt  }
0x85: {  	_ =	shalt  }
0x86: {  	_ =	shalt  }
0x87: {  	_ =	shalt  }
.Lfunc_end0:
.L_simem_size_0:
called_computation.1_lowered:
.L_overlay_start_0:
0x88: {  	s2 =	sld [smem:$0x3FD9]  }
0x89: {  	s3 =	sld [smem:$0x3FFE];
	_ =	sdelay $0x1  }
0x8a: {  	s1 =	srdreg.scid  }
0x8b: {  	s0 =	sand.u32 $0x1, s1  }
0x8c: {  	s16 =	sshll.u32 s0, $0xA;
	s2 =	sadd.s32 s3, s2  }
0x8d: {  	s2 =	sadd.s32 s2, s16  }
0x8e: {  	[smem:$0x3FB4] =	sst s2  }
0x8f: {  	_ = 	snop  }
0x90: {  	(tm) =	ssettm $0x1  }
0x91: {  	s17 =	sld [smem:$0x3FFB];
	_ =	sdelay $0x3  }
0x92: {  	_ =	strace s17  }
0x93: {  	s2 =	sld [smem:$0x3FFC];
	_ =	sdelay $0x3  }
0x94: {  	_ =	strace s2  }
0x95: {  	s2 =	sld [smem:$0x3FFD];
	_ =	sdelay $0x3  }
0x96: {  	_ =	strace s2  }
0x97: {  	_ =	strace $0x8FFFFFFF  }
0x98: {  	s18 =	sld [smem:$0x3FDB];
	_ =	sdelay $0x1  }
0x99: {  	s19 =	simm.s32 $_scs_section_size  }
0x9a: {  	s4 =	simm.s32 $_size__tile_overlayer_lowered;
	s5 =	simm.s32 $_tile_overlayer_lowered  }
0x9b: {  	s22 =	simm.s32 $0x1BFF;
	s21 =	sshll.u32 s5, $0x1;
	s2 =	sadd.s32 s19, s18  }
0x9c: {  	s6 =	simm.s32 $0x0;
	s20 =	sshll.u32 s4, $0x1;
	s4 =	sadd.s32 s21, s2  }
0x9d: {  	[timem:s6], [sflag:s22] =	dma.local [hbm:s4], s20  }
0x9e: {  	_ =	swait.ge [sflag:s22], s20  }
0x9f: {  	s3 =	ssub.s32 $0x0, s20;
	[sflag:s22] =	ssyncset.done $0x0  }
0xa0: {  	[sflag:s22] =	ssyncadd.s32 s3;
	_ =	sdelay $0x1  }
0xa1: {  	s23 =	simm.s32 $0x1B8B  }
0xa2: {  	_ =	swait.ge [sflag:s23], $0x1  }
0xa3: {  	[sflag:s23] =	ssyncset.done $0x0  }
0xa4: {  	s25 =	simm.s32 $0x1B8E;
	s24 =	sld [smem:$0x3FFE];
	[sflag:s23] =	ssyncadd.s32 $0xFFFFFFFF  }
0xa5: {  	s26 =	simm.s32 $execute0_lowered;
	[smem:$0x3FD2] =	sst s25  }
0xa6: {  	s4 =	sshll.u32 s26, $0x1;
	_ =	strace $0x80000049;
	[dreg:$0x1] =	wrdreg $0xFFFFFFFF  }
0xa7: {  	s28 =	simm.s32 $_size_execute0_lowered;
	s2 =	sadd.s32 s2, s4;
	[dreg:$0x0] =	wrdreg $0x0  }
0xa8: {  	s4 =	sshll.u32 s28, $0x1;
	[dreg:$0x2] =	wrdreg s2  }
0xa9: {  	[dreg:$0x3] =	wrdreg s4  }
0xaa: {  	[dreg:$0x4] =	wrdreg $0xC0  }
0xab: {  	_ =	task [dreg:s6], $0x5FFFF  }
0xac: {  	[dreg:$0x1] =	wrdreg $0xFFFFFFFF  }
0xad: {  	[dreg:$0x0] =	wrdreg $0x60  }
0xae: {  	[dreg:$0x2] =	wrdreg s24  }
0xaf: {  	[dreg:$0x3] =	wrdreg $0x0  }
0xb0: {  	[dreg:$0x4] =	wrdreg $0x9  }
0xb1: {  	_ =	task.clear_ibuf [dreg:s6], $0x5FFFF;
	_ =	strace $0x90000049  }
0xb2: {  	s29 =	simm.s32 $0x9;
	_ =	strace $0x8000004B  }
0xb3: {  	_ =	swait.ge [sflag:s29], $0x1  }
0xb4: {  	[sflag:s29] =	ssyncadd.s32 $0xFFFFFFFF  }
0xb5: {  	_ =	strace $0x9000004B  }
0xb6: {  	_ =	sfence  }
0xb7: {  	s30 =	sld [smem:$0x0];
	_ =	sdelay $0x2  }
0xb8: {  	s31 =	sshll.u32 s1, $0xD;
	s1 =	sshrl.u32 s1, $0x2  }
0xb9: {  	s3 =	sand.u32 $0x4000, s31;
	s1 =	sadd.s32 s1, s30  }
0xba: {  	s0 =	sor.u32 s3, s0;
	s1 =	sshll.u32 s1, $0x11  }
0xbb: {  	s0 =	sor.u32 s1, s0  }
0xbc: {  	s0 =	sadd.s32 $0x8F2B, s0  }
0xbd: {  	[sflag:s0] =	ssyncadd.remote.s32 $0x1  }
0xbe: {  	_ =	sfence.sel $0xFFFF  }
0xbf: {  	[dreg:$0x0] =	wrdreg $0xFFFFFFFF;
	(pc) =	sbr.abs _section_cstart, $3  }
0xc0: {  	[dreg:$0x1] =	wrdreg $0xFFFFFFFF  }
0xc1: {  	_ =	task.clear_ibuf [dreg:s6], $0x2FFFF;
	_ =	strace $0x9FFFFFFF  }
0xc2: {  	(tm) =	ssettm $0x7FFFFFFF  }
0xc3: {  	_ =	shalt  }
tec
execute0_lowered:
.L_overlay_start_1:
0x0: {  	(tag) =	ssettag $0x1  }
0x1: {  	s0 =	srdreg.scid  }
0x2: {  	s1 =	rddreg [dreg:$0x0];
	s9 =	stileid.u32  }
0x3: {  	s2 =	rddreg [dreg:$0x1];
	s3 =	simm.s32 $0x0;
	s12 =	simm.s32 $0x8  }
0x4: {  	s13 =	simm.s32 $0xA000;
	s15 =	simm.s32 $0x50;
	s16 =	simm.s32 $0xEE20  }
0x5: {  	s18 =	simm.s32 $0x10220;
	s20 =	simm.s32 $0x11620;
	s22 =	simm.s32 $0x12A20  }
0x6: {  	s29 =	simm.s32 $0x16620;
	s30 =	simm.s32 $0x1;
	s31 =	simm.s32 $0x2  }
0x7: {  	s14 =	simm.s32 $0x5;
	s17 =	simm.s32 $0x6;
	s5 =	smul.u32 $0x2710, s9  }
0x8: {  	s19 =	simm.s32 $0x7;
	s0 =	sand.u32 $0x1, s0;
	s6 =	smul.u32 $0xA000, s9  }
0x9: {  	s28 =	simm.s32 $0x0;
	[smem:$0x7FF] =	sst s3;
	s4 =	smul.u32 $0x27100, s0  }
0xa: {  	s26 =	sshll.u32 s9, $0x6;
	s24 =	smul.u32 $0xA0000, s0;
	s0 =	ssub.s32 $0x2, s0  }
0xb: {  	_ =	strace $0x8000004A;
	s7 =	sshrl.u32 s6, $0x3;
	s25 =	sshrl.u32 s0, $0x1  }
0xc: {  	s11 =	sadd.s32 s6, s2;
	s4 =	sadd.s32 s5, s4;
	s5 =	sadd.s32 s6, s24  }
0xd: {  	s7 =	sadd.s32 s7, s1;
	s0 =	ssub.s32 s0, s25;
	s6 =	sor.u32 $0x1C08, s26  }
0xe: {  	s11 =	sshrl.u32 s11, $0x3;
	s24 =	simm.s32 $0x13E20;
	s26 =	simm.s32 $0x15220  }
0xf: {  	s4 =	sshrl.u32 s4, $0x3;
	s5 =	sshrl.u32 s5, $0x3;
	s10 =	smax.u32 s0, $0x1  }
0x10: {  	s0 =	simm.s32 $0x4;
	s8 =	sadd.s32 s4, s1;
	s4 =	sadd.s32 $0x17E00, s1  }
0x11: {  	s1 =	sadd.s32 s5, s1;
	s5 =	sadd.s32 $0x3F000, s7;
	s7 =	sadd.s32 $0xE000, s8  }
0x12: {  	s8 =	sadd.s32 $0x4200, s8;
	s9 =	sadd.s32 $0x53000, s1;
	s1 =	simm.s32 $0x3  }
.LBB2_1:
0x13: {  	[spmem:s11], [sflag:s6] =	dma.local [hbm:s5], $0x1400  }
0x14: {  	_ =	swait.ge [sflag:s12], $0x1400  }
0x15: {  	[sflag:s12] =	ssyncset.done $0x0  }
0x16: {  	[sflag:s12] =	ssyncadd.s32 $0xFFFFEC00  }
0x17: {  	[tilespmem:s13], [sflag:$0x8] =	stream.linear.gather [hbm4b:s7+s3], $0x2710, $0x38;
	[tilespmem:$0x17A20] =	vst v63  }
0x18: {  	_ =	swait.ge [sflag:s12], $0x2710  }
0x19: {  	[sflag:s12] =	ssyncset.done $0x0  }
0x1a: {  	s21 =	simm.s32 $0xC710;
	[sflag:s12] =	ssyncadd.s32 $0xFFFFD8F0  }
0x1b: {  	[tilespmem:s21], [sflag:$0x8] =	stream.linear.gather [hbm4b:s8+s3], $0x2710, $0x38;
	[tilespmem:$0x17A20] =	vst v63  }
0x1c: {  	_ =	swait.ge [sflag:s12], $0x2710  }
0x1d: {  	[sflag:s12] =	ssyncset.done $0x0  }
0x1e: {  	[sflag:s12] =	ssyncadd.s32 $0xFFFFD8F0  }
0x1f: {  	[bflag:$0x0] =	sbarrier.arrive $0xFFFF  }
0x20: {  	[tilespmem:s16], [sflag:$0x1] =	stream.indirect.gather [hbm4b:s4+s15], $0x40, s13, s15, $0xb8;
	[tilespmem:$0x17A20] =	vst v63  }
0x21: {  	s25 =	simm.s32 $0xA050  }
0x22: {  	[tilespmem:s18], [sflag:$0x2] =	stream.indirect.gather [hbm4b:s4+s15], $0x40, s25, s15, $0xb8;
	[tilespmem:$0x17A20] =	vst v63  }
0x23: {  	s23 =	simm.s32 $0xA0A0  }
0x24: {  	[tilespmem:s20], [sflag:$0x3] =	stream.indirect.gather [hbm4b:s4+s15], $0x40, s23, s15, $0xb8;
	[tilespmem:$0x17A20] =	vst v63  }
0x25: {  	s25 =	simm.s32 $0xA0F0  }
0x26: {  	[tilespmem:s22], [sflag:$0x4] =	stream.indirect.gather [hbm4b:s4+s15], $0x40, s25, s15, $0xb8;
	[tilespmem:$0x17A20] =	vst v63  }
0x27: {  	s23 =	simm.s32 $0xA140  }
0x28: {  	[tilespmem:s24], [sflag:$0x5] =	stream.indirect.gather [hbm4b:s4+s15], $0x40, s23, s15, $0xb8;
	[tilespmem:$0x17A20] =	vst v63  }
0x29: {  	s25 =	simm.s32 $0xA190  }
0x2a: {  	[tilespmem:s26], [sflag:$0x6] =	stream.indirect.gather [hbm4b:s4+s15], $0x40, s25, s15, $0xb8;
	[tilespmem:$0x17A20] =	vst v63  }
0x2b: {  	s23 =	simm.s32 $0xA1E0  }
0x2c: {  	[tilespmem:s29], [sflag:$0x7] =	stream.indirect.gather [hbm4b:s4+s15], $0x40, s23, s15, $0xb8;
	[tilespmem:$0x17A20] =	vst v63  }
0x2d: {  	_ =	swait.ge [sflag:s30], $0x1400  }
0x2e: {  	[sflag:s30] =	ssyncset.done $0x0  }
0x2f: {  	s25 =	simm.s32 $0xC710;
	[sflag:s30] =	ssyncadd.s32 $0xFFFFEC00  }
0x30: {  	[spmem:s2] =	stream.indirect.scatter.add.f32 [tilespmem:s16], [sflag:$0x8], $0x40, s25, s15, $0xb8;
	[tilespmem:$0x17A20] =	vst v63  }
0x31: {  	_ =	swait.ge [sflag:s12], $0x1400  }
0x32: {  	[sflag:s12] =	ssyncset.done $0x0  }
0x33: {  	s23 =	simm.s32 $0xA230;
	[sflag:s12] =	ssyncadd.s32 $0xFFFFEC00  }
0x34: {  	[tilespmem:s16], [sflag:$0x1] =	stream.indirect.gather [hbm4b:s4+s15], $0x40, s23, s15, $0xb8;
	[tilespmem:$0x17A20] =	vst v63  }
0x35: {  	_ =	swait.ge [sflag:s31], $0x1400  }
0x36: {  	[sflag:s31] =	ssyncset.done $0x0  }
0x37: {  	s25 =	simm.s32 $0xC760;
	[sflag:s31] =	ssyncadd.s32 $0xFFFFEC00  }
0x38: {  	[spmem:s2] =	stream.indirect.scatter.add.f32 [tilespmem:s18], [sflag:$0x8], $0x40, s25, s15, $0xb8;
	[tilespmem:$0x17A20] =	vst v63  }
0x39: {  	_ =	swait.ge [sflag:s12], $0x1400  }
0x3a: {  	[sflag:s12] =	ssyncset.done $0x0  }
0x3b: {  	s23 =	simm.s32 $0xA280;
	[sflag:s12] =	ssyncadd.s32 $0xFFFFEC00  }
0x3c: {  	[tilespmem:s18], [sflag:$0x2] =	stream.indirect.gather [hbm4b:s4+s15], $0x40, s23, s15, $0xb8;
	[tilespmem:$0x17A20] =	vst v63  }
0x3d: {  	_ =	swait.ge [sflag:s1], $0x1400  }
0x3e: {  	[sflag:s1] =	ssyncset.done $0x0  }
0x3f: {  	s25 =	simm.s32 $0xC7B0;
	[sflag:s1] =	ssyncadd.s32 $0xFFFFEC00  }
0x40: {  	[spmem:s2] =	stream.indirect.scatter.add.f32 [tilespmem:s20], [sflag:$0x8], $0x40, s25, s15, $0xb8;
	[tilespmem:$0x17A20] =	vst v63  }
0x41: {  	_ =	swait.ge [sflag:s12], $0x1400  }
0x42: {  	[sflag:s12] =	ssyncset.done $0x0  }
0x43: {  	s23 =	simm.s32 $0xA2D0;
	[sflag:s12] =	ssyncadd.s32 $0xFFFFEC00  }
0x44: {  	[tilespmem:s20], [sflag:$0x3] =	stream.indirect.gather [hbm4b:s4+s15], $0x40, s23, s15, $0xb8;
	[tilespmem:$0x17A20] =	vst v63  }
0x45: {  	_ =	swait.ge [sflag:s0], $0x1400  }
0x46: {  	[sflag:s0] =	ssyncset.done $0x0  }
0x47: {  	s25 =	simm.s32 $0xC800;
	[sflag:s0] =	ssyncadd.s32 $0xFFFFEC00  }
0x48: {  	[spmem:s2] =	stream.indirect.scatter.add.f32 [tilespmem:s22], [sflag:$0x8], $0x40, s25, s15, $0xb8;
	[tilespmem:$0x17A20] =	vst v63  }
0x49: {  	_ =	swait.ge [sflag:s12], $0x1400  }
0x4a: {  	[sflag:s12] =	ssyncset.done $0x0  }
0x4b: {  	s23 =	simm.s32 $0xA320;
	[sflag:s12] =	ssyncadd.s32 $0xFFFFEC00  }
0x4c: {  	[tilespmem:s22], [sflag:$0x4] =	stream.indirect.gather [hbm4b:s4+s15], $0x40, s23, s15, $0xb8;
	[tilespmem:$0x17A20] =	vst v63  }
0x4d: {  	_ =	swait.ge [sflag:s14], $0x1400  }
0x4e: {  	[sflag:s14] =	ssyncset.done $0x0  }
0x4f: {  	s25 =	simm.s32 $0xC850;
	[sflag:s14] =	ssyncadd.s32 $0xFFFFEC00  }
0x50: {  	[spmem:s2] =	stream.indirect.scatter.add.f32 [tilespmem:s24], [sflag:$0x8], $0x40, s25, s15, $0xb8;
	[tilespmem:$0x17A20] =	vst v63  }
0x51: {  	_ =	swait.ge [sflag:s12], $0x1400  }
0x52: {  	[sflag:s12] =	ssyncset.done $0x0  }
0x53: {  	s23 =	simm.s32 $0xA370;
	[sflag:s12] =	ssyncadd.s32 $0xFFFFEC00  }
0x54: {  	[tilespmem:s24], [sflag:$0x5] =	stream.indirect.gather [hbm4b:s4+s15], $0x40, s23, s15, $0xb8;
	[tilespmem:$0x17A20] =	vst v63  }
0x55: {  	_ =	swait.ge [sflag:s17], $0x1400  }
0x56: {  	[sflag:s17] =	ssyncset.done $0x0  }
0x57: {  	s25 =	simm.s32 $0xC8A0;
	[sflag:s17] =	ssyncadd.s32 $0xFFFFEC00  }
0x58: {  	[spmem:s2] =	stream.indirect.scatter.add.f32 [tilespmem:s26], [sflag:$0x8], $0x40, s25, s15, $0xb8;
	[tilespmem:$0x17A20] =	vst v63  }
0x59: {  	_ =	swait.ge [sflag:s12], $0x1400  }
0x5a: {  	[sflag:s12] =	ssyncset.done $0x0  }
0x5b: {  	s23 =	simm.s32 $0xA3C0;
	[sflag:s12] =	ssyncadd.s32 $0xFFFFEC00  }
0x5c: {  	[tilespmem:s26], [sflag:$0x6] =	stream.indirect.gather [hbm4b:s4+s15], $0x40, s23, s15, $0xb8;
	[tilespmem:$0x17A20] =	vst v63  }
0x5d: {  	_ =	swait.ge [sflag:s19], $0x1400  }
0x5e: {  	[sflag:s19] =	ssyncset.done $0x0  }
0x5f: {  	s25 =	simm.s32 $0xC8F0;
	[sflag:s19] =	ssyncadd.s32 $0xFFFFEC00  }
0x60: {  	[spmem:s2] =	stream.indirect.scatter.add.f32 [tilespmem:s29], [sflag:$0x8], $0x40, s25, s15, $0xb8;
	[tilespmem:$0x17A20] =	vst v63  }
0x61: {  	_ =	swait.ge [sflag:s12], $0x1400  }
0x62: {  	[sflag:s12] =	ssyncset.done $0x0  }
0x63: {  	s21 =	simm.s32 $0x8C0;
	s23 =	simm.s32 $0xA410;
	[sflag:s12] =	ssyncadd.s32 $0xFFFFEC00  }
.LBB2_2:
0x64: {  	[tilespmem:s29], [sflag:$0x7] =	stream.indirect.gather [hbm4b:s4+s15], $0x40, s23, s15, $0xb8;
	[tilespmem:$0x17A20] =	vst v63  }
0x65: {  	s23 =	smov.u32 s21  }
0x66: {  	p0 =	sne.s32 s21, $0x8340;
	s21 =	sadd.s32 $0x8C0, s21;
	_ =	swait.ge [sflag:s30], $0x1400  }
0x67: {  	s23 =	sshra.s32 s23, $0x2;
	[sflag:s30] =	ssyncset.done $0x0  }
0x68: {  	s25 =	sadd.s32 $0xC710, s23;
	[sflag:s30] =	ssyncadd.s32 $0xFFFFEC00  }
0x69: {  	[spmem:s2] =	stream.indirect.scatter.add.f32 [tilespmem:s16], [sflag:$0x8], $0x40, s25, s15, $0xb8;
	[tilespmem:$0x17A20] =	vst v63  }
0x6a: {  	_ =	swait.ge [sflag:s12], $0x1400  }
0x6b: {  	[sflag:s12] =	ssyncset.done $0x0  }
0x6c: {  	s25 =	sadd.s32 $0xA230, s23;
	[sflag:s12] =	ssyncadd.s32 $0xFFFFEC00  }
0x6d: {  	[tilespmem:s16], [sflag:$0x1] =	stream.indirect.gather [hbm4b:s4+s15], $0x40, s25, s15, $0xb8;
	[tilespmem:$0x17A20] =	vst v63  }
0x6e: {  	_ =	swait.ge [sflag:s31], $0x1400  }
0x6f: {  	[sflag:s31] =	ssyncset.done $0x0  }
0x70: {  	s25 =	sadd.s32 $0xC760, s23;
	[sflag:s31] =	ssyncadd.s32 $0xFFFFEC00  }
0x71: {  	[spmem:s2] =	stream.indirect.scatter.add.f32 [tilespmem:s18], [sflag:$0x8], $0x40, s25, s15, $0xb8;
	[tilespmem:$0x17A20] =	vst v63  }
0x72: {  	_ =	swait.ge [sflag:s12], $0x1400  }
0x73: {  	[sflag:s12] =	ssyncset.done $0x0  }
0x74: {  	s25 =	sadd.s32 $0xA280, s23;
	[sflag:s12] =	ssyncadd.s32 $0xFFFFEC00  }
0x75: {  	[tilespmem:s18], [sflag:$0x2] =	stream.indirect.gather [hbm4b:s4+s15], $0x40, s25, s15, $0xb8;
	[tilespmem:$0x17A20] =	vst v63  }
0x76: {  	_ =	swait.ge [sflag:s1], $0x1400  }
0x77: {  	[sflag:s1] =	ssyncset.done $0x0  }
0x78: {  	s25 =	sadd.s32 $0xC7B0, s23;
	[sflag:s1] =	ssyncadd.s32 $0xFFFFEC00  }
0x79: {  	[spmem:s2] =	stream.indirect.scatter.add.f32 [tilespmem:s20], [sflag:$0x8], $0x40, s25, s15, $0xb8;
	[tilespmem:$0x17A20] =	vst v63  }
0x7a: {  	_ =	swait.ge [sflag:s12], $0x1400  }
0x7b: {  	[sflag:s12] =	ssyncset.done $0x0  }
0x7c: {  	s25 =	sadd.s32 $0xA2D0, s23;
	[sflag:s12] =	ssyncadd.s32 $0xFFFFEC00  }
0x7d: {  	[tilespmem:s20], [sflag:$0x3] =	stream.indirect.gather [hbm4b:s4+s15], $0x40, s25, s15, $0xb8;
	[tilespmem:$0x17A20] =	vst v63  }
0x7e: {  	_ =	swait.ge [sflag:s0], $0x1400  }
0x7f: {  	[sflag:s0] =	ssyncset.done $0x0  }
0x80: {  	s25 =	sadd.s32 $0xC800, s23;
	[sflag:s0] =	ssyncadd.s32 $0xFFFFEC00  }
0x81: {  	[spmem:s2] =	stream.indirect.scatter.add.f32 [tilespmem:s22], [sflag:$0x8], $0x40, s25, s15, $0xb8;
	[tilespmem:$0x17A20] =	vst v63  }
0x82: {  	_ =	swait.ge [sflag:s12], $0x1400  }
0x83: {  	[sflag:s12] =	ssyncset.done $0x0  }
0x84: {  	s25 =	sadd.s32 $0xA320, s23;
	[sflag:s12] =	ssyncadd.s32 $0xFFFFEC00  }
0x85: {  	[tilespmem:s22], [sflag:$0x4] =	stream.indirect.gather [hbm4b:s4+s15], $0x40, s25, s15, $0xb8;
	[tilespmem:$0x17A20] =	vst v63  }
0x86: {  	_ =	swait.ge [sflag:s14], $0x1400  }
0x87: {  	[sflag:s14] =	ssyncset.done $0x0  }
0x88: {  	s25 =	sadd.s32 $0xC850, s23;
	[sflag:s14] =	ssyncadd.s32 $0xFFFFEC00  }
0x89: {  	[spmem:s2] =	stream.indirect.scatter.add.f32 [tilespmem:s24], [sflag:$0x8], $0x40, s25, s15, $0xb8;
	[tilespmem:$0x17A20] =	vst v63  }
0x8a: {  	_ =	swait.ge [sflag:s12], $0x1400  }
0x8b: {  	[sflag:s12] =	ssyncset.done $0x0  }
0x8c: {  	s25 =	sadd.s32 $0xA370, s23;
	[sflag:s12] =	ssyncadd.s32 $0xFFFFEC00  }
0x8d: {  	[tilespmem:s24], [sflag:$0x5] =	stream.indirect.gather [hbm4b:s4+s15], $0x40, s25, s15, $0xb8;
	[tilespmem:$0x17A20] =	vst v63  }
0x8e: {  	_ =	swait.ge [sflag:s17], $0x1400  }
0x8f: {  	[sflag:s17] =	ssyncset.done $0x0  }
0x90: {  	s25 =	sadd.s32 $0xC8A0, s23;
	[sflag:s17] =	ssyncadd.s32 $0xFFFFEC00  }
0x91: {  	[spmem:s2] =	stream.indirect.scatter.add.f32 [tilespmem:s26], [sflag:$0x8], $0x40, s25, s15, $0xb8;
	[tilespmem:$0x17A20] =	vst v63  }
0x92: {  	_ =	swait.ge [sflag:s12], $0x1400  }
0x93: {  	[sflag:s12] =	ssyncset.done $0x0  }
0x94: {  	s25 =	sadd.s32 $0xA3C0, s23;
	[sflag:s12] =	ssyncadd.s32 $0xFFFFEC00  }
0x95: {  	[tilespmem:s26], [sflag:$0x6] =	stream.indirect.gather [hbm4b:s4+s15], $0x40, s25, s15, $0xb8;
	[tilespmem:$0x17A20] =	vst v63  }
0x96: {  	_ =	swait.ge [sflag:s19], $0x1400  }
0x97: {  	[sflag:s19] =	ssyncset.done $0x0  }
.Ltmp0:
0x98: {  	s25 =	sadd.s32 $0xC8F0, s23;
	[sflag:s19] =	ssyncadd.s32 $0xFFFFEC00;
	(pc) =	sbr.rel @p0 .LBB2_2-.Ltmp0, $4  }
0x99: {  	[spmem:s2] =	stream.indirect.scatter.add.f32 [tilespmem:s29], [sflag:$0x8], $0x40, s25, s15, $0xb8;
	[tilespmem:$0x17A20] =	vst v63  }
0x9a: {  	_ =	swait.ge [sflag:s12], $0x1400  }
0x9b: {  	[sflag:s12] =	ssyncset.done $0x0  }
0x9c: {  	s23 =	sadd.s32 $0xA410, s23;
	[sflag:s12] =	ssyncadd.s32 $0xFFFFEC00  }
0x9d: {  	[tilespmem:s29], [sflag:$0x7] =	stream.indirect.gather [hbm4b:s4+s15], $0x40, s23, s15, $0xb8;
	[tilespmem:$0x17A20] =	vst v63  }
0x9e: {  	_ =	swait.ge [sflag:s30], $0x1400  }
0x9f: {  	[sflag:s30] =	ssyncset.done $0x0  }
0xa0: {  	s21 =	simm.s32 $0xEA10;
	[sflag:s30] =	ssyncadd.s32 $0xFFFFEC00  }
0xa1: {  	[spmem:s2] =	stream.indirect.scatter.add.f32 [tilespmem:s16], [sflag:$0x8], $0x40, s21, s15, $0xb8;
	[tilespmem:$0x17A20] =	vst v63  }
0xa2: {  	_ =	swait.ge [sflag:s12], $0x1400  }
0xa3: {  	[sflag:s12] =	ssyncset.done $0x0  }
0xa4: {  	s23 =	simm.s32 $0xC530;
	[sflag:s12] =	ssyncadd.s32 $0xFFFFEC00  }
0xa5: {  	[tilespmem:s16], [sflag:$0x1] =	stream.indirect.gather [hbm4b:s4+s15], $0x40, s23, s15, $0xb8;
	[tilespmem:$0x17A20] =	vst v63  }
0xa6: {  	_ =	swait.ge [sflag:s31], $0x1400  }
0xa7: {  	[sflag:s31] =	ssyncset.done $0x0  }
0xa8: {  	s25 =	simm.s32 $0xEA60;
	[sflag:s31] =	ssyncadd.s32 $0xFFFFEC00  }
0xa9: {  	[spmem:s2] =	stream.indirect.scatter.add.f32 [tilespmem:s18], [sflag:$0x8], $0x40, s25, s15, $0xb8;
	[tilespmem:$0x17A20] =	vst v63  }
0xaa: {  	_ =	swait.ge [sflag:s12], $0x1400  }
0xab: {  	[sflag:s12] =	ssyncset.done $0x0  }
0xac: {  	s23 =	simm.s32 $0xC580;
	[sflag:s12] =	ssyncadd.s32 $0xFFFFEC00  }
0xad: {  	[tilespmem:s18], [sflag:$0x2] =	stream.indirect.gather [hbm4b:s4+s15], $0x40, s23, s15, $0xb8;
	[tilespmem:$0x17A20] =	vst v63  }
0xae: {  	_ =	swait.ge [sflag:s1], $0x1400  }
0xaf: {  	[sflag:s1] =	ssyncset.done $0x0  }
0xb0: {  	s25 =	simm.s32 $0xEAB0;
	[sflag:s1] =	ssyncadd.s32 $0xFFFFEC00  }
0xb1: {  	[spmem:s2] =	stream.indirect.scatter.add.f32 [tilespmem:s20], [sflag:$0x8], $0x40, s25, s15, $0xb8;
	[tilespmem:$0x17A20] =	vst v63  }
0xb2: {  	_ =	swait.ge [sflag:s12], $0x1400  }
0xb3: {  	[sflag:s12] =	ssyncset.done $0x0  }
0xb4: {  	s23 =	simm.s32 $0xC5D0;
	[sflag:s12] =	ssyncadd.s32 $0xFFFFEC00  }
0xb5: {  	[tilespmem:s20], [sflag:$0x3] =	stream.indirect.gather [hbm4b:s4+s15], $0x40, s23, s15, $0xb8;
	[tilespmem:$0x17A20] =	vst v63  }
0xb6: {  	_ =	swait.ge [sflag:s0], $0x1400  }
0xb7: {  	[sflag:s0] =	ssyncset.done $0x0  }
0xb8: {  	s25 =	simm.s32 $0xEB00;
	[sflag:s0] =	ssyncadd.s32 $0xFFFFEC00  }
0xb9: {  	[spmem:s2] =	stream.indirect.scatter.add.f32 [tilespmem:s22], [sflag:$0x8], $0x40, s25, s15, $0xb8;
	[tilespmem:$0x17A20] =	vst v63  }
0xba: {  	_ =	swait.ge [sflag:s12], $0x1400  }
0xbb: {  	[sflag:s12] =	ssyncset.done $0x0  }
0xbc: {  	s23 =	simm.s32 $0xC620;
	[sflag:s12] =	ssyncadd.s32 $0xFFFFEC00  }
0xbd: {  	[tilespmem:s22], [sflag:$0x4] =	stream.indirect.gather [hbm4b:s4+s15], $0x40, s23, s15, $0xb8;
	[tilespmem:$0x17A20] =	vst v63  }
0xbe: {  	_ =	swait.ge [sflag:s14], $0x1400  }
0xbf: {  	[sflag:s14] =	ssyncset.done $0x0  }
0xc0: {  	s25 =	simm.s32 $0xEB50;
	[sflag:s14] =	ssyncadd.s32 $0xFFFFEC00  }
0xc1: {  	[spmem:s2] =	stream.indirect.scatter.add.f32 [tilespmem:s24], [sflag:$0x8], $0x40, s25, s15, $0xb8;
	[tilespmem:$0x17A20] =	vst v63  }
0xc2: {  	_ =	swait.ge [sflag:s12], $0x1400  }
0xc3: {  	[sflag:s12] =	ssyncset.done $0x0  }
0xc4: {  	s23 =	simm.s32 $0xC670;
	[sflag:s12] =	ssyncadd.s32 $0xFFFFEC00  }
0xc5: {  	[tilespmem:s24], [sflag:$0x5] =	stream.indirect.gather [hbm4b:s4+s15], $0x40, s23, s15, $0xb8;
	[tilespmem:$0x17A20] =	vst v63  }
0xc6: {  	_ =	swait.ge [sflag:s17], $0x1400  }
0xc7: {  	[sflag:s17] =	ssyncset.done $0x0  }
0xc8: {  	s25 =	simm.s32 $0xEBA0;
	[sflag:s17] =	ssyncadd.s32 $0xFFFFEC00  }
0xc9: {  	[spmem:s2] =	stream.indirect.scatter.add.f32 [tilespmem:s26], [sflag:$0x8], $0x40, s25, s15, $0xb8;
	[tilespmem:$0x17A20] =	vst v63  }
0xca: {  	_ =	swait.ge [sflag:s12], $0x1400  }
0xcb: {  	[sflag:s12] =	ssyncset.done $0x0  }
0xcc: {  	s23 =	simm.s32 $0xC6C0;
	[sflag:s12] =	ssyncadd.s32 $0xFFFFEC00  }
0xcd: {  	[tilespmem:s26], [sflag:$0x6] =	stream.indirect.gather [hbm4b:s4+s15], $0x40, s23, s15, $0xb8;
	[tilespmem:$0x17A20] =	vst v63  }
0xce: {  	_ =	swait.ge [sflag:s19], $0x1400  }
0xcf: {  	[sflag:s19] =	ssyncset.done $0x0  }
0xd0: {  	s25 =	simm.s32 $0xEBF0;
	[sflag:s19] =	ssyncadd.s32 $0xFFFFEC00  }
0xd1: {  	[spmem:s2] =	stream.indirect.scatter.add.f32 [tilespmem:s29], [sflag:$0x8], $0x40, s25, s15, $0xb8;
	[tilespmem:$0x17A20] =	vst v63  }
0xd2: {  	_ =	swait.ge [sflag:s12], $0x1400  }
0xd3: {  	[sflag:s12] =	ssyncset.done $0x0  }
0xd4: {  	[sflag:s12] =	ssyncadd.s32 $0xFFFFEC00  }
0xd5: {  	_ =	swait.ge [sflag:s30], $0x1400  }
0xd6: {  	[sflag:s30] =	ssyncset.done $0x0  }
0xd7: {  	s23 =	simm.s32 $0xEC40;
	[sflag:s30] =	ssyncadd.s32 $0xFFFFEC00  }
0xd8: {  	[spmem:s2] =	stream.indirect.scatter.add.f32 [tilespmem:s16], [sflag:$0x8], $0x40, s23, s15, $0xb8;
	[tilespmem:$0x17A20] =	vst v63  }
0xd9: {  	_ =	swait.ge [sflag:s12], $0x1400  }
0xda: {  	[sflag:s12] =	ssyncset.done $0x0  }
0xdb: {  	[sflag:s12] =	ssyncadd.s32 $0xFFFFEC00  }
0xdc: {  	_ =	swait.ge [sflag:s31], $0x1400  }
0xdd: {  	[sflag:s31] =	ssyncset.done $0x0  }
0xde: {  	s25 =	simm.s32 $0xEC90;
	[sflag:s31] =	ssyncadd.s32 $0xFFFFEC00  }
0xdf: {  	[spmem:s2] =	stream.indirect.scatter.add.f32 [tilespmem:s18], [sflag:$0x8], $0x40, s25, s15, $0xb8;
	[tilespmem:$0x17A20] =	vst v63  }
0xe0: {  	_ =	swait.ge [sflag:s12], $0x1400  }
0xe1: {  	[sflag:s12] =	ssyncset.done $0x0  }
0xe2: {  	[sflag:s12] =	ssyncadd.s32 $0xFFFFEC00  }
0xe3: {  	_ =	swait.ge [sflag:s1], $0x1400  }
0xe4: {  	[sflag:s1] =	ssyncset.done $0x0  }
0xe5: {  	s23 =	simm.s32 $0xECE0;
	[sflag:s1] =	ssyncadd.s32 $0xFFFFEC00  }
0xe6: {  	[spmem:s2] =	stream.indirect.scatter.add.f32 [tilespmem:s20], [sflag:$0x8], $0x40, s23, s15, $0xb8;
	[tilespmem:$0x17A20] =	vst v63  }
0xe7: {  	_ =	swait.ge [sflag:s12], $0x1400  }
0xe8: {  	[sflag:s12] =	ssyncset.done $0x0  }
0xe9: {  	[sflag:s12] =	ssyncadd.s32 $0xFFFFEC00  }
0xea: {  	_ =	swait.ge [sflag:s0], $0x1400  }
0xeb: {  	[sflag:s0] =	ssyncset.done $0x0  }
0xec: {  	s25 =	simm.s32 $0xED30;
	[sflag:s0] =	ssyncadd.s32 $0xFFFFEC00  }
0xed: {  	[spmem:s2] =	stream.indirect.scatter.add.f32 [tilespmem:s22], [sflag:$0x8], $0x40, s25, s15, $0xb8;
	[tilespmem:$0x17A20] =	vst v63  }
0xee: {  	_ =	swait.ge [sflag:s12], $0x1400  }
0xef: {  	[sflag:s12] =	ssyncset.done $0x0  }
0xf0: {  	[sflag:s12] =	ssyncadd.s32 $0xFFFFEC00  }
0xf1: {  	_ =	swait.ge [sflag:s14], $0x1400  }
0xf2: {  	[sflag:s14] =	ssyncset.done $0x0  }
0xf3: {  	s23 =	simm.s32 $0xED80;
	[sflag:s14] =	ssyncadd.s32 $0xFFFFEC00  }
0xf4: {  	[spmem:s2] =	stream.indirect.scatter.add.f32 [tilespmem:s24], [sflag:$0x8], $0x40, s23, s15, $0xb8;
	[tilespmem:$0x17A20] =	vst v63  }
0xf5: {  	_ =	swait.ge [sflag:s12], $0x1400  }
0xf6: {  	[sflag:s12] =	ssyncset.done $0x0  }
0xf7: {  	[sflag:s12] =	ssyncadd.s32 $0xFFFFEC00  }
0xf8: {  	_ =	swait.ge [sflag:s17], $0x1400  }
0xf9: {  	[sflag:s17] =	ssyncset.done $0x0  }
0xfa: {  	s25 =	simm.s32 $0xEDD0;
	[sflag:s17] =	ssyncadd.s32 $0xFFFFEC00  }
0xfb: {  	[spmem:s2] =	stream.indirect.scatter.add.f32 [tilespmem:s26], [sflag:$0x8], $0x40, s25, s15, $0xb8;
	[tilespmem:$0x17A20] =	vst v63  }
0xfc: {  	_ =	swait.ge [sflag:s12], $0x1400  }
0xfd: {  	s28 =	sadd.s32 $0x1, s28;
	[sflag:s12] =	ssyncset.done $0x0  }
0xfe: {  	p0 =	sne.s32 s28, s10;
	[sflag:s12] =	ssyncadd.s32 $0xFFFFEC00  }
.Ltmp1:
0xff: {  	[bflag:$0x0] =	sbarrier.arrive $0xFFFF;
	(pc) =	sbr.rel @p0 .LBB2_1-.Ltmp1, $4  }
0x100: {  	[hbm:s9], [sflag:s6] =	dma.local [spmem:s11], $0x1400  }
0x101: {  	_ =	swait.ge [sflag:s12], $0x1400  }
0x102: {  	[sflag:s12] =	ssyncset.done $0x0  }
0x103: {  	[sflag:s12] =	ssyncadd.s32 $0xFFFFEC00  }
0x104: {  	_ =	sfence.sel $0x180000  }
0x105: {  	[bflag:$0x0] =	sbarrier.arrive $0xFFFF  }
0x106: {  	_ =	strace $0x9000004A  }
0x107: {  	s0 =	stileid.u32;
	[bflag:$0x2] =	sbarrier.arrive $0xFFFF  }
0x108: {  	p0 =	sne.s32 s0, $0x0;
	s0 =	rddreg [dreg:$0x2]  }
0x109: {  	s0 =	sadd.s32 @!p0 $0x100000, s0  }
0x10a: {  	[sflag:s0] =	ssyncadd.tile.s32 @!p0 $0x1;
	_ =	shalt  }
.Lfunc_end2:
_tile_overlayer_lowered:
.L_overlay_start_2:
0x10b: {  	(tag) =	ssettag $0x2  }
0x10c: {  	s0 =	rddreg [dreg:$0x0];
	s2 =	stileid.u32  }
0x10d: {  	s1 =	rddreg [dreg:$0x1];
	p0 =	sne.s32 s2, $0x0  }
0x10e: {  	s3 =	rddreg [dreg:$0x2];
	[bflag:$0x3] =	sbarrier.arrive $0xFFFF;
	s2 =	simm.s32 @!p0 $0x1C08  }
0x10f: {  	[timem:s3], [sflag:s2] =	dma.local @!p0 [hbm:s0], s1  }
0x110: {  	s0 =	simm.s32 @!p0 $0x8  }
0x111: {  	_ =	swait.ge @!p0 [sflag:s0], s1  }
0x112: {  	s1 =	ssub.s32 @!p0 $0x0, s1;
	[sflag:s0] =	ssyncset.done @!p0 $0x0  }
0x113: {  	[sflag:s0] =	ssyncadd.s32 @!p0 s1  }
0x114: {  	[bflag:$0x3] =	sbarrier.arrive $0xFFFF  }
0x115: {  	_ =	shalt  }

// kernel: kernel.15.cloned.1.call-start
scs
__scs_entry_jumppad:
0x0: {  	(pc) =	sbr.rel $0x88, $3  }
0x1: {  	(tag) =	ssettag $0x0;
	lr =	simm.s32 $0x1  }
0x2: {  	[smem:$0x3F8D] =	sst lr;
	_ =	strace $0xD0000000  }
0x3: {  	_ = 	snop  }
0x4: {  	_ = 	snop  }
0x5: {  	_ = 	snop  }
0x6: {  	_ = 	snop  }
0x7: {  	_ = 	snop  }
__scs_overlays_trampoline_lowered:
0x8: {  	[smem:$0x3F9C] =	sst s0  }
0x9: {  	[smem:$0x3F9D] =	sst s1  }
0xa: {  	[smem:$0x3F9E] =	sst s2  }
0xb: {  	[smem:$0x3F9F] =	sst s3  }
0xc: {  	[smem:$0x3FA0] =	sst s4  }
0xd: {  	[smem:$0x3FA1] =	sst s5  }
0xe: {  	[smem:$0x3FA2] =	sst s6  }
0xf: {  	[smem:$0x3FA3] =	sst s7  }
0x10: {  	[smem:$0x3FA4] =	sst s8  }
0x11: {  	[smem:$0x3FA5] =	sst s9;
	s0 =	simm.s32 @!p0 $0x0  }
0x12: {  	s1 =	sld [smem:$0x3F8B];
	s0 =	simm.s32 @p0 $0x1  }
0x13: {  	[smem:$0x3FA6] =	sst s0;
	s0 =	simm.s32 @!p1 $0x0  }
0x14: {  	s2 =	sld [smem:$0x3F8A];
	s0 =	simm.s32 @p1 $0x1  }
0x15: {  	[smem:$0x3FA7] =	sst s0;
	s0 =	simm.s32 @!p2 $0x0  }
0x16: {  	s3 =	sld [smem:$0x3FDB];
	s0 =	simm.s32 @p2 $0x1  }
0x17: {  	s4 =	simm.s32 $0x1BF5;
	[smem:$0x3FA9] =	sst s0  }
0x18: {  	s0 =	sld [smem:$0x3F8C];
	_ =	swait.ge [sflag:s4], $0x0  }
0x19: {  	s7 =	sld [smem:$0x3F8D]  }
0x1a: {  	s8 =	sadd.s32 $0xFFFFE003, lr  }
0x1b: {  	s9 =	sadd.s32 $0xFFFFFEF7, lr;
	s5 =	simm.s32 $0xFFFFFFFF;
	p2 =	slt.u32 s8, $0xFFFFF086  }
0x1c: {  	p1 =	slt.u32 s9, $0xF7A;
	s5 =	simm.s32 @!p2 $0x0  }
0x1d: {  	s5 =	simm.s32 @p1 $0x1;
	p0 =	seq.s32 s7, s2  }
0x1e: {  	s7 =	smul.u32 @!p0 $0xF7A, s2;
	p2 =	seq.s32 @!p0 s5, $0x0  }
0x1f: {  	s9 =	smul.u32 $0xF7A, s1;
	s8 =	simm.s32 @!p0 $0x1BF5;
	p2 =	por !p2, p0  }
0x20: {  	[sflag:s8] =	ssyncset.s32 @!p0 $0xFFFFF086;
	s6 =	sadd.s32 @!p0 s3, s7;
	s7 =	simm.s32 @!p0 $0x108  }
0x21: {  	s3 =	sadd.s32 s3, s9;
	s6 =	sadd.s32 @!p0 $0x88, s6;
	s7 =	simm.s32 @p2 $0x1082  }
0x22: {  	[simem:s7], [sflag:s8] =	dma.local @!p0 [hbm:s6], $0xF7A  }
0x23: {  	s9 =	sor.u32 $0xD0000000, s2;
	s6 =	simm.s32 $0x108;
	_ =	swait.ge @!p0 [sflag:s8], $0x0  }
0x24: {  	s3 =	sadd.s32 $0x88, s3;
	s6 =	simm.s32 @!p1 $0x1082;
	[sflag:s4] =	ssyncset.s32 $0xFFFFF086  }
0x25: {  	[simem:s6], [sflag:s4] =	dma.local [hbm:s3], $0xF7A  }
0x26: {  	[smem:$0x3F8D] =	sst s1;
	(tag) =	ssettag s2;
	_ =	strace s9  }
0x27: {  	s1 =	sld [smem:$0x3F9D]  }
0x28: {  	s2 =	sld [smem:$0x3F9E]  }
0x29: {  	s4 =	sld [smem:$0x3FA0]  }
0x2a: {  	p0 =	seq.s32 s5, $0x0;
	s5 =	sld [smem:$0x3FA1]  }
0x2b: {  	s6 =	sld [smem:$0x3FA2]  }
0x2c: {  	s7 =	sld [smem:$0x3FA3]  }
0x2d: {  	s3 =	simm.s32 $0x108;
	s8 =	sld [smem:$0x3FA4]  }
0x2e: {  	s3 =	simm.s32 @!p0 $0x1082;
	s9 =	sld [smem:$0x3FA5]  }
0x2f: {  	lr =	sadd.s32 s0, s3;
	s0 =	sld [smem:$0x3F9C]  }
0x30: {  	s3 =	sld [smem:$0x3F9F]  }
0x31: {  	[smem:$0x3FA8] =	sst s10  }
0x32: {  	s10 =	sld [smem:$0x3FA6];
	_ =	sdelay $0x3  }
0x33: {  	p0 =	seq.s32 s10, $0x1;
	s10 =	sld [smem:$0x3FA8];
	_ =	sdelay $0x3  }
0x34: {  	[smem:$0x3FA8] =	sst s10  }
0x35: {  	s10 =	sld [smem:$0x3FA7];
	_ =	sdelay $0x3  }
0x36: {  	p1 =	seq.s32 s10, $0x1;
	s10 =	sld [smem:$0x3FA8];
	_ =	sdelay $0x3  }
0x37: {  	[smem:$0x3FA8] =	sst s10  }
0x38: {  	s10 =	sld [smem:$0x3FA9]  }
0x39: {  	_ = 	snop;
	(pc) =	sbr.ind lr, $3  }
0x3a: {  	_ = 	snop  }
0x3b: {  	_ = 	snop  }
0x3c: {  	p2 =	seq.s32 s10, $0x1;
	s10 =	sld [smem:$0x3FA8]  }
0x3d: {  	_ =	shalt  }
0x3e: {  	_ =	shalt  }
0x3f: {  	_ =	shalt  }
0x40: {  	_ =	shalt  }
0x41: {  	_ =	shalt  }
0x42: {  	_ =	shalt  }
0x43: {  	_ =	shalt  }
0x44: {  	_ =	shalt  }
0x45: {  	_ =	shalt  }
0x46: {  	_ =	shalt  }
0x47: {  	_ =	shalt  }
0x48: {  	_ =	shalt  }
0x49: {  	_ =	shalt  }
0x4a: {  	_ =	shalt  }
0x4b: {  	_ =	shalt  }
0x4c: {  	_ =	shalt  }
0x4d: {  	_ =	shalt  }
0x4e: {  	_ =	shalt  }
0x4f: {  	_ =	shalt  }
0x50: {  	_ =	shalt  }
0x51: {  	_ =	shalt  }
0x52: {  	_ =	shalt  }
0x53: {  	_ =	shalt  }
0x54: {  	_ =	shalt  }
0x55: {  	_ =	shalt  }
0x56: {  	_ =	shalt  }
0x57: {  	_ =	shalt  }
0x58: {  	_ =	shalt  }
0x59: {  	_ =	shalt  }
0x5a: {  	_ =	shalt  }
0x5b: {  	_ =	shalt  }
0x5c: {  	_ =	shalt  }
0x5d: {  	_ =	shalt  }
0x5e: {  	_ =	shalt  }
0x5f: {  	_ =	shalt  }
0x60: {  	_ =	shalt  }
0x61: {  	_ =	shalt  }
0x62: {  	_ =	shalt  }
0x63: {  	_ =	shalt  }
0x64: {  	_ =	shalt  }
0x65: {  	_ =	shalt  }
0x66: {  	_ =	shalt  }
0x67: {  	_ =	shalt  }
0x68: {  	_ =	shalt  }
0x69: {  	_ =	shalt  }
0x6a: {  	_ =	shalt  }
0x6b: {  	_ =	shalt  }
0x6c: {  	_ =	shalt  }
0x6d: {  	_ =	shalt  }
0x6e: {  	_ =	shalt  }
0x6f: {  	_ =	shalt  }
0x70: {  	_ =	shalt  }
0x71: {  	_ =	shalt  }
0x72: {  	_ =	shalt  }
0x73: {  	_ =	shalt  }
0x74: {  	_ =	shalt  }
0x75: {  	_ =	shalt  }
0x76: {  	_ =	shalt  }
0x77: {  	_ =	shalt  }
0x78: {  	_ =	shalt  }
0x79: {  	_ =	shalt  }
0x7a: {  	_ =	shalt  }
0x7b: {  	_ =	shalt  }
0x7c: {  	_ =	shalt  }
0x7d: {  	_ =	shalt  }
0x7e: {  	_ =	shalt  }
0x7f: {  	_ =	shalt  }
0x80: {  	_ =	shalt  }
0x81: {  	_ =	shalt  }
0x82: {  	_ =	shalt  }
0x83: {  	_ =	shalt  }
0x84: {  	_ =	shalt  }
0x85: {  	_ =	shalt  }
0x86: {  	_ =	shalt  }
0x87: {  	_ =	shalt  }
.Lfunc_end0:
.L_simem_size_0:
called_computation.2_lowered:
.L_overlay_start_0:
0x88: {  	s2 =	sld [smem:$0x3FD9]  }
0x89: {  	s3 =	sld [smem:$0x3FFE];
	_ =	sdelay $0x1  }
0x8a: {  	s1 =	srdreg.scid  }
0x8b: {  	s0 =	sand.u32 $0x1, s1  }
0x8c: {  	s16 =	sshll.u32 s0, $0xA;
	s2 =	sadd.s32 s3, s2  }
0x8d: {  	s2 =	sadd.s32 s2, s16  }
0x8e: {  	[smem:$0x3FB4] =	sst s2  }
0x8f: {  	_ = 	snop  }
0x90: {  	(tm) =	ssettm $0x1  }
0x91: {  	s17 =	sld [smem:$0x3FFB];
	_ =	sdelay $0x3  }
0x92: {  	_ =	strace s17  }
0x93: {  	s2 =	sld [smem:$0x3FFC];
	_ =	sdelay $0x3  }
0x94: {  	_ =	strace s2  }
0x95: {  	s2 =	sld [smem:$0x3FFD];
	_ =	sdelay $0x3  }
0x96: {  	_ =	strace s2  }
0x97: {  	_ =	strace $0x8FFFFFFF  }
0x98: {  	s18 =	sld [smem:$0x3FDB];
	_ =	sdelay $0x1  }
0x99: {  	s19 =	simm.s32 $_scs_section_size  }
0x9a: {  	s4 =	simm.s32 $_size__tile_overlayer_lowered;
	s5 =	simm.s32 $_tile_overlayer_lowered  }
0x9b: {  	s22 =	simm.s32 $0x1BFF;
	s21 =	sshll.u32 s5, $0x1;
	s2 =	sadd.s32 s19, s18  }
0x9c: {  	s6 =	simm.s32 $0x0;
	s20 =	sshll.u32 s4, $0x1;
	s4 =	sadd.s32 s21, s2  }
0x9d: {  	[timem:s6], [sflag:s22] =	dma.local [hbm:s4], s20  }
0x9e: {  	_ =	swait.ge [sflag:s22], s20  }
0x9f: {  	s3 =	ssub.s32 $0x0, s20;
	[sflag:s22] =	ssyncset.done $0x0  }
0xa0: {  	[sflag:s22] =	ssyncadd.s32 s3;
	_ =	sdelay $0x1  }
0xa1: {  	s23 =	simm.s32 $0x1B8B  }
0xa2: {  	_ =	swait.ge [sflag:s23], $0x1  }
0xa3: {  	[sflag:s23] =	ssyncset.done $0x0  }
0xa4: {  	s25 =	simm.s32 $0x1B8E;
	s24 =	sld [smem:$0x3FFE];
	[sflag:s23] =	ssyncadd.s32 $0xFFFFFFFF  }
0xa5: {  	s26 =	simm.s32 $execute0_lowered;
	[smem:$0x3FD2] =	sst s25  }
0xa6: {  	s4 =	sshll.u32 s26, $0x1;
	_ =	strace $0x8000004C;
	[dreg:$0x1] =	wrdreg $0xFFFFFFFF  }
0xa7: {  	s28 =	simm.s32 $_size_execute0_lowered;
	s2 =	sadd.s32 s2, s4;
	[dreg:$0x0] =	wrdreg $0x0  }
0xa8: {  	s4 =	sshll.u32 s28, $0x1;
	[dreg:$0x2] =	wrdreg s2  }
0xa9: {  	[dreg:$0x3] =	wrdreg s4  }
0xaa: {  	[dreg:$0x4] =	wrdreg $0xC0  }
0xab: {  	_ =	task [dreg:s6], $0x5FFFF  }
0xac: {  	[dreg:$0x1] =	wrdreg $0xFFFFFFFF  }
0xad: {  	[dreg:$0x0] =	wrdreg $0x60  }
0xae: {  	[dreg:$0x2] =	wrdreg s24  }
0xaf: {  	[dreg:$0x3] =	wrdreg $0x0  }
0xb0: {  	[dreg:$0x4] =	wrdreg $0x9  }
0xb1: {  	_ =	task.clear_ibuf [dreg:s6], $0x5FFFF;
	_ =	strace $0x9000004C  }
0xb2: {  	s29 =	simm.s32 $0x9;
	_ =	strace $0x8000004E  }
0xb3: {  	_ =	swait.ge [sflag:s29], $0x1  }
0xb4: {  	[sflag:s29] =	ssyncadd.s32 $0xFFFFFFFF  }
0xb5: {  	_ =	strace $0x9000004E  }
0xb6: {  	_ =	sfence  }
0xb7: {  	s30 =	sld [smem:$0x0];
	_ =	sdelay $0x2  }
0xb8: {  	s31 =	sshll.u32 s1, $0xD;
	s1 =	sshrl.u32 s1, $0x2  }
0xb9: {  	s3 =	sand.u32 $0x4000, s31;
	s1 =	sadd.s32 s1, s30  }
0xba: {  	s0 =	sor.u32 s3, s0;
	s1 =	sshll.u32 s1, $0x11  }
0xbb: {  	s0 =	sor.u32 s1, s0  }
0xbc: {  	s0 =	sadd.s32 $0x8F2B, s0  }
0xbd: {  	[sflag:s0] =	ssyncadd.remote.s32 $0x1  }
0xbe: {  	_ =	sfence.sel $0xFFFF  }
0xbf: {  	[dreg:$0x0] =	wrdreg $0xFFFFFFFF;
	(pc) =	sbr.abs _section_cstart, $3  }
0xc0: {  	[dreg:$0x1] =	wrdreg $0xFFFFFFFF  }
0xc1: {  	_ =	task.clear_ibuf [dreg:s6], $0x2FFFF;
	_ =	strace $0x9FFFFFFF  }
0xc2: {  	(tm) =	ssettm $0x7FFFFFFF  }
0xc3: {  	_ =	shalt  }
tec
execute0_lowered:
.L_overlay_start_1:
0x0: {  	(tag) =	ssettag $0x1  }
0x1: {  	s0 =	srdreg.scid  }
0x2: {  	s1 =	rddreg [dreg:$0x0];
	s9 =	stileid.u32  }
0x3: {  	s2 =	rddreg [dreg:$0x1];
	s3 =	simm.s32 $0x0;
	s12 =	simm.s32 $0x8  }
0x4: {  	s13 =	simm.s32 $0xA000;
	s15 =	simm.s32 $0x50;
	s16 =	simm.s32 $0xEE20  }
0x5: {  	s18 =	simm.s32 $0x10220;
	s20 =	simm.s32 $0x11620;
	s22 =	simm.s32 $0x12A20  }
0x6: {  	s29 =	simm.s32 $0x16620;
	s30 =	simm.s32 $0x1;
	s31 =	simm.s32 $0x2  }
0x7: {  	s14 =	simm.s32 $0x5;
	s17 =	simm.s32 $0x6;
	s5 =	smul.u32 $0x2710, s9  }
0x8: {  	s19 =	simm.s32 $0x7;
	s0 =	sand.u32 $0x1, s0;
	s6 =	smul.u32 $0xA000, s9  }
0x9: {  	s28 =	simm.s32 $0x0;
	[smem:$0x7FF] =	sst s3;
	s4 =	smul.u32 $0x27100, s0  }
0xa: {  	s26 =	sshll.u32 s9, $0x6;
	s24 =	smul.u32 $0xA0000, s0;
	s0 =	ssub.s32 $0x2, s0  }
0xb: {  	_ =	strace $0x8000004D;
	s7 =	sshrl.u32 s6, $0x3;
	s25 =	sshrl.u32 s0, $0x1  }
0xc: {  	s11 =	sadd.s32 s6, s2;
	s4 =	sadd.s32 s5, s4;
	s5 =	sadd.s32 s6, s24  }
0xd: {  	s7 =	sadd.s32 s7, s1;
	s0 =	ssub.s32 s0, s25;
	s6 =	sor.u32 $0x1C08, s26  }
0xe: {  	s11 =	sshrl.u32 s11, $0x3;
	s24 =	simm.s32 $0x13E20;
	s26 =	simm.s32 $0x15220  }
0xf: {  	s4 =	sshrl.u32 s4, $0x3;
	s5 =	sshrl.u32 s5, $0x3;
	s10 =	smax.u32 s0, $0x1  }
0x10: {  	s0 =	simm.s32 $0x4;
	s8 =	sadd.s32 s4, s1;
	s4 =	sadd.s32 $0x17E00, s1  }
0x11: {  	s1 =	sadd.s32 s5, s1;
	s5 =	sadd.s32 $0x3F000, s7;
	s7 =	sadd.s32 $0xE000, s8  }
0x12: {  	s8 =	sadd.s32 $0x4200, s8;
	s9 =	sadd.s32 $0x53000, s1;
	s1 =	simm.s32 $0x3  }
.LBB2_1:
0x13: {  	[spmem:s11], [sflag:s6] =	dma.local [hbm:s5], $0x1400  }
0x14: {  	_ =	swait.ge [sflag:s12], $0x1400  }
0x15: {  	[sflag:s12] =	ssyncset.done $0x0  }
0x16: {  	[sflag:s12] =	ssyncadd.s32 $0xFFFFEC00  }
0x17: {  	[tilespmem:s13], [sflag:$0x8] =	stream.linear.gather [hbm4b:s7+s3], $0x2710, $0x38;
	[tilespmem:$0x17A20] =	vst v63  }
0x18: {  	_ =	swait.ge [sflag:s12], $0x2710  }
0x19: {  	[sflag:s12] =	ssyncset.done $0x0  }
0x1a: {  	s21 =	simm.s32 $0xC710;
	[sflag:s12] =	ssyncadd.s32 $0xFFFFD8F0  }
0x1b: {  	[tilespmem:s21], [sflag:$0x8] =	stream.linear.gather [hbm4b:s8+s3], $0x2710, $0x38;
	[tilespmem:$0x17A20] =	vst v63  }
0x1c: {  	_ =	swait.ge [sflag:s12], $0x2710  }
0x1d: {  	[sflag:s12] =	ssyncset.done $0x0  }
0x1e: {  	[sflag:s12] =	ssyncadd.s32 $0xFFFFD8F0  }
0x1f: {  	[bflag:$0x0] =	sbarrier.arrive $0xFFFF  }
0x20: {  	[tilespmem:s16], [sflag:$0x1] =	stream.indirect.gather [hbm4b:s4+s15], $0x40, s13, s15, $0xb8;
	[tilespmem:$0x17A20] =	vst v63  }
0x21: {  	s25 =	simm.s32 $0xA050  }
0x22: {  	[tilespmem:s18], [sflag:$0x2] =	stream.indirect.gather [hbm4b:s4+s15], $0x40, s25, s15, $0xb8;
	[tilespmem:$0x17A20] =	vst v63  }
0x23: {  	s23 =	simm.s32 $0xA0A0  }
0x24: {  	[tilespmem:s20], [sflag:$0x3] =	stream.indirect.gather [hbm4b:s4+s15], $0x40, s23, s15, $0xb8;
	[tilespmem:$0x17A20] =	vst v63  }
0x25: {  	s25 =	simm.s32 $0xA0F0  }
0x26: {  	[tilespmem:s22], [sflag:$0x4] =	stream.indirect.gather [hbm4b:s4+s15], $0x40, s25, s15, $0xb8;
	[tilespmem:$0x17A20] =	vst v63  }
0x27: {  	s23 =	simm.s32 $0xA140  }
0x28: {  	[tilespmem:s24], [sflag:$0x5] =	stream.indirect.gather [hbm4b:s4+s15], $0x40, s23, s15, $0xb8;
	[tilespmem:$0x17A20] =	vst v63  }
0x29: {  	s25 =	simm.s32 $0xA190  }
0x2a: {  	[tilespmem:s26], [sflag:$0x6] =	stream.indirect.gather [hbm4b:s4+s15], $0x40, s25, s15, $0xb8;
	[tilespmem:$0x17A20] =	vst v63  }
0x2b: {  	s23 =	simm.s32 $0xA1E0  }
0x2c: {  	[tilespmem:s29], [sflag:$0x7] =	stream.indirect.gather [hbm4b:s4+s15], $0x40, s23, s15, $0xb8;
	[tilespmem:$0x17A20] =	vst v63  }
0x2d: {  	_ =	swait.ge [sflag:s30], $0x1400  }
0x2e: {  	[sflag:s30] =	ssyncset.done $0x0  }
0x2f: {  	s25 =	simm.s32 $0xC710;
	[sflag:s30] =	ssyncadd.s32 $0xFFFFEC00  }
0x30: {  	[spmem:s2] =	stream.indirect.scatter.add.f32 [tilespmem:s16], [sflag:$0x8], $0x40, s25, s15, $0xb8;
	[tilespmem:$0x17A20] =	vst v63  }
0x31: {  	_ =	swait.ge [sflag:s12], $0x1400  }
0x32: {  	[sflag:s12] =	ssyncset.done $0x0  }
0x33: {  	s23 =	simm.s32 $0xA230;
	[sflag:s12] =	ssyncadd.s32 $0xFFFFEC00  }
0x34: {  	[tilespmem:s16], [sflag:$0x1] =	stream.indirect.gather [hbm4b:s4+s15], $0x40, s23, s15, $0xb8;
	[tilespmem:$0x17A20] =	vst v63  }
0x35: {  	_ =	swait.ge [sflag:s31], $0x1400  }
0x36: {  	[sflag:s31] =	ssyncset.done $0x0  }
0x37: {  	s25 =	simm.s32 $0xC760;
	[sflag:s31] =	ssyncadd.s32 $0xFFFFEC00  }
0x38: {  	[spmem:s2] =	stream.indirect.scatter.add.f32 [tilespmem:s18], [sflag:$0x8], $0x40, s25, s15, $0xb8;
	[tilespmem:$0x17A20] =	vst v63  }
0x39: {  	_ =	swait.ge [sflag:s12], $0x1400  }
0x3a: {  	[sflag:s12] =	ssyncset.done $0x0  }
0x3b: {  	s23 =	simm.s32 $0xA280;
	[sflag:s12] =	ssyncadd.s32 $0xFFFFEC00  }
0x3c: {  	[tilespmem:s18], [sflag:$0x2] =	stream.indirect.gather [hbm4b:s4+s15], $0x40, s23, s15, $0xb8;
	[tilespmem:$0x17A20] =	vst v63  }
0x3d: {  	_ =	swait.ge [sflag:s1], $0x1400  }
0x3e: {  	[sflag:s1] =	ssyncset.done $0x0  }
0x3f: {  	s25 =	simm.s32 $0xC7B0;
	[sflag:s1] =	ssyncadd.s32 $0xFFFFEC00  }
0x40: {  	[spmem:s2] =	stream.indirect.scatter.add.f32 [tilespmem:s20], [sflag:$0x8], $0x40, s25, s15, $0xb8;
	[tilespmem:$0x17A20] =	vst v63  }
0x41: {  	_ =	swait.ge [sflag:s12], $0x1400  }
0x42: {  	[sflag:s12] =	ssyncset.done $0x0  }
0x43: {  	s23 =	simm.s32 $0xA2D0;
	[sflag:s12] =	ssyncadd.s32 $0xFFFFEC00  }
0x44: {  	[tilespmem:s20], [sflag:$0x3] =	stream.indirect.gather [hbm4b:s4+s15], $0x40, s23, s15, $0xb8;
	[tilespmem:$0x17A20] =	vst v63  }
0x45: {  	_ =	swait.ge [sflag:s0], $0x1400  }
0x46: {  	[sflag:s0] =	ssyncset.done $0x0  }
0x47: {  	s25 =	simm.s32 $0xC800;
	[sflag:s0] =	ssyncadd.s32 $0xFFFFEC00  }
0x48: {  	[spmem:s2] =	stream.indirect.scatter.add.f32 [tilespmem:s22], [sflag:$0x8], $0x40, s25, s15, $0xb8;
	[tilespmem:$0x17A20] =	vst v63  }
0x49: {  	_ =	swait.ge [sflag:s12], $0x1400  }
0x4a: {  	[sflag:s12] =	ssyncset.done $0x0  }
0x4b: {  	s23 =	simm.s32 $0xA320;
	[sflag:s12] =	ssyncadd.s32 $0xFFFFEC00  }
0x4c: {  	[tilespmem:s22], [sflag:$0x4] =	stream.indirect.gather [hbm4b:s4+s15], $0x40, s23, s15, $0xb8;
	[tilespmem:$0x17A20] =	vst v63  }
0x4d: {  	_ =	swait.ge [sflag:s14], $0x1400  }
0x4e: {  	[sflag:s14] =	ssyncset.done $0x0  }
0x4f: {  	s25 =	simm.s32 $0xC850;
	[sflag:s14] =	ssyncadd.s32 $0xFFFFEC00  }
0x50: {  	[spmem:s2] =	stream.indirect.scatter.add.f32 [tilespmem:s24], [sflag:$0x8], $0x40, s25, s15, $0xb8;
	[tilespmem:$0x17A20] =	vst v63  }
0x51: {  	_ =	swait.ge [sflag:s12], $0x1400  }
0x52: {  	[sflag:s12] =	ssyncset.done $0x0  }
0x53: {  	s23 =	simm.s32 $0xA370;
	[sflag:s12] =	ssyncadd.s32 $0xFFFFEC00  }
0x54: {  	[tilespmem:s24], [sflag:$0x5] =	stream.indirect.gather [hbm4b:s4+s15], $0x40, s23, s15, $0xb8;
	[tilespmem:$0x17A20] =	vst v63  }
0x55: {  	_ =	swait.ge [sflag:s17], $0x1400  }
0x56: {  	[sflag:s17] =	ssyncset.done $0x0  }
0x57: {  	s25 =	simm.s32 $0xC8A0;
	[sflag:s17] =	ssyncadd.s32 $0xFFFFEC00  }
0x58: {  	[spmem:s2] =	stream.indirect.scatter.add.f32 [tilespmem:s26], [sflag:$0x8], $0x40, s25, s15, $0xb8;
	[tilespmem:$0x17A20] =	vst v63  }
0x59: {  	_ =	swait.ge [sflag:s12], $0x1400  }
0x5a: {  	[sflag:s12] =	ssyncset.done $0x0  }
0x5b: {  	s23 =	simm.s32 $0xA3C0;
	[sflag:s12] =	ssyncadd.s32 $0xFFFFEC00  }
0x5c: {  	[tilespmem:s26], [sflag:$0x6] =	stream.indirect.gather [hbm4b:s4+s15], $0x40, s23, s15, $0xb8;
	[tilespmem:$0x17A20] =	vst v63  }
0x5d: {  	_ =	swait.ge [sflag:s19], $0x1400  }
0x5e: {  	[sflag:s19] =	ssyncset.done $0x0  }
0x5f: {  	s25 =	simm.s32 $0xC8F0;
	[sflag:s19] =	ssyncadd.s32 $0xFFFFEC00  }
0x60: {  	[spmem:s2] =	stream.indirect.scatter.add.f32 [tilespmem:s29], [sflag:$0x8], $0x40, s25, s15, $0xb8;
	[tilespmem:$0x17A20] =	vst v63  }
0x61: {  	_ =	swait.ge [sflag:s12], $0x1400  }
0x62: {  	[sflag:s12] =	ssyncset.done $0x0  }
0x63: {  	s21 =	simm.s32 $0x8C0;
	s23 =	simm.s32 $0xA410;
	[sflag:s12] =	ssyncadd.s32 $0xFFFFEC00  }
.LBB2_2:
0x64: {  	[tilespmem:s29], [sflag:$0x7] =	stream.indirect.gather [hbm4b:s4+s15], $0x40, s23, s15, $0xb8;
	[tilespmem:$0x17A20] =	vst v63  }
0x65: {  	s23 =	smov.u32 s21  }
0x66: {  	p0 =	sne.s32 s21, $0x8340;
	s21 =	sadd.s32 $0x8C0, s21;
	_ =	swait.ge [sflag:s30], $0x1400  }
0x67: {  	s23 =	sshra.s32 s23, $0x2;
	[sflag:s30] =	ssyncset.done $0x0  }
0x68: {  	s25 =	sadd.s32 $0xC710, s23;
	[sflag:s30] =	ssyncadd.s32 $0xFFFFEC00  }
0x69: {  	[spmem:s2] =	stream.indirect.scatter.add.f32 [tilespmem:s16], [sflag:$0x8], $0x40, s25, s15, $0xb8;
	[tilespmem:$0x17A20] =	vst v63  }
0x6a: {  	_ =	swait.ge [sflag:s12], $0x1400  }
0x6b: {  	[sflag:s12] =	ssyncset.done $0x0  }
0x6c: {  	s25 =	sadd.s32 $0xA230, s23;
	[sflag:s12] =	ssyncadd.s32 $0xFFFFEC00  }
0x6d: {  	[tilespmem:s16], [sflag:$0x1] =	stream.indirect.gather [hbm4b:s4+s15], $0x40, s25, s15, $0xb8;
	[tilespmem:$0x17A20] =	vst v63  }
0x6e: {  	_ =	swait.ge [sflag:s31], $0x1400  }
0x6f: {  	[sflag:s31] =	ssyncset.done $0x0  }
0x70: {  	s25 =	sadd.s32 $0xC760, s23;
	[sflag:s31] =	ssyncadd.s32 $0xFFFFEC00  }
0x71: {  	[spmem:s2] =	stream.indirect.scatter.add.f32 [tilespmem:s18], [sflag:$0x8], $0x40, s25, s15, $0xb8;
	[tilespmem:$0x17A20] =	vst v63  }
0x72: {  	_ =	swait.ge [sflag:s12], $0x1400  }
0x73: {  	[sflag:s12] =	ssyncset.done $0x0  }
0x74: {  	s25 =	sadd.s32 $0xA280, s23;
	[sflag:s12] =	ssyncadd.s32 $0xFFFFEC00  }
0x75: {  	[tilespmem:s18], [sflag:$0x2] =	stream.indirect.gather [hbm4b:s4+s15], $0x40, s25, s15, $0xb8;
	[tilespmem:$0x17A20] =	vst v63  }
0x76: {  	_ =	swait.ge [sflag:s1], $0x1400  }
0x77: {  	[sflag:s1] =	ssyncset.done $0x0  }
0x78: {  	s25 =	sadd.s32 $0xC7B0, s23;
	[sflag:s1] =	ssyncadd.s32 $0xFFFFEC00  }
0x79: {  	[spmem:s2] =	stream.indirect.scatter.add.f32 [tilespmem:s20], [sflag:$0x8], $0x40, s25, s15, $0xb8;
	[tilespmem:$0x17A20] =	vst v63  }
0x7a: {  	_ =	swait.ge [sflag:s12], $0x1400  }
0x7b: {  	[sflag:s12] =	ssyncset.done $0x0  }
0x7c: {  	s25 =	sadd.s32 $0xA2D0, s23;
	[sflag:s12] =	ssyncadd.s32 $0xFFFFEC00  }
0x7d: {  	[tilespmem:s20], [sflag:$0x3] =	stream.indirect.gather [hbm4b:s4+s15], $0x40, s25, s15, $0xb8;
	[tilespmem:$0x17A20] =	vst v63  }
0x7e: {  	_ =	swait.ge [sflag:s0], $0x1400  }
0x7f: {  	[sflag:s0] =	ssyncset.done $0x0  }
0x80: {  	s25 =	sadd.s32 $0xC800, s23;
	[sflag:s0] =	ssyncadd.s32 $0xFFFFEC00  }
0x81: {  	[spmem:s2] =	stream.indirect.scatter.add.f32 [tilespmem:s22], [sflag:$0x8], $0x40, s25, s15, $0xb8;
	[tilespmem:$0x17A20] =	vst v63  }
0x82: {  	_ =	swait.ge [sflag:s12], $0x1400  }
0x83: {  	[sflag:s12] =	ssyncset.done $0x0  }
0x84: {  	s25 =	sadd.s32 $0xA320, s23;
	[sflag:s12] =	ssyncadd.s32 $0xFFFFEC00  }
0x85: {  	[tilespmem:s22], [sflag:$0x4] =	stream.indirect.gather [hbm4b:s4+s15], $0x40, s25, s15, $0xb8;
	[tilespmem:$0x17A20] =	vst v63  }
0x86: {  	_ =	swait.ge [sflag:s14], $0x1400  }
0x87: {  	[sflag:s14] =	ssyncset.done $0x0  }
0x88: {  	s25 =	sadd.s32 $0xC850, s23;
	[sflag:s14] =	ssyncadd.s32 $0xFFFFEC00  }
0x89: {  	[spmem:s2] =	stream.indirect.scatter.add.f32 [tilespmem:s24], [sflag:$0x8], $0x40, s25, s15, $0xb8;
	[tilespmem:$0x17A20] =	vst v63  }
0x8a: {  	_ =	swait.ge [sflag:s12], $0x1400  }
0x8b: {  	[sflag:s12] =	ssyncset.done $0x0  }
0x8c: {  	s25 =	sadd.s32 $0xA370, s23;
	[sflag:s12] =	ssyncadd.s32 $0xFFFFEC00  }
0x8d: {  	[tilespmem:s24], [sflag:$0x5] =	stream.indirect.gather [hbm4b:s4+s15], $0x40, s25, s15, $0xb8;
	[tilespmem:$0x17A20] =	vst v63  }
0x8e: {  	_ =	swait.ge [sflag:s17], $0x1400  }
0x8f: {  	[sflag:s17] =	ssyncset.done $0x0  }
0x90: {  	s25 =	sadd.s32 $0xC8A0, s23;
	[sflag:s17] =	ssyncadd.s32 $0xFFFFEC00  }
0x91: {  	[spmem:s2] =	stream.indirect.scatter.add.f32 [tilespmem:s26], [sflag:$0x8], $0x40, s25, s15, $0xb8;
	[tilespmem:$0x17A20] =	vst v63  }
0x92: {  	_ =	swait.ge [sflag:s12], $0x1400  }
0x93: {  	[sflag:s12] =	ssyncset.done $0x0  }
0x94: {  	s25 =	sadd.s32 $0xA3C0, s23;
	[sflag:s12] =	ssyncadd.s32 $0xFFFFEC00  }
0x95: {  	[tilespmem:s26], [sflag:$0x6] =	stream.indirect.gather [hbm4b:s4+s15], $0x40, s25, s15, $0xb8;
	[tilespmem:$0x17A20] =	vst v63  }
0x96: {  	_ =	swait.ge [sflag:s19], $0x1400  }
0x97: {  	[sflag:s19] =	ssyncset.done $0x0  }
.Ltmp0:
0x98: {  	s25 =	sadd.s32 $0xC8F0, s23;
	[sflag:s19] =	ssyncadd.s32 $0xFFFFEC00;
	(pc) =	sbr.rel @p0 .LBB2_2-.Ltmp0, $4  }
0x99: {  	[spmem:s2] =	stream.indirect.scatter.add.f32 [tilespmem:s29], [sflag:$0x8], $0x40, s25, s15, $0xb8;
	[tilespmem:$0x17A20] =	vst v63  }
0x9a: {  	_ =	swait.ge [sflag:s12], $0x1400  }
0x9b: {  	[sflag:s12] =	ssyncset.done $0x0  }
0x9c: {  	s23 =	sadd.s32 $0xA410, s23;
	[sflag:s12] =	ssyncadd.s32 $0xFFFFEC00  }
0x9d: {  	[tilespmem:s29], [sflag:$0x7] =	stream.indirect.gather [hbm4b:s4+s15], $0x40, s23, s15, $0xb8;
	[tilespmem:$0x17A20] =	vst v63  }
0x9e: {  	_ =	swait.ge [sflag:s30], $0x1400  }
0x9f: {  	[sflag:s30] =	ssyncset.done $0x0  }
0xa0: {  	s21 =	simm.s32 $0xEA10;
	[sflag:s30] =	ssyncadd.s32 $0xFFFFEC00  }
0xa1: {  	[spmem:s2] =	stream.indirect.scatter.add.f32 [tilespmem:s16], [sflag:$0x8], $0x40, s21, s15, $0xb8;
	[tilespmem:$0x17A20] =	vst v63  }
0xa2: {  	_ =	swait.ge [sflag:s12], $0x1400  }
0xa3: {  	[sflag:s12] =	ssyncset.done $0x0  }
0xa4: {  	s23 =	simm.s32 $0xC530;
	[sflag:s12] =	ssyncadd.s32 $0xFFFFEC00  }
0xa5: {  	[tilespmem:s16], [sflag:$0x1] =	stream.indirect.gather [hbm4b:s4+s15], $0x40, s23, s15, $0xb8;
	[tilespmem:$0x17A20] =	vst v63  }
0xa6: {  	_ =	swait.ge [sflag:s31], $0x1400  }
0xa7: {  	[sflag:s31] =	ssyncset.done $0x0  }
0xa8: {  	s25 =	simm.s32 $0xEA60;
	[sflag:s31] =	ssyncadd.s32 $0xFFFFEC00  }
0xa9: {  	[spmem:s2] =	stream.indirect.scatter.add.f32 [tilespmem:s18], [sflag:$0x8], $0x40, s25, s15, $0xb8;
	[tilespmem:$0x17A20] =	vst v63  }
0xaa: {  	_ =	swait.ge [sflag:s12], $0x1400  }
0xab: {  	[sflag:s12] =	ssyncset.done $0x0  }
0xac: {  	s23 =	simm.s32 $0xC580;
	[sflag:s12] =	ssyncadd.s32 $0xFFFFEC00  }
0xad: {  	[tilespmem:s18], [sflag:$0x2] =	stream.indirect.gather [hbm4b:s4+s15], $0x40, s23, s15, $0xb8;
	[tilespmem:$0x17A20] =	vst v63  }
0xae: {  	_ =	swait.ge [sflag:s1], $0x1400  }
0xaf: {  	[sflag:s1] =	ssyncset.done $0x0  }
0xb0: {  	s25 =	simm.s32 $0xEAB0;
	[sflag:s1] =	ssyncadd.s32 $0xFFFFEC00  }
0xb1: {  	[spmem:s2] =	stream.indirect.scatter.add.f32 [tilespmem:s20], [sflag:$0x8], $0x40, s25, s15, $0xb8;
	[tilespmem:$0x17A20] =	vst v63  }
0xb2: {  	_ =	swait.ge [sflag:s12], $0x1400  }
0xb3: {  	[sflag:s12] =	ssyncset.done $0x0  }
0xb4: {  	s23 =	simm.s32 $0xC5D0;
	[sflag:s12] =	ssyncadd.s32 $0xFFFFEC00  }
0xb5: {  	[tilespmem:s20], [sflag:$0x3] =	stream.indirect.gather [hbm4b:s4+s15], $0x40, s23, s15, $0xb8;
	[tilespmem:$0x17A20] =	vst v63  }
0xb6: {  	_ =	swait.ge [sflag:s0], $0x1400  }
0xb7: {  	[sflag:s0] =	ssyncset.done $0x0  }
0xb8: {  	s25 =	simm.s32 $0xEB00;
	[sflag:s0] =	ssyncadd.s32 $0xFFFFEC00  }
0xb9: {  	[spmem:s2] =	stream.indirect.scatter.add.f32 [tilespmem:s22], [sflag:$0x8], $0x40, s25, s15, $0xb8;
	[tilespmem:$0x17A20] =	vst v63  }
0xba: {  	_ =	swait.ge [sflag:s12], $0x1400  }
0xbb: {  	[sflag:s12] =	ssyncset.done $0x0  }
0xbc: {  	s23 =	simm.s32 $0xC620;
	[sflag:s12] =	ssyncadd.s32 $0xFFFFEC00  }
0xbd: {  	[tilespmem:s22], [sflag:$0x4] =	stream.indirect.gather [hbm4b:s4+s15], $0x40, s23, s15, $0xb8;
	[tilespmem:$0x17A20] =	vst v63  }
0xbe: {  	_ =	swait.ge [sflag:s14], $0x1400  }
0xbf: {  	[sflag:s14] =	ssyncset.done $0x0  }
0xc0: {  	s25 =	simm.s32 $0xEB50;
	[sflag:s14] =	ssyncadd.s32 $0xFFFFEC00  }
0xc1: {  	[spmem:s2] =	stream.indirect.scatter.add.f32 [tilespmem:s24], [sflag:$0x8], $0x40, s25, s15, $0xb8;
	[tilespmem:$0x17A20] =	vst v63  }
0xc2: {  	_ =	swait.ge [sflag:s12], $0x1400  }
0xc3: {  	[sflag:s12] =	ssyncset.done $0x0  }
0xc4: {  	s23 =	simm.s32 $0xC670;
	[sflag:s12] =	ssyncadd.s32 $0xFFFFEC00  }
0xc5: {  	[tilespmem:s24], [sflag:$0x5] =	stream.indirect.gather [hbm4b:s4+s15], $0x40, s23, s15, $0xb8;
	[tilespmem:$0x17A20] =	vst v63  }
0xc6: {  	_ =	swait.ge [sflag:s17], $0x1400  }
0xc7: {  	[sflag:s17] =	ssyncset.done $0x0  }
0xc8: {  	s25 =	simm.s32 $0xEBA0;
	[sflag:s17] =	ssyncadd.s32 $0xFFFFEC00  }
0xc9: {  	[spmem:s2] =	stream.indirect.scatter.add.f32 [tilespmem:s26], [sflag:$0x8], $0x40, s25, s15, $0xb8;
	[tilespmem:$0x17A20] =	vst v63  }
0xca: {  	_ =	swait.ge [sflag:s12], $0x1400  }
0xcb: {  	[sflag:s12] =	ssyncset.done $0x0  }
0xcc: {  	s23 =	simm.s32 $0xC6C0;
	[sflag:s12] =	ssyncadd.s32 $0xFFFFEC00  }
0xcd: {  	[tilespmem:s26], [sflag:$0x6] =	stream.indirect.gather [hbm4b:s4+s15], $0x40, s23, s15, $0xb8;
	[tilespmem:$0x17A20] =	vst v63  }
0xce: {  	_ =	swait.ge [sflag:s19], $0x1400  }
0xcf: {  	[sflag:s19] =	ssyncset.done $0x0  }
0xd0: {  	s25 =	simm.s32 $0xEBF0;
	[sflag:s19] =	ssyncadd.s32 $0xFFFFEC00  }
0xd1: {  	[spmem:s2] =	stream.indirect.scatter.add.f32 [tilespmem:s29], [sflag:$0x8], $0x40, s25, s15, $0xb8;
	[tilespmem:$0x17A20] =	vst v63  }
0xd2: {  	_ =	swait.ge [sflag:s12], $0x1400  }
0xd3: {  	[sflag:s12] =	ssyncset.done $0x0  }
0xd4: {  	[sflag:s12] =	ssyncadd.s32 $0xFFFFEC00  }
0xd5: {  	_ =	swait.ge [sflag:s30], $0x1400  }
0xd6: {  	[sflag:s30] =	ssyncset.done $0x0  }
0xd7: {  	s23 =	simm.s32 $0xEC40;
	[sflag:s30] =	ssyncadd.s32 $0xFFFFEC00  }
0xd8: {  	[spmem:s2] =	stream.indirect.scatter.add.f32 [tilespmem:s16], [sflag:$0x8], $0x40, s23, s15, $0xb8;
	[tilespmem:$0x17A20] =	vst v63  }
0xd9: {  	_ =	swait.ge [sflag:s12], $0x1400  }
0xda: {  	[sflag:s12] =	ssyncset.done $0x0  }
0xdb: {  	[sflag:s12] =	ssyncadd.s32 $0xFFFFEC00  }
0xdc: {  	_ =	swait.ge [sflag:s31], $0x1400  }
0xdd: {  	[sflag:s31] =	ssyncset.done $0x0  }
0xde: {  	s25 =	simm.s32 $0xEC90;
	[sflag:s31] =	ssyncadd.s32 $0xFFFFEC00  }
0xdf: {  	[spmem:s2] =	stream.indirect.scatter.add.f32 [tilespmem:s18], [sflag:$0x8], $0x40, s25, s15, $0xb8;
	[tilespmem:$0x17A20] =	vst v63  }
0xe0: {  	_ =	swait.ge [sflag:s12], $0x1400  }
0xe1: {  	[sflag:s12] =	ssyncset.done $0x0  }
0xe2: {  	[sflag:s12] =	ssyncadd.s32 $0xFFFFEC00  }
0xe3: {  	_ =	swait.ge [sflag:s1], $0x1400  }
0xe4: {  	[sflag:s1] =	ssyncset.done $0x0  }
0xe5: {  	s23 =	simm.s32 $0xECE0;
	[sflag:s1] =	ssyncadd.s32 $0xFFFFEC00  }
0xe6: {  	[spmem:s2] =	stream.indirect.scatter.add.f32 [tilespmem:s20], [sflag:$0x8], $0x40, s23, s15, $0xb8;
	[tilespmem:$0x17A20] =	vst v63  }
0xe7: {  	_ =	swait.ge [sflag:s12], $0x1400  }
0xe8: {  	[sflag:s12] =	ssyncset.done $0x0  }
0xe9: {  	[sflag:s12] =	ssyncadd.s32 $0xFFFFEC00  }
0xea: {  	_ =	swait.ge [sflag:s0], $0x1400  }
0xeb: {  	[sflag:s0] =	ssyncset.done $0x0  }
0xec: {  	s25 =	simm.s32 $0xED30;
	[sflag:s0] =	ssyncadd.s32 $0xFFFFEC00  }
0xed: {  	[spmem:s2] =	stream.indirect.scatter.add.f32 [tilespmem:s22], [sflag:$0x8], $0x40, s25, s15, $0xb8;
	[tilespmem:$0x17A20] =	vst v63  }
0xee: {  	_ =	swait.ge [sflag:s12], $0x1400  }
0xef: {  	[sflag:s12] =	ssyncset.done $0x0  }
0xf0: {  	[sflag:s12] =	ssyncadd.s32 $0xFFFFEC00  }
0xf1: {  	_ =	swait.ge [sflag:s14], $0x1400  }
0xf2: {  	[sflag:s14] =	ssyncset.done $0x0  }
0xf3: {  	s23 =	simm.s32 $0xED80;
	[sflag:s14] =	ssyncadd.s32 $0xFFFFEC00  }
0xf4: {  	[spmem:s2] =	stream.indirect.scatter.add.f32 [tilespmem:s24], [sflag:$0x8], $0x40, s23, s15, $0xb8;
	[tilespmem:$0x17A20] =	vst v63  }
0xf5: {  	_ =	swait.ge [sflag:s12], $0x1400  }
0xf6: {  	[sflag:s12] =	ssyncset.done $0x0  }
0xf7: {  	[sflag:s12] =	ssyncadd.s32 $0xFFFFEC00  }
0xf8: {  	_ =	swait.ge [sflag:s17], $0x1400  }
0xf9: {  	[sflag:s17] =	ssyncset.done $0x0  }
0xfa: {  	s25 =	simm.s32 $0xEDD0;
	[sflag:s17] =	ssyncadd.s32 $0xFFFFEC00  }
0xfb: {  	[spmem:s2] =	stream.indirect.scatter.add.f32 [tilespmem:s26], [sflag:$0x8], $0x40, s25, s15, $0xb8;
	[tilespmem:$0x17A20] =	vst v63  }
0xfc: {  	_ =	swait.ge [sflag:s12], $0x1400  }
0xfd: {  	s28 =	sadd.s32 $0x1, s28;
	[sflag:s12] =	ssyncset.done $0x0  }
0xfe: {  	p0 =	sne.s32 s28, s10;
	[sflag:s12] =	ssyncadd.s32 $0xFFFFEC00  }
.Ltmp1:
0xff: {  	[bflag:$0x0] =	sbarrier.arrive $0xFFFF;
	(pc) =	sbr.rel @p0 .LBB2_1-.Ltmp1, $4  }
0x100: {  	[hbm:s9], [sflag:s6] =	dma.local [spmem:s11], $0x1400  }
0x101: {  	_ =	swait.ge [sflag:s12], $0x1400  }
0x102: {  	[sflag:s12] =	ssyncset.done $0x0  }
0x103: {  	[sflag:s12] =	ssyncadd.s32 $0xFFFFEC00  }
0x104: {  	_ =	sfence.sel $0x180000  }
0x105: {  	[bflag:$0x0] =	sbarrier.arrive $0xFFFF  }
0x106: {  	_ =	strace $0x9000004D  }
0x107: {  	s0 =	stileid.u32;
	[bflag:$0x2] =	sbarrier.arrive $0xFFFF  }
0x108: {  	p0 =	sne.s32 s0, $0x0;
	s0 =	rddreg [dreg:$0x2]  }
0x109: {  	s0 =	sadd.s32 @!p0 $0x100000, s0  }
0x10a: {  	[sflag:s0] =	ssyncadd.tile.s32 @!p0 $0x1;
	_ =	shalt  }
.Lfunc_end2:
_tile_overlayer_lowered:
.L_overlay_start_2:
0x10b: {  	(tag) =	ssettag $0x2  }
0x10c: {  	s0 =	rddreg [dreg:$0x0];
	s2 =	stileid.u32  }
0x10d: {  	s1 =	rddreg [dreg:$0x1];
	p0 =	sne.s32 s2, $0x0  }
0x10e: {  	s3 =	rddreg [dreg:$0x2];
	[bflag:$0x3] =	sbarrier.arrive $0xFFFF;
	s2 =	simm.s32 @!p0 $0x1C08  }
0x10f: {  	[timem:s3], [sflag:s2] =	dma.local @!p0 [hbm:s0], s1  }
0x110: {  	s0 =	simm.s32 @!p0 $0x8  }
0x111: {  	_ =	swait.ge @!p0 [sflag:s0], s1  }
0x112: {  	s1 =	ssub.s32 @!p0 $0x0, s1;
	[sflag:s0] =	ssyncset.done @!p0 $0x0  }
0x113: {  	[sflag:s0] =	ssyncadd.s32 @!p0 s1  }
0x114: {  	[bflag:$0x3] =	sbarrier.arrive $0xFFFF  }
0x115: {  	_ =	shalt  }

// kernel: kernel.9.cloned.1.call-start
scs
__scs_entry_jumppad:
0x0: {  	(pc) =	sbr.rel $0x88, $3  }
0x1: {  	(tag) =	ssettag $0x0;
	lr =	simm.s32 $0x1  }
0x2: {  	[smem:$0x3F8D] =	sst lr;
	_ =	strace $0xD0000000  }
0x3: {  	_ = 	snop  }
0x4: {  	_ = 	snop  }
0x5: {  	_ = 	snop  }
0x6: {  	_ = 	snop  }
0x7: {  	_ = 	snop  }
__scs_overlays_trampoline_lowered:
0x8: {  	[smem:$0x3F9C] =	sst s0  }
0x9: {  	[smem:$0x3F9D] =	sst s1  }
0xa: {  	[smem:$0x3F9E] =	sst s2  }
0xb: {  	[smem:$0x3F9F] =	sst s3  }
0xc: {  	[smem:$0x3FA0] =	sst s4  }
0xd: {  	[smem:$0x3FA1] =	sst s5  }
0xe: {  	[smem:$0x3FA2] =	sst s6  }
0xf: {  	[smem:$0x3FA3] =	sst s7  }
0x10: {  	[smem:$0x3FA4] =	sst s8  }
0x11: {  	[smem:$0x3FA5] =	sst s9;
	s0 =	simm.s32 @!p0 $0x0  }
0x12: {  	s1 =	sld [smem:$0x3F8B];
	s0 =	simm.s32 @p0 $0x1  }
0x13: {  	[smem:$0x3FA6] =	sst s0;
	s0 =	simm.s32 @!p1 $0x0  }
0x14: {  	s2 =	sld [smem:$0x3F8A];
	s0 =	simm.s32 @p1 $0x1  }
0x15: {  	[smem:$0x3FA7] =	sst s0;
	s0 =	simm.s32 @!p2 $0x0  }
0x16: {  	s3 =	sld [smem:$0x3FDB];
	s0 =	simm.s32 @p2 $0x1  }
0x17: {  	s4 =	simm.s32 $0x1BF5;
	[smem:$0x3FA9] =	sst s0  }
0x18: {  	s0 =	sld [smem:$0x3F8C];
	_ =	swait.ge [sflag:s4], $0x0  }
0x19: {  	s7 =	sld [smem:$0x3F8D]  }
0x1a: {  	s8 =	sadd.s32 $0xFFFFE003, lr  }
0x1b: {  	s9 =	sadd.s32 $0xFFFFFEF7, lr;
	s5 =	simm.s32 $0xFFFFFFFF;
	p2 =	slt.u32 s8, $0xFFFFF086  }
0x1c: {  	p1 =	slt.u32 s9, $0xF7A;
	s5 =	simm.s32 @!p2 $0x0  }
0x1d: {  	s5 =	simm.s32 @p1 $0x1;
	p0 =	seq.s32 s7, s2  }
0x1e: {  	s7 =	smul.u32 @!p0 $0xF7A, s2;
	p2 =	seq.s32 @!p0 s5, $0x0  }
0x1f: {  	s9 =	smul.u32 $0xF7A, s1;
	s8 =	simm.s32 @!p0 $0x1BF5;
	p2 =	por !p2, p0  }
0x20: {  	[sflag:s8] =	ssyncset.s32 @!p0 $0xFFFFF086;
	s6 =	sadd.s32 @!p0 s3, s7;
	s7 =	simm.s32 @!p0 $0x108  }
0x21: {  	s3 =	sadd.s32 s3, s9;
	s6 =	sadd.s32 @!p0 $0x88, s6;
	s7 =	simm.s32 @p2 $0x1082  }
0x22: {  	[simem:s7], [sflag:s8] =	dma.local @!p0 [hbm:s6], $0xF7A  }
0x23: {  	s9 =	sor.u32 $0xD0000000, s2;
	s6 =	simm.s32 $0x108;
	_ =	swait.ge @!p0 [sflag:s8], $0x0  }
0x24: {  	s3 =	sadd.s32 $0x88, s3;
	s6 =	simm.s32 @!p1 $0x1082;
	[sflag:s4] =	ssyncset.s32 $0xFFFFF086  }
0x25: {  	[simem:s6], [sflag:s4] =	dma.local [hbm:s3], $0xF7A  }
0x26: {  	[smem:$0x3F8D] =	sst s1;
	(tag) =	ssettag s2;
	_ =	strace s9  }
0x27: {  	s1 =	sld [smem:$0x3F9D]  }
0x28: {  	s2 =	sld [smem:$0x3F9E]  }
0x29: {  	s4 =	sld [smem:$0x3FA0]  }
0x2a: {  	p0 =	seq.s32 s5, $0x0;
	s5 =	sld [smem:$0x3FA1]  }
0x2b: {  	s6 =	sld [smem:$0x3FA2]  }
0x2c: {  	s7 =	sld [smem:$0x3FA3]  }
0x2d: {  	s3 =	simm.s32 $0x108;
	s8 =	sld [smem:$0x3FA4]  }
0x2e: {  	s3 =	simm.s32 @!p0 $0x1082;
	s9 =	sld [smem:$0x3FA5]  }
0x2f: {  	lr =	sadd.s32 s0, s3;
	s0 =	sld [smem:$0x3F9C]  }
0x30: {  	s3 =	sld [smem:$0x3F9F]  }
0x31: {  	[smem:$0x3FA8] =	sst s10  }
0x32: {  	s10 =	sld [smem:$0x3FA6];
	_ =	sdelay $0x3  }
0x33: {  	p0 =	seq.s32 s10, $0x1;
	s10 =	sld [smem:$0x3FA8];
	_ =	sdelay $0x3  }
0x34: {  	[smem:$0x3FA8] =	sst s10  }
0x35: {  	s10 =	sld [smem:$0x3FA7];
	_ =	sdelay $0x3  }
0x36: {  	p1 =	seq.s32 s10, $0x1;
	s10 =	sld [smem:$0x3FA8];
	_ =	sdelay $0x3  }
0x37: {  	[smem:$0x3FA8] =	sst s10  }
0x38: {  	s10 =	sld [smem:$0x3FA9]  }
0x39: {  	_ = 	snop;
	(pc) =	sbr.ind lr, $3  }
0x3a: {  	_ = 	snop  }
0x3b: {  	_ = 	snop  }
0x3c: {  	p2 =	seq.s32 s10, $0x1;
	s10 =	sld [smem:$0x3FA8]  }
0x3d: {  	_ =	shalt  }
0x3e: {  	_ =	shalt  }
0x3f: {  	_ =	shalt  }
0x40: {  	_ =	shalt  }
0x41: {  	_ =	shalt  }
0x42: {  	_ =	shalt  }
0x43: {  	_ =	shalt  }
0x44: {  	_ =	shalt  }
0x45: {  	_ =	shalt  }
0x46: {  	_ =	shalt  }
0x47: {  	_ =	shalt  }
0x48: {  	_ =	shalt  }
0x49: {  	_ =	shalt  }
0x4a: {  	_ =	shalt  }
0x4b: {  	_ =	shalt  }
0x4c: {  	_ =	shalt  }
0x4d: {  	_ =	shalt  }
0x4e: {  	_ =	shalt  }
0x4f: {  	_ =	shalt  }
0x50: {  	_ =	shalt  }
0x51: {  	_ =	shalt  }
0x52: {  	_ =	shalt  }
0x53: {  	_ =	shalt  }
0x54: {  	_ =	shalt  }
0x55: {  	_ =	shalt  }
0x56: {  	_ =	shalt  }
0x57: {  	_ =	shalt  }
0x58: {  	_ =	shalt  }
0x59: {  	_ =	shalt  }
0x5a: {  	_ =	shalt  }
0x5b: {  	_ =	shalt  }
0x5c: {  	_ =	shalt  }
0x5d: {  	_ =	shalt  }
0x5e: {  	_ =	shalt  }
0x5f: {  	_ =	shalt  }
0x60: {  	_ =	shalt  }
0x61: {  	_ =	shalt  }
0x62: {  	_ =	shalt  }
0x63: {  	_ =	shalt  }
0x64: {  	_ =	shalt  }
0x65: {  	_ =	shalt  }
0x66: {  	_ =	shalt  }
0x67: {  	_ =	shalt  }
0x68: {  	_ =	shalt  }
0x69: {  	_ =	shalt  }
0x6a: {  	_ =	shalt  }
0x6b: {  	_ =	shalt  }
0x6c: {  	_ =	shalt  }
0x6d: {  	_ =	shalt  }
0x6e: {  	_ =	shalt  }
0x6f: {  	_ =	shalt  }
0x70: {  	_ =	shalt  }
0x71: {  	_ =	shalt  }
0x72: {  	_ =	shalt  }
0x73: {  	_ =	shalt  }
0x74: {  	_ =	shalt  }
0x75: {  	_ =	shalt  }
0x76: {  	_ =	shalt  }
0x77: {  	_ =	shalt  }
0x78: {  	_ =	shalt  }
0x79: {  	_ =	shalt  }
0x7a: {  	_ =	shalt  }
0x7b: {  	_ =	shalt  }
0x7c: {  	_ =	shalt  }
0x7d: {  	_ =	shalt  }
0x7e: {  	_ =	shalt  }
0x7f: {  	_ =	shalt  }
0x80: {  	_ =	shalt  }
0x81: {  	_ =	shalt  }
0x82: {  	_ =	shalt  }
0x83: {  	_ =	shalt  }
0x84: {  	_ =	shalt  }
0x85: {  	_ =	shalt  }
0x86: {  	_ =	shalt  }
0x87: {  	_ =	shalt  }
.Lfunc_end0:
.L_simem_size_0:
called_computation_lowered:
.L_overlay_start_0:
0x88: {  	s2 =	sld [smem:$0x3FD9]  }
0x89: {  	s3 =	sld [smem:$0x3FFE];
	_ =	sdelay $0x1  }
0x8a: {  	s1 =	srdreg.scid  }
0x8b: {  	s0 =	sand.u32 $0x1, s1  }
0x8c: {  	s14 =	sshll.u32 s0, $0xA;
	s2 =	sadd.s32 s3, s2  }
0x8d: {  	s2 =	sadd.s32 s2, s14  }
0x8e: {  	[smem:$0x3FB4] =	sst s2  }
0x8f: {  	_ = 	snop  }
0x90: {  	s2 =	sld [smem:$0x3FD0];
	_ =	sdelay $0x2  }
0x91: {  	s15 =	simm.s32 $0xA;
	s4 =	simm.s32 $0x10  }
0x92: {  	[smem:s4], [sflag:s15] =	dma.local [hbm:s2], $0x1  }
0x93: {  	_ =	swait.eq [sflag:s15], $0x1  }
0x94: {  	[sflag:s15] =	ssyncset.done $0x0  }
0x95: {  	s16 =	sld [smem:$0x10];
	[sflag:s15] =	ssyncadd.s32 $0xFFFFFFFF  }
0x96: {  	s17 =	sld [smem:$0x11];
	(tm) =	ssettm $0x1  }
0x97: {  	s18 =	sld [smem:$0x3FFB];
	_ =	sdelay $0x3  }
0x98: {  	_ =	strace s18  }
0x99: {  	s4 =	sld [smem:$0x3FFC];
	_ =	sdelay $0x3  }
0x9a: {  	_ =	strace s4  }
0x9b: {  	s4 =	sld [smem:$0x3FFD];
	_ =	sdelay $0x3  }
0x9c: {  	_ =	strace s4  }
0x9d: {  	_ =	strace $0x8FFFFFFF  }
0x9e: {  	s19 =	sld [smem:$0x3FDB];
	_ =	sdelay $0x1  }
0x9f: {  	s5 =	simm.s32 $_scs_section_size  }
0xa0: {  	s6 =	simm.s32 $_size__tile_overlayer_lowered;
	s7 =	simm.s32 $_tile_overlayer_lowered  }
0xa1: {  	s22 =	simm.s32 $0x1BFF;
	s21 =	sshll.u32 s7, $0x1;
	s4 =	sadd.s32 s5, s19  }
0xa2: {  	s8 =	simm.s32 $0x0;
	s20 =	sshll.u32 s6, $0x1;
	s6 =	sadd.s32 s21, s4  }
0xa3: {  	[timem:s8], [sflag:s22] =	dma.local [hbm:s6], s20  }
0xa4: {  	_ =	swait.ge [sflag:s22], s20  }
0xa5: {  	s5 =	ssub.s32 $0x0, s20;
	[sflag:s22] =	ssyncset.done $0x0  }
0xa6: {  	[sflag:s22] =	ssyncadd.s32 s5;
	_ =	sdelay $0x1  }
0xa7: {  	s23 =	simm.s32 $0x1B8B  }
0xa8: {  	_ =	swait.ge [sflag:s23], $0x1  }
0xa9: {  	[sflag:s23] =	ssyncset.done $0x0  }
0xaa: {  	s25 =	simm.s32 $0x1B8E;
	s24 =	sld [smem:$0x3FFE];
	[sflag:s23] =	ssyncadd.s32 $0xFFFFFFFF  }
0xab: {  	s26 =	simm.s32 $execute0_lowered;
	[smem:$0x3FD2] =	sst s25  }
0xac: {  	s6 =	sshll.u32 s26, $0x1;
	_ =	strace $0x80000046;
	[dreg:$0x1] =	wrdreg $0xFFFFFFFF  }
0xad: {  	s28 =	simm.s32 $_size_execute0_lowered;
	s4 =	sadd.s32 s4, s6;
	[dreg:$0x0] =	wrdreg $0x0  }
0xae: {  	s6 =	sshll.u32 s28, $0x1;
	[dreg:$0x2] =	wrdreg s4  }
0xaf: {  	[dreg:$0x3] =	wrdreg s6  }
0xb0: {  	[dreg:$0x4] =	wrdreg $0xC0  }
0xb1: {  	_ =	task [dreg:s8], $0x5FFFF  }
0xb2: {  	[dreg:$0x1] =	wrdreg $0xFFFFFFFF  }
0xb3: {  	[dreg:$0x0] =	wrdreg $0x60  }
0xb4: {  	[dreg:$0x2] =	wrdreg s24  }
0xb5: {  	[dreg:$0x3] =	wrdreg s16  }
0xb6: {  	[dreg:$0x4] =	wrdreg s17  }
0xb7: {  	[dreg:$0x5] =	wrdreg $0x0  }
0xb8: {  	[dreg:$0x6] =	wrdreg $0xA0000  }
0xb9: {  	[dreg:$0x7] =	wrdreg $0x9  }
0xba: {  	_ =	task.clear_ibuf [dreg:s8], $0x8FFFF;
	_ =	strace $0x90000046  }
0xbb: {  	s29 =	simm.s32 $0x9;
	_ =	strace $0x80000048  }
0xbc: {  	_ =	swait.ge [sflag:s29], $0x1  }
0xbd: {  	[sflag:s29] =	ssyncadd.s32 $0xFFFFFFFF  }
0xbe: {  	_ =	strace $0x90000048  }
0xbf: {  	_ =	sfence  }
0xc0: {  	s30 =	sld [smem:$0x0];
	_ =	sdelay $0x2  }
0xc1: {  	s31 =	sshll.u32 s1, $0xD;
	s1 =	sshrl.u32 s1, $0x2  }
0xc2: {  	s3 =	sand.u32 $0x4000, s31;
	s1 =	sadd.s32 s1, s30  }
0xc3: {  	s0 =	sor.u32 s3, s0;
	s1 =	sshll.u32 s1, $0x11  }
0xc4: {  	s0 =	sor.u32 s1, s0  }
0xc5: {  	s0 =	sadd.s32 $0x8F2B, s0  }
0xc6: {  	[sflag:s0] =	ssyncadd.remote.s32 $0x1  }
0xc7: {  	_ =	sfence.sel $0xFFFF  }
0xc8: {  	[dreg:$0x0] =	wrdreg $0xFFFFFFFF;
	(pc) =	sbr.abs _section_cstart, $3  }
0xc9: {  	[dreg:$0x1] =	wrdreg $0xFFFFFFFF  }
0xca: {  	_ =	task.clear_ibuf [dreg:s8], $0x2FFFF;
	_ =	strace $0x9FFFFFFF  }
0xcb: {  	(tm) =	ssettm $0x7FFFFFFF  }
tec
execute0_lowered:
.L_overlay_start_1:
0x0: {  	(tag) =	ssettag $0x1  }
0x1: {  	s0 =	rddreg [dreg:$0x0]  }
0x2: {  	s1 =	rddreg [dreg:$0x2]  }
0x3: {  	s2 =	srdreg.scid;
	s3 =	rddreg [dreg:$0x3]  }
0x4: {  	s15 =	stileid.u32;
	s4 =	rddreg [dreg:$0x4]  }
0x5: {  	s5 =	simm.s32 $0x0;
	s16 =	simm.s32 $0x6;
	s20 =	simm.s32 $0x11620  }
0x6: {  	s29 =	simm.s32 $0x15720;
	s31 =	simm.s32 $0x16B20;
	s7 =	smul.u32 $0x2710, s15  }
0x7: {  	s18 =	simm.s32 $0x4;
	s28 =	simm.s32 $0x114E0;
	s21 =	smul.u32 $0xA000, s15  }
0x8: {  	s30 =	simm.s32 $0x11530;
	s2 =	sand.u32 $0x1, s2;
	s11 =	smul.u32 $0x2800, s15  }
0x9: {  	[smem:$0x7FF] =	sst s5;
	s23 =	sshll.u32 s15, $0x6;
	s6 =	smul.u32 $0x27100, s2  }
0xa: {  	_ =	strace $0x80000047;
	s8 =	smul.u32 $0xA0000, s2;
	s13 =	ssub.s32 $0x2, s2  }
0xb: {  	s2 =	smul.u32 $0x28000, s2;
	s10 =	sshrl.u32 s21, $0x3;
	s12 =	sshrl.u32 s11, $0x3  }
0xc: {  	s22 =	sshrl.u32 s13, $0x1;
	s25 =	sadd.s32 s11, s4;
	s6 =	sadd.s32 s7, s6  }
0xd: {  	s10 =	sadd.s32 s10, s0;
	s8 =	sadd.s32 s21, s8;
	s12 =	sadd.s32 s12, s0  }
0xe: {  	s14 =	ssub.s32 s13, s22;
	s7 =	sadd.s32 s21, s3;
	s2 =	sadd.s32 s11, s2  }
0xf: {  	s19 =	sshrl.u32 s25, $0x3;
	s21 =	simm.s32 $0x50;
	s22 =	simm.s32 $0x11B20  }
0x10: {  	s25 =	simm.s32 $0x11490;
	s6 =	sshrl.u32 s6, $0x3;
	s8 =	sshrl.u32 s8, $0x3  }
0x11: {  	s10 =	sadd.s32 $0x3F000, s10;
	s26 =	sadd.s32 $0x53000, s12;
	s2 =	sshrl.u32 s2, $0x3  }
0x12: {  	s14 =	smax.u32 s14, $0x1;
	s15 =	sshrl.u32 s7, $0x3;
	s7 =	simm.s32 $0x11580  }
0x13: {  	s9 =	sadd.s32 s6, s0;
	s6 =	sadd.s32 $0x17E00, s0;
	[dreg:$0x6] =	wrdreg s10  }
0x14: {  	s0 =	sadd.s32 s8, s0;
	s8 =	sor.u32 $0x1C06, s23;
	[dreg:$0x9] =	wrdreg s26  }
0x15: {  	s13 =	sadd.s32 s1, s2;
	s26 =	simm.s32 $0x14320;
	s24 =	sadd.s32 $0xE000, s9  }
0x16: {  	s2 =	simm.s32 $0x1;
	s9 =	sadd.s32 $0x4200, s9;
	[dreg:$0x7] =	wrdreg s24  }
0x17: {  	s1 =	simm.s32 $0x2;
	s0 =	sadd.s32 $0x58000, s0;
	[dreg:$0x8] =	wrdreg s9  }
0x18: {  	s23 =	simm.s32 $0x5;
	s10 =	simm.s32 $0x0;
	[dreg:$0xa] =	wrdreg s0  }
0x19: {  	s24 =	simm.s32 $0x12F20;
	s0 =	simm.s32 $0x3;
	s9 =	simm.s32 $0x115D0  }
.LBB2_1:
0x1a: {  	s11 =	rddreg [dreg:$0x6]  }
0x1b: {  	[spmem:s15], [sflag:s8] =	dma.local [hbm:s11], $0x1400  }
0x1c: {  	_ =	swait.ge [sflag:s16], $0x1400  }
0x1d: {  	[sflag:s16] =	ssyncset.done $0x0  }
0x1e: {  	s12 =	simm.s32 $0xC800;
	s17 =	rddreg [dreg:$0x7];
	[sflag:s16] =	ssyncadd.s32 $0xFFFFEC00  }
0x1f: {  	[tilespmem:s12], [sflag:$0x6] =	stream.linear.gather [hbm4b:s17+s5], $0x2710, $0x38;
	[tilespmem:$0x17F20] =	vst v63  }
0x20: {  	_ =	swait.ge [sflag:s16], $0x2710  }
0x21: {  	[sflag:s16] =	ssyncset.done $0x0  }
0x22: {  	s17 =	simm.s32 $0xEF10;
	s11 =	rddreg [dreg:$0x8];
	[sflag:s16] =	ssyncadd.s32 $0xFFFFD8F0  }
0x23: {  	[tilespmem:s17], [sflag:$0x6] =	stream.linear.gather [hbm4b:s11+s5], $0x2710, $0x38;
	[tilespmem:$0x17F20] =	vst v63  }
0x24: {  	_ =	swait.ge [sflag:s16], $0x2710  }
0x25: {  	[sflag:s16] =	ssyncset.done $0x0  }
0x26: {  	s17 =	rddreg [dreg:$0x9];
	[sflag:s16] =	ssyncadd.s32 $0xFFFFD8F0  }
0x27: {  	[spmem:s19], [sflag:s8] =	dma.local [hbm:s17], $0x500  }
0x28: {  	_ =	swait.ge [sflag:s16], $0x500  }
0x29: {  	[sflag:s16] =	ssyncset.done $0x0  }
0x2a: {  	[sflag:s16] =	ssyncadd.s32 $0xFFFFFB00  }
0x2b: {  	s17 =	rddreg [dreg:$0x1]  }
0x2c: {  	[tilespmem:s20], [sflag:$0x6] =	stream.linear.gather [hbm4b:s17+s5], $0x500, $0x38;
	[tilespmem:$0x17F20] =	vst v63  }
0x2d: {  	_ =	swait.ge [sflag:s16], $0x500  }
0x2e: {  	[sflag:s16] =	ssyncset.done $0x0  }
0x2f: {  	[sflag:s16] =	ssyncadd.s32 $0xFFFFFB00  }
0x30: {  	[bflag:$0x0] =	sbarrier.arrive $0xFFFF  }
0x31: {  	[tilespmem:s22], [sflag:$0x1] =	stream.indirect.gather [hbm4b:s6+s21], $0x40, s12, s21, $0xb8;
	[tilespmem:$0x17F20] =	vst v63  }
0x32: {  	s17 =	simm.s32 $0xC850  }
0x33: {  	[tilespmem:s24], [sflag:$0x2] =	stream.indirect.gather [hbm4b:s6+s21], $0x40, s17, s21, $0xb8;
	[tilespmem:$0x17F20] =	vst v63  }
0x34: {  	s12 =	simm.s32 $0xC8A0  }
0x35: {  	[tilespmem:s26], [sflag:$0x3] =	stream.indirect.gather [hbm4b:s6+s21], $0x40, s12, s21, $0xb8;
	[tilespmem:$0x17F20] =	vst v63  }
0x36: {  	s17 =	simm.s32 $0xC8F0  }
0x37: {  	[tilespmem:s29], [sflag:$0x4] =	stream.indirect.gather [hbm4b:s6+s21], $0x40, s17, s21, $0xb8;
	[tilespmem:$0x17F20] =	vst v63  }
0x38: {  	s12 =	simm.s32 $0xC940  }
0x39: {  	[tilespmem:s31], [sflag:$0x5] =	stream.indirect.gather [hbm4b:s6+s21], $0x40, s12, s21, $0xb8;
	[tilespmem:$0x17F20] =	vst v63  }
0x3a: {  	_ =	swait.ge [sflag:s2], $0x1400  }
0x3b: {  	[sflag:s2] =	ssyncset.done $0x0  }
0x3c: {  	s17 =	simm.s32 $0xEF10;
	[sflag:s2] =	ssyncadd.s32 $0xFFFFEC00  }
0x3d: {  	[spmem:s3] =	stream.indirect.scatter.add.f32 [tilespmem:s22], [sflag:$0x6], $0x40, s17, s21, $0xb8;
	[tilespmem:$0x17F20] =	vst v63  }
0x3e: {  	_ =	swait.ge [sflag:s16], $0x1400  }
0x3f: {  	[sflag:s16] =	ssyncset.done $0x0  }
0x40: {  	[sflag:s16] =	ssyncadd.s32 $0xFFFFEC00  }
0x41: {  	[spmem:s4] =	stream.indirect.scatter.add.f32 [tilespmem:s20], [sflag:$0x6], $0x10, s17, s21, $0xb8;
	[tilespmem:$0x17F20] =	vst v63  }
0x42: {  	_ =	swait.ge [sflag:s16], $0x500  }
0x43: {  	[sflag:s16] =	ssyncset.done $0x0  }
0x44: {  	s12 =	simm.s32 $0xC990;
	[sflag:s16] =	ssyncadd.s32 $0xFFFFFB00  }
0x45: {  	[tilespmem:s22], [sflag:$0x1] =	stream.indirect.gather [hbm4b:s6+s21], $0x40, s12, s21, $0xb8;
	[tilespmem:$0x17F20] =	vst v63  }
0x46: {  	_ =	swait.ge [sflag:s1], $0x1400  }
0x47: {  	[sflag:s1] =	ssyncset.done $0x0  }
0x48: {  	s17 =	simm.s32 $0xEF60;
	[sflag:s1] =	ssyncadd.s32 $0xFFFFEC00  }
0x49: {  	[spmem:s3] =	stream.indirect.scatter.add.f32 [tilespmem:s24], [sflag:$0x6], $0x40, s17, s21, $0xb8;
	[tilespmem:$0x17F20] =	vst v63  }
0x4a: {  	_ =	swait.ge [sflag:s16], $0x1400  }
0x4b: {  	[sflag:s16] =	ssyncset.done $0x0  }
0x4c: {  	[sflag:s16] =	ssyncadd.s32 $0xFFFFEC00  }
0x4d: {  	[spmem:s4] =	stream.indirect.scatter.add.f32 [tilespmem:s20], [sflag:$0x6], $0x10, s17, s21, $0xb8;
	[tilespmem:$0x17F20] =	vst v63  }
0x4e: {  	_ =	swait.ge [sflag:s16], $0x500  }
0x4f: {  	[sflag:s16] =	ssyncset.done $0x0  }
0x50: {  	s12 =	simm.s32 $0xC9E0;
	[sflag:s16] =	ssyncadd.s32 $0xFFFFFB00  }
0x51: {  	[tilespmem:s24], [sflag:$0x2] =	stream.indirect.gather [hbm4b:s6+s21], $0x40, s12, s21, $0xb8;
	[tilespmem:$0x17F20] =	vst v63  }
0x52: {  	_ =	swait.ge [sflag:s0], $0x1400  }
0x53: {  	[sflag:s0] =	ssyncset.done $0x0  }
0x54: {  	s17 =	simm.s32 $0xEFB0;
	[sflag:s0] =	ssyncadd.s32 $0xFFFFEC00  }
0x55: {  	[spmem:s3] =	stream.indirect.scatter.add.f32 [tilespmem:s26], [sflag:$0x6], $0x40, s17, s21, $0xb8;
	[tilespmem:$0x17F20] =	vst v63  }
0x56: {  	_ =	swait.ge [sflag:s16], $0x1400  }
0x57: {  	[sflag:s16] =	ssyncset.done $0x0  }
0x58: {  	[sflag:s16] =	ssyncadd.s32 $0xFFFFEC00  }
0x59: {  	[spmem:s4] =	stream.indirect.scatter.add.f32 [tilespmem:s20], [sflag:$0x6], $0x10, s17, s21, $0xb8;
	[tilespmem:$0x17F20] =	vst v63  }
0x5a: {  	_ =	swait.ge [sflag:s16], $0x500  }
0x5b: {  	[sflag:s16] =	ssyncset.done $0x0  }
0x5c: {  	s12 =	simm.s32 $0xCA30;
	[sflag:s16] =	ssyncadd.s32 $0xFFFFFB00  }
0x5d: {  	[tilespmem:s26], [sflag:$0x3] =	stream.indirect.gather [hbm4b:s6+s21], $0x40, s12, s21, $0xb8;
	[tilespmem:$0x17F20] =	vst v63  }
0x5e: {  	_ =	swait.ge [sflag:s18], $0x1400  }
0x5f: {  	[sflag:s18] =	ssyncset.done $0x0  }
0x60: {  	s17 =	simm.s32 $0xF000;
	[sflag:s18] =	ssyncadd.s32 $0xFFFFEC00  }
0x61: {  	[spmem:s3] =	stream.indirect.scatter.add.f32 [tilespmem:s29], [sflag:$0x6], $0x40, s17, s21, $0xb8;
	[tilespmem:$0x17F20] =	vst v63  }
0x62: {  	_ =	swait.ge [sflag:s16], $0x1400  }
0x63: {  	[sflag:s16] =	ssyncset.done $0x0  }
0x64: {  	[sflag:s16] =	ssyncadd.s32 $0xFFFFEC00  }
0x65: {  	[spmem:s4] =	stream.indirect.scatter.add.f32 [tilespmem:s20], [sflag:$0x6], $0x10, s17, s21, $0xb8;
	[tilespmem:$0x17F20] =	vst v63  }
0x66: {  	_ =	swait.ge [sflag:s16], $0x500  }
0x67: {  	[sflag:s16] =	ssyncset.done $0x0  }
0x68: {  	s12 =	simm.s32 $0xCA80;
	[sflag:s16] =	ssyncadd.s32 $0xFFFFFB00  }
0x69: {  	[tilespmem:s29], [sflag:$0x4] =	stream.indirect.gather [hbm4b:s6+s21], $0x40, s12, s21, $0xb8;
	[tilespmem:$0x17F20] =	vst v63  }
0x6a: {  	_ =	swait.ge [sflag:s23], $0x1400  }
0x6b: {  	[sflag:s23] =	ssyncset.done $0x0  }
0x6c: {  	s17 =	simm.s32 $0xF050;
	[sflag:s23] =	ssyncadd.s32 $0xFFFFEC00  }
0x6d: {  	[spmem:s3] =	stream.indirect.scatter.add.f32 [tilespmem:s31], [sflag:$0x6], $0x40, s17, s21, $0xb8;
	[tilespmem:$0x17F20] =	vst v63  }
0x6e: {  	_ =	swait.ge [sflag:s16], $0x1400  }
0x6f: {  	[sflag:s16] =	ssyncset.done $0x0  }
0x70: {  	[sflag:s16] =	ssyncadd.s32 $0xFFFFEC00  }
0x71: {  	[spmem:s4] =	stream.indirect.scatter.add.f32 [tilespmem:s20], [sflag:$0x6], $0x10, s17, s21, $0xb8;
	[tilespmem:$0x17F20] =	vst v63  }
0x72: {  	_ =	swait.ge [sflag:s16], $0x500  }
0x73: {  	[sflag:s16] =	ssyncset.done $0x0  }
0x74: {  	s11 =	simm.s32 $0x640;
	s17 =	simm.s32 $0xCAD0;
	[sflag:s16] =	ssyncadd.s32 $0xFFFFFB00  }
.LBB2_2:
0x75: {  	[tilespmem:s31], [sflag:$0x5] =	stream.indirect.gather [hbm4b:s6+s21], $0x40, s17, s21, $0xb8;
	[tilespmem:$0x17F20] =	vst v63  }
0x76: {  	s17 =	smov.u32 s11  }
0x77: {  	p0 =	sne.s32 s11, $0x8FC0;
	s11 =	sadd.s32 $0x640, s11;
	_ =	swait.ge [sflag:s2], $0x1400  }
0x78: {  	s17 =	sshra.s32 s17, $0x2;
	[sflag:s2] =	ssyncset.done $0x0  }
0x79: {  	s12 =	sadd.s32 $0xEF10, s17;
	[sflag:s2] =	ssyncadd.s32 $0xFFFFEC00  }
0x7a: {  	[spmem:s3] =	stream.indirect.scatter.add.f32 [tilespmem:s22], [sflag:$0x6], $0x40, s12, s21, $0xb8;
	[tilespmem:$0x17F20] =	vst v63  }
0x7b: {  	_ =	swait.ge [sflag:s16], $0x1400  }
0x7c: {  	[sflag:s16] =	ssyncset.done $0x0  }
0x7d: {  	[sflag:s16] =	ssyncadd.s32 $0xFFFFEC00  }
0x7e: {  	[spmem:s4] =	stream.indirect.scatter.add.f32 [tilespmem:s20], [sflag:$0x6], $0x10, s12, s21, $0xb8;
	[tilespmem:$0x17F20] =	vst v63  }
0x7f: {  	_ =	swait.ge [sflag:s16], $0x500  }
0x80: {  	[sflag:s16] =	ssyncset.done $0x0  }
0x81: {  	s12 =	sadd.s32 $0xC990, s17;
	[sflag:s16] =	ssyncadd.s32 $0xFFFFFB00  }
0x82: {  	[tilespmem:s22], [sflag:$0x1] =	stream.indirect.gather [hbm4b:s6+s21], $0x40, s12, s21, $0xb8;
	[tilespmem:$0x17F20] =	vst v63  }
0x83: {  	_ =	swait.ge [sflag:s1], $0x1400  }
0x84: {  	[sflag:s1] =	ssyncset.done $0x0  }
0x85: {  	s12 =	sadd.s32 $0xEF60, s17;
	[sflag:s1] =	ssyncadd.s32 $0xFFFFEC00  }
0x86: {  	[spmem:s3] =	stream.indirect.scatter.add.f32 [tilespmem:s24], [sflag:$0x6], $0x40, s12, s21, $0xb8;
	[tilespmem:$0x17F20] =	vst v63  }
0x87: {  	_ =	swait.ge [sflag:s16], $0x1400  }
0x88: {  	[sflag:s16] =	ssyncset.done $0x0  }
0x89: {  	[sflag:s16] =	ssyncadd.s32 $0xFFFFEC00  }
0x8a: {  	[spmem:s4] =	stream.indirect.scatter.add.f32 [tilespmem:s20], [sflag:$0x6], $0x10, s12, s21, $0xb8;
	[tilespmem:$0x17F20] =	vst v63  }
0x8b: {  	_ =	swait.ge [sflag:s16], $0x500  }
0x8c: {  	[sflag:s16] =	ssyncset.done $0x0  }
0x8d: {  	s12 =	sadd.s32 $0xC9E0, s17;
	[sflag:s16] =	ssyncadd.s32 $0xFFFFFB00  }
0x8e: {  	[tilespmem:s24], [sflag:$0x2] =	stream.indirect.gather [hbm4b:s6+s21], $0x40, s12, s21, $0xb8;
	[tilespmem:$0x17F20] =	vst v63  }
0x8f: {  	_ =	swait.ge [sflag:s0], $0x1400  }
0x90: {  	[sflag:s0] =	ssyncset.done $0x0  }
0x91: {  	s12 =	sadd.s32 $0xEFB0, s17;
	[sflag:s0] =	ssyncadd.s32 $0xFFFFEC00  }
0x92: {  	[spmem:s3] =	stream.indirect.scatter.add.f32 [tilespmem:s26], [sflag:$0x6], $0x40, s12, s21, $0xb8;
	[tilespmem:$0x17F20] =	vst v63  }
0x93: {  	_ =	swait.ge [sflag:s16], $0x1400  }
0x94: {  	[sflag:s16] =	ssyncset.done $0x0  }
0x95: {  	[sflag:s16] =	ssyncadd.s32 $0xFFFFEC00  }
0x96: {  	[spmem:s4] =	stream.indirect.scatter.add.f32 [tilespmem:s20], [sflag:$0x6], $0x10, s12, s21, $0xb8;
	[tilespmem:$0x17F20] =	vst v63  }
0x97: {  	_ =	swait.ge [sflag:s16], $0x500  }
0x98: {  	[sflag:s16] =	ssyncset.done $0x0  }
0x99: {  	s12 =	sadd.s32 $0xCA30, s17;
	[sflag:s16] =	ssyncadd.s32 $0xFFFFFB00  }
0x9a: {  	[tilespmem:s26], [sflag:$0x3] =	stream.indirect.gather [hbm4b:s6+s21], $0x40, s12, s21, $0xb8;
	[tilespmem:$0x17F20] =	vst v63  }
0x9b: {  	_ =	swait.ge [sflag:s18], $0x1400  }
0x9c: {  	[sflag:s18] =	ssyncset.done $0x0  }
0x9d: {  	s12 =	sadd.s32 $0xF000, s17;
	[sflag:s18] =	ssyncadd.s32 $0xFFFFEC00  }
0x9e: {  	[spmem:s3] =	stream.indirect.scatter.add.f32 [tilespmem:s29], [sflag:$0x6], $0x40, s12, s21, $0xb8;
	[tilespmem:$0x17F20] =	vst v63  }
0x9f: {  	_ =	swait.ge [sflag:s16], $0x1400  }
0xa0: {  	[sflag:s16] =	ssyncset.done $0x0  }
0xa1: {  	[sflag:s16] =	ssyncadd.s32 $0xFFFFEC00  }
0xa2: {  	[spmem:s4] =	stream.indirect.scatter.add.f32 [tilespmem:s20], [sflag:$0x6], $0x10, s12, s21, $0xb8;
	[tilespmem:$0x17F20] =	vst v63  }
0xa3: {  	_ =	swait.ge [sflag:s16], $0x500  }
0xa4: {  	[sflag:s16] =	ssyncset.done $0x0  }
0xa5: {  	s12 =	sadd.s32 $0xCA80, s17;
	[sflag:s16] =	ssyncadd.s32 $0xFFFFFB00  }
0xa6: {  	[tilespmem:s29], [sflag:$0x4] =	stream.indirect.gather [hbm4b:s6+s21], $0x40, s12, s21, $0xb8;
	[tilespmem:$0x17F20] =	vst v63  }
0xa7: {  	_ =	swait.ge [sflag:s23], $0x1400  }
0xa8: {  	[sflag:s23] =	ssyncset.done $0x0  }
0xa9: {  	s12 =	sadd.s32 $0xF050, s17;
	[sflag:s23] =	ssyncadd.s32 $0xFFFFEC00  }
0xaa: {  	[spmem:s3] =	stream.indirect.scatter.add.f32 [tilespmem:s31], [sflag:$0x6], $0x40, s12, s21, $0xb8;
	[tilespmem:$0x17F20] =	vst v63  }
0xab: {  	_ =	swait.ge [sflag:s16], $0x1400  }
0xac: {  	[sflag:s16] =	ssyncset.done $0x0  }
.Ltmp0:
0xad: {  	[sflag:s16] =	ssyncadd.s32 $0xFFFFEC00;
	(pc) =	sbr.rel @p0 .LBB2_2-.Ltmp0, $4  }
0xae: {  	[spmem:s4] =	stream.indirect.scatter.add.f32 [tilespmem:s20], [sflag:$0x6], $0x10, s12, s21, $0xb8;
	[tilespmem:$0x17F20] =	vst v63  }
0xaf: {  	_ =	swait.ge [sflag:s16], $0x500  }
0xb0: {  	[sflag:s16] =	ssyncset.done $0x0  }
0xb1: {  	s17 =	sadd.s32 $0xCAD0, s17;
	[sflag:s16] =	ssyncadd.s32 $0xFFFFFB00  }
0xb2: {  	[tilespmem:s31], [sflag:$0x5] =	stream.indirect.gather [hbm4b:s6+s21], $0x40, s17, s21, $0xb8;
	[tilespmem:$0x17F20] =	vst v63  }
0xb3: {  	_ =	swait.ge [sflag:s2], $0x1400  }
0xb4: {  	[sflag:s2] =	ssyncset.done $0x0  }
0xb5: {  	[sflag:s2] =	ssyncadd.s32 $0xFFFFEC00  }
0xb6: {  	[spmem:s3] =	stream.indirect.scatter.add.f32 [tilespmem:s22], [sflag:$0x6], $0x40, s25, s21, $0xb8;
	[tilespmem:$0x17F20] =	vst v63  }
0xb7: {  	_ =	swait.ge [sflag:s16], $0x1400  }
0xb8: {  	[sflag:s16] =	ssyncset.done $0x0  }
0xb9: {  	[sflag:s16] =	ssyncadd.s32 $0xFFFFEC00  }
0xba: {  	[spmem:s4] =	stream.indirect.scatter.add.f32 [tilespmem:s20], [sflag:$0x6], $0x10, s25, s21, $0xb8;
	[tilespmem:$0x17F20] =	vst v63  }
0xbb: {  	_ =	swait.ge [sflag:s16], $0x500  }
0xbc: {  	[sflag:s16] =	ssyncset.done $0x0  }
0xbd: {  	[sflag:s16] =	ssyncadd.s32 $0xFFFFFB00  }
0xbe: {  	_ =	swait.ge [sflag:s1], $0x1400  }
0xbf: {  	[sflag:s1] =	ssyncset.done $0x0  }
0xc0: {  	[sflag:s1] =	ssyncadd.s32 $0xFFFFEC00  }
0xc1: {  	[spmem:s3] =	stream.indirect.scatter.add.f32 [tilespmem:s24], [sflag:$0x6], $0x40, s28, s21, $0xb8;
	[tilespmem:$0x17F20] =	vst v63  }
0xc2: {  	_ =	swait.ge [sflag:s16], $0x1400  }
0xc3: {  	[sflag:s16] =	ssyncset.done $0x0  }
0xc4: {  	[sflag:s16] =	ssyncadd.s32 $0xFFFFEC00  }
0xc5: {  	[spmem:s4] =	stream.indirect.scatter.add.f32 [tilespmem:s20], [sflag:$0x6], $0x10, s28, s21, $0xb8;
	[tilespmem:$0x17F20] =	vst v63  }
0xc6: {  	_ =	swait.ge [sflag:s16], $0x500  }
0xc7: {  	[sflag:s16] =	ssyncset.done $0x0  }
0xc8: {  	[sflag:s16] =	ssyncadd.s32 $0xFFFFFB00  }
0xc9: {  	_ =	swait.ge [sflag:s0], $0x1400  }
0xca: {  	[sflag:s0] =	ssyncset.done $0x0  }
0xcb: {  	[sflag:s0] =	ssyncadd.s32 $0xFFFFEC00  }
0xcc: {  	[spmem:s3] =	stream.indirect.scatter.add.f32 [tilespmem:s26], [sflag:$0x6], $0x40, s30, s21, $0xb8;
	[tilespmem:$0x17F20] =	vst v63  }
0xcd: {  	_ =	swait.ge [sflag:s16], $0x1400  }
0xce: {  	[sflag:s16] =	ssyncset.done $0x0  }
0xcf: {  	[sflag:s16] =	ssyncadd.s32 $0xFFFFEC00  }
0xd0: {  	[spmem:s4] =	stream.indirect.scatter.add.f32 [tilespmem:s20], [sflag:$0x6], $0x10, s30, s21, $0xb8;
	[tilespmem:$0x17F20] =	vst v63  }
0xd1: {  	_ =	swait.ge [sflag:s16], $0x500  }
0xd2: {  	[sflag:s16] =	ssyncset.done $0x0  }
0xd3: {  	[sflag:s16] =	ssyncadd.s32 $0xFFFFFB00  }
0xd4: {  	_ =	swait.ge [sflag:s18], $0x1400  }
0xd5: {  	[sflag:s18] =	ssyncset.done $0x0  }
0xd6: {  	[sflag:s18] =	ssyncadd.s32 $0xFFFFEC00  }
0xd7: {  	[spmem:s3] =	stream.indirect.scatter.add.f32 [tilespmem:s29], [sflag:$0x6], $0x40, s7, s21, $0xb8;
	[tilespmem:$0x17F20] =	vst v63  }
0xd8: {  	_ =	swait.ge [sflag:s16], $0x1400  }
0xd9: {  	[sflag:s16] =	ssyncset.done $0x0  }
0xda: {  	[sflag:s16] =	ssyncadd.s32 $0xFFFFEC00  }
0xdb: {  	[spmem:s4] =	stream.indirect.scatter.add.f32 [tilespmem:s20], [sflag:$0x6], $0x10, s7, s21, $0xb8;
	[tilespmem:$0x17F20] =	vst v63  }
0xdc: {  	_ =	swait.ge [sflag:s16], $0x500  }
0xdd: {  	[sflag:s16] =	ssyncset.done $0x0  }
0xde: {  	[sflag:s16] =	ssyncadd.s32 $0xFFFFFB00  }
0xdf: {  	_ =	swait.ge [sflag:s23], $0x1400  }
0xe0: {  	[sflag:s23] =	ssyncset.done $0x0  }
0xe1: {  	[sflag:s23] =	ssyncadd.s32 $0xFFFFEC00  }
0xe2: {  	[spmem:s3] =	stream.indirect.scatter.add.f32 [tilespmem:s31], [sflag:$0x6], $0x40, s9, s21, $0xb8;
	[tilespmem:$0x17F20] =	vst v63  }
0xe3: {  	_ =	swait.ge [sflag:s16], $0x1400  }
0xe4: {  	[sflag:s16] =	ssyncset.done $0x0  }
0xe5: {  	[sflag:s16] =	ssyncadd.s32 $0xFFFFEC00  }
0xe6: {  	[spmem:s4] =	stream.indirect.scatter.add.f32 [tilespmem:s20], [sflag:$0x6], $0x10, s9, s21, $0xb8;
	[tilespmem:$0x17F20] =	vst v63  }
0xe7: {  	_ =	swait.ge [sflag:s16], $0x500  }
0xe8: {  	[sflag:s16] =	ssyncset.done $0x0  }
0xe9: {  	[sflag:s16] =	ssyncadd.s32 $0xFFFFFB00  }
0xea: {  	[bflag:$0x0] =	sbarrier.arrive $0xFFFF  }
0xeb: {  	s11 =	rddreg [dreg:$0xa]  }
0xec: {  	[hbm:s11], [sflag:s8] =	dma.local [spmem:s15], $0x1400  }
0xed: {  	s10 =	sadd.s32 $0x1, s10;
	_ =	swait.ge [sflag:s16], $0x1400  }
0xee: {  	p0 =	sne.s32 s10, s14;
	[sflag:s16] =	ssyncset.done $0x0  }
.Ltmp1:
0xef: {  	[sflag:s16] =	ssyncadd.s32 $0xFFFFEC00;
	(pc) =	sbr.rel @p0 .LBB2_1-.Ltmp1, $4  }
0xf0: {  	[hbm:s13], [sflag:s8] =	dma.local [spmem:s19], $0x500  }
0xf1: {  	_ =	swait.ge [sflag:s16], $0x500  }
0xf2: {  	[sflag:s16] =	ssyncset.done $0x0  }
0xf3: {  	[sflag:s16] =	ssyncadd.s32 $0xFFFFFB00  }
0xf4: {  	_ =	sfence.sel $0x180000  }
0xf5: {  	[bflag:$0x0] =	sbarrier.arrive $0xFFFF  }
0xf6: {  	_ =	strace $0x90000047  }
0xf7: {  	s0 =	stileid.u32;
	[bflag:$0x2] =	sbarrier.arrive $0xFFFF  }
0xf8: {  	p0 =	sne.s32 s0, $0x0;
	s0 =	rddreg [dreg:$0x5]  }
0xf9: {  	s0 =	sadd.s32 @!p0 $0x100000, s0  }
0xfa: {  	[sflag:s0] =	ssyncadd.tile.s32 @!p0 $0x1;
	_ =	shalt  }
.Lfunc_end2:
_tile_overlayer_lowered:
.L_overlay_start_2:
0xfb: {  	(tag) =	ssettag $0x2  }
0xfc: {  	s0 =	rddreg [dreg:$0x0];
	s2 =	stileid.u32  }
0xfd: {  	s1 =	rddreg [dreg:$0x1];
	p0 =	sne.s32 s2, $0x0  }
0xfe: {  	s3 =	rddreg [dreg:$0x2];
	[bflag:$0x3] =	sbarrier.arrive $0xFFFF;
	s2 =	simm.s32 @!p0 $0x1C06  }
0xff: {  	[timem:s3], [sflag:s2] =	dma.local @!p0 [hbm:s0], s1  }
0x100: {  	s0 =	simm.s32 @!p0 $0x6  }
0x101: {  	_ =	swait.ge @!p0 [sflag:s0], s1  }
0x102: {  	s1 =	ssub.s32 @!p0 $0x0, s1;
	[sflag:s0] =	ssyncset.done @!p0 $0x0  }
0x103: {  	[sflag:s0] =	ssyncadd.s32 @!p0 s1  }
0x104: {  	[bflag:$0x3] =	sbarrier.arrive $0xFFFF  }
0x105: {  	_ =	shalt  }

</sc_bundles>
